<compile_context>
chip_gen: v7x
topology: tpu7x:2x2x1
jax: 0.10.2.dev20260603
libtpu: 0.0.44.dev20260713+nightly
codegen_flags: <defaults>
</compile_context>

<pallas_src>
import functools

import jax
import jax.numpy as jnp
from jax import lax
from jax.experimental import pallas as pl
from jax.experimental.pallas import tpu as pltpu
from jax.experimental.pallas import tpu_sc as plsc

BB = 32
NA = 512
NI = 196
NN = NA + NI
DD = 768
NKEEP = 495
NPAD = 720
KOUT = NKEEP + 1
NEG = -1e30


def _layernorm_ref(x, g, b):
    m = jnp.mean(x, axis=-1, keepdims=True)
    v = jnp.var(x, axis=-1, keepdims=True)
    return (x - m) / jnp.sqrt(v + 1e-5) * g + b


def _score(audio, image, ln_g, ln_b, W_in, b_in, W1, b1, W2, b2, W3, b3):
    spatial = jnp.concatenate([audio[:, 1:], image[:, 1:]], axis=1)
    prev_decision = jnp.ones((BB, NN, 1), spatial.dtype)
    x = jax.nn.gelu(_layernorm_ref(spatial, ln_g, ln_b) @ W_in + b_in)
    C = x.shape[-1]
    local_x = x[:, :, : C // 2]
    global_x = jnp.sum(x[:, :, C // 2:] * prev_decision, axis=1, keepdims=True) / jnp.sum(prev_decision, axis=1, keepdims=True)
    x = jnp.concatenate(
        [local_x, jnp.broadcast_to(global_x, local_x.shape)], axis=-1)
    x = jax.nn.gelu(x @ W1 + b1)
    x = jax.nn.gelu(x @ W2 + b2)
    pred_score = jax.nn.log_softmax(x @ W3 + b3, axis=-1)
    return pred_score[:, :, 0]


def _rank_body(srow_ref, scol_ref, out_ref):
    sr = srow_ref[0]
    sc = scol_ref[0]
    si = jnp.broadcast_to(sr, (NPAD, NPAD))
    sj = jnp.broadcast_to(sc, (NPAD, NPAD))
    jj = lax.broadcasted_iota(jnp.int32, (NPAD, NPAD), 0)
    ii = lax.broadcasted_iota(jnp.int32, (NPAD, NPAD), 1)
    bt = ((sj > si) | ((sj == si) & (jj < ii))).astype(jnp.float32)
    rr = lax.broadcasted_iota(jnp.int32, (8, NPAD), 0)
    cc = lax.broadcasted_iota(jnp.int32, (8, NPAD), 1)
    masks = jnp.where(rr == 0, (cc < NA).astype(jnp.float32),
                      jnp.where(rr == 1, (cc >= NA).astype(jnp.float32), 0.0))
    out_ref[0] = jnp.dot(masks, bt)


def _ranks(s_row, s_col):
    return pl.pallas_call(
        _rank_body,
        grid=(BB,),
        in_specs=[
            pl.BlockSpec((1, 1, NPAD), lambda b: (b, 0, 0)),
            pl.BlockSpec((1, NPAD, 1), lambda b: (b, 0, 0)),
        ],
        out_specs=pl.BlockSpec((1, 8, NPAD), lambda b: (b, 0, 0)),
        out_shape=jax.ShapeDtypeStruct((BB, 8, NPAD), jnp.float32),
    )(s_row, s_col)


_CH = 80
_CHUNKS = [(c * _CH, _CH) for c in range(KOUT // _CH)] + [(KOUT - KOUT % _CH, KOUT % _CH)]
_NB = 2


def _gather_body(audio_hbm, image_hbm, cnt_hbm, out_hbm,
                 pa_v, pi_v, ia_v, ii_v, buf0, buf1,
                 sg0, sg1, sw0, sw1):
    b = lax.axis_index("s") * 2 + lax.axis_index("c")
    pltpu.sync_copy(cnt_hbm.at[b].at[0], pa_v)
    pltpu.sync_copy(cnt_hbm.at[b].at[1], pi_v)
    iota = lax.iota(jnp.int32, 16)
    for c in range(32):
        fill = jnp.full((16,), 1, jnp.int32)
        if c == 0:
            fill = jnp.where(iota == 0, 0, fill)
        ia_v[pl.ds(c * 16, 16)] = fill
        ii_v[pl.ds(c * 16, 16)] = fill
    for c in range(45):
        pa16 = pa_v[pl.ds(c * 16, 16)]
        pi16 = pi_v[pl.ds(c * 16, 16)]
        kept = (pa16 + pi16) < float(NKEEP)
        tok = iota + c * 16
        if c < 32:
            slot = pa16.astype(jnp.int32) + 1
            plsc.store_scatter(ia_v, [slot], tok + 1, mask=kept)
        else:
            slot = pi16.astype(jnp.int32) + 1
            plsc.store_scatter(ii_v, [slot], tok + (1 - NA), mask=kept)
    bufs = (buf0, buf1)
    gsems = (sg0, sg1)
    wsems = (sw0, sw1)
    chunks = []
    for half in range(2):
        tbl = audio_hbm if half == 0 else image_hbm
        iv = ia_v if half == 0 else ii_v
        rb = b * (2 * KOUT) + half * KOUT
        for off, n in _CHUNKS:
            chunks.append((tbl, iv, off, rb + off, n))
    nk = len(chunks)

    def start_gather(k):
        tbl, iv, ivoff, _, n = chunks[k]
        return pltpu.async_copy(
            tbl.at[b].at[iv.at[pl.ds(ivoff, n)]],
            bufs[k % _NB].at[pl.ds(0, n)], gsems[k % _NB])

    gops = [None] * nk
    wops = [None] * nk
    for k in range(_NB - 1):
        gops[k] = start_gather(k)
    for k in range(nk):
        gops[k].wait()
        _, _, _, outoff, n = chunks[k]
        wops[k] = pltpu.async_copy(
            bufs[k % _NB].at[pl.ds(0, n)],
            out_hbm.at[pl.ds(outoff, n)], wsems[k % _NB])
        if k + _NB - 1 < nk:
            if k >= 1:
                wops[k - 1].wait()
            gops[k + _NB - 1] = start_gather(k + _NB - 1)
    for k in range(max(0, nk - _NB), nk):
        wops[k].wait()


def _gather(audio, image, counts):
    mesh = plsc.VectorSubcoreMesh(core_axis_name="c", subcore_axis_name="s")
    fn = functools.partial(
        pl.kernel, mesh=mesh,
        compiler_params=pltpu.CompilerParams(needs_layout_passes=False),
        out_type=jax.ShapeDtypeStruct((BB * 2 * KOUT, DD), jnp.float32),
        scratch_types=[
            pltpu.VMEM((NPAD,), jnp.float32),
            pltpu.VMEM((NPAD,), jnp.float32),
            pltpu.VMEM((512,), jnp.int32),
            pltpu.VMEM((512,), jnp.int32),
            pltpu.VMEM((_CH, DD), jnp.float32),
            pltpu.VMEM((_CH, DD), jnp.float32),
            pltpu.SemaphoreType.DMA,
            pltpu.SemaphoreType.DMA,
            pltpu.SemaphoreType.DMA,
            pltpu.SemaphoreType.DMA,
        ],
    )(_gather_body)
    return fn(audio, image, counts)


def kernel(audio, image, ln_g, ln_b, W_in, b_in, W1, b1, W2, b2, W3, b3):
    s = _score(audio, image, ln_g, ln_b, W_in, b_in, W1, b1, W2, b2, W3, b3)
    s_pad = jnp.pad(s, ((0, 0), (0, NPAD - NN)), constant_values=NEG)
    counts = _ranks(s_pad.reshape(BB, 1, NPAD), s_pad.reshape(BB, NPAD, 1))
    out_flat = _gather(audio, image, counts)
    return out_flat.reshape(BB, 2 * KOUT, DD)

# --- scband reference (transcript-rebuilt; emitter-appended) ---
"""Pipeline reference for scband-avnet-runtime-66640712564970 (READ-ONLY COPY).

The authoritative reference and input builder live on the scoring server;
editing this copy changes nothing except your own understanding.
"""

import jax, jax.numpy as jnp
import numpy as np

B = 32
NA = 512   # audio patch tokens (token_len_audio)
NI = 196   # image patch tokens (14*14)
D = 768
NUM_PATCHES = NA + NI
NUM_KEEP = int(NUM_PATCHES * 0.7)  # 495, token_ratio[0]


def setup_inputs(seed: int = 0) -> dict:
    key = jax.random.key(seed)
    ks = jax.random.split(key, 8)
    audio = jax.random.normal(ks[0], (B, NA + 1, D), dtype=jnp.float32)
    image = jax.random.normal(ks[1], (B, NI + 1, D), dtype=jnp.float32)
    s = 0.02
    return {
        "audio": audio,
        "image": image,
        "ln_g": jnp.ones((D,), jnp.float32),
        "ln_b": jnp.zeros((D,), jnp.float32),
        "W_in": (jax.random.normal(ks[2], (D, D), dtype=jnp.float32) * s),
        "b_in": jnp.zeros((D,), jnp.float32),
        "W1": (jax.random.normal(ks[3], (D, D // 2), dtype=jnp.float32) * s),
        "b1": jnp.zeros((D // 2,), jnp.float32),
        "W2": (jax.random.normal(ks[4], (D // 2, D // 4), dtype=jnp.float32) * s),
        "b2": jnp.zeros((D // 4,), jnp.float32),
        "W3": (jax.random.normal(ks[5], (D // 4, 2), dtype=jnp.float32) * s),
        "b3": jnp.zeros((2,), jnp.float32),
    }


def _layernorm(x, g, b):
    m = jnp.mean(x, axis=-1, keepdims=True)
    v = jnp.var(x, axis=-1, keepdims=True)
    return (x - m) / jnp.sqrt(v + 1e-5) * g + b


def reference(audio, image, ln_g, ln_b, W_in, b_in, W1, b1, W2, b2, W3, b3):
    Bc = audio.shape[0]
    tla = audio.shape[1] - 1  # token_len_audio
    # spatial tokens (drop cls), as in AVnet_Runtime.forward
    spatial = jnp.concatenate([audio[:, 1:], image[:, 1:]], axis=1)  # [B, N, D]
    prev_decision = jnp.ones((Bc, spatial.shape[1], 1), spatial.dtype)
    # PredictorLG (DynamicViT score predictor)
    x = jax.nn.gelu(_layernorm(spatial, ln_g, ln_b) @ W_in + b_in)
    C = x.shape[-1]
    local_x = x[:, :, : C // 2]
    global_x = jnp.sum(x[:, :, C // 2:] * prev_decision, axis=1, keepdims=True) / jnp.sum(prev_decision, axis=1, keepdims=True)
    x = jnp.concatenate([local_x, jnp.broadcast_to(global_x, local_x.shape)], axis=-1)
    x = jax.nn.gelu(x @ W1 + b1)
    x = jax.nn.gelu(x @ W2 + b2)
    pred_score = jax.nn.log_softmax(x @ W3 + b3, axis=-1)  # [B, N, 2]
    score = pred_score[:, :, 0]
    # top-k token masking: argsort descending, keep top num_keep_node
    keep_policy = jnp.argsort(-score, axis=1)[:, :NUM_KEEP]  # [B, K] int

    def split_pad(kp, is_audio):
        # emulate torch pad_sequence over ragged per-batch kept indices
        mask = (kp < tla) if is_audio else (kp >= tla)
        # stable sort: kept indices first, original order preserved
        order = jnp.argsort(jnp.logical_not(mask).astype(jnp.int32), axis=1)
        sorted_idx = jnp.take_along_axis(kp, order, axis=1)
        if not is_audio:
            sorted_idx = sorted_idx - tla
        count = jnp.sum(mask, axis=1, keepdims=True)
        pos = jnp.arange(NUM_KEEP)[None, :]
        return jnp.where(pos < count, sorted_idx, 0)

    keep_audio = split_pad(keep_policy, True)
    keep_image = split_pad(keep_policy, False)
    cls_policy = jnp.zeros((Bc, 1), keep_policy.dtype)
    now_policy_a = jnp.concatenate([cls_policy, keep_audio + 1], axis=1)
    now_policy_i = jnp.concatenate([cls_policy, keep_image + 1], axis=1)
    # batch_index_select gathers
    audio_out = jnp.take_along_axis(audio, now_policy_a[:, :, None], axis=1)
    image_out = jnp.take_along_axis(image, now_policy_i[:, :, None], axis=1)
    return jnp.concatenate([audio_out, image_out], axis=1)  # [B, 2*(K+1), D]

if __name__ == "__main__":
    import jax
    _d = setup_inputs()
    print(jax.jit(kernel)(*tuple(_d.values())))

</pallas_src>

<mosaic_0001>
#map = affine_map<(d0, d1) -> (0, 0, 0)>
#map1 = affine_map<(d0, d1) -> (0, 0)>
module attributes {stable_mosaic.version = 14 : i64} {
  func.func @_gather_body(%arg0: i32, %arg1: i32, %arg2: memref<32x513x768xf32, #tpu.memory_space<hbm>>, %arg3: memref<32x197x768xf32, #tpu.memory_space<hbm>>, %arg4: memref<32x8x720xf32, #tpu.memory_space<hbm>>, %arg5: memref<31744x768xf32, #tpu.memory_space<hbm>>, %arg6: memref<720xf32, #tpu.memory_space<vmem>>, %arg7: memref<720xf32, #tpu.memory_space<vmem>>, %arg8: memref<512xi32, #tpu.memory_space<vmem>>, %arg9: memref<512xi32, #tpu.memory_space<vmem>>, %arg10: memref<80x768xf32, #tpu.memory_space<vmem>>, %arg11: memref<80x768xf32, #tpu.memory_space<vmem>>, %arg12: memref<!tpu.dma_semaphore, #tpu.memory_space<semaphore_mem>>, %arg13: memref<!tpu.dma_semaphore, #tpu.memory_space<semaphore_mem>>, %arg14: memref<!tpu.dma_semaphore, #tpu.memory_space<semaphore_mem>>, %arg15: memref<!tpu.dma_semaphore, #tpu.memory_space<semaphore_mem>>) attributes {dimension_semantics = [#tpu.dimension_semantics<core_parallel>, #tpu.dimension_semantics<subcore_parallel>], iteration_bounds = array<i64: 2, 16>, scalar_prefetch = 0 : i64, scratch_operands = 10 : i64, tpu.core_type = #tpu.core_type<sc_vector_subcore>, window_params = [{transform_indices = #map}, {transform_indices = #map}, {transform_indices = #map}, {transform_indices = #map1}]} {
    %mul3A = arith.constant 2 : i32
    %mul3A_0 = arith.muli %arg1, %mul3A : i32
    %add3A = arith.addi %mul3A_0, %arg0 : i32
    %run_scoped3A = arith.constant 0 : i32
    "tpu.region"() ({
      %run_scoped3A_1652 = tpu.sem_alloc : memref<!tpu.dma_semaphore, #tpu.memory_space<semaphore_mem>>
      %dma_start3A_1653 = arith.constant 0 : i32
      %dma_start3A_1654 = arith.constant 0 : i32
      %dma_start3A_1655 = tpu.memref_slice %arg4[%add3A, %dma_start3A_1653, %dma_start3A_1654] : memref<32x8x720xf32, #tpu.memory_space<hbm>> -> memref<1x8x720xf32, #tpu.memory_space<hbm>>
      %dma_start3A_1656 = tpu.memref_squeeze %dma_start3A_1655 : memref<1x8x720xf32, #tpu.memory_space<hbm>> -> memref<8x720xf32, #tpu.memory_space<hbm>>
      %dma_start3A_1657 = arith.constant 0 : i32
      %dma_start3A_1658 = tpu.memref_slice %dma_start3A_1656[%run_scoped3A, %dma_start3A_1657] : memref<8x720xf32, #tpu.memory_space<hbm>> -> memref<1x720xf32, #tpu.memory_space<hbm>>
      %dma_start3A_1659 = tpu.memref_squeeze %dma_start3A_1658 : memref<1x720xf32, #tpu.memory_space<hbm>> -> memref<720xf32, #tpu.memory_space<hbm>>
      %dma_start3A_1660 = arith.constant 0 : i32
      %dma_start3A_1661 = arith.constant 0 : i32
      %dma_start3A_1662 = tpu.memref_slice %arg4[%add3A, %dma_start3A_1660, %dma_start3A_1661] : memref<32x8x720xf32, #tpu.memory_space<hbm>> -> memref<1x8x720xf32, #tpu.memory_space<hbm>>
      %dma_start3A_1663 = tpu.memref_squeeze %dma_start3A_1662 : memref<1x8x720xf32, #tpu.memory_space<hbm>> -> memref<8x720xf32, #tpu.memory_space<hbm>>
      %dma_start3A_1664 = arith.constant 0 : i32
      %dma_start3A_1665 = tpu.memref_slice %dma_start3A_1663[%run_scoped3A, %dma_start3A_1664] : memref<8x720xf32, #tpu.memory_space<hbm>> -> memref<1x720xf32, #tpu.memory_space<hbm>>
      %dma_start3A_1666 = tpu.memref_squeeze %dma_start3A_1665 : memref<1x720xf32, #tpu.memory_space<hbm>> -> memref<720xf32, #tpu.memory_space<hbm>>
      tpu.enqueue_dma source(%dma_start3A_1666 : memref<720xf32, #tpu.memory_space<hbm>>) target(%arg6 : memref<720xf32, #tpu.memory_space<vmem>>) target_semaphore(%run_scoped3A_1652 : memref<!tpu.dma_semaphore, #tpu.memory_space<semaphore_mem>>)
      %dma_wait3A_1667 = arith.constant 0 : i32
      %dma_wait3A_1668 = arith.constant 0 : i32
      %dma_wait3A_1669 = tpu.memref_slice %arg4[%add3A, %dma_wait3A_1667, %dma_wait3A_1668] : memref<32x8x720xf32, #tpu.memory_space<hbm>> -> memref<1x8x720xf32, #tpu.memory_space<hbm>>
      %dma_wait3A_1670 = tpu.memref_squeeze %dma_wait3A_1669 : memref<1x8x720xf32, #tpu.memory_space<hbm>> -> memref<8x720xf32, #tpu.memory_space<hbm>>
      %dma_wait3A_1671 = arith.constant 0 : i32
      %dma_wait3A_1672 = tpu.memref_slice %dma_wait3A_1670[%run_scoped3A, %dma_wait3A_1671] : memref<8x720xf32, #tpu.memory_space<hbm>> -> memref<1x720xf32, #tpu.memory_space<hbm>>
      %dma_wait3A_1673 = tpu.memref_squeeze %dma_wait3A_1672 : memref<1x720xf32, #tpu.memory_space<hbm>> -> memref<720xf32, #tpu.memory_space<hbm>>
      %dma_wait3A_1674 = arith.constant 0 : i32
      %dma_wait3A_1675 = arith.constant 0 : i32
      %dma_wait3A_1676 = tpu.memref_slice %arg4[%add3A, %dma_wait3A_1674, %dma_wait3A_1675] : memref<32x8x720xf32, #tpu.memory_space<hbm>> -> memref<1x8x720xf32, #tpu.memory_space<hbm>>
      %dma_wait3A_1677 = tpu.memref_squeeze %dma_wait3A_1676 : memref<1x8x720xf32, #tpu.memory_space<hbm>> -> memref<8x720xf32, #tpu.memory_space<hbm>>
      %dma_wait3A_1678 = arith.constant 0 : i32
      %dma_wait3A_1679 = tpu.memref_slice %dma_wait3A_1677[%run_scoped3A, %dma_wait3A_1678] : memref<8x720xf32, #tpu.memory_space<hbm>> -> memref<1x720xf32, #tpu.memory_space<hbm>>
      %dma_wait3A_1680 = tpu.memref_squeeze %dma_wait3A_1679 : memref<1x720xf32, #tpu.memory_space<hbm>> -> memref<720xf32, #tpu.memory_space<hbm>>
      tpu.wait_dma2 semaphore(%run_scoped3A_1652 : memref<!tpu.dma_semaphore, #tpu.memory_space<semaphore_mem>>) src(%dma_wait3A_1680 : memref<720xf32, #tpu.memory_space<hbm>>) dst(%arg6 : memref<720xf32, #tpu.memory_space<vmem>>)
      tpu.yield
    }) : () -> ()
    %run_scoped3A_1 = arith.constant 1 : i32
    "tpu.region"() ({
      %run_scoped3A_1652 = tpu.sem_alloc : memref<!tpu.dma_semaphore, #tpu.memory_space<semaphore_mem>>
      %dma_start3A_1653 = arith.constant 0 : i32
      %dma_start3A_1654 = arith.constant 0 : i32
      %dma_start3A_1655 = tpu.memref_slice %arg4[%add3A, %dma_start3A_1653, %dma_start3A_1654] : memref<32x8x720xf32, #tpu.memory_space<hbm>> -> memref<1x8x720xf32, #tpu.memory_space<hbm>>
      %dma_start3A_1656 = tpu.memref_squeeze %dma_start3A_1655 : memref<1x8x720xf32, #tpu.memory_space<hbm>> -> memref<8x720xf32, #tpu.memory_space<hbm>>
      %dma_start3A_1657 = arith.constant 0 : i32
      %dma_start3A_1658 = tpu.memref_slice %dma_start3A_1656[%run_scoped3A_1, %dma_start3A_1657] : memref<8x720xf32, #tpu.memory_space<hbm>> -> memref<1x720xf32, #tpu.memory_space<hbm>>
      %dma_start3A_1659 = tpu.memref_squeeze %dma_start3A_1658 : memref<1x720xf32, #tpu.memory_space<hbm>> -> memref<720xf32, #tpu.memory_space<hbm>>
      %dma_start3A_1660 = arith.constant 0 : i32
      %dma_start3A_1661 = arith.constant 0 : i32
      %dma_start3A_1662 = tpu.memref_slice %arg4[%add3A, %dma_start3A_1660, %dma_start3A_1661] : memref<32x8x720xf32, #tpu.memory_space<hbm>> -> memref<1x8x720xf32, #tpu.memory_space<hbm>>
      %dma_start3A_1663 = tpu.memref_squeeze %dma_start3A_1662 : memref<1x8x720xf32, #tpu.memory_space<hbm>> -> memref<8x720xf32, #tpu.memory_space<hbm>>
      %dma_start3A_1664 = arith.constant 0 : i32
      %dma_start3A_1665 = tpu.memref_slice %dma_start3A_1663[%run_scoped3A_1, %dma_start3A_1664] : memref<8x720xf32, #tpu.memory_space<hbm>> -> memref<1x720xf32, #tpu.memory_space<hbm>>
      %dma_start3A_1666 = tpu.memref_squeeze %dma_start3A_1665 : memref<1x720xf32, #tpu.memory_space<hbm>> -> memref<720xf32, #tpu.memory_space<hbm>>
      tpu.enqueue_dma source(%dma_start3A_1666 : memref<720xf32, #tpu.memory_space<hbm>>) target(%arg7 : memref<720xf32, #tpu.memory_space<vmem>>) target_semaphore(%run_scoped3A_1652 : memref<!tpu.dma_semaphore, #tpu.memory_space<semaphore_mem>>)
      %dma_wait3A_1667 = arith.constant 0 : i32
      %dma_wait3A_1668 = arith.constant 0 : i32
      %dma_wait3A_1669 = tpu.memref_slice %arg4[%add3A, %dma_wait3A_1667, %dma_wait3A_1668] : memref<32x8x720xf32, #tpu.memory_space<hbm>> -> memref<1x8x720xf32, #tpu.memory_space<hbm>>
      %dma_wait3A_1670 = tpu.memref_squeeze %dma_wait3A_1669 : memref<1x8x720xf32, #tpu.memory_space<hbm>> -> memref<8x720xf32, #tpu.memory_space<hbm>>
      %dma_wait3A_1671 = arith.constant 0 : i32
      %dma_wait3A_1672 = tpu.memref_slice %dma_wait3A_1670[%run_scoped3A_1, %dma_wait3A_1671] : memref<8x720xf32, #tpu.memory_space<hbm>> -> memref<1x720xf32, #tpu.memory_space<hbm>>
      %dma_wait3A_1673 = tpu.memref_squeeze %dma_wait3A_1672 : memref<1x720xf32, #tpu.memory_space<hbm>> -> memref<720xf32, #tpu.memory_space<hbm>>
      %dma_wait3A_1674 = arith.constant 0 : i32
      %dma_wait3A_1675 = arith.constant 0 : i32
      %dma_wait3A_1676 = tpu.memref_slice %arg4[%add3A, %dma_wait3A_1674, %dma_wait3A_1675] : memref<32x8x720xf32, #tpu.memory_space<hbm>> -> memref<1x8x720xf32, #tpu.memory_space<hbm>>
      %dma_wait3A_1677 = tpu.memref_squeeze %dma_wait3A_1676 : memref<1x8x720xf32, #tpu.memory_space<hbm>> -> memref<8x720xf32, #tpu.memory_space<hbm>>
      %dma_wait3A_1678 = arith.constant 0 : i32
      %dma_wait3A_1679 = tpu.memref_slice %dma_wait3A_1677[%run_scoped3A_1, %dma_wait3A_1678] : memref<8x720xf32, #tpu.memory_space<hbm>> -> memref<1x720xf32, #tpu.memory_space<hbm>>
      %dma_wait3A_1680 = tpu.memref_squeeze %dma_wait3A_1679 : memref<1x720xf32, #tpu.memory_space<hbm>> -> memref<720xf32, #tpu.memory_space<hbm>>
      tpu.wait_dma2 semaphore(%run_scoped3A_1652 : memref<!tpu.dma_semaphore, #tpu.memory_space<semaphore_mem>>) src(%dma_wait3A_1680 : memref<720xf32, #tpu.memory_space<hbm>>) dst(%arg7 : memref<720xf32, #tpu.memory_space<vmem>>)
      tpu.yield
    }) : () -> ()
    %iota3A = tpu.iota {dimensions = array<i32: 0>} : vector<16xi32>
    %broadcast_in_dim3A = arith.constant 1 : i32
    %broadcast_in_dim3A_2 = vector.broadcast %broadcast_in_dim3A : i32 to vector<16xi32>
    %eq3A = arith.constant 0 : i32
    %eq3A_3 = vector.broadcast %eq3A : i32 to vector<16xi32>
    %eq3A_4 = arith.cmpi eq, %iota3A, %eq3A_3 : vector<16xi32>
    %jit3A = arith.constant 0 : i32
    %broadcast_in_dim3A_5 = vector.broadcast %jit3A : i32 to vector<16xi32>
    %select_n3A = arith.select %eq3A_4, %broadcast_in_dim3A_5, %broadcast_in_dim3A_2 : vector<16xi1>, vector<16xi32>
    %swap3A = arith.constant 0 : index
    %swap3A_6 = tpu.vector_load %arg8[%swap3A] {strides = array<i32>} : memref<512xi32, #tpu.memory_space<vmem>>, vector<16xi32>,
    tpu.vector_store %arg8[%swap3A], %select_n3A {strides = array<i32>} : memref<512xi32, #tpu.memory_space<vmem>>, vector<16xi32>,
    %swap3A_7 = arith.constant 0 : index
    %swap3A_8 = tpu.vector_load %arg9[%swap3A_7] {strides = array<i32>} : memref<512xi32, #tpu.memory_space<vmem>>, vector<16xi32>,
    tpu.vector_store %arg9[%swap3A_7], %select_n3A {strides = array<i32>} : memref<512xi32, #tpu.memory_space<vmem>>, vector<16xi32>,
    %broadcast_in_dim3A_9 = arith.constant 1 : i32
    %broadcast_in_dim3A_10 = vector.broadcast %broadcast_in_dim3A_9 : i32 to vector<16xi32>
    %swap3A_11 = arith.constant 16 : index
    %swap3A_12 = tpu.vector_load %arg8[%swap3A_11] {strides = array<i32>} : memref<512xi32, #tpu.memory_space<vmem>>, vector<16xi32>,
    tpu.vector_store %arg8[%swap3A_11], %broadcast_in_dim3A_10 {strides = array<i32>} : memref<512xi32, #tpu.memory_space<vmem>>, vector<16xi32>,
    %swap3A_13 = arith.constant 16 : index
    %swap3A_14 = tpu.vector_load %arg9[%swap3A_13] {strides = array<i32>} : memref<512xi32, #tpu.memory_space<vmem>>, vector<16xi32>,
    tpu.vector_store %arg9[%swap3A_13], %broadcast_in_dim3A_10 {strides = array<i32>} : memref<512xi32, #tpu.memory_space<vmem>>, vector<16xi32>,
    %broadcast_in_dim3A_15 = arith.constant 1 : i32
    %broadcast_in_dim3A_16 = vector.broadcast %broadcast_in_dim3A_15 : i32 to vector<16xi32>
    %swap3A_17 = arith.constant 32 : index
    %swap3A_18 = tpu.vector_load %arg8[%swap3A_17] {strides = array<i32>} : memref<512xi32, #tpu.memory_space<vmem>>, vector<16xi32>,
    tpu.vector_store %arg8[%swap3A_17], %broadcast_in_dim3A_16 {strides = array<i32>} : memref<512xi32, #tpu.memory_space<vmem>>, vector<16xi32>,
    %swap3A_19 = arith.constant 32 : index
    %swap3A_20 = tpu.vector_load %arg9[%swap3A_19] {strides = array<i32>} : memref<512xi32, #tpu.memory_space<vmem>>, vector<16xi32>,
    tpu.vector_store %arg9[%swap3A_19], %broadcast_in_dim3A_16 {strides = array<i32>} : memref<512xi32, #tpu.memory_space<vmem>>, vector<16xi32>,
    %broadcast_in_dim3A_21 = arith.constant 1 : i32
    %broadcast_in_dim3A_22 = vector.broadcast %broadcast_in_dim3A_21 : i32 to vector<16xi32>
    %swap3A_23 = arith.constant 48 : index
    %swap3A_24 = tpu.vector_load %arg8[%swap3A_23] {strides = array<i32>} : memref<512xi32, #tpu.memory_space<vmem>>, vector<16xi32>,
    tpu.vector_store %arg8[%swap3A_23], %broadcast_in_dim3A_22 {strides = array<i32>} : memref<512xi32, #tpu.memory_space<vmem>>, vector<16xi32>,
    %swap3A_25 = arith.constant 48 : index
    %swap3A_26 = tpu.vector_load %arg9[%swap3A_25] {strides = array<i32>} : memref<512xi32, #tpu.memory_space<vmem>>, vector<16xi32>,
    tpu.vector_store %arg9[%swap3A_25], %broadcast_in_dim3A_22 {strides = array<i32>} : memref<512xi32, #tpu.memory_space<vmem>>, vector<16xi32>,
    %broadcast_in_dim3A_27 = arith.constant 1 : i32
    %broadcast_in_dim3A_28 = vector.broadcast %broadcast_in_dim3A_27 : i32 to vector<16xi32>
    %swap3A_29 = arith.constant 64 : index
    %swap3A_30 = tpu.vector_load %arg8[%swap3A_29] {strides = array<i32>} : memref<512xi32, #tpu.memory_space<vmem>>, vector<16xi32>,
    tpu.vector_store %arg8[%swap3A_29], %broadcast_in_dim3A_28 {strides = array<i32>} : memref<512xi32, #tpu.memory_space<vmem>>, vector<16xi32>,
    %swap3A_31 = arith.constant 64 : index
    %swap3A_32 = tpu.vector_load %arg9[%swap3A_31] {strides = array<i32>} : memref<512xi32, #tpu.memory_space<vmem>>, vector<16xi32>,
    tpu.vector_store %arg9[%swap3A_31], %broadcast_in_dim3A_28 {strides = array<i32>} : memref<512xi32, #tpu.memory_space<vmem>>, vector<16xi32>,
    %broadcast_in_dim3A_33 = arith.constant 1 : i32
    %broadcast_in_dim3A_34 = vector.broadcast %broadcast_in_dim3A_33 : i32 to vector<16xi32>
    %swap3A_35 = arith.constant 80 : index
    %swap3A_36 = tpu.vector_load %arg8[%swap3A_35] {strides = array<i32>} : memref<512xi32, #tpu.memory_space<vmem>>, vector<16xi32>,
    tpu.vector_store %arg8[%swap3A_35], %broadcast_in_dim3A_34 {strides = array<i32>} : memref<512xi32, #tpu.memory_space<vmem>>, vector<16xi32>,
    %swap3A_37 = arith.constant 80 : index
    %swap3A_38 = tpu.vector_load %arg9[%swap3A_37] {strides = array<i32>} : memref<512xi32, #tpu.memory_space<vmem>>, vector<16xi32>,
    tpu.vector_store %arg9[%swap3A_37], %broadcast_in_dim3A_34 {strides = array<i32>} : memref<512xi32, #tpu.memory_space<vmem>>, vector<16xi32>,
    %broadcast_in_dim3A_39 = arith.constant 1 : i32
    %broadcast_in_dim3A_40 = vector.broadcast %broadcast_in_dim3A_39 : i32 to vector<16xi32>
    %swap3A_41 = arith.constant 96 : index
    %swap3A_42 = tpu.vector_load %arg8[%swap3A_41] {strides = array<i32>} : memref<512xi32, #tpu.memory_space<vmem>>, vector<16xi32>,
    tpu.vector_store %arg8[%swap3A_41], %broadcast_in_dim3A_40 {strides = array<i32>} : memref<512xi32, #tpu.memory_space<vmem>>, vector<16xi32>,
    %swap3A_43 = arith.constant 96 : index
    %swap3A_44 = tpu.vector_load %arg9[%swap3A_43] {strides = array<i32>} : memref<512xi32, #tpu.memory_space<vmem>>, vector<16xi32>,
    tpu.vector_store %arg9[%swap3A_43], %broadcast_in_dim3A_40 {strides = array<i32>} : memref<512xi32, #tpu.memory_space<vmem>>, vector<16xi32>,
    %broadcast_in_dim3A_45 = arith.constant 1 : i32
    %broadcast_in_dim3A_46 = vector.broadcast %broadcast_in_dim3A_45 : i32 to vector<16xi32>
    %swap3A_47 = arith.constant 112 : index
    %swap3A_48 = tpu.vector_load %arg8[%swap3A_47] {strides = array<i32>} : memref<512xi32, #tpu.memory_space<vmem>>, vector<16xi32>,
    tpu.vector_store %arg8[%swap3A_47], %broadcast_in_dim3A_46 {strides = array<i32>} : memref<512xi32, #tpu.memory_space<vmem>>, vector<16xi32>,
    %swap3A_49 = arith.constant 112 : index
    %swap3A_50 = tpu.vector_load %arg9[%swap3A_49] {strides = array<i32>} : memref<512xi32, #tpu.memory_space<vmem>>, vector<16xi32>,
    tpu.vector_store %arg9[%swap3A_49], %broadcast_in_dim3A_46 {strides = array<i32>} : memref<512xi32, #tpu.memory_space<vmem>>, vector<16xi32>,
    %broadcast_in_dim3A_51 = arith.constant 1 : i32
    %broadcast_in_dim3A_52 = vector.broadcast %broadcast_in_dim3A_51 : i32 to vector<16xi32>
    %swap3A_53 = arith.constant 128 : index
    %swap3A_54 = tpu.vector_load %arg8[%swap3A_53] {strides = array<i32>} : memref<512xi32, #tpu.memory_space<vmem>>, vector<16xi32>,
    tpu.vector_store %arg8[%swap3A_53], %broadcast_in_dim3A_52 {strides = array<i32>} : memref<512xi32, #tpu.memory_space<vmem>>, vector<16xi32>,
    %swap3A_55 = arith.constant 128 : index
    %swap3A_56 = tpu.vector_load %arg9[%swap3A_55] {strides = array<i32>} : memref<512xi32, #tpu.memory_space<vmem>>, vector<16xi32>,
    tpu.vector_store %arg9[%swap3A_55], %broadcast_in_dim3A_52 {strides = array<i32>} : memref<512xi32, #tpu.memory_space<vmem>>, vector<16xi32>,
    %broadcast_in_dim3A_57 = arith.constant 1 : i32
    %broadcast_in_dim3A_58 = vector.broadcast %broadcast_in_dim3A_57 : i32 to vector<16xi32>
    %swap3A_59 = arith.constant 144 : index
    %swap3A_60 = tpu.vector_load %arg8[%swap3A_59] {strides = array<i32>} : memref<512xi32, #tpu.memory_space<vmem>>, vector<16xi32>,
    tpu.vector_store %arg8[%swap3A_59], %broadcast_in_dim3A_58 {strides = array<i32>} : memref<512xi32, #tpu.memory_space<vmem>>, vector<16xi32>,
    %swap3A_61 = arith.constant 144 : index
    %swap3A_62 = tpu.vector_load %arg9[%swap3A_61] {strides = array<i32>} : memref<512xi32, #tpu.memory_space<vmem>>, vector<16xi32>,
    tpu.vector_store %arg9[%swap3A_61], %broadcast_in_dim3A_58 {strides = array<i32>} : memref<512xi32, #tpu.memory_space<vmem>>, vector<16xi32>,
    %broadcast_in_dim3A_63 = arith.constant 1 : i32
    %broadcast_in_dim3A_64 = vector.broadcast %broadcast_in_dim3A_63 : i32 to vector<16xi32>
    %swap3A_65 = arith.constant 160 : index
    %swap3A_66 = tpu.vector_load %arg8[%swap3A_65] {strides = array<i32>} : memref<512xi32, #tpu.memory_space<vmem>>, vector<16xi32>,
    tpu.vector_store %arg8[%swap3A_65], %broadcast_in_dim3A_64 {strides = array<i32>} : memref<512xi32, #tpu.memory_space<vmem>>, vector<16xi32>,
    %swap3A_67 = arith.constant 160 : index
    %swap3A_68 = tpu.vector_load %arg9[%swap3A_67] {strides = array<i32>} : memref<512xi32, #tpu.memory_space<vmem>>, vector<16xi32>,
    tpu.vector_store %arg9[%swap3A_67], %broadcast_in_dim3A_64 {strides = array<i32>} : memref<512xi32, #tpu.memory_space<vmem>>, vector<16xi32>,
    %broadcast_in_dim3A_69 = arith.constant 1 : i32
    %broadcast_in_dim3A_70 = vector.broadcast %broadcast_in_dim3A_69 : i32 to vector<16xi32>
    %swap3A_71 = arith.constant 176 : index
    %swap3A_72 = tpu.vector_load %arg8[%swap3A_71] {strides = array<i32>} : memref<512xi32, #tpu.memory_space<vmem>>, vector<16xi32>,
    tpu.vector_store %arg8[%swap3A_71], %broadcast_in_dim3A_70 {strides = array<i32>} : memref<512xi32, #tpu.memory_space<vmem>>, vector<16xi32>,
    %swap3A_73 = arith.constant 176 : index
    %swap3A_74 = tpu.vector_load %arg9[%swap3A_73] {strides = array<i32>} : memref<512xi32, #tpu.memory_space<vmem>>, vector<16xi32>,
    tpu.vector_store %arg9[%swap3A_73], %broadcast_in_dim3A_70 {strides = array<i32>} : memref<512xi32, #tpu.memory_space<vmem>>, vector<16xi32>,
    %broadcast_in_dim3A_75 = arith.constant 1 : i32
    %broadcast_in_dim3A_76 = vector.broadcast %broadcast_in_dim3A_75 : i32 to vector<16xi32>
    %swap3A_77 = arith.constant 192 : index
    %swap3A_78 = tpu.vector_load %arg8[%swap3A_77] {strides = array<i32>} : memref<512xi32, #tpu.memory_space<vmem>>, vector<16xi32>,
    tpu.vector_store %arg8[%swap3A_77], %broadcast_in_dim3A_76 {strides = array<i32>} : memref<512xi32, #tpu.memory_space<vmem>>, vector<16xi32>,
    %swap3A_79 = arith.constant 192 : index
    %swap3A_80 = tpu.vector_load %arg9[%swap3A_79] {strides = array<i32>} : memref<512xi32, #tpu.memory_space<vmem>>, vector<16xi32>,
    tpu.vector_store %arg9[%swap3A_79], %broadcast_in_dim3A_76 {strides = array<i32>} : memref<512xi32, #tpu.memory_space<vmem>>, vector<16xi32>,
    %broadcast_in_dim3A_81 = arith.constant 1 : i32
    %broadcast_in_dim3A_82 = vector.broadcast %broadcast_in_dim3A_81 : i32 to vector<16xi32>
    %swap3A_83 = arith.constant 208 : index
    %swap3A_84 = tpu.vector_load %arg8[%swap3A_83] {strides = array<i32>} : memref<512xi32, #tpu.memory_space<vmem>>, vector<16xi32>,
    tpu.vector_store %arg8[%swap3A_83], %broadcast_in_dim3A_82 {strides = array<i32>} : memref<512xi32, #tpu.memory_space<vmem>>, vector<16xi32>,
    %swap3A_85 = arith.constant 208 : index
    %swap3A_86 = tpu.vector_load %arg9[%swap3A_85] {strides = array<i32>} : memref<512xi32, #tpu.memory_space<vmem>>, vector<16xi32>,
    tpu.vector_store %arg9[%swap3A_85], %broadcast_in_dim3A_82 {strides = array<i32>} : memref<512xi32, #tpu.memory_space<vmem>>, vector<16xi32>,
    %broadcast_in_dim3A_87 = arith.constant 1 : i32
    %broadcast_in_dim3A_88 = vector.broadcast %broadcast_in_dim3A_87 : i32 to vector<16xi32>
    %swap3A_89 = arith.constant 224 : index
    %swap3A_90 = tpu.vector_load %arg8[%swap3A_89] {strides = array<i32>} : memref<512xi32, #tpu.memory_space<vmem>>, vector<16xi32>,
    tpu.vector_store %arg8[%swap3A_89], %broadcast_in_dim3A_88 {strides = array<i32>} : memref<512xi32, #tpu.memory_space<vmem>>, vector<16xi32>,
    %swap3A_91 = arith.constant 224 : index
    %swap3A_92 = tpu.vector_load %arg9[%swap3A_91] {strides = array<i32>} : memref<512xi32, #tpu.memory_space<vmem>>, vector<16xi32>,
    tpu.vector_store %arg9[%swap3A_91], %broadcast_in_dim3A_88 {strides = array<i32>} : memref<512xi32, #tpu.memory_space<vmem>>, vector<16xi32>,
    %broadcast_in_dim3A_93 = arith.constant 1 : i32
    %broadcast_in_dim3A_94 = vector.broadcast %broadcast_in_dim3A_93 : i32 to vector<16xi32>
    %swap3A_95 = arith.constant 240 : index
    %swap3A_96 = tpu.vector_load %arg8[%swap3A_95] {strides = array<i32>} : memref<512xi32, #tpu.memory_space<vmem>>, vector<16xi32>,
    tpu.vector_store %arg8[%swap3A_95], %broadcast_in_dim3A_94 {strides = array<i32>} : memref<512xi32, #tpu.memory_space<vmem>>, vector<16xi32>,
    %swap3A_97 = arith.constant 240 : index
    %swap3A_98 = tpu.vector_load %arg9[%swap3A_97] {strides = array<i32>} : memref<512xi32, #tpu.memory_space<vmem>>, vector<16xi32>,
    tpu.vector_store %arg9[%swap3A_97], %broadcast_in_dim3A_94 {strides = array<i32>} : memref<512xi32, #tpu.memory_space<vmem>>, vector<16xi32>,
    %broadcast_in_dim3A_99 = arith.constant 1 : i32
    %broadcast_in_dim3A_100 = vector.broadcast %broadcast_in_dim3A_99 : i32 to vector<16xi32>
    %swap3A_101 = arith.constant 256 : index
    %swap3A_102 = tpu.vector_load %arg8[%swap3A_101] {strides = array<i32>} : memref<512xi32, #tpu.memory_space<vmem>>, vector<16xi32>,
    tpu.vector_store %arg8[%swap3A_101], %broadcast_in_dim3A_100 {strides = array<i32>} : memref<512xi32, #tpu.memory_space<vmem>>, vector<16xi32>,
    %swap3A_103 = arith.constant 256 : index
    %swap3A_104 = tpu.vector_load %arg9[%swap3A_103] {strides = array<i32>} : memref<512xi32, #tpu.memory_space<vmem>>, vector<16xi32>,
    tpu.vector_store %arg9[%swap3A_103], %broadcast_in_dim3A_100 {strides = array<i32>} : memref<512xi32, #tpu.memory_space<vmem>>, vector<16xi32>,
    %broadcast_in_dim3A_105 = arith.constant 1 : i32
    %broadcast_in_dim3A_106 = vector.broadcast %broadcast_in_dim3A_105 : i32 to vector<16xi32>
    %swap3A_107 = arith.constant 272 : index
    %swap3A_108 = tpu.vector_load %arg8[%swap3A_107] {strides = array<i32>} : memref<512xi32, #tpu.memory_space<vmem>>, vector<16xi32>,
    tpu.vector_store %arg8[%swap3A_107], %broadcast_in_dim3A_106 {strides = array<i32>} : memref<512xi32, #tpu.memory_space<vmem>>, vector<16xi32>,
    %swap3A_109 = arith.constant 272 : index
    %swap3A_110 = tpu.vector_load %arg9[%swap3A_109] {strides = array<i32>} : memref<512xi32, #tpu.memory_space<vmem>>, vector<16xi32>,
    tpu.vector_store %arg9[%swap3A_109], %broadcast_in_dim3A_106 {strides = array<i32>} : memref<512xi32, #tpu.memory_space<vmem>>, vector<16xi32>,
    %broadcast_in_dim3A_111 = arith.constant 1 : i32
    %broadcast_in_dim3A_112 = vector.broadcast %broadcast_in_dim3A_111 : i32 to vector<16xi32>
    %swap3A_113 = arith.constant 288 : index
    %swap3A_114 = tpu.vector_load %arg8[%swap3A_113] {strides = array<i32>} : memref<512xi32, #tpu.memory_space<vmem>>, vector<16xi32>,
    tpu.vector_store %arg8[%swap3A_113], %broadcast_in_dim3A_112 {strides = array<i32>} : memref<512xi32, #tpu.memory_space<vmem>>, vector<16xi32>,
    %swap3A_115 = arith.constant 288 : index
    %swap3A_116 = tpu.vector_load %arg9[%swap3A_115] {strides = array<i32>} : memref<512xi32, #tpu.memory_space<vmem>>, vector<16xi32>,
    tpu.vector_store %arg9[%swap3A_115], %broadcast_in_dim3A_112 {strides = array<i32>} : memref<512xi32, #tpu.memory_space<vmem>>, vector<16xi32>,
    %broadcast_in_dim3A_117 = arith.constant 1 : i32
    %broadcast_in_dim3A_118 = vector.broadcast %broadcast_in_dim3A_117 : i32 to vector<16xi32>
    %swap3A_119 = arith.constant 304 : index
    %swap3A_120 = tpu.vector_load %arg8[%swap3A_119] {strides = array<i32>} : memref<512xi32, #tpu.memory_space<vmem>>, vector<16xi32>,
    tpu.vector_store %arg8[%swap3A_119], %broadcast_in_dim3A_118 {strides = array<i32>} : memref<512xi32, #tpu.memory_space<vmem>>, vector<16xi32>,
    %swap3A_121 = arith.constant 304 : index
    %swap3A_122 = tpu.vector_load %arg9[%swap3A_121] {strides = array<i32>} : memref<512xi32, #tpu.memory_space<vmem>>, vector<16xi32>,
    tpu.vector_store %arg9[%swap3A_121], %broadcast_in_dim3A_118 {strides = array<i32>} : memref<512xi32, #tpu.memory_space<vmem>>, vector<16xi32>,
    %broadcast_in_dim3A_123 = arith.constant 1 : i32
    %broadcast_in_dim3A_124 = vector.broadcast %broadcast_in_dim3A_123 : i32 to vector<16xi32>
    %swap3A_125 = arith.constant 320 : index
    %swap3A_126 = tpu.vector_load %arg8[%swap3A_125] {strides = array<i32>} : memref<512xi32, #tpu.memory_space<vmem>>, vector<16xi32>,
    tpu.vector_store %arg8[%swap3A_125], %broadcast_in_dim3A_124 {strides = array<i32>} : memref<512xi32, #tpu.memory_space<vmem>>, vector<16xi32>,
    %swap3A_127 = arith.constant 320 : index
    %swap3A_128 = tpu.vector_load %arg9[%swap3A_127] {strides = array<i32>} : memref<512xi32, #tpu.memory_space<vmem>>, vector<16xi32>,
    tpu.vector_store %arg9[%swap3A_127], %broadcast_in_dim3A_124 {strides = array<i32>} : memref<512xi32, #tpu.memory_space<vmem>>, vector<16xi32>,
    %broadcast_in_dim3A_129 = arith.constant 1 : i32
    %broadcast_in_dim3A_130 = vector.broadcast %broadcast_in_dim3A_129 : i32 to vector<16xi32>
    %swap3A_131 = arith.constant 336 : index
    %swap3A_132 = tpu.vector_load %arg8[%swap3A_131] {strides = array<i32>} : memref<512xi32, #tpu.memory_space<vmem>>, vector<16xi32>,
    tpu.vector_store %arg8[%swap3A_131], %broadcast_in_dim3A_130 {strides = array<i32>} : memref<512xi32, #tpu.memory_space<vmem>>, vector<16xi32>,
    %swap3A_133 = arith.constant 336 : index
    %swap3A_134 = tpu.vector_load %arg9[%swap3A_133] {strides = array<i32>} : memref<512xi32, #tpu.memory_space<vmem>>, vector<16xi32>,
    tpu.vector_store %arg9[%swap3A_133], %broadcast_in_dim3A_130 {strides = array<i32>} : memref<512xi32, #tpu.memory_space<vmem>>, vector<16xi32>,
    %broadcast_in_dim3A_135 = arith.constant 1 : i32
    %broadcast_in_dim3A_136 = vector.broadcast %broadcast_in_dim3A_135 : i32 to vector<16xi32>
    %swap3A_137 = arith.constant 352 : index
    %swap3A_138 = tpu.vector_load %arg8[%swap3A_137] {strides = array<i32>} : memref<512xi32, #tpu.memory_space<vmem>>, vector<16xi32>,
    tpu.vector_store %arg8[%swap3A_137], %broadcast_in_dim3A_136 {strides = array<i32>} : memref<512xi32, #tpu.memory_space<vmem>>, vector<16xi32>,
    %swap3A_139 = arith.constant 352 : index
    %swap3A_140 = tpu.vector_load %arg9[%swap3A_139] {strides = array<i32>} : memref<512xi32, #tpu.memory_space<vmem>>, vector<16xi32>,
    tpu.vector_store %arg9[%swap3A_139], %broadcast_in_dim3A_136 {strides = array<i32>} : memref<512xi32, #tpu.memory_space<vmem>>, vector<16xi32>,
    %broadcast_in_dim3A_141 = arith.constant 1 : i32
    %broadcast_in_dim3A_142 = vector.broadcast %broadcast_in_dim3A_141 : i32 to vector<16xi32>
    %swap3A_143 = arith.constant 368 : index
    %swap3A_144 = tpu.vector_load %arg8[%swap3A_143] {strides = array<i32>} : memref<512xi32, #tpu.memory_space<vmem>>, vector<16xi32>,
    tpu.vector_store %arg8[%swap3A_143], %broadcast_in_dim3A_142 {strides = array<i32>} : memref<512xi32, #tpu.memory_space<vmem>>, vector<16xi32>,
    %swap3A_145 = arith.constant 368 : index
    %swap3A_146 = tpu.vector_load %arg9[%swap3A_145] {strides = array<i32>} : memref<512xi32, #tpu.memory_space<vmem>>, vector<16xi32>,
    tpu.vector_store %arg9[%swap3A_145], %broadcast_in_dim3A_142 {strides = array<i32>} : memref<512xi32, #tpu.memory_space<vmem>>, vector<16xi32>,
    %broadcast_in_dim3A_147 = arith.constant 1 : i32
    %broadcast_in_dim3A_148 = vector.broadcast %broadcast_in_dim3A_147 : i32 to vector<16xi32>
    %swap3A_149 = arith.constant 384 : index
    %swap3A_150 = tpu.vector_load %arg8[%swap3A_149] {strides = array<i32>} : memref<512xi32, #tpu.memory_space<vmem>>, vector<16xi32>,
    tpu.vector_store %arg8[%swap3A_149], %broadcast_in_dim3A_148 {strides = array<i32>} : memref<512xi32, #tpu.memory_space<vmem>>, vector<16xi32>,
    %swap3A_151 = arith.constant 384 : index
    %swap3A_152 = tpu.vector_load %arg9[%swap3A_151] {strides = array<i32>} : memref<512xi32, #tpu.memory_space<vmem>>, vector<16xi32>,
    tpu.vector_store %arg9[%swap3A_151], %broadcast_in_dim3A_148 {strides = array<i32>} : memref<512xi32, #tpu.memory_space<vmem>>, vector<16xi32>,
    %broadcast_in_dim3A_153 = arith.constant 1 : i32
    %broadcast_in_dim3A_154 = vector.broadcast %broadcast_in_dim3A_153 : i32 to vector<16xi32>
    %swap3A_155 = arith.constant 400 : index
    %swap3A_156 = tpu.vector_load %arg8[%swap3A_155] {strides = array<i32>} : memref<512xi32, #tpu.memory_space<vmem>>, vector<16xi32>,
    tpu.vector_store %arg8[%swap3A_155], %broadcast_in_dim3A_154 {strides = array<i32>} : memref<512xi32, #tpu.memory_space<vmem>>, vector<16xi32>,
    %swap3A_157 = arith.constant 400 : index
    %swap3A_158 = tpu.vector_load %arg9[%swap3A_157] {strides = array<i32>} : memref<512xi32, #tpu.memory_space<vmem>>, vector<16xi32>,
    tpu.vector_store %arg9[%swap3A_157], %broadcast_in_dim3A_154 {strides = array<i32>} : memref<512xi32, #tpu.memory_space<vmem>>, vector<16xi32>,
    %broadcast_in_dim3A_159 = arith.constant 1 : i32
    %broadcast_in_dim3A_160 = vector.broadcast %broadcast_in_dim3A_159 : i32 to vector<16xi32>
    %swap3A_161 = arith.constant 416 : index
    %swap3A_162 = tpu.vector_load %arg8[%swap3A_161] {strides = array<i32>} : memref<512xi32, #tpu.memory_space<vmem>>, vector<16xi32>,
    tpu.vector_store %arg8[%swap3A_161], %broadcast_in_dim3A_160 {strides = array<i32>} : memref<512xi32, #tpu.memory_space<vmem>>, vector<16xi32>,
    %swap3A_163 = arith.constant 416 : index
    %swap3A_164 = tpu.vector_load %arg9[%swap3A_163] {strides = array<i32>} : memref<512xi32, #tpu.memory_space<vmem>>, vector<16xi32>,
    tpu.vector_store %arg9[%swap3A_163], %broadcast_in_dim3A_160 {strides = array<i32>} : memref<512xi32, #tpu.memory_space<vmem>>, vector<16xi32>,
    %broadcast_in_dim3A_165 = arith.constant 1 : i32
    %broadcast_in_dim3A_166 = vector.broadcast %broadcast_in_dim3A_165 : i32 to vector<16xi32>
    %swap3A_167 = arith.constant 432 : index
    %swap3A_168 = tpu.vector_load %arg8[%swap3A_167] {strides = array<i32>} : memref<512xi32, #tpu.memory_space<vmem>>, vector<16xi32>,
    tpu.vector_store %arg8[%swap3A_167], %broadcast_in_dim3A_166 {strides = array<i32>} : memref<512xi32, #tpu.memory_space<vmem>>, vector<16xi32>,
    %swap3A_169 = arith.constant 432 : index
    %swap3A_170 = tpu.vector_load %arg9[%swap3A_169] {strides = array<i32>} : memref<512xi32, #tpu.memory_space<vmem>>, vector<16xi32>,
    tpu.vector_store %arg9[%swap3A_169], %broadcast_in_dim3A_166 {strides = array<i32>} : memref<512xi32, #tpu.memory_space<vmem>>, vector<16xi32>,
    %broadcast_in_dim3A_171 = arith.constant 1 : i32
    %broadcast_in_dim3A_172 = vector.broadcast %broadcast_in_dim3A_171 : i32 to vector<16xi32>
    %swap3A_173 = arith.constant 448 : index
    %swap3A_174 = tpu.vector_load %arg8[%swap3A_173] {strides = array<i32>} : memref<512xi32, #tpu.memory_space<vmem>>, vector<16xi32>,
    tpu.vector_store %arg8[%swap3A_173], %broadcast_in_dim3A_172 {strides = array<i32>} : memref<512xi32, #tpu.memory_space<vmem>>, vector<16xi32>,
    %swap3A_175 = arith.constant 448 : index
    %swap3A_176 = tpu.vector_load %arg9[%swap3A_175] {strides = array<i32>} : memref<512xi32, #tpu.memory_space<vmem>>, vector<16xi32>,
    tpu.vector_store %arg9[%swap3A_175], %broadcast_in_dim3A_172 {strides = array<i32>} : memref<512xi32, #tpu.memory_space<vmem>>, vector<16xi32>,
    %broadcast_in_dim3A_177 = arith.constant 1 : i32
    %broadcast_in_dim3A_178 = vector.broadcast %broadcast_in_dim3A_177 : i32 to vector<16xi32>
    %swap3A_179 = arith.constant 464 : index
    %swap3A_180 = tpu.vector_load %arg8[%swap3A_179] {strides = array<i32>} : memref<512xi32, #tpu.memory_space<vmem>>, vector<16xi32>,
    tpu.vector_store %arg8[%swap3A_179], %broadcast_in_dim3A_178 {strides = array<i32>} : memref<512xi32, #tpu.memory_space<vmem>>, vector<16xi32>,
    %swap3A_181 = arith.constant 464 : index
    %swap3A_182 = tpu.vector_load %arg9[%swap3A_181] {strides = array<i32>} : memref<512xi32, #tpu.memory_space<vmem>>, vector<16xi32>,
    tpu.vector_store %arg9[%swap3A_181], %broadcast_in_dim3A_178 {strides = array<i32>} : memref<512xi32, #tpu.memory_space<vmem>>, vector<16xi32>,
    %broadcast_in_dim3A_183 = arith.constant 1 : i32
    %broadcast_in_dim3A_184 = vector.broadcast %broadcast_in_dim3A_183 : i32 to vector<16xi32>
    %swap3A_185 = arith.constant 480 : index
    %swap3A_186 = tpu.vector_load %arg8[%swap3A_185] {strides = array<i32>} : memref<512xi32, #tpu.memory_space<vmem>>, vector<16xi32>,
    tpu.vector_store %arg8[%swap3A_185], %broadcast_in_dim3A_184 {strides = array<i32>} : memref<512xi32, #tpu.memory_space<vmem>>, vector<16xi32>,
    %swap3A_187 = arith.constant 480 : index
    %swap3A_188 = tpu.vector_load %arg9[%swap3A_187] {strides = array<i32>} : memref<512xi32, #tpu.memory_space<vmem>>, vector<16xi32>,
    tpu.vector_store %arg9[%swap3A_187], %broadcast_in_dim3A_184 {strides = array<i32>} : memref<512xi32, #tpu.memory_space<vmem>>, vector<16xi32>,
    %broadcast_in_dim3A_189 = arith.constant 1 : i32
    %broadcast_in_dim3A_190 = vector.broadcast %broadcast_in_dim3A_189 : i32 to vector<16xi32>
    %swap3A_191 = arith.constant 496 : index
    %swap3A_192 = tpu.vector_load %arg8[%swap3A_191] {strides = array<i32>} : memref<512xi32, #tpu.memory_space<vmem>>, vector<16xi32>,
    tpu.vector_store %arg8[%swap3A_191], %broadcast_in_dim3A_190 {strides = array<i32>} : memref<512xi32, #tpu.memory_space<vmem>>, vector<16xi32>,
    %swap3A_193 = arith.constant 496 : index
    %swap3A_194 = tpu.vector_load %arg9[%swap3A_193] {strides = array<i32>} : memref<512xi32, #tpu.memory_space<vmem>>, vector<16xi32>,
    tpu.vector_store %arg9[%swap3A_193], %broadcast_in_dim3A_190 {strides = array<i32>} : memref<512xi32, #tpu.memory_space<vmem>>, vector<16xi32>,
    %get3A = arith.constant 0 : index
    %get3A_195 = tpu.vector_load %arg6[%get3A] {strides = array<i32>} : memref<720xf32, #tpu.memory_space<vmem>>, vector<16xf32>,
    %get3A_196 = arith.constant 0 : index
    %get3A_197 = tpu.vector_load %arg7[%get3A_196] {strides = array<i32>} : memref<720xf32, #tpu.memory_space<vmem>>, vector<16xf32>,
    %add3A_198 = arith.addf %get3A_195, %get3A_197 : vector<16xf32>
    %lt3A = arith.constant 4.950000e+02 : f32
    %lt3A_199 = vector.broadcast %lt3A : f32 to vector<16xf32>
    %lt3A_200 = arith.cmpf olt, %add3A_198, %lt3A_199 : vector<16xf32>
    %add3A_201 = arith.constant 0 : i32
    %add3A_202 = vector.broadcast %add3A_201 : i32 to vector<16xi32>
    %add3A_203 = arith.addi %iota3A, %add3A_202 : vector<16xi32>
    %convert_element_type3A = arith.fptosi %get3A_195 : vector<16xf32> to vector<16xi32>
    %add3A_204 = arith.constant 1 : i32
    %add3A_205 = vector.broadcast %add3A_204 : i32 to vector<16xi32>
    %add3A_206 = arith.addi %convert_element_type3A, %add3A_205 : vector<16xi32>
    %add3A_207 = arith.constant 1 : i32
    %add3A_208 = vector.broadcast %add3A_207 : i32 to vector<16xi32>
    %add3A_209 = arith.addi %add3A_203, %add3A_208 : vector<16xi32>
    tpu.vector_store_idx %arg8[%add3A_206], %add3A_209 masked %lt3A_200 : memref<512xi32, #tpu.memory_space<vmem>>[vector<16xi32>], vector<16xi32>, vector<16xi1>
    %get3A_210 = arith.constant 16 : index
    %get3A_211 = tpu.vector_load %arg6[%get3A_210] {strides = array<i32>} : memref<720xf32, #tpu.memory_space<vmem>>, vector<16xf32>,
    %get3A_212 = arith.constant 16 : index
    %get3A_213 = tpu.vector_load %arg7[%get3A_212] {strides = array<i32>} : memref<720xf32, #tpu.memory_space<vmem>>, vector<16xf32>,
    %add3A_214 = arith.addf %get3A_211, %get3A_213 : vector<16xf32>
    %lt3A_215 = arith.constant 4.950000e+02 : f32
    %lt3A_216 = vector.broadcast %lt3A_215 : f32 to vector<16xf32>
    %lt3A_217 = arith.cmpf olt, %add3A_214, %lt3A_216 : vector<16xf32>
    %add3A_218 = arith.constant 16 : i32
    %add3A_219 = vector.broadcast %add3A_218 : i32 to vector<16xi32>
    %add3A_220 = arith.addi %iota3A, %add3A_219 : vector<16xi32>
    %convert_element_type3A_221 = arith.fptosi %get3A_211 : vector<16xf32> to vector<16xi32>
    %add3A_222 = arith.constant 1 : i32
    %add3A_223 = vector.broadcast %add3A_222 : i32 to vector<16xi32>
    %add3A_224 = arith.addi %convert_element_type3A_221, %add3A_223 : vector<16xi32>
    %add3A_225 = arith.constant 1 : i32
    %add3A_226 = vector.broadcast %add3A_225 : i32 to vector<16xi32>
    %add3A_227 = arith.addi %add3A_220, %add3A_226 : vector<16xi32>
    tpu.vector_store_idx %arg8[%add3A_224], %add3A_227 masked %lt3A_217 : memref<512xi32, #tpu.memory_space<vmem>>[vector<16xi32>], vector<16xi32>, vector<16xi1>
    %get3A_228 = arith.constant 32 : index
    %get3A_229 = tpu.vector_load %arg6[%get3A_228] {strides = array<i32>} : memref<720xf32, #tpu.memory_space<vmem>>, vector<16xf32>,
    %get3A_230 = arith.constant 32 : index
    %get3A_231 = tpu.vector_load %arg7[%get3A_230] {strides = array<i32>} : memref<720xf32, #tpu.memory_space<vmem>>, vector<16xf32>,
    %add3A_232 = arith.addf %get3A_229, %get3A_231 : vector<16xf32>
    %lt3A_233 = arith.constant 4.950000e+02 : f32
    %lt3A_234 = vector.broadcast %lt3A_233 : f32 to vector<16xf32>
    %lt3A_235 = arith.cmpf olt, %add3A_232, %lt3A_234 : vector<16xf32>
    %add3A_236 = arith.constant 32 : i32
    %add3A_237 = vector.broadcast %add3A_236 : i32 to vector<16xi32>
    %add3A_238 = arith.addi %iota3A, %add3A_237 : vector<16xi32>
    %convert_element_type3A_239 = arith.fptosi %get3A_229 : vector<16xf32> to vector<16xi32>
    %add3A_240 = arith.constant 1 : i32
    %add3A_241 = vector.broadcast %add3A_240 : i32 to vector<16xi32>
    %add3A_242 = arith.addi %convert_element_type3A_239, %add3A_241 : vector<16xi32>
    %add3A_243 = arith.constant 1 : i32
    %add3A_244 = vector.broadcast %add3A_243 : i32 to vector<16xi32>
    %add3A_245 = arith.addi %add3A_238, %add3A_244 : vector<16xi32>
    tpu.vector_store_idx %arg8[%add3A_242], %add3A_245 masked %lt3A_235 : memref<512xi32, #tpu.memory_space<vmem>>[vector<16xi32>], vector<16xi32>, vector<16xi1>
    %get3A_246 = arith.constant 48 : index
    %get3A_247 = tpu.vector_load %arg6[%get3A_246] {strides = array<i32>} : memref<720xf32, #tpu.memory_space<vmem>>, vector<16xf32>,
    %get3A_248 = arith.constant 48 : index
    %get3A_249 = tpu.vector_load %arg7[%get3A_248] {strides = array<i32>} : memref<720xf32, #tpu.memory_space<vmem>>, vector<16xf32>,
    %add3A_250 = arith.addf %get3A_247, %get3A_249 : vector<16xf32>
    %lt3A_251 = arith.constant 4.950000e+02 : f32
    %lt3A_252 = vector.broadcast %lt3A_251 : f32 to vector<16xf32>
    %lt3A_253 = arith.cmpf olt, %add3A_250, %lt3A_252 : vector<16xf32>
    %add3A_254 = arith.constant 48 : i32
    %add3A_255 = vector.broadcast %add3A_254 : i32 to vector<16xi32>
    %add3A_256 = arith.addi %iota3A, %add3A_255 : vector<16xi32>
    %convert_element_type3A_257 = arith.fptosi %get3A_247 : vector<16xf32> to vector<16xi32>
    %add3A_258 = arith.constant 1 : i32
    %add3A_259 = vector.broadcast %add3A_258 : i32 to vector<16xi32>
    %add3A_260 = arith.addi %convert_element_type3A_257, %add3A_259 : vector<16xi32>
    %add3A_261 = arith.constant 1 : i32
    %add3A_262 = vector.broadcast %add3A_261 : i32 to vector<16xi32>
    %add3A_263 = arith.addi %add3A_256, %add3A_262 : vector<16xi32>
    tpu.vector_store_idx %arg8[%add3A_260], %add3A_263 masked %lt3A_253 : memref<512xi32, #tpu.memory_space<vmem>>[vector<16xi32>], vector<16xi32>, vector<16xi1>
    %get3A_264 = arith.constant 64 : index
    %get3A_265 = tpu.vector_load %arg6[%get3A_264] {strides = array<i32>} : memref<720xf32, #tpu.memory_space<vmem>>, vector<16xf32>,
    %get3A_266 = arith.constant 64 : index
    %get3A_267 = tpu.vector_load %arg7[%get3A_266] {strides = array<i32>} : memref<720xf32, #tpu.memory_space<vmem>>, vector<16xf32>,
    %add3A_268 = arith.addf %get3A_265, %get3A_267 : vector<16xf32>
    %lt3A_269 = arith.constant 4.950000e+02 : f32
    %lt3A_270 = vector.broadcast %lt3A_269 : f32 to vector<16xf32>
    %lt3A_271 = arith.cmpf olt, %add3A_268, %lt3A_270 : vector<16xf32>
    %add3A_272 = arith.constant 64 : i32
    %add3A_273 = vector.broadcast %add3A_272 : i32 to vector<16xi32>
    %add3A_274 = arith.addi %iota3A, %add3A_273 : vector<16xi32>
    %convert_element_type3A_275 = arith.fptosi %get3A_265 : vector<16xf32> to vector<16xi32>
    %add3A_276 = arith.constant 1 : i32
    %add3A_277 = vector.broadcast %add3A_276 : i32 to vector<16xi32>
    %add3A_278 = arith.addi %convert_element_type3A_275, %add3A_277 : vector<16xi32>
    %add3A_279 = arith.constant 1 : i32
    %add3A_280 = vector.broadcast %add3A_279 : i32 to vector<16xi32>
    %add3A_281 = arith.addi %add3A_274, %add3A_280 : vector<16xi32>
    tpu.vector_store_idx %arg8[%add3A_278], %add3A_281 masked %lt3A_271 : memref<512xi32, #tpu.memory_space<vmem>>[vector<16xi32>], vector<16xi32>, vector<16xi1>
    %get3A_282 = arith.constant 80 : index
    %get3A_283 = tpu.vector_load %arg6[%get3A_282] {strides = array<i32>} : memref<720xf32, #tpu.memory_space<vmem>>, vector<16xf32>,
    %get3A_284 = arith.constant 80 : index
    %get3A_285 = tpu.vector_load %arg7[%get3A_284] {strides = array<i32>} : memref<720xf32, #tpu.memory_space<vmem>>, vector<16xf32>,
    %add3A_286 = arith.addf %get3A_283, %get3A_285 : vector<16xf32>
    %lt3A_287 = arith.constant 4.950000e+02 : f32
    %lt3A_288 = vector.broadcast %lt3A_287 : f32 to vector<16xf32>
    %lt3A_289 = arith.cmpf olt, %add3A_286, %lt3A_288 : vector<16xf32>
    %add3A_290 = arith.constant 80 : i32
    %add3A_291 = vector.broadcast %add3A_290 : i32 to vector<16xi32>
    %add3A_292 = arith.addi %iota3A, %add3A_291 : vector<16xi32>
    %convert_element_type3A_293 = arith.fptosi %get3A_283 : vector<16xf32> to vector<16xi32>
    %add3A_294 = arith.constant 1 : i32
    %add3A_295 = vector.broadcast %add3A_294 : i32 to vector<16xi32>
    %add3A_296 = arith.addi %convert_element_type3A_293, %add3A_295 : vector<16xi32>
    %add3A_297 = arith.constant 1 : i32
    %add3A_298 = vector.broadcast %add3A_297 : i32 to vector<16xi32>
    %add3A_299 = arith.addi %add3A_292, %add3A_298 : vector<16xi32>
    tpu.vector_store_idx %arg8[%add3A_296], %add3A_299 masked %lt3A_289 : memref<512xi32, #tpu.memory_space<vmem>>[vector<16xi32>], vector<16xi32>, vector<16xi1>
    %get3A_300 = arith.constant 96 : index
    %get3A_301 = tpu.vector_load %arg6[%get3A_300] {strides = array<i32>} : memref<720xf32, #tpu.memory_space<vmem>>, vector<16xf32>,
    %get3A_302 = arith.constant 96 : index
    %get3A_303 = tpu.vector_load %arg7[%get3A_302] {strides = array<i32>} : memref<720xf32, #tpu.memory_space<vmem>>, vector<16xf32>,
    %add3A_304 = arith.addf %get3A_301, %get3A_303 : vector<16xf32>
    %lt3A_305 = arith.constant 4.950000e+02 : f32
    %lt3A_306 = vector.broadcast %lt3A_305 : f32 to vector<16xf32>
    %lt3A_307 = arith.cmpf olt, %add3A_304, %lt3A_306 : vector<16xf32>
    %add3A_308 = arith.constant 96 : i32
    %add3A_309 = vector.broadcast %add3A_308 : i32 to vector<16xi32>
    %add3A_310 = arith.addi %iota3A, %add3A_309 : vector<16xi32>
    %convert_element_type3A_311 = arith.fptosi %get3A_301 : vector<16xf32> to vector<16xi32>
    %add3A_312 = arith.constant 1 : i32
    %add3A_313 = vector.broadcast %add3A_312 : i32 to vector<16xi32>
    %add3A_314 = arith.addi %convert_element_type3A_311, %add3A_313 : vector<16xi32>
    %add3A_315 = arith.constant 1 : i32
    %add3A_316 = vector.broadcast %add3A_315 : i32 to vector<16xi32>
    %add3A_317 = arith.addi %add3A_310, %add3A_316 : vector<16xi32>
    tpu.vector_store_idx %arg8[%add3A_314], %add3A_317 masked %lt3A_307 : memref<512xi32, #tpu.memory_space<vmem>>[vector<16xi32>], vector<16xi32>, vector<16xi1>
    %get3A_318 = arith.constant 112 : index
    %get3A_319 = tpu.vector_load %arg6[%get3A_318] {strides = array<i32>} : memref<720xf32, #tpu.memory_space<vmem>>, vector<16xf32>,
    %get3A_320 = arith.constant 112 : index
    %get3A_321 = tpu.vector_load %arg7[%get3A_320] {strides = array<i32>} : memref<720xf32, #tpu.memory_space<vmem>>, vector<16xf32>,
    %add3A_322 = arith.addf %get3A_319, %get3A_321 : vector<16xf32>
    %lt3A_323 = arith.constant 4.950000e+02 : f32
    %lt3A_324 = vector.broadcast %lt3A_323 : f32 to vector<16xf32>
    %lt3A_325 = arith.cmpf olt, %add3A_322, %lt3A_324 : vector<16xf32>
    %add3A_326 = arith.constant 112 : i32
    %add3A_327 = vector.broadcast %add3A_326 : i32 to vector<16xi32>
    %add3A_328 = arith.addi %iota3A, %add3A_327 : vector<16xi32>
    %convert_element_type3A_329 = arith.fptosi %get3A_319 : vector<16xf32> to vector<16xi32>
    %add3A_330 = arith.constant 1 : i32
    %add3A_331 = vector.broadcast %add3A_330 : i32 to vector<16xi32>
    %add3A_332 = arith.addi %convert_element_type3A_329, %add3A_331 : vector<16xi32>
    %add3A_333 = arith.constant 1 : i32
    %add3A_334 = vector.broadcast %add3A_333 : i32 to vector<16xi32>
    %add3A_335 = arith.addi %add3A_328, %add3A_334 : vector<16xi32>
    tpu.vector_store_idx %arg8[%add3A_332], %add3A_335 masked %lt3A_325 : memref<512xi32, #tpu.memory_space<vmem>>[vector<16xi32>], vector<16xi32>, vector<16xi1>
    %get3A_336 = arith.constant 128 : index
    %get3A_337 = tpu.vector_load %arg6[%get3A_336] {strides = array<i32>} : memref<720xf32, #tpu.memory_space<vmem>>, vector<16xf32>,
    %get3A_338 = arith.constant 128 : index
    %get3A_339 = tpu.vector_load %arg7[%get3A_338] {strides = array<i32>} : memref<720xf32, #tpu.memory_space<vmem>>, vector<16xf32>,
    %add3A_340 = arith.addf %get3A_337, %get3A_339 : vector<16xf32>
    %lt3A_341 = arith.constant 4.950000e+02 : f32
    %lt3A_342 = vector.broadcast %lt3A_341 : f32 to vector<16xf32>
    %lt3A_343 = arith.cmpf olt, %add3A_340, %lt3A_342 : vector<16xf32>
    %add3A_344 = arith.constant 128 : i32
    %add3A_345 = vector.broadcast %add3A_344 : i32 to vector<16xi32>
    %add3A_346 = arith.addi %iota3A, %add3A_345 : vector<16xi32>
    %convert_element_type3A_347 = arith.fptosi %get3A_337 : vector<16xf32> to vector<16xi32>
    %add3A_348 = arith.constant 1 : i32
    %add3A_349 = vector.broadcast %add3A_348 : i32 to vector<16xi32>
    %add3A_350 = arith.addi %convert_element_type3A_347, %add3A_349 : vector<16xi32>
    %add3A_351 = arith.constant 1 : i32
    %add3A_352 = vector.broadcast %add3A_351 : i32 to vector<16xi32>
    %add3A_353 = arith.addi %add3A_346, %add3A_352 : vector<16xi32>
    tpu.vector_store_idx %arg8[%add3A_350], %add3A_353 masked %lt3A_343 : memref<512xi32, #tpu.memory_space<vmem>>[vector<16xi32>], vector<16xi32>, vector<16xi1>
    %get3A_354 = arith.constant 144 : index
    %get3A_355 = tpu.vector_load %arg6[%get3A_354] {strides = array<i32>} : memref<720xf32, #tpu.memory_space<vmem>>, vector<16xf32>,
    %get3A_356 = arith.constant 144 : index
    %get3A_357 = tpu.vector_load %arg7[%get3A_356] {strides = array<i32>} : memref<720xf32, #tpu.memory_space<vmem>>, vector<16xf32>,
    %add3A_358 = arith.addf %get3A_355, %get3A_357 : vector<16xf32>
    %lt3A_359 = arith.constant 4.950000e+02 : f32
    %lt3A_360 = vector.broadcast %lt3A_359 : f32 to vector<16xf32>
    %lt3A_361 = arith.cmpf olt, %add3A_358, %lt3A_360 : vector<16xf32>
    %add3A_362 = arith.constant 144 : i32
    %add3A_363 = vector.broadcast %add3A_362 : i32 to vector<16xi32>
    %add3A_364 = arith.addi %iota3A, %add3A_363 : vector<16xi32>
    %convert_element_type3A_365 = arith.fptosi %get3A_355 : vector<16xf32> to vector<16xi32>
    %add3A_366 = arith.constant 1 : i32
    %add3A_367 = vector.broadcast %add3A_366 : i32 to vector<16xi32>
    %add3A_368 = arith.addi %convert_element_type3A_365, %add3A_367 : vector<16xi32>
    %add3A_369 = arith.constant 1 : i32
    %add3A_370 = vector.broadcast %add3A_369 : i32 to vector<16xi32>
    %add3A_371 = arith.addi %add3A_364, %add3A_370 : vector<16xi32>
    tpu.vector_store_idx %arg8[%add3A_368], %add3A_371 masked %lt3A_361 : memref<512xi32, #tpu.memory_space<vmem>>[vector<16xi32>], vector<16xi32>, vector<16xi1>
    %get3A_372 = arith.constant 160 : index
    %get3A_373 = tpu.vector_load %arg6[%get3A_372] {strides = array<i32>} : memref<720xf32, #tpu.memory_space<vmem>>, vector<16xf32>,
    %get3A_374 = arith.constant 160 : index
    %get3A_375 = tpu.vector_load %arg7[%get3A_374] {strides = array<i32>} : memref<720xf32, #tpu.memory_space<vmem>>, vector<16xf32>,
    %add3A_376 = arith.addf %get3A_373, %get3A_375 : vector<16xf32>
    %lt3A_377 = arith.constant 4.950000e+02 : f32
    %lt3A_378 = vector.broadcast %lt3A_377 : f32 to vector<16xf32>
    %lt3A_379 = arith.cmpf olt, %add3A_376, %lt3A_378 : vector<16xf32>
    %add3A_380 = arith.constant 160 : i32
    %add3A_381 = vector.broadcast %add3A_380 : i32 to vector<16xi32>
    %add3A_382 = arith.addi %iota3A, %add3A_381 : vector<16xi32>
    %convert_element_type3A_383 = arith.fptosi %get3A_373 : vector<16xf32> to vector<16xi32>
    %add3A_384 = arith.constant 1 : i32
    %add3A_385 = vector.broadcast %add3A_384 : i32 to vector<16xi32>
    %add3A_386 = arith.addi %convert_element_type3A_383, %add3A_385 : vector<16xi32>
    %add3A_387 = arith.constant 1 : i32
    %add3A_388 = vector.broadcast %add3A_387 : i32 to vector<16xi32>
    %add3A_389 = arith.addi %add3A_382, %add3A_388 : vector<16xi32>
    tpu.vector_store_idx %arg8[%add3A_386], %add3A_389 masked %lt3A_379 : memref<512xi32, #tpu.memory_space<vmem>>[vector<16xi32>], vector<16xi32>, vector<16xi1>
    %get3A_390 = arith.constant 176 : index
    %get3A_391 = tpu.vector_load %arg6[%get3A_390] {strides = array<i32>} : memref<720xf32, #tpu.memory_space<vmem>>, vector<16xf32>,
    %get3A_392 = arith.constant 176 : index
    %get3A_393 = tpu.vector_load %arg7[%get3A_392] {strides = array<i32>} : memref<720xf32, #tpu.memory_space<vmem>>, vector<16xf32>,
    %add3A_394 = arith.addf %get3A_391, %get3A_393 : vector<16xf32>
    %lt3A_395 = arith.constant 4.950000e+02 : f32
    %lt3A_396 = vector.broadcast %lt3A_395 : f32 to vector<16xf32>
    %lt3A_397 = arith.cmpf olt, %add3A_394, %lt3A_396 : vector<16xf32>
    %add3A_398 = arith.constant 176 : i32
    %add3A_399 = vector.broadcast %add3A_398 : i32 to vector<16xi32>
    %add3A_400 = arith.addi %iota3A, %add3A_399 : vector<16xi32>
    %convert_element_type3A_401 = arith.fptosi %get3A_391 : vector<16xf32> to vector<16xi32>
    %add3A_402 = arith.constant 1 : i32
    %add3A_403 = vector.broadcast %add3A_402 : i32 to vector<16xi32>
    %add3A_404 = arith.addi %convert_element_type3A_401, %add3A_403 : vector<16xi32>
    %add3A_405 = arith.constant 1 : i32
    %add3A_406 = vector.broadcast %add3A_405 : i32 to vector<16xi32>
    %add3A_407 = arith.addi %add3A_400, %add3A_406 : vector<16xi32>
    tpu.vector_store_idx %arg8[%add3A_404], %add3A_407 masked %lt3A_397 : memref<512xi32, #tpu.memory_space<vmem>>[vector<16xi32>], vector<16xi32>, vector<16xi1>
    %get3A_408 = arith.constant 192 : index
    %get3A_409 = tpu.vector_load %arg6[%get3A_408] {strides = array<i32>} : memref<720xf32, #tpu.memory_space<vmem>>, vector<16xf32>,
    %get3A_410 = arith.constant 192 : index
    %get3A_411 = tpu.vector_load %arg7[%get3A_410] {strides = array<i32>} : memref<720xf32, #tpu.memory_space<vmem>>, vector<16xf32>,
    %add3A_412 = arith.addf %get3A_409, %get3A_411 : vector<16xf32>
    %lt3A_413 = arith.constant 4.950000e+02 : f32
    %lt3A_414 = vector.broadcast %lt3A_413 : f32 to vector<16xf32>
    %lt3A_415 = arith.cmpf olt, %add3A_412, %lt3A_414 : vector<16xf32>
    %add3A_416 = arith.constant 192 : i32
    %add3A_417 = vector.broadcast %add3A_416 : i32 to vector<16xi32>
    %add3A_418 = arith.addi %iota3A, %add3A_417 : vector<16xi32>
    %convert_element_type3A_419 = arith.fptosi %get3A_409 : vector<16xf32> to vector<16xi32>
    %add3A_420 = arith.constant 1 : i32
    %add3A_421 = vector.broadcast %add3A_420 : i32 to vector<16xi32>
    %add3A_422 = arith.addi %convert_element_type3A_419, %add3A_421 : vector<16xi32>
    %add3A_423 = arith.constant 1 : i32
    %add3A_424 = vector.broadcast %add3A_423 : i32 to vector<16xi32>
    %add3A_425 = arith.addi %add3A_418, %add3A_424 : vector<16xi32>
    tpu.vector_store_idx %arg8[%add3A_422], %add3A_425 masked %lt3A_415 : memref<512xi32, #tpu.memory_space<vmem>>[vector<16xi32>], vector<16xi32>, vector<16xi1>
    %get3A_426 = arith.constant 208 : index
    %get3A_427 = tpu.vector_load %arg6[%get3A_426] {strides = array<i32>} : memref<720xf32, #tpu.memory_space<vmem>>, vector<16xf32>,
    %get3A_428 = arith.constant 208 : index
    %get3A_429 = tpu.vector_load %arg7[%get3A_428] {strides = array<i32>} : memref<720xf32, #tpu.memory_space<vmem>>, vector<16xf32>,
    %add3A_430 = arith.addf %get3A_427, %get3A_429 : vector<16xf32>
    %lt3A_431 = arith.constant 4.950000e+02 : f32
    %lt3A_432 = vector.broadcast %lt3A_431 : f32 to vector<16xf32>
    %lt3A_433 = arith.cmpf olt, %add3A_430, %lt3A_432 : vector<16xf32>
    %add3A_434 = arith.constant 208 : i32
    %add3A_435 = vector.broadcast %add3A_434 : i32 to vector<16xi32>
    %add3A_436 = arith.addi %iota3A, %add3A_435 : vector<16xi32>
    %convert_element_type3A_437 = arith.fptosi %get3A_427 : vector<16xf32> to vector<16xi32>
    %add3A_438 = arith.constant 1 : i32
    %add3A_439 = vector.broadcast %add3A_438 : i32 to vector<16xi32>
    %add3A_440 = arith.addi %convert_element_type3A_437, %add3A_439 : vector<16xi32>
    %add3A_441 = arith.constant 1 : i32
    %add3A_442 = vector.broadcast %add3A_441 : i32 to vector<16xi32>
    %add3A_443 = arith.addi %add3A_436, %add3A_442 : vector<16xi32>
    tpu.vector_store_idx %arg8[%add3A_440], %add3A_443 masked %lt3A_433 : memref<512xi32, #tpu.memory_space<vmem>>[vector<16xi32>], vector<16xi32>, vector<16xi1>
    %get3A_444 = arith.constant 224 : index
    %get3A_445 = tpu.vector_load %arg6[%get3A_444] {strides = array<i32>} : memref<720xf32, #tpu.memory_space<vmem>>, vector<16xf32>,
    %get3A_446 = arith.constant 224 : index
    %get3A_447 = tpu.vector_load %arg7[%get3A_446] {strides = array<i32>} : memref<720xf32, #tpu.memory_space<vmem>>, vector<16xf32>,
    %add3A_448 = arith.addf %get3A_445, %get3A_447 : vector<16xf32>
    %lt3A_449 = arith.constant 4.950000e+02 : f32
    %lt3A_450 = vector.broadcast %lt3A_449 : f32 to vector<16xf32>
    %lt3A_451 = arith.cmpf olt, %add3A_448, %lt3A_450 : vector<16xf32>
    %add3A_452 = arith.constant 224 : i32
    %add3A_453 = vector.broadcast %add3A_452 : i32 to vector<16xi32>
    %add3A_454 = arith.addi %iota3A, %add3A_453 : vector<16xi32>
    %convert_element_type3A_455 = arith.fptosi %get3A_445 : vector<16xf32> to vector<16xi32>
    %add3A_456 = arith.constant 1 : i32
    %add3A_457 = vector.broadcast %add3A_456 : i32 to vector<16xi32>
    %add3A_458 = arith.addi %convert_element_type3A_455, %add3A_457 : vector<16xi32>
    %add3A_459 = arith.constant 1 : i32
    %add3A_460 = vector.broadcast %add3A_459 : i32 to vector<16xi32>
    %add3A_461 = arith.addi %add3A_454, %add3A_460 : vector<16xi32>
    tpu.vector_store_idx %arg8[%add3A_458], %add3A_461 masked %lt3A_451 : memref<512xi32, #tpu.memory_space<vmem>>[vector<16xi32>], vector<16xi32>, vector<16xi1>
    %get3A_462 = arith.constant 240 : index
    %get3A_463 = tpu.vector_load %arg6[%get3A_462] {strides = array<i32>} : memref<720xf32, #tpu.memory_space<vmem>>, vector<16xf32>,
    %get3A_464 = arith.constant 240 : index
    %get3A_465 = tpu.vector_load %arg7[%get3A_464] {strides = array<i32>} : memref<720xf32, #tpu.memory_space<vmem>>, vector<16xf32>,
    %add3A_466 = arith.addf %get3A_463, %get3A_465 : vector<16xf32>
    %lt3A_467 = arith.constant 4.950000e+02 : f32
    %lt3A_468 = vector.broadcast %lt3A_467 : f32 to vector<16xf32>
    %lt3A_469 = arith.cmpf olt, %add3A_466, %lt3A_468 : vector<16xf32>
    %add3A_470 = arith.constant 240 : i32
    %add3A_471 = vector.broadcast %add3A_470 : i32 to vector<16xi32>
    %add3A_472 = arith.addi %iota3A, %add3A_471 : vector<16xi32>
    %convert_element_type3A_473 = arith.fptosi %get3A_463 : vector<16xf32> to vector<16xi32>
    %add3A_474 = arith.constant 1 : i32
    %add3A_475 = vector.broadcast %add3A_474 : i32 to vector<16xi32>
    %add3A_476 = arith.addi %convert_element_type3A_473, %add3A_475 : vector<16xi32>
    %add3A_477 = arith.constant 1 : i32
    %add3A_478 = vector.broadcast %add3A_477 : i32 to vector<16xi32>
    %add3A_479 = arith.addi %add3A_472, %add3A_478 : vector<16xi32>
    tpu.vector_store_idx %arg8[%add3A_476], %add3A_479 masked %lt3A_469 : memref<512xi32, #tpu.memory_space<vmem>>[vector<16xi32>], vector<16xi32>, vector<16xi1>
    %get3A_480 = arith.constant 256 : index
    %get3A_481 = tpu.vector_load %arg6[%get3A_480] {strides = array<i32>} : memref<720xf32, #tpu.memory_space<vmem>>, vector<16xf32>,
    %get3A_482 = arith.constant 256 : index
    %get3A_483 = tpu.vector_load %arg7[%get3A_482] {strides = array<i32>} : memref<720xf32, #tpu.memory_space<vmem>>, vector<16xf32>,
    %add3A_484 = arith.addf %get3A_481, %get3A_483 : vector<16xf32>
    %lt3A_485 = arith.constant 4.950000e+02 : f32
    %lt3A_486 = vector.broadcast %lt3A_485 : f32 to vector<16xf32>
    %lt3A_487 = arith.cmpf olt, %add3A_484, %lt3A_486 : vector<16xf32>
    %add3A_488 = arith.constant 256 : i32
    %add3A_489 = vector.broadcast %add3A_488 : i32 to vector<16xi32>
    %add3A_490 = arith.addi %iota3A, %add3A_489 : vector<16xi32>
    %convert_element_type3A_491 = arith.fptosi %get3A_481 : vector<16xf32> to vector<16xi32>
    %add3A_492 = arith.constant 1 : i32
    %add3A_493 = vector.broadcast %add3A_492 : i32 to vector<16xi32>
    %add3A_494 = arith.addi %convert_element_type3A_491, %add3A_493 : vector<16xi32>
    %add3A_495 = arith.constant 1 : i32
    %add3A_496 = vector.broadcast %add3A_495 : i32 to vector<16xi32>
    %add3A_497 = arith.addi %add3A_490, %add3A_496 : vector<16xi32>
    tpu.vector_store_idx %arg8[%add3A_494], %add3A_497 masked %lt3A_487 : memref<512xi32, #tpu.memory_space<vmem>>[vector<16xi32>], vector<16xi32>, vector<16xi1>
    %get3A_498 = arith.constant 272 : index
    %get3A_499 = tpu.vector_load %arg6[%get3A_498] {strides = array<i32>} : memref<720xf32, #tpu.memory_space<vmem>>, vector<16xf32>,
    %get3A_500 = arith.constant 272 : index
    %get3A_501 = tpu.vector_load %arg7[%get3A_500] {strides = array<i32>} : memref<720xf32, #tpu.memory_space<vmem>>, vector<16xf32>,
    %add3A_502 = arith.addf %get3A_499, %get3A_501 : vector<16xf32>
    %lt3A_503 = arith.constant 4.950000e+02 : f32
    %lt3A_504 = vector.broadcast %lt3A_503 : f32 to vector<16xf32>
    %lt3A_505 = arith.cmpf olt, %add3A_502, %lt3A_504 : vector<16xf32>
    %add3A_506 = arith.constant 272 : i32
    %add3A_507 = vector.broadcast %add3A_506 : i32 to vector<16xi32>
    %add3A_508 = arith.addi %iota3A, %add3A_507 : vector<16xi32>
    %convert_element_type3A_509 = arith.fptosi %get3A_499 : vector<16xf32> to vector<16xi32>
    %add3A_510 = arith.constant 1 : i32
    %add3A_511 = vector.broadcast %add3A_510 : i32 to vector<16xi32>
    %add3A_512 = arith.addi %convert_element_type3A_509, %add3A_511 : vector<16xi32>
    %add3A_513 = arith.constant 1 : i32
    %add3A_514 = vector.broadcast %add3A_513 : i32 to vector<16xi32>
    %add3A_515 = arith.addi %add3A_508, %add3A_514 : vector<16xi32>
    tpu.vector_store_idx %arg8[%add3A_512], %add3A_515 masked %lt3A_505 : memref<512xi32, #tpu.memory_space<vmem>>[vector<16xi32>], vector<16xi32>, vector<16xi1>
    %get3A_516 = arith.constant 288 : index
    %get3A_517 = tpu.vector_load %arg6[%get3A_516] {strides = array<i32>} : memref<720xf32, #tpu.memory_space<vmem>>, vector<16xf32>,
    %get3A_518 = arith.constant 288 : index
    %get3A_519 = tpu.vector_load %arg7[%get3A_518] {strides = array<i32>} : memref<720xf32, #tpu.memory_space<vmem>>, vector<16xf32>,
    %add3A_520 = arith.addf %get3A_517, %get3A_519 : vector<16xf32>
    %lt3A_521 = arith.constant 4.950000e+02 : f32
    %lt3A_522 = vector.broadcast %lt3A_521 : f32 to vector<16xf32>
    %lt3A_523 = arith.cmpf olt, %add3A_520, %lt3A_522 : vector<16xf32>
    %add3A_524 = arith.constant 288 : i32
    %add3A_525 = vector.broadcast %add3A_524 : i32 to vector<16xi32>
    %add3A_526 = arith.addi %iota3A, %add3A_525 : vector<16xi32>
    %convert_element_type3A_527 = arith.fptosi %get3A_517 : vector<16xf32> to vector<16xi32>
    %add3A_528 = arith.constant 1 : i32
    %add3A_529 = vector.broadcast %add3A_528 : i32 to vector<16xi32>
    %add3A_530 = arith.addi %convert_element_type3A_527, %add3A_529 : vector<16xi32>
    %add3A_531 = arith.constant 1 : i32
    %add3A_532 = vector.broadcast %add3A_531 : i32 to vector<16xi32>
    %add3A_533 = arith.addi %add3A_526, %add3A_532 : vector<16xi32>
    tpu.vector_store_idx %arg8[%add3A_530], %add3A_533 masked %lt3A_523 : memref<512xi32, #tpu.memory_space<vmem>>[vector<16xi32>], vector<16xi32>, vector<16xi1>
    %get3A_534 = arith.constant 304 : index
    %get3A_535 = tpu.vector_load %arg6[%get3A_534] {strides = array<i32>} : memref<720xf32, #tpu.memory_space<vmem>>, vector<16xf32>,
    %get3A_536 = arith.constant 304 : index
    %get3A_537 = tpu.vector_load %arg7[%get3A_536] {strides = array<i32>} : memref<720xf32, #tpu.memory_space<vmem>>, vector<16xf32>,
    %add3A_538 = arith.addf %get3A_535, %get3A_537 : vector<16xf32>
    %lt3A_539 = arith.constant 4.950000e+02 : f32
    %lt3A_540 = vector.broadcast %lt3A_539 : f32 to vector<16xf32>
    %lt3A_541 = arith.cmpf olt, %add3A_538, %lt3A_540 : vector<16xf32>
    %add3A_542 = arith.constant 304 : i32
    %add3A_543 = vector.broadcast %add3A_542 : i32 to vector<16xi32>
    %add3A_544 = arith.addi %iota3A, %add3A_543 : vector<16xi32>
    %convert_element_type3A_545 = arith.fptosi %get3A_535 : vector<16xf32> to vector<16xi32>
    %add3A_546 = arith.constant 1 : i32
    %add3A_547 = vector.broadcast %add3A_546 : i32 to vector<16xi32>
    %add3A_548 = arith.addi %convert_element_type3A_545, %add3A_547 : vector<16xi32>
    %add3A_549 = arith.constant 1 : i32
    %add3A_550 = vector.broadcast %add3A_549 : i32 to vector<16xi32>
    %add3A_551 = arith.addi %add3A_544, %add3A_550 : vector<16xi32>
    tpu.vector_store_idx %arg8[%add3A_548], %add3A_551 masked %lt3A_541 : memref<512xi32, #tpu.memory_space<vmem>>[vector<16xi32>], vector<16xi32>, vector<16xi1>
    %get3A_552 = arith.constant 320 : index
    %get3A_553 = tpu.vector_load %arg6[%get3A_552] {strides = array<i32>} : memref<720xf32, #tpu.memory_space<vmem>>, vector<16xf32>,
    %get3A_554 = arith.constant 320 : index
    %get3A_555 = tpu.vector_load %arg7[%get3A_554] {strides = array<i32>} : memref<720xf32, #tpu.memory_space<vmem>>, vector<16xf32>,
    %add3A_556 = arith.addf %get3A_553, %get3A_555 : vector<16xf32>
    %lt3A_557 = arith.constant 4.950000e+02 : f32
    %lt3A_558 = vector.broadcast %lt3A_557 : f32 to vector<16xf32>
    %lt3A_559 = arith.cmpf olt, %add3A_556, %lt3A_558 : vector<16xf32>
    %add3A_560 = arith.constant 320 : i32
    %add3A_561 = vector.broadcast %add3A_560 : i32 to vector<16xi32>
    %add3A_562 = arith.addi %iota3A, %add3A_561 : vector<16xi32>
    %convert_element_type3A_563 = arith.fptosi %get3A_553 : vector<16xf32> to vector<16xi32>
    %add3A_564 = arith.constant 1 : i32
    %add3A_565 = vector.broadcast %add3A_564 : i32 to vector<16xi32>
    %add3A_566 = arith.addi %convert_element_type3A_563, %add3A_565 : vector<16xi32>
    %add3A_567 = arith.constant 1 : i32
    %add3A_568 = vector.broadcast %add3A_567 : i32 to vector<16xi32>
    %add3A_569 = arith.addi %add3A_562, %add3A_568 : vector<16xi32>
    tpu.vector_store_idx %arg8[%add3A_566], %add3A_569 masked %lt3A_559 : memref<512xi32, #tpu.memory_space<vmem>>[vector<16xi32>], vector<16xi32>, vector<16xi1>
    %get3A_570 = arith.constant 336 : index
    %get3A_571 = tpu.vector_load %arg6[%get3A_570] {strides = array<i32>} : memref<720xf32, #tpu.memory_space<vmem>>, vector<16xf32>,
    %get3A_572 = arith.constant 336 : index
    %get3A_573 = tpu.vector_load %arg7[%get3A_572] {strides = array<i32>} : memref<720xf32, #tpu.memory_space<vmem>>, vector<16xf32>,
    %add3A_574 = arith.addf %get3A_571, %get3A_573 : vector<16xf32>
    %lt3A_575 = arith.constant 4.950000e+02 : f32
    %lt3A_576 = vector.broadcast %lt3A_575 : f32 to vector<16xf32>
    %lt3A_577 = arith.cmpf olt, %add3A_574, %lt3A_576 : vector<16xf32>
    %add3A_578 = arith.constant 336 : i32
    %add3A_579 = vector.broadcast %add3A_578 : i32 to vector<16xi32>
    %add3A_580 = arith.addi %iota3A, %add3A_579 : vector<16xi32>
    %convert_element_type3A_581 = arith.fptosi %get3A_571 : vector<16xf32> to vector<16xi32>
    %add3A_582 = arith.constant 1 : i32
    %add3A_583 = vector.broadcast %add3A_582 : i32 to vector<16xi32>
    %add3A_584 = arith.addi %convert_element_type3A_581, %add3A_583 : vector<16xi32>
    %add3A_585 = arith.constant 1 : i32
    %add3A_586 = vector.broadcast %add3A_585 : i32 to vector<16xi32>
    %add3A_587 = arith.addi %add3A_580, %add3A_586 : vector<16xi32>
    tpu.vector_store_idx %arg8[%add3A_584], %add3A_587 masked %lt3A_577 : memref<512xi32, #tpu.memory_space<vmem>>[vector<16xi32>], vector<16xi32>, vector<16xi1>
    %get3A_588 = arith.constant 352 : index
    %get3A_589 = tpu.vector_load %arg6[%get3A_588] {strides = array<i32>} : memref<720xf32, #tpu.memory_space<vmem>>, vector<16xf32>,
    %get3A_590 = arith.constant 352 : index
    %get3A_591 = tpu.vector_load %arg7[%get3A_590] {strides = array<i32>} : memref<720xf32, #tpu.memory_space<vmem>>, vector<16xf32>,
    %add3A_592 = arith.addf %get3A_589, %get3A_591 : vector<16xf32>
    %lt3A_593 = arith.constant 4.950000e+02 : f32
    %lt3A_594 = vector.broadcast %lt3A_593 : f32 to vector<16xf32>
    %lt3A_595 = arith.cmpf olt, %add3A_592, %lt3A_594 : vector<16xf32>
    %add3A_596 = arith.constant 352 : i32
    %add3A_597 = vector.broadcast %add3A_596 : i32 to vector<16xi32>
    %add3A_598 = arith.addi %iota3A, %add3A_597 : vector<16xi32>
    %convert_element_type3A_599 = arith.fptosi %get3A_589 : vector<16xf32> to vector<16xi32>
    %add3A_600 = arith.constant 1 : i32
    %add3A_601 = vector.broadcast %add3A_600 : i32 to vector<16xi32>
    %add3A_602 = arith.addi %convert_element_type3A_599, %add3A_601 : vector<16xi32>
    %add3A_603 = arith.constant 1 : i32
    %add3A_604 = vector.broadcast %add3A_603 : i32 to vector<16xi32>
    %add3A_605 = arith.addi %add3A_598, %add3A_604 : vector<16xi32>
    tpu.vector_store_idx %arg8[%add3A_602], %add3A_605 masked %lt3A_595 : memref<512xi32, #tpu.memory_space<vmem>>[vector<16xi32>], vector<16xi32>, vector<16xi1>
    %get3A_606 = arith.constant 368 : index
    %get3A_607 = tpu.vector_load %arg6[%get3A_606] {strides = array<i32>} : memref<720xf32, #tpu.memory_space<vmem>>, vector<16xf32>,
    %get3A_608 = arith.constant 368 : index
    %get3A_609 = tpu.vector_load %arg7[%get3A_608] {strides = array<i32>} : memref<720xf32, #tpu.memory_space<vmem>>, vector<16xf32>,
    %add3A_610 = arith.addf %get3A_607, %get3A_609 : vector<16xf32>
    %lt3A_611 = arith.constant 4.950000e+02 : f32
    %lt3A_612 = vector.broadcast %lt3A_611 : f32 to vector<16xf32>
    %lt3A_613 = arith.cmpf olt, %add3A_610, %lt3A_612 : vector<16xf32>
    %add3A_614 = arith.constant 368 : i32
    %add3A_615 = vector.broadcast %add3A_614 : i32 to vector<16xi32>
    %add3A_616 = arith.addi %iota3A, %add3A_615 : vector<16xi32>
    %convert_element_type3A_617 = arith.fptosi %get3A_607 : vector<16xf32> to vector<16xi32>
    %add3A_618 = arith.constant 1 : i32
    %add3A_619 = vector.broadcast %add3A_618 : i32 to vector<16xi32>
    %add3A_620 = arith.addi %convert_element_type3A_617, %add3A_619 : vector<16xi32>
    %add3A_621 = arith.constant 1 : i32
    %add3A_622 = vector.broadcast %add3A_621 : i32 to vector<16xi32>
    %add3A_623 = arith.addi %add3A_616, %add3A_622 : vector<16xi32>
    tpu.vector_store_idx %arg8[%add3A_620], %add3A_623 masked %lt3A_613 : memref<512xi32, #tpu.memory_space<vmem>>[vector<16xi32>], vector<16xi32>, vector<16xi1>
    %get3A_624 = arith.constant 384 : index
    %get3A_625 = tpu.vector_load %arg6[%get3A_624] {strides = array<i32>} : memref<720xf32, #tpu.memory_space<vmem>>, vector<16xf32>,
    %get3A_626 = arith.constant 384 : index
    %get3A_627 = tpu.vector_load %arg7[%get3A_626] {strides = array<i32>} : memref<720xf32, #tpu.memory_space<vmem>>, vector<16xf32>,
    %add3A_628 = arith.addf %get3A_625, %get3A_627 : vector<16xf32>
    %lt3A_629 = arith.constant 4.950000e+02 : f32
    %lt3A_630 = vector.broadcast %lt3A_629 : f32 to vector<16xf32>
    %lt3A_631 = arith.cmpf olt, %add3A_628, %lt3A_630 : vector<16xf32>
    %add3A_632 = arith.constant 384 : i32
    %add3A_633 = vector.broadcast %add3A_632 : i32 to vector<16xi32>
    %add3A_634 = arith.addi %iota3A, %add3A_633 : vector<16xi32>
    %convert_element_type3A_635 = arith.fptosi %get3A_625 : vector<16xf32> to vector<16xi32>
    %add3A_636 = arith.constant 1 : i32
    %add3A_637 = vector.broadcast %add3A_636 : i32 to vector<16xi32>
    %add3A_638 = arith.addi %convert_element_type3A_635, %add3A_637 : vector<16xi32>
    %add3A_639 = arith.constant 1 : i32
    %add3A_640 = vector.broadcast %add3A_639 : i32 to vector<16xi32>
    %add3A_641 = arith.addi %add3A_634, %add3A_640 : vector<16xi32>
    tpu.vector_store_idx %arg8[%add3A_638], %add3A_641 masked %lt3A_631 : memref<512xi32, #tpu.memory_space<vmem>>[vector<16xi32>], vector<16xi32>, vector<16xi1>
    %get3A_642 = arith.constant 400 : index
    %get3A_643 = tpu.vector_load %arg6[%get3A_642] {strides = array<i32>} : memref<720xf32, #tpu.memory_space<vmem>>, vector<16xf32>,
    %get3A_644 = arith.constant 400 : index
    %get3A_645 = tpu.vector_load %arg7[%get3A_644] {strides = array<i32>} : memref<720xf32, #tpu.memory_space<vmem>>, vector<16xf32>,
    %add3A_646 = arith.addf %get3A_643, %get3A_645 : vector<16xf32>
    %lt3A_647 = arith.constant 4.950000e+02 : f32
    %lt3A_648 = vector.broadcast %lt3A_647 : f32 to vector<16xf32>
    %lt3A_649 = arith.cmpf olt, %add3A_646, %lt3A_648 : vector<16xf32>
    %add3A_650 = arith.constant 400 : i32
    %add3A_651 = vector.broadcast %add3A_650 : i32 to vector<16xi32>
    %add3A_652 = arith.addi %iota3A, %add3A_651 : vector<16xi32>
    %convert_element_type3A_653 = arith.fptosi %get3A_643 : vector<16xf32> to vector<16xi32>
    %add3A_654 = arith.constant 1 : i32
    %add3A_655 = vector.broadcast %add3A_654 : i32 to vector<16xi32>
    %add3A_656 = arith.addi %convert_element_type3A_653, %add3A_655 : vector<16xi32>
    %add3A_657 = arith.constant 1 : i32
    %add3A_658 = vector.broadcast %add3A_657 : i32 to vector<16xi32>
    %add3A_659 = arith.addi %add3A_652, %add3A_658 : vector<16xi32>
    tpu.vector_store_idx %arg8[%add3A_656], %add3A_659 masked %lt3A_649 : memref<512xi32, #tpu.memory_space<vmem>>[vector<16xi32>], vector<16xi32>, vector<16xi1>
    %get3A_660 = arith.constant 416 : index
    %get3A_661 = tpu.vector_load %arg6[%get3A_660] {strides = array<i32>} : memref<720xf32, #tpu.memory_space<vmem>>, vector<16xf32>,
    %get3A_662 = arith.constant 416 : index
    %get3A_663 = tpu.vector_load %arg7[%get3A_662] {strides = array<i32>} : memref<720xf32, #tpu.memory_space<vmem>>, vector<16xf32>,
    %add3A_664 = arith.addf %get3A_661, %get3A_663 : vector<16xf32>
    %lt3A_665 = arith.constant 4.950000e+02 : f32
    %lt3A_666 = vector.broadcast %lt3A_665 : f32 to vector<16xf32>
    %lt3A_667 = arith.cmpf olt, %add3A_664, %lt3A_666 : vector<16xf32>
    %add3A_668 = arith.constant 416 : i32
    %add3A_669 = vector.broadcast %add3A_668 : i32 to vector<16xi32>
    %add3A_670 = arith.addi %iota3A, %add3A_669 : vector<16xi32>
    %convert_element_type3A_671 = arith.fptosi %get3A_661 : vector<16xf32> to vector<16xi32>
    %add3A_672 = arith.constant 1 : i32
    %add3A_673 = vector.broadcast %add3A_672 : i32 to vector<16xi32>
    %add3A_674 = arith.addi %convert_element_type3A_671, %add3A_673 : vector<16xi32>
    %add3A_675 = arith.constant 1 : i32
    %add3A_676 = vector.broadcast %add3A_675 : i32 to vector<16xi32>
    %add3A_677 = arith.addi %add3A_670, %add3A_676 : vector<16xi32>
    tpu.vector_store_idx %arg8[%add3A_674], %add3A_677 masked %lt3A_667 : memref<512xi32, #tpu.memory_space<vmem>>[vector<16xi32>], vector<16xi32>, vector<16xi1>
    %get3A_678 = arith.constant 432 : index
    %get3A_679 = tpu.vector_load %arg6[%get3A_678] {strides = array<i32>} : memref<720xf32, #tpu.memory_space<vmem>>, vector<16xf32>,
    %get3A_680 = arith.constant 432 : index
    %get3A_681 = tpu.vector_load %arg7[%get3A_680] {strides = array<i32>} : memref<720xf32, #tpu.memory_space<vmem>>, vector<16xf32>,
    %add3A_682 = arith.addf %get3A_679, %get3A_681 : vector<16xf32>
    %lt3A_683 = arith.constant 4.950000e+02 : f32
    %lt3A_684 = vector.broadcast %lt3A_683 : f32 to vector<16xf32>
    %lt3A_685 = arith.cmpf olt, %add3A_682, %lt3A_684 : vector<16xf32>
    %add3A_686 = arith.constant 432 : i32
    %add3A_687 = vector.broadcast %add3A_686 : i32 to vector<16xi32>
    %add3A_688 = arith.addi %iota3A, %add3A_687 : vector<16xi32>
    %convert_element_type3A_689 = arith.fptosi %get3A_679 : vector<16xf32> to vector<16xi32>
    %add3A_690 = arith.constant 1 : i32
    %add3A_691 = vector.broadcast %add3A_690 : i32 to vector<16xi32>
    %add3A_692 = arith.addi %convert_element_type3A_689, %add3A_691 : vector<16xi32>
    %add3A_693 = arith.constant 1 : i32
    %add3A_694 = vector.broadcast %add3A_693 : i32 to vector<16xi32>
    %add3A_695 = arith.addi %add3A_688, %add3A_694 : vector<16xi32>
    tpu.vector_store_idx %arg8[%add3A_692], %add3A_695 masked %lt3A_685 : memref<512xi32, #tpu.memory_space<vmem>>[vector<16xi32>], vector<16xi32>, vector<16xi1>
    %get3A_696 = arith.constant 448 : index
    %get3A_697 = tpu.vector_load %arg6[%get3A_696] {strides = array<i32>} : memref<720xf32, #tpu.memory_space<vmem>>, vector<16xf32>,
    %get3A_698 = arith.constant 448 : index
    %get3A_699 = tpu.vector_load %arg7[%get3A_698] {strides = array<i32>} : memref<720xf32, #tpu.memory_space<vmem>>, vector<16xf32>,
    %add3A_700 = arith.addf %get3A_697, %get3A_699 : vector<16xf32>
    %lt3A_701 = arith.constant 4.950000e+02 : f32
    %lt3A_702 = vector.broadcast %lt3A_701 : f32 to vector<16xf32>
    %lt3A_703 = arith.cmpf olt, %add3A_700, %lt3A_702 : vector<16xf32>
    %add3A_704 = arith.constant 448 : i32
    %add3A_705 = vector.broadcast %add3A_704 : i32 to vector<16xi32>
    %add3A_706 = arith.addi %iota3A, %add3A_705 : vector<16xi32>
    %convert_element_type3A_707 = arith.fptosi %get3A_697 : vector<16xf32> to vector<16xi32>
    %add3A_708 = arith.constant 1 : i32
    %add3A_709 = vector.broadcast %add3A_708 : i32 to vector<16xi32>
    %add3A_710 = arith.addi %convert_element_type3A_707, %add3A_709 : vector<16xi32>
    %add3A_711 = arith.constant 1 : i32
    %add3A_712 = vector.broadcast %add3A_711 : i32 to vector<16xi32>
    %add3A_713 = arith.addi %add3A_706, %add3A_712 : vector<16xi32>
    tpu.vector_store_idx %arg8[%add3A_710], %add3A_713 masked %lt3A_703 : memref<512xi32, #tpu.memory_space<vmem>>[vector<16xi32>], vector<16xi32>, vector<16xi1>
    %get3A_714 = arith.constant 464 : index
    %get3A_715 = tpu.vector_load %arg6[%get3A_714] {strides = array<i32>} : memref<720xf32, #tpu.memory_space<vmem>>, vector<16xf32>,
    %get3A_716 = arith.constant 464 : index
    %get3A_717 = tpu.vector_load %arg7[%get3A_716] {strides = array<i32>} : memref<720xf32, #tpu.memory_space<vmem>>, vector<16xf32>,
    %add3A_718 = arith.addf %get3A_715, %get3A_717 : vector<16xf32>
    %lt3A_719 = arith.constant 4.950000e+02 : f32
    %lt3A_720 = vector.broadcast %lt3A_719 : f32 to vector<16xf32>
    %lt3A_721 = arith.cmpf olt, %add3A_718, %lt3A_720 : vector<16xf32>
    %add3A_722 = arith.constant 464 : i32
    %add3A_723 = vector.broadcast %add3A_722 : i32 to vector<16xi32>
    %add3A_724 = arith.addi %iota3A, %add3A_723 : vector<16xi32>
    %convert_element_type3A_725 = arith.fptosi %get3A_715 : vector<16xf32> to vector<16xi32>
    %add3A_726 = arith.constant 1 : i32
    %add3A_727 = vector.broadcast %add3A_726 : i32 to vector<16xi32>
    %add3A_728 = arith.addi %convert_element_type3A_725, %add3A_727 : vector<16xi32>
    %add3A_729 = arith.constant 1 : i32
    %add3A_730 = vector.broadcast %add3A_729 : i32 to vector<16xi32>
    %add3A_731 = arith.addi %add3A_724, %add3A_730 : vector<16xi32>
    tpu.vector_store_idx %arg8[%add3A_728], %add3A_731 masked %lt3A_721 : memref<512xi32, #tpu.memory_space<vmem>>[vector<16xi32>], vector<16xi32>, vector<16xi1>
    %get3A_732 = arith.constant 480 : index
    %get3A_733 = tpu.vector_load %arg6[%get3A_732] {strides = array<i32>} : memref<720xf32, #tpu.memory_space<vmem>>, vector<16xf32>,
    %get3A_734 = arith.constant 480 : index
    %get3A_735 = tpu.vector_load %arg7[%get3A_734] {strides = array<i32>} : memref<720xf32, #tpu.memory_space<vmem>>, vector<16xf32>,
    %add3A_736 = arith.addf %get3A_733, %get3A_735 : vector<16xf32>
    %lt3A_737 = arith.constant 4.950000e+02 : f32
    %lt3A_738 = vector.broadcast %lt3A_737 : f32 to vector<16xf32>
    %lt3A_739 = arith.cmpf olt, %add3A_736, %lt3A_738 : vector<16xf32>
    %add3A_740 = arith.constant 480 : i32
    %add3A_741 = vector.broadcast %add3A_740 : i32 to vector<16xi32>
    %add3A_742 = arith.addi %iota3A, %add3A_741 : vector<16xi32>
    %convert_element_type3A_743 = arith.fptosi %get3A_733 : vector<16xf32> to vector<16xi32>
    %add3A_744 = arith.constant 1 : i32
    %add3A_745 = vector.broadcast %add3A_744 : i32 to vector<16xi32>
    %add3A_746 = arith.addi %convert_element_type3A_743, %add3A_745 : vector<16xi32>
    %add3A_747 = arith.constant 1 : i32
    %add3A_748 = vector.broadcast %add3A_747 : i32 to vector<16xi32>
    %add3A_749 = arith.addi %add3A_742, %add3A_748 : vector<16xi32>
    tpu.vector_store_idx %arg8[%add3A_746], %add3A_749 masked %lt3A_739 : memref<512xi32, #tpu.memory_space<vmem>>[vector<16xi32>], vector<16xi32>, vector<16xi1>
    %get3A_750 = arith.constant 496 : index
    %get3A_751 = tpu.vector_load %arg6[%get3A_750] {strides = array<i32>} : memref<720xf32, #tpu.memory_space<vmem>>, vector<16xf32>,
    %get3A_752 = arith.constant 496 : index
    %get3A_753 = tpu.vector_load %arg7[%get3A_752] {strides = array<i32>} : memref<720xf32, #tpu.memory_space<vmem>>, vector<16xf32>,
    %add3A_754 = arith.addf %get3A_751, %get3A_753 : vector<16xf32>
    %lt3A_755 = arith.constant 4.950000e+02 : f32
    %lt3A_756 = vector.broadcast %lt3A_755 : f32 to vector<16xf32>
    %lt3A_757 = arith.cmpf olt, %add3A_754, %lt3A_756 : vector<16xf32>
    %add3A_758 = arith.constant 496 : i32
    %add3A_759 = vector.broadcast %add3A_758 : i32 to vector<16xi32>
    %add3A_760 = arith.addi %iota3A, %add3A_759 : vector<16xi32>
    %convert_element_type3A_761 = arith.fptosi %get3A_751 : vector<16xf32> to vector<16xi32>
    %add3A_762 = arith.constant 1 : i32
    %add3A_763 = vector.broadcast %add3A_762 : i32 to vector<16xi32>
    %add3A_764 = arith.addi %convert_element_type3A_761, %add3A_763 : vector<16xi32>
    %add3A_765 = arith.constant 1 : i32
    %add3A_766 = vector.broadcast %add3A_765 : i32 to vector<16xi32>
    %add3A_767 = arith.addi %add3A_760, %add3A_766 : vector<16xi32>
    tpu.vector_store_idx %arg8[%add3A_764], %add3A_767 masked %lt3A_757 : memref<512xi32, #tpu.memory_space<vmem>>[vector<16xi32>], vector<16xi32>, vector<16xi1>
    %get3A_768 = arith.constant 512 : index
    %get3A_769 = tpu.vector_load %arg6[%get3A_768] {strides = array<i32>} : memref<720xf32, #tpu.memory_space<vmem>>, vector<16xf32>,
    %get3A_770 = arith.constant 512 : index
    %get3A_771 = tpu.vector_load %arg7[%get3A_770] {strides = array<i32>} : memref<720xf32, #tpu.memory_space<vmem>>, vector<16xf32>,
    %add3A_772 = arith.addf %get3A_769, %get3A_771 : vector<16xf32>
    %lt3A_773 = arith.constant 4.950000e+02 : f32
    %lt3A_774 = vector.broadcast %lt3A_773 : f32 to vector<16xf32>
    %lt3A_775 = arith.cmpf olt, %add3A_772, %lt3A_774 : vector<16xf32>
    %add3A_776 = arith.constant 512 : i32
    %add3A_777 = vector.broadcast %add3A_776 : i32 to vector<16xi32>
    %add3A_778 = arith.addi %iota3A, %add3A_777 : vector<16xi32>
    %convert_element_type3A_779 = arith.fptosi %get3A_771 : vector<16xf32> to vector<16xi32>
    %add3A_780 = arith.constant 1 : i32
    %add3A_781 = vector.broadcast %add3A_780 : i32 to vector<16xi32>
    %add3A_782 = arith.addi %convert_element_type3A_779, %add3A_781 : vector<16xi32>
    %add3A_783 = arith.constant -511 : i32
    %add3A_784 = vector.broadcast %add3A_783 : i32 to vector<16xi32>
    %add3A_785 = arith.addi %add3A_778, %add3A_784 : vector<16xi32>
    tpu.vector_store_idx %arg9[%add3A_782], %add3A_785 masked %lt3A_775 : memref<512xi32, #tpu.memory_space<vmem>>[vector<16xi32>], vector<16xi32>, vector<16xi1>
    %get3A_786 = arith.constant 528 : index
    %get3A_787 = tpu.vector_load %arg6[%get3A_786] {strides = array<i32>} : memref<720xf32, #tpu.memory_space<vmem>>, vector<16xf32>,
    %get3A_788 = arith.constant 528 : index
    %get3A_789 = tpu.vector_load %arg7[%get3A_788] {strides = array<i32>} : memref<720xf32, #tpu.memory_space<vmem>>, vector<16xf32>,
    %add3A_790 = arith.addf %get3A_787, %get3A_789 : vector<16xf32>
    %lt3A_791 = arith.constant 4.950000e+02 : f32
    %lt3A_792 = vector.broadcast %lt3A_791 : f32 to vector<16xf32>
    %lt3A_793 = arith.cmpf olt, %add3A_790, %lt3A_792 : vector<16xf32>
    %add3A_794 = arith.constant 528 : i32
    %add3A_795 = vector.broadcast %add3A_794 : i32 to vector<16xi32>
    %add3A_796 = arith.addi %iota3A, %add3A_795 : vector<16xi32>
    %convert_element_type3A_797 = arith.fptosi %get3A_789 : vector<16xf32> to vector<16xi32>
    %add3A_798 = arith.constant 1 : i32
    %add3A_799 = vector.broadcast %add3A_798 : i32 to vector<16xi32>
    %add3A_800 = arith.addi %convert_element_type3A_797, %add3A_799 : vector<16xi32>
    %add3A_801 = arith.constant -511 : i32
    %add3A_802 = vector.broadcast %add3A_801 : i32 to vector<16xi32>
    %add3A_803 = arith.addi %add3A_796, %add3A_802 : vector<16xi32>
    tpu.vector_store_idx %arg9[%add3A_800], %add3A_803 masked %lt3A_793 : memref<512xi32, #tpu.memory_space<vmem>>[vector<16xi32>], vector<16xi32>, vector<16xi1>
    %get3A_804 = arith.constant 544 : index
    %get3A_805 = tpu.vector_load %arg6[%get3A_804] {strides = array<i32>} : memref<720xf32, #tpu.memory_space<vmem>>, vector<16xf32>,
    %get3A_806 = arith.constant 544 : index
    %get3A_807 = tpu.vector_load %arg7[%get3A_806] {strides = array<i32>} : memref<720xf32, #tpu.memory_space<vmem>>, vector<16xf32>,
    %add3A_808 = arith.addf %get3A_805, %get3A_807 : vector<16xf32>
    %lt3A_809 = arith.constant 4.950000e+02 : f32
    %lt3A_810 = vector.broadcast %lt3A_809 : f32 to vector<16xf32>
    %lt3A_811 = arith.cmpf olt, %add3A_808, %lt3A_810 : vector<16xf32>
    %add3A_812 = arith.constant 544 : i32
    %add3A_813 = vector.broadcast %add3A_812 : i32 to vector<16xi32>
    %add3A_814 = arith.addi %iota3A, %add3A_813 : vector<16xi32>
    %convert_element_type3A_815 = arith.fptosi %get3A_807 : vector<16xf32> to vector<16xi32>
    %add3A_816 = arith.constant 1 : i32
    %add3A_817 = vector.broadcast %add3A_816 : i32 to vector<16xi32>
    %add3A_818 = arith.addi %convert_element_type3A_815, %add3A_817 : vector<16xi32>
    %add3A_819 = arith.constant -511 : i32
    %add3A_820 = vector.broadcast %add3A_819 : i32 to vector<16xi32>
    %add3A_821 = arith.addi %add3A_814, %add3A_820 : vector<16xi32>
    tpu.vector_store_idx %arg9[%add3A_818], %add3A_821 masked %lt3A_811 : memref<512xi32, #tpu.memory_space<vmem>>[vector<16xi32>], vector<16xi32>, vector<16xi1>
    %get3A_822 = arith.constant 560 : index
    %get3A_823 = tpu.vector_load %arg6[%get3A_822] {strides = array<i32>} : memref<720xf32, #tpu.memory_space<vmem>>, vector<16xf32>,
    %get3A_824 = arith.constant 560 : index
    %get3A_825 = tpu.vector_load %arg7[%get3A_824] {strides = array<i32>} : memref<720xf32, #tpu.memory_space<vmem>>, vector<16xf32>,
    %add3A_826 = arith.addf %get3A_823, %get3A_825 : vector<16xf32>
    %lt3A_827 = arith.constant 4.950000e+02 : f32
    %lt3A_828 = vector.broadcast %lt3A_827 : f32 to vector<16xf32>
    %lt3A_829 = arith.cmpf olt, %add3A_826, %lt3A_828 : vector<16xf32>
    %add3A_830 = arith.constant 560 : i32
    %add3A_831 = vector.broadcast %add3A_830 : i32 to vector<16xi32>
    %add3A_832 = arith.addi %iota3A, %add3A_831 : vector<16xi32>
    %convert_element_type3A_833 = arith.fptosi %get3A_825 : vector<16xf32> to vector<16xi32>
    %add3A_834 = arith.constant 1 : i32
    %add3A_835 = vector.broadcast %add3A_834 : i32 to vector<16xi32>
    %add3A_836 = arith.addi %convert_element_type3A_833, %add3A_835 : vector<16xi32>
    %add3A_837 = arith.constant -511 : i32
    %add3A_838 = vector.broadcast %add3A_837 : i32 to vector<16xi32>
    %add3A_839 = arith.addi %add3A_832, %add3A_838 : vector<16xi32>
    tpu.vector_store_idx %arg9[%add3A_836], %add3A_839 masked %lt3A_829 : memref<512xi32, #tpu.memory_space<vmem>>[vector<16xi32>], vector<16xi32>, vector<16xi1>
    %get3A_840 = arith.constant 576 : index
    %get3A_841 = tpu.vector_load %arg6[%get3A_840] {strides = array<i32>} : memref<720xf32, #tpu.memory_space<vmem>>, vector<16xf32>,
    %get3A_842 = arith.constant 576 : index
    %get3A_843 = tpu.vector_load %arg7[%get3A_842] {strides = array<i32>} : memref<720xf32, #tpu.memory_space<vmem>>, vector<16xf32>,
    %add3A_844 = arith.addf %get3A_841, %get3A_843 : vector<16xf32>
    %lt3A_845 = arith.constant 4.950000e+02 : f32
    %lt3A_846 = vector.broadcast %lt3A_845 : f32 to vector<16xf32>
    %lt3A_847 = arith.cmpf olt, %add3A_844, %lt3A_846 : vector<16xf32>
    %add3A_848 = arith.constant 576 : i32
    %add3A_849 = vector.broadcast %add3A_848 : i32 to vector<16xi32>
    %add3A_850 = arith.addi %iota3A, %add3A_849 : vector<16xi32>
    %convert_element_type3A_851 = arith.fptosi %get3A_843 : vector<16xf32> to vector<16xi32>
    %add3A_852 = arith.constant 1 : i32
    %add3A_853 = vector.broadcast %add3A_852 : i32 to vector<16xi32>
    %add3A_854 = arith.addi %convert_element_type3A_851, %add3A_853 : vector<16xi32>
    %add3A_855 = arith.constant -511 : i32
    %add3A_856 = vector.broadcast %add3A_855 : i32 to vector<16xi32>
    %add3A_857 = arith.addi %add3A_850, %add3A_856 : vector<16xi32>
    tpu.vector_store_idx %arg9[%add3A_854], %add3A_857 masked %lt3A_847 : memref<512xi32, #tpu.memory_space<vmem>>[vector<16xi32>], vector<16xi32>, vector<16xi1>
    %get3A_858 = arith.constant 592 : index
    %get3A_859 = tpu.vector_load %arg6[%get3A_858] {strides = array<i32>} : memref<720xf32, #tpu.memory_space<vmem>>, vector<16xf32>,
    %get3A_860 = arith.constant 592 : index
    %get3A_861 = tpu.vector_load %arg7[%get3A_860] {strides = array<i32>} : memref<720xf32, #tpu.memory_space<vmem>>, vector<16xf32>,
    %add3A_862 = arith.addf %get3A_859, %get3A_861 : vector<16xf32>
    %lt3A_863 = arith.constant 4.950000e+02 : f32
    %lt3A_864 = vector.broadcast %lt3A_863 : f32 to vector<16xf32>
    %lt3A_865 = arith.cmpf olt, %add3A_862, %lt3A_864 : vector<16xf32>
    %add3A_866 = arith.constant 592 : i32
    %add3A_867 = vector.broadcast %add3A_866 : i32 to vector<16xi32>
    %add3A_868 = arith.addi %iota3A, %add3A_867 : vector<16xi32>
    %convert_element_type3A_869 = arith.fptosi %get3A_861 : vector<16xf32> to vector<16xi32>
    %add3A_870 = arith.constant 1 : i32
    %add3A_871 = vector.broadcast %add3A_870 : i32 to vector<16xi32>
    %add3A_872 = arith.addi %convert_element_type3A_869, %add3A_871 : vector<16xi32>
    %add3A_873 = arith.constant -511 : i32
    %add3A_874 = vector.broadcast %add3A_873 : i32 to vector<16xi32>
    %add3A_875 = arith.addi %add3A_868, %add3A_874 : vector<16xi32>
    tpu.vector_store_idx %arg9[%add3A_872], %add3A_875 masked %lt3A_865 : memref<512xi32, #tpu.memory_space<vmem>>[vector<16xi32>], vector<16xi32>, vector<16xi1>
    %get3A_876 = arith.constant 608 : index
    %get3A_877 = tpu.vector_load %arg6[%get3A_876] {strides = array<i32>} : memref<720xf32, #tpu.memory_space<vmem>>, vector<16xf32>,
    %get3A_878 = arith.constant 608 : index
    %get3A_879 = tpu.vector_load %arg7[%get3A_878] {strides = array<i32>} : memref<720xf32, #tpu.memory_space<vmem>>, vector<16xf32>,
    %add3A_880 = arith.addf %get3A_877, %get3A_879 : vector<16xf32>
    %lt3A_881 = arith.constant 4.950000e+02 : f32
    %lt3A_882 = vector.broadcast %lt3A_881 : f32 to vector<16xf32>
    %lt3A_883 = arith.cmpf olt, %add3A_880, %lt3A_882 : vector<16xf32>
    %add3A_884 = arith.constant 608 : i32
    %add3A_885 = vector.broadcast %add3A_884 : i32 to vector<16xi32>
    %add3A_886 = arith.addi %iota3A, %add3A_885 : vector<16xi32>
    %convert_element_type3A_887 = arith.fptosi %get3A_879 : vector<16xf32> to vector<16xi32>
    %add3A_888 = arith.constant 1 : i32
    %add3A_889 = vector.broadcast %add3A_888 : i32 to vector<16xi32>
    %add3A_890 = arith.addi %convert_element_type3A_887, %add3A_889 : vector<16xi32>
    %add3A_891 = arith.constant -511 : i32
    %add3A_892 = vector.broadcast %add3A_891 : i32 to vector<16xi32>
    %add3A_893 = arith.addi %add3A_886, %add3A_892 : vector<16xi32>
    tpu.vector_store_idx %arg9[%add3A_890], %add3A_893 masked %lt3A_883 : memref<512xi32, #tpu.memory_space<vmem>>[vector<16xi32>], vector<16xi32>, vector<16xi1>
    %get3A_894 = arith.constant 624 : index
    %get3A_895 = tpu.vector_load %arg6[%get3A_894] {strides = array<i32>} : memref<720xf32, #tpu.memory_space<vmem>>, vector<16xf32>,
    %get3A_896 = arith.constant 624 : index
    %get3A_897 = tpu.vector_load %arg7[%get3A_896] {strides = array<i32>} : memref<720xf32, #tpu.memory_space<vmem>>, vector<16xf32>,
    %add3A_898 = arith.addf %get3A_895, %get3A_897 : vector<16xf32>
    %lt3A_899 = arith.constant 4.950000e+02 : f32
    %lt3A_900 = vector.broadcast %lt3A_899 : f32 to vector<16xf32>
    %lt3A_901 = arith.cmpf olt, %add3A_898, %lt3A_900 : vector<16xf32>
    %add3A_902 = arith.constant 624 : i32
    %add3A_903 = vector.broadcast %add3A_902 : i32 to vector<16xi32>
    %add3A_904 = arith.addi %iota3A, %add3A_903 : vector<16xi32>
    %convert_element_type3A_905 = arith.fptosi %get3A_897 : vector<16xf32> to vector<16xi32>
    %add3A_906 = arith.constant 1 : i32
    %add3A_907 = vector.broadcast %add3A_906 : i32 to vector<16xi32>
    %add3A_908 = arith.addi %convert_element_type3A_905, %add3A_907 : vector<16xi32>
    %add3A_909 = arith.constant -511 : i32
    %add3A_910 = vector.broadcast %add3A_909 : i32 to vector<16xi32>
    %add3A_911 = arith.addi %add3A_904, %add3A_910 : vector<16xi32>
    tpu.vector_store_idx %arg9[%add3A_908], %add3A_911 masked %lt3A_901 : memref<512xi32, #tpu.memory_space<vmem>>[vector<16xi32>], vector<16xi32>, vector<16xi1>
    %get3A_912 = arith.constant 640 : index
    %get3A_913 = tpu.vector_load %arg6[%get3A_912] {strides = array<i32>} : memref<720xf32, #tpu.memory_space<vmem>>, vector<16xf32>,
    %get3A_914 = arith.constant 640 : index
    %get3A_915 = tpu.vector_load %arg7[%get3A_914] {strides = array<i32>} : memref<720xf32, #tpu.memory_space<vmem>>, vector<16xf32>,
    %add3A_916 = arith.addf %get3A_913, %get3A_915 : vector<16xf32>
    %lt3A_917 = arith.constant 4.950000e+02 : f32
    %lt3A_918 = vector.broadcast %lt3A_917 : f32 to vector<16xf32>
    %lt3A_919 = arith.cmpf olt, %add3A_916, %lt3A_918 : vector<16xf32>
    %add3A_920 = arith.constant 640 : i32
    %add3A_921 = vector.broadcast %add3A_920 : i32 to vector<16xi32>
    %add3A_922 = arith.addi %iota3A, %add3A_921 : vector<16xi32>
    %convert_element_type3A_923 = arith.fptosi %get3A_915 : vector<16xf32> to vector<16xi32>
    %add3A_924 = arith.constant 1 : i32
    %add3A_925 = vector.broadcast %add3A_924 : i32 to vector<16xi32>
    %add3A_926 = arith.addi %convert_element_type3A_923, %add3A_925 : vector<16xi32>
    %add3A_927 = arith.constant -511 : i32
    %add3A_928 = vector.broadcast %add3A_927 : i32 to vector<16xi32>
    %add3A_929 = arith.addi %add3A_922, %add3A_928 : vector<16xi32>
    tpu.vector_store_idx %arg9[%add3A_926], %add3A_929 masked %lt3A_919 : memref<512xi32, #tpu.memory_space<vmem>>[vector<16xi32>], vector<16xi32>, vector<16xi1>
    %get3A_930 = arith.constant 656 : index
    %get3A_931 = tpu.vector_load %arg6[%get3A_930] {strides = array<i32>} : memref<720xf32, #tpu.memory_space<vmem>>, vector<16xf32>,
    %get3A_932 = arith.constant 656 : index
    %get3A_933 = tpu.vector_load %arg7[%get3A_932] {strides = array<i32>} : memref<720xf32, #tpu.memory_space<vmem>>, vector<16xf32>,
    %add3A_934 = arith.addf %get3A_931, %get3A_933 : vector<16xf32>
    %lt3A_935 = arith.constant 4.950000e+02 : f32
    %lt3A_936 = vector.broadcast %lt3A_935 : f32 to vector<16xf32>
    %lt3A_937 = arith.cmpf olt, %add3A_934, %lt3A_936 : vector<16xf32>
    %add3A_938 = arith.constant 656 : i32
    %add3A_939 = vector.broadcast %add3A_938 : i32 to vector<16xi32>
    %add3A_940 = arith.addi %iota3A, %add3A_939 : vector<16xi32>
    %convert_element_type3A_941 = arith.fptosi %get3A_933 : vector<16xf32> to vector<16xi32>
    %add3A_942 = arith.constant 1 : i32
    %add3A_943 = vector.broadcast %add3A_942 : i32 to vector<16xi32>
    %add3A_944 = arith.addi %convert_element_type3A_941, %add3A_943 : vector<16xi32>
    %add3A_945 = arith.constant -511 : i32
    %add3A_946 = vector.broadcast %add3A_945 : i32 to vector<16xi32>
    %add3A_947 = arith.addi %add3A_940, %add3A_946 : vector<16xi32>
    tpu.vector_store_idx %arg9[%add3A_944], %add3A_947 masked %lt3A_937 : memref<512xi32, #tpu.memory_space<vmem>>[vector<16xi32>], vector<16xi32>, vector<16xi1>
    %get3A_948 = arith.constant 672 : index
    %get3A_949 = tpu.vector_load %arg6[%get3A_948] {strides = array<i32>} : memref<720xf32, #tpu.memory_space<vmem>>, vector<16xf32>,
    %get3A_950 = arith.constant 672 : index
    %get3A_951 = tpu.vector_load %arg7[%get3A_950] {strides = array<i32>} : memref<720xf32, #tpu.memory_space<vmem>>, vector<16xf32>,
    %add3A_952 = arith.addf %get3A_949, %get3A_951 : vector<16xf32>
    %lt3A_953 = arith.constant 4.950000e+02 : f32
    %lt3A_954 = vector.broadcast %lt3A_953 : f32 to vector<16xf32>
    %lt3A_955 = arith.cmpf olt, %add3A_952, %lt3A_954 : vector<16xf32>
    %add3A_956 = arith.constant 672 : i32
    %add3A_957 = vector.broadcast %add3A_956 : i32 to vector<16xi32>
    %add3A_958 = arith.addi %iota3A, %add3A_957 : vector<16xi32>
    %convert_element_type3A_959 = arith.fptosi %get3A_951 : vector<16xf32> to vector<16xi32>
    %add3A_960 = arith.constant 1 : i32
    %add3A_961 = vector.broadcast %add3A_960 : i32 to vector<16xi32>
    %add3A_962 = arith.addi %convert_element_type3A_959, %add3A_961 : vector<16xi32>
    %add3A_963 = arith.constant -511 : i32
    %add3A_964 = vector.broadcast %add3A_963 : i32 to vector<16xi32>
    %add3A_965 = arith.addi %add3A_958, %add3A_964 : vector<16xi32>
    tpu.vector_store_idx %arg9[%add3A_962], %add3A_965 masked %lt3A_955 : memref<512xi32, #tpu.memory_space<vmem>>[vector<16xi32>], vector<16xi32>, vector<16xi1>
    %get3A_966 = arith.constant 688 : index
    %get3A_967 = tpu.vector_load %arg6[%get3A_966] {strides = array<i32>} : memref<720xf32, #tpu.memory_space<vmem>>, vector<16xf32>,
    %get3A_968 = arith.constant 688 : index
    %get3A_969 = tpu.vector_load %arg7[%get3A_968] {strides = array<i32>} : memref<720xf32, #tpu.memory_space<vmem>>, vector<16xf32>,
    %add3A_970 = arith.addf %get3A_967, %get3A_969 : vector<16xf32>
    %lt3A_971 = arith.constant 4.950000e+02 : f32
    %lt3A_972 = vector.broadcast %lt3A_971 : f32 to vector<16xf32>
    %lt3A_973 = arith.cmpf olt, %add3A_970, %lt3A_972 : vector<16xf32>
    %add3A_974 = arith.constant 688 : i32
    %add3A_975 = vector.broadcast %add3A_974 : i32 to vector<16xi32>
    %add3A_976 = arith.addi %iota3A, %add3A_975 : vector<16xi32>
    %convert_element_type3A_977 = arith.fptosi %get3A_969 : vector<16xf32> to vector<16xi32>
    %add3A_978 = arith.constant 1 : i32
    %add3A_979 = vector.broadcast %add3A_978 : i32 to vector<16xi32>
    %add3A_980 = arith.addi %convert_element_type3A_977, %add3A_979 : vector<16xi32>
    %add3A_981 = arith.constant -511 : i32
    %add3A_982 = vector.broadcast %add3A_981 : i32 to vector<16xi32>
    %add3A_983 = arith.addi %add3A_976, %add3A_982 : vector<16xi32>
    tpu.vector_store_idx %arg9[%add3A_980], %add3A_983 masked %lt3A_973 : memref<512xi32, #tpu.memory_space<vmem>>[vector<16xi32>], vector<16xi32>, vector<16xi1>
    %get3A_984 = arith.constant 704 : index
    %get3A_985 = tpu.vector_load %arg6[%get3A_984] {strides = array<i32>} : memref<720xf32, #tpu.memory_space<vmem>>, vector<16xf32>,
    %get3A_986 = arith.constant 704 : index
    %get3A_987 = tpu.vector_load %arg7[%get3A_986] {strides = array<i32>} : memref<720xf32, #tpu.memory_space<vmem>>, vector<16xf32>,
    %add3A_988 = arith.addf %get3A_985, %get3A_987 : vector<16xf32>
    %lt3A_989 = arith.constant 4.950000e+02 : f32
    %lt3A_990 = vector.broadcast %lt3A_989 : f32 to vector<16xf32>
    %lt3A_991 = arith.cmpf olt, %add3A_988, %lt3A_990 : vector<16xf32>
    %add3A_992 = arith.constant 704 : i32
    %add3A_993 = vector.broadcast %add3A_992 : i32 to vector<16xi32>
    %add3A_994 = arith.addi %iota3A, %add3A_993 : vector<16xi32>
    %convert_element_type3A_995 = arith.fptosi %get3A_987 : vector<16xf32> to vector<16xi32>
    %add3A_996 = arith.constant 1 : i32
    %add3A_997 = vector.broadcast %add3A_996 : i32 to vector<16xi32>
    %add3A_998 = arith.addi %convert_element_type3A_995, %add3A_997 : vector<16xi32>
    %add3A_999 = arith.constant -511 : i32
    %add3A_1000 = vector.broadcast %add3A_999 : i32 to vector<16xi32>
    %add3A_1001 = arith.addi %add3A_994, %add3A_1000 : vector<16xi32>
    tpu.vector_store_idx %arg9[%add3A_998], %add3A_1001 masked %lt3A_991 : memref<512xi32, #tpu.memory_space<vmem>>[vector<16xi32>], vector<16xi32>, vector<16xi1>
    %mul3A_1002 = arith.constant 992 : i32
    %mul3A_1003 = arith.muli %add3A, %mul3A_1002 : i32
    %add3A_1004 = arith.constant 0 : i32
    %add3A_1005 = arith.addi %mul3A_1003, %add3A_1004 : i32
    %add3A_1006 = arith.constant 0 : i32
    %add3A_1007 = arith.addi %add3A_1005, %add3A_1006 : i32
    %add3A_1008 = arith.constant 80 : i32
    %add3A_1009 = arith.addi %add3A_1005, %add3A_1008 : i32
    %add3A_1010 = arith.constant 160 : i32
    %add3A_1011 = arith.addi %add3A_1005, %add3A_1010 : i32
    %add3A_1012 = arith.constant 240 : i32
    %add3A_1013 = arith.addi %add3A_1005, %add3A_1012 : i32
    %add3A_1014 = arith.constant 320 : i32
    %add3A_1015 = arith.addi %add3A_1005, %add3A_1014 : i32
    %add3A_1016 = arith.constant 400 : i32
    %add3A_1017 = arith.addi %add3A_1005, %add3A_1016 : i32
    %add3A_1018 = arith.constant 480 : i32
    %add3A_1019 = arith.addi %add3A_1005, %add3A_1018 : i32
    %mul3A_1020 = arith.constant 992 : i32
    %mul3A_1021 = arith.muli %add3A, %mul3A_1020 : i32
    %add3A_1022 = arith.constant 496 : i32
    %add3A_1023 = arith.addi %mul3A_1021, %add3A_1022 : i32
    %add3A_1024 = arith.constant 0 : i32
    %add3A_1025 = arith.addi %add3A_1023, %add3A_1024 : i32
    %add3A_1026 = arith.constant 80 : i32
    %add3A_1027 = arith.addi %add3A_1023, %add3A_1026 : i32
    %add3A_1028 = arith.constant 160 : i32
    %add3A_1029 = arith.addi %add3A_1023, %add3A_1028 : i32
    %add3A_1030 = arith.constant 240 : i32
    %add3A_1031 = arith.addi %add3A_1023, %add3A_1030 : i32
    %add3A_1032 = arith.constant 320 : i32
    %add3A_1033 = arith.addi %add3A_1023, %add3A_1032 : i32
    %add3A_1034 = arith.constant 400 : i32
    %add3A_1035 = arith.addi %add3A_1023, %add3A_1034 : i32
    %add3A_1036 = arith.constant 480 : i32
    %add3A_1037 = arith.addi %add3A_1023, %add3A_1036 : i32
    %dma_start3A = arith.constant 0 : i32
    %dma_start3A_1038 = arith.constant 0 : i32
    %dma_start3A_1039 = tpu.memref_slice %arg10[%dma_start3A, %dma_start3A_1038] : memref<80x768xf32, #tpu.memory_space<vmem>> -> memref<80x768xf32, #tpu.memory_space<vmem>>
    %dma_start3A_1040 = arith.constant 0 : i32
    %dma_start3A_1041 = tpu.memref_slice %arg8[%dma_start3A_1040] : memref<512xi32, #tpu.memory_space<vmem>> -> memref<80xi32, #tpu.memory_space<vmem>>
    %dma_start3A_1042 = arith.constant 0 : i32
    %dma_start3A_1043 = arith.constant 0 : i32
    %dma_start3A_1044 = tpu.memref_slice %arg2[%add3A, %dma_start3A_1042, %dma_start3A_1043] : memref<32x513x768xf32, #tpu.memory_space<hbm>> -> memref<1x513x768xf32, #tpu.memory_space<hbm>>
    %dma_start3A_1045 = tpu.memref_squeeze %dma_start3A_1044 : memref<1x513x768xf32, #tpu.memory_space<hbm>> -> memref<513x768xf32, #tpu.memory_space<hbm>>
    %dma_start3A_1046 = arith.constant 0 : i32
    %dma_start3A_1047 = arith.constant 0 : i32
    %dma_start3A_1048 = tpu.memref_slice %dma_start3A_1045[%dma_start3A_1046, %dma_start3A_1047] : memref<513x768xf32, #tpu.memory_space<hbm>> -> memref<513x768xf32, #tpu.memory_space<hbm>>
    tpu.enqueue_indirect_dma source(%dma_start3A_1048 : memref<513x768xf32, #tpu.memory_space<hbm>>) target(%dma_start3A_1039 : memref<80x768xf32, #tpu.memory_space<vmem>>) offsets(%dma_start3A_1041 : memref<80xi32, #tpu.memory_space<vmem>>) semaphore(%arg12 : memref<!tpu.dma_semaphore, #tpu.memory_space<semaphore_mem>>)
    %dma_wait3A = arith.constant 0 : i32
    %dma_wait3A_1049 = arith.constant 0 : i32
    %dma_wait3A_1050 = tpu.memref_slice %arg10[%dma_wait3A, %dma_wait3A_1049] : memref<80x768xf32, #tpu.memory_space<vmem>> -> memref<80x768xf32, #tpu.memory_space<vmem>>
    %dma_wait3A_1051 = arith.constant 0 : i32
    %dma_wait3A_1052 = tpu.memref_slice %arg8[%dma_wait3A_1051] : memref<512xi32, #tpu.memory_space<vmem>> -> memref<80xi32, #tpu.memory_space<vmem>>
    %dma_wait3A_1053 = arith.constant 0 : i32
    %dma_wait3A_1054 = arith.constant 0 : i32
    %dma_wait3A_1055 = tpu.memref_slice %arg2[%add3A, %dma_wait3A_1053, %dma_wait3A_1054] : memref<32x513x768xf32, #tpu.memory_space<hbm>> -> memref<1x513x768xf32, #tpu.memory_space<hbm>>
    %dma_wait3A_1056 = tpu.memref_squeeze %dma_wait3A_1055 : memref<1x513x768xf32, #tpu.memory_space<hbm>> -> memref<513x768xf32, #tpu.memory_space<hbm>>
    %dma_wait3A_1057 = arith.constant 0 : i32
    %dma_wait3A_1058 = arith.constant 0 : i32
    %dma_wait3A_1059 = tpu.memref_slice %dma_wait3A_1056[%dma_wait3A_1057, %dma_wait3A_1058] : memref<513x768xf32, #tpu.memory_space<hbm>> -> memref<513x768xf32, #tpu.memory_space<hbm>>
    tpu.wait_indirect_dma semaphore(%arg12 : memref<!tpu.dma_semaphore, #tpu.memory_space<semaphore_mem>>) src(%dma_wait3A_1059 : memref<513x768xf32, #tpu.memory_space<hbm>>) dst(%dma_wait3A_1050 : memref<80x768xf32, #tpu.memory_space<vmem>>)
    %dma_start3A_1060 = arith.constant 0 : i32
    %dma_start3A_1061 = arith.constant 0 : i32
    %dma_start3A_1062 = tpu.memref_slice %arg10[%dma_start3A_1060, %dma_start3A_1061] : memref<80x768xf32, #tpu.memory_space<vmem>> -> memref<80x768xf32, #tpu.memory_space<vmem>>
    %dma_start3A_1063 = arith.constant 0 : i32
    %dma_start3A_1064 = tpu.memref_slice %arg5[%add3A_1007, %dma_start3A_1063] : memref<31744x768xf32, #tpu.memory_space<hbm>> -> memref<80x768xf32, #tpu.memory_space<hbm>>
    %dma_start3A_1065 = arith.constant 0 : i32
    %dma_start3A_1066 = tpu.memref_slice %arg5[%add3A_1007, %dma_start3A_1065] : memref<31744x768xf32, #tpu.memory_space<hbm>> -> memref<80x768xf32, #tpu.memory_space<hbm>>
    %dma_start3A_1067 = arith.constant 0 : i32
    %dma_start3A_1068 = arith.constant 0 : i32
    %dma_start3A_1069 = tpu.memref_slice %arg10[%dma_start3A_1067, %dma_start3A_1068] : memref<80x768xf32, #tpu.memory_space<vmem>> -> memref<80x768xf32, #tpu.memory_space<vmem>>
    tpu.enqueue_dma source(%dma_start3A_1069 : memref<80x768xf32, #tpu.memory_space<vmem>>) target(%dma_start3A_1066 : memref<80x768xf32, #tpu.memory_space<hbm>>) target_semaphore(%arg14 : memref<!tpu.dma_semaphore, #tpu.memory_space<semaphore_mem>>)
    %dma_start3A_1070 = arith.constant 0 : i32
    %dma_start3A_1071 = arith.constant 0 : i32
    %dma_start3A_1072 = tpu.memref_slice %arg11[%dma_start3A_1070, %dma_start3A_1071] : memref<80x768xf32, #tpu.memory_space<vmem>> -> memref<80x768xf32, #tpu.memory_space<vmem>>
    %dma_start3A_1073 = arith.constant 80 : i32
    %dma_start3A_1074 = tpu.memref_slice %arg8[%dma_start3A_1073] : memref<512xi32, #tpu.memory_space<vmem>> -> memref<80xi32, #tpu.memory_space<vmem>>
    %dma_start3A_1075 = arith.constant 0 : i32
    %dma_start3A_1076 = arith.constant 0 : i32
    %dma_start3A_1077 = tpu.memref_slice %arg2[%add3A, %dma_start3A_1075, %dma_start3A_1076] : memref<32x513x768xf32, #tpu.memory_space<hbm>> -> memref<1x513x768xf32, #tpu.memory_space<hbm>>
    %dma_start3A_1078 = tpu.memref_squeeze %dma_start3A_1077 : memref<1x513x768xf32, #tpu.memory_space<hbm>> -> memref<513x768xf32, #tpu.memory_space<hbm>>
    %dma_start3A_1079 = arith.constant 0 : i32
    %dma_start3A_1080 = arith.constant 0 : i32
    %dma_start3A_1081 = tpu.memref_slice %dma_start3A_1078[%dma_start3A_1079, %dma_start3A_1080] : memref<513x768xf32, #tpu.memory_space<hbm>> -> memref<513x768xf32, #tpu.memory_space<hbm>>
    tpu.enqueue_indirect_dma source(%dma_start3A_1081 : memref<513x768xf32, #tpu.memory_space<hbm>>) target(%dma_start3A_1072 : memref<80x768xf32, #tpu.memory_space<vmem>>) offsets(%dma_start3A_1074 : memref<80xi32, #tpu.memory_space<vmem>>) semaphore(%arg13 : memref<!tpu.dma_semaphore, #tpu.memory_space<semaphore_mem>>)
    %dma_wait3A_1082 = arith.constant 0 : i32
    %dma_wait3A_1083 = arith.constant 0 : i32
    %dma_wait3A_1084 = tpu.memref_slice %arg11[%dma_wait3A_1082, %dma_wait3A_1083] : memref<80x768xf32, #tpu.memory_space<vmem>> -> memref<80x768xf32, #tpu.memory_space<vmem>>
    %dma_wait3A_1085 = arith.constant 80 : i32
    %dma_wait3A_1086 = tpu.memref_slice %arg8[%dma_wait3A_1085] : memref<512xi32, #tpu.memory_space<vmem>> -> memref<80xi32, #tpu.memory_space<vmem>>
    %dma_wait3A_1087 = arith.constant 0 : i32
    %dma_wait3A_1088 = arith.constant 0 : i32
    %dma_wait3A_1089 = tpu.memref_slice %arg2[%add3A, %dma_wait3A_1087, %dma_wait3A_1088] : memref<32x513x768xf32, #tpu.memory_space<hbm>> -> memref<1x513x768xf32, #tpu.memory_space<hbm>>
    %dma_wait3A_1090 = tpu.memref_squeeze %dma_wait3A_1089 : memref<1x513x768xf32, #tpu.memory_space<hbm>> -> memref<513x768xf32, #tpu.memory_space<hbm>>
    %dma_wait3A_1091 = arith.constant 0 : i32
    %dma_wait3A_1092 = arith.constant 0 : i32
    %dma_wait3A_1093 = tpu.memref_slice %dma_wait3A_1090[%dma_wait3A_1091, %dma_wait3A_1092] : memref<513x768xf32, #tpu.memory_space<hbm>> -> memref<513x768xf32, #tpu.memory_space<hbm>>
    tpu.wait_indirect_dma semaphore(%arg13 : memref<!tpu.dma_semaphore, #tpu.memory_space<semaphore_mem>>) src(%dma_wait3A_1093 : memref<513x768xf32, #tpu.memory_space<hbm>>) dst(%dma_wait3A_1084 : memref<80x768xf32, #tpu.memory_space<vmem>>)
    %dma_start3A_1094 = arith.constant 0 : i32
    %dma_start3A_1095 = arith.constant 0 : i32
    %dma_start3A_1096 = tpu.memref_slice %arg11[%dma_start3A_1094, %dma_start3A_1095] : memref<80x768xf32, #tpu.memory_space<vmem>> -> memref<80x768xf32, #tpu.memory_space<vmem>>
    %dma_start3A_1097 = arith.constant 0 : i32
    %dma_start3A_1098 = tpu.memref_slice %arg5[%add3A_1009, %dma_start3A_1097] : memref<31744x768xf32, #tpu.memory_space<hbm>> -> memref<80x768xf32, #tpu.memory_space<hbm>>
    %dma_start3A_1099 = arith.constant 0 : i32
    %dma_start3A_1100 = tpu.memref_slice %arg5[%add3A_1009, %dma_start3A_1099] : memref<31744x768xf32, #tpu.memory_space<hbm>> -> memref<80x768xf32, #tpu.memory_space<hbm>>
    %dma_start3A_1101 = arith.constant 0 : i32
    %dma_start3A_1102 = arith.constant 0 : i32
    %dma_start3A_1103 = tpu.memref_slice %arg11[%dma_start3A_1101, %dma_start3A_1102] : memref<80x768xf32, #tpu.memory_space<vmem>> -> memref<80x768xf32, #tpu.memory_space<vmem>>
    tpu.enqueue_dma source(%dma_start3A_1103 : memref<80x768xf32, #tpu.memory_space<vmem>>) target(%dma_start3A_1100 : memref<80x768xf32, #tpu.memory_space<hbm>>) target_semaphore(%arg15 : memref<!tpu.dma_semaphore, #tpu.memory_space<semaphore_mem>>)
    %dma_wait3A_1104 = arith.constant 0 : i32
    %dma_wait3A_1105 = arith.constant 0 : i32
    %dma_wait3A_1106 = tpu.memref_slice %arg10[%dma_wait3A_1104, %dma_wait3A_1105] : memref<80x768xf32, #tpu.memory_space<vmem>> -> memref<80x768xf32, #tpu.memory_space<vmem>>
    %dma_wait3A_1107 = arith.constant 0 : i32
    %dma_wait3A_1108 = tpu.memref_slice %arg5[%add3A_1007, %dma_wait3A_1107] : memref<31744x768xf32, #tpu.memory_space<hbm>> -> memref<80x768xf32, #tpu.memory_space<hbm>>
    %dma_wait3A_1109 = arith.constant 0 : i32
    %dma_wait3A_1110 = tpu.memref_slice %arg5[%add3A_1007, %dma_wait3A_1109] : memref<31744x768xf32, #tpu.memory_space<hbm>> -> memref<80x768xf32, #tpu.memory_space<hbm>>
    %dma_wait3A_1111 = arith.constant 0 : i32
    %dma_wait3A_1112 = arith.constant 0 : i32
    %dma_wait3A_1113 = tpu.memref_slice %arg10[%dma_wait3A_1111, %dma_wait3A_1112] : memref<80x768xf32, #tpu.memory_space<vmem>> -> memref<80x768xf32, #tpu.memory_space<vmem>>
    tpu.wait_dma2 semaphore(%arg14 : memref<!tpu.dma_semaphore, #tpu.memory_space<semaphore_mem>>) src(%dma_wait3A_1113 : memref<80x768xf32, #tpu.memory_space<vmem>>) dst(%dma_wait3A_1110 : memref<80x768xf32, #tpu.memory_space<hbm>>)
    %dma_start3A_1114 = arith.constant 0 : i32
    %dma_start3A_1115 = arith.constant 0 : i32
    %dma_start3A_1116 = tpu.memref_slice %arg10[%dma_start3A_1114, %dma_start3A_1115] : memref<80x768xf32, #tpu.memory_space<vmem>> -> memref<80x768xf32, #tpu.memory_space<vmem>>
    %dma_start3A_1117 = arith.constant 160 : i32
    %dma_start3A_1118 = tpu.memref_slice %arg8[%dma_start3A_1117] : memref<512xi32, #tpu.memory_space<vmem>> -> memref<80xi32, #tpu.memory_space<vmem>>
    %dma_start3A_1119 = arith.constant 0 : i32
    %dma_start3A_1120 = arith.constant 0 : i32
    %dma_start3A_1121 = tpu.memref_slice %arg2[%add3A, %dma_start3A_1119, %dma_start3A_1120] : memref<32x513x768xf32, #tpu.memory_space<hbm>> -> memref<1x513x768xf32, #tpu.memory_space<hbm>>
    %dma_start3A_1122 = tpu.memref_squeeze %dma_start3A_1121 : memref<1x513x768xf32, #tpu.memory_space<hbm>> -> memref<513x768xf32, #tpu.memory_space<hbm>>
    %dma_start3A_1123 = arith.constant 0 : i32
    %dma_start3A_1124 = arith.constant 0 : i32
    %dma_start3A_1125 = tpu.memref_slice %dma_start3A_1122[%dma_start3A_1123, %dma_start3A_1124] : memref<513x768xf32, #tpu.memory_space<hbm>> -> memref<513x768xf32, #tpu.memory_space<hbm>>
    tpu.enqueue_indirect_dma source(%dma_start3A_1125 : memref<513x768xf32, #tpu.memory_space<hbm>>) target(%dma_start3A_1116 : memref<80x768xf32, #tpu.memory_space<vmem>>) offsets(%dma_start3A_1118 : memref<80xi32, #tpu.memory_space<vmem>>) semaphore(%arg12 : memref<!tpu.dma_semaphore, #tpu.memory_space<semaphore_mem>>)
    %dma_wait3A_1126 = arith.constant 0 : i32
    %dma_wait3A_1127 = arith.constant 0 : i32
    %dma_wait3A_1128 = tpu.memref_slice %arg10[%dma_wait3A_1126, %dma_wait3A_1127] : memref<80x768xf32, #tpu.memory_space<vmem>> -> memref<80x768xf32, #tpu.memory_space<vmem>>
    %dma_wait3A_1129 = arith.constant 160 : i32
    %dma_wait3A_1130 = tpu.memref_slice %arg8[%dma_wait3A_1129] : memref<512xi32, #tpu.memory_space<vmem>> -> memref<80xi32, #tpu.memory_space<vmem>>
    %dma_wait3A_1131 = arith.constant 0 : i32
    %dma_wait3A_1132 = arith.constant 0 : i32
    %dma_wait3A_1133 = tpu.memref_slice %arg2[%add3A, %dma_wait3A_1131, %dma_wait3A_1132] : memref<32x513x768xf32, #tpu.memory_space<hbm>> -> memref<1x513x768xf32, #tpu.memory_space<hbm>>
    %dma_wait3A_1134 = tpu.memref_squeeze %dma_wait3A_1133 : memref<1x513x768xf32, #tpu.memory_space<hbm>> -> memref<513x768xf32, #tpu.memory_space<hbm>>
    %dma_wait3A_1135 = arith.constant 0 : i32
    %dma_wait3A_1136 = arith.constant 0 : i32
    %dma_wait3A_1137 = tpu.memref_slice %dma_wait3A_1134[%dma_wait3A_1135, %dma_wait3A_1136] : memref<513x768xf32, #tpu.memory_space<hbm>> -> memref<513x768xf32, #tpu.memory_space<hbm>>
    tpu.wait_indirect_dma semaphore(%arg12 : memref<!tpu.dma_semaphore, #tpu.memory_space<semaphore_mem>>) src(%dma_wait3A_1137 : memref<513x768xf32, #tpu.memory_space<hbm>>) dst(%dma_wait3A_1128 : memref<80x768xf32, #tpu.memory_space<vmem>>)
    %dma_start3A_1138 = arith.constant 0 : i32
    %dma_start3A_1139 = arith.constant 0 : i32
    %dma_start3A_1140 = tpu.memref_slice %arg10[%dma_start3A_1138, %dma_start3A_1139] : memref<80x768xf32, #tpu.memory_space<vmem>> -> memref<80x768xf32, #tpu.memory_space<vmem>>
    %dma_start3A_1141 = arith.constant 0 : i32
    %dma_start3A_1142 = tpu.memref_slice %arg5[%add3A_1011, %dma_start3A_1141] : memref<31744x768xf32, #tpu.memory_space<hbm>> -> memref<80x768xf32, #tpu.memory_space<hbm>>
    %dma_start3A_1143 = arith.constant 0 : i32
    %dma_start3A_1144 = tpu.memref_slice %arg5[%add3A_1011, %dma_start3A_1143] : memref<31744x768xf32, #tpu.memory_space<hbm>> -> memref<80x768xf32, #tpu.memory_space<hbm>>
    %dma_start3A_1145 = arith.constant 0 : i32
    %dma_start3A_1146 = arith.constant 0 : i32
    %dma_start3A_1147 = tpu.memref_slice %arg10[%dma_start3A_1145, %dma_start3A_1146] : memref<80x768xf32, #tpu.memory_space<vmem>> -> memref<80x768xf32, #tpu.memory_space<vmem>>
    tpu.enqueue_dma source(%dma_start3A_1147 : memref<80x768xf32, #tpu.memory_space<vmem>>) target(%dma_start3A_1144 : memref<80x768xf32, #tpu.memory_space<hbm>>) target_semaphore(%arg14 : memref<!tpu.dma_semaphore, #tpu.memory_space<semaphore_mem>>)
    %dma_wait3A_1148 = arith.constant 0 : i32
    %dma_wait3A_1149 = arith.constant 0 : i32
    %dma_wait3A_1150 = tpu.memref_slice %arg11[%dma_wait3A_1148, %dma_wait3A_1149] : memref<80x768xf32, #tpu.memory_space<vmem>> -> memref<80x768xf32, #tpu.memory_space<vmem>>
    %dma_wait3A_1151 = arith.constant 0 : i32
    %dma_wait3A_1152 = tpu.memref_slice %arg5[%add3A_1009, %dma_wait3A_1151] : memref<31744x768xf32, #tpu.memory_space<hbm>> -> memref<80x768xf32, #tpu.memory_space<hbm>>
    %dma_wait3A_1153 = arith.constant 0 : i32
    %dma_wait3A_1154 = tpu.memref_slice %arg5[%add3A_1009, %dma_wait3A_1153] : memref<31744x768xf32, #tpu.memory_space<hbm>> -> memref<80x768xf32, #tpu.memory_space<hbm>>
    %dma_wait3A_1155 = arith.constant 0 : i32
    %dma_wait3A_1156 = arith.constant 0 : i32
    %dma_wait3A_1157 = tpu.memref_slice %arg11[%dma_wait3A_1155, %dma_wait3A_1156] : memref<80x768xf32, #tpu.memory_space<vmem>> -> memref<80x768xf32, #tpu.memory_space<vmem>>
    tpu.wait_dma2 semaphore(%arg15 : memref<!tpu.dma_semaphore, #tpu.memory_space<semaphore_mem>>) src(%dma_wait3A_1157 : memref<80x768xf32, #tpu.memory_space<vmem>>) dst(%dma_wait3A_1154 : memref<80x768xf32, #tpu.memory_space<hbm>>)
    %dma_start3A_1158 = arith.constant 0 : i32
    %dma_start3A_1159 = arith.constant 0 : i32
    %dma_start3A_1160 = tpu.memref_slice %arg11[%dma_start3A_1158, %dma_start3A_1159] : memref<80x768xf32, #tpu.memory_space<vmem>> -> memref<80x768xf32, #tpu.memory_space<vmem>>
    %dma_start3A_1161 = arith.constant 240 : i32
    %dma_start3A_1162 = tpu.memref_slice %arg8[%dma_start3A_1161] : memref<512xi32, #tpu.memory_space<vmem>> -> memref<80xi32, #tpu.memory_space<vmem>>
    %dma_start3A_1163 = arith.constant 0 : i32
    %dma_start3A_1164 = arith.constant 0 : i32
    %dma_start3A_1165 = tpu.memref_slice %arg2[%add3A, %dma_start3A_1163, %dma_start3A_1164] : memref<32x513x768xf32, #tpu.memory_space<hbm>> -> memref<1x513x768xf32, #tpu.memory_space<hbm>>
    %dma_start3A_1166 = tpu.memref_squeeze %dma_start3A_1165 : memref<1x513x768xf32, #tpu.memory_space<hbm>> -> memref<513x768xf32, #tpu.memory_space<hbm>>
    %dma_start3A_1167 = arith.constant 0 : i32
    %dma_start3A_1168 = arith.constant 0 : i32
    %dma_start3A_1169 = tpu.memref_slice %dma_start3A_1166[%dma_start3A_1167, %dma_start3A_1168] : memref<513x768xf32, #tpu.memory_space<hbm>> -> memref<513x768xf32, #tpu.memory_space<hbm>>
    tpu.enqueue_indirect_dma source(%dma_start3A_1169 : memref<513x768xf32, #tpu.memory_space<hbm>>) target(%dma_start3A_1160 : memref<80x768xf32, #tpu.memory_space<vmem>>) offsets(%dma_start3A_1162 : memref<80xi32, #tpu.memory_space<vmem>>) semaphore(%arg13 : memref<!tpu.dma_semaphore, #tpu.memory_space<semaphore_mem>>)
    %dma_wait3A_1170 = arith.constant 0 : i32
    %dma_wait3A_1171 = arith.constant 0 : i32
    %dma_wait3A_1172 = tpu.memref_slice %arg11[%dma_wait3A_1170, %dma_wait3A_1171] : memref<80x768xf32, #tpu.memory_space<vmem>> -> memref<80x768xf32, #tpu.memory_space<vmem>>
    %dma_wait3A_1173 = arith.constant 240 : i32
    %dma_wait3A_1174 = tpu.memref_slice %arg8[%dma_wait3A_1173] : memref<512xi32, #tpu.memory_space<vmem>> -> memref<80xi32, #tpu.memory_space<vmem>>
    %dma_wait3A_1175 = arith.constant 0 : i32
    %dma_wait3A_1176 = arith.constant 0 : i32
    %dma_wait3A_1177 = tpu.memref_slice %arg2[%add3A, %dma_wait3A_1175, %dma_wait3A_1176] : memref<32x513x768xf32, #tpu.memory_space<hbm>> -> memref<1x513x768xf32, #tpu.memory_space<hbm>>
    %dma_wait3A_1178 = tpu.memref_squeeze %dma_wait3A_1177 : memref<1x513x768xf32, #tpu.memory_space<hbm>> -> memref<513x768xf32, #tpu.memory_space<hbm>>
    %dma_wait3A_1179 = arith.constant 0 : i32
    %dma_wait3A_1180 = arith.constant 0 : i32
    %dma_wait3A_1181 = tpu.memref_slice %dma_wait3A_1178[%dma_wait3A_1179, %dma_wait3A_1180] : memref<513x768xf32, #tpu.memory_space<hbm>> -> memref<513x768xf32, #tpu.memory_space<hbm>>
    tpu.wait_indirect_dma semaphore(%arg13 : memref<!tpu.dma_semaphore, #tpu.memory_space<semaphore_mem>>) src(%dma_wait3A_1181 : memref<513x768xf32, #tpu.memory_space<hbm>>) dst(%dma_wait3A_1172 : memref<80x768xf32, #tpu.memory_space<vmem>>)
    %dma_start3A_1182 = arith.constant 0 : i32
    %dma_start3A_1183 = arith.constant 0 : i32
    %dma_start3A_1184 = tpu.memref_slice %arg11[%dma_start3A_1182, %dma_start3A_1183] : memref<80x768xf32, #tpu.memory_space<vmem>> -> memref<80x768xf32, #tpu.memory_space<vmem>>
    %dma_start3A_1185 = arith.constant 0 : i32
    %dma_start3A_1186 = tpu.memref_slice %arg5[%add3A_1013, %dma_start3A_1185] : memref<31744x768xf32, #tpu.memory_space<hbm>> -> memref<80x768xf32, #tpu.memory_space<hbm>>
    %dma_start3A_1187 = arith.constant 0 : i32
    %dma_start3A_1188 = tpu.memref_slice %arg5[%add3A_1013, %dma_start3A_1187] : memref<31744x768xf32, #tpu.memory_space<hbm>> -> memref<80x768xf32, #tpu.memory_space<hbm>>
    %dma_start3A_1189 = arith.constant 0 : i32
    %dma_start3A_1190 = arith.constant 0 : i32
    %dma_start3A_1191 = tpu.memref_slice %arg11[%dma_start3A_1189, %dma_start3A_1190] : memref<80x768xf32, #tpu.memory_space<vmem>> -> memref<80x768xf32, #tpu.memory_space<vmem>>
    tpu.enqueue_dma source(%dma_start3A_1191 : memref<80x768xf32, #tpu.memory_space<vmem>>) target(%dma_start3A_1188 : memref<80x768xf32, #tpu.memory_space<hbm>>) target_semaphore(%arg15 : memref<!tpu.dma_semaphore, #tpu.memory_space<semaphore_mem>>)
    %dma_wait3A_1192 = arith.constant 0 : i32
    %dma_wait3A_1193 = arith.constant 0 : i32
    %dma_wait3A_1194 = tpu.memref_slice %arg10[%dma_wait3A_1192, %dma_wait3A_1193] : memref<80x768xf32, #tpu.memory_space<vmem>> -> memref<80x768xf32, #tpu.memory_space<vmem>>
    %dma_wait3A_1195 = arith.constant 0 : i32
    %dma_wait3A_1196 = tpu.memref_slice %arg5[%add3A_1011, %dma_wait3A_1195] : memref<31744x768xf32, #tpu.memory_space<hbm>> -> memref<80x768xf32, #tpu.memory_space<hbm>>
    %dma_wait3A_1197 = arith.constant 0 : i32
    %dma_wait3A_1198 = tpu.memref_slice %arg5[%add3A_1011, %dma_wait3A_1197] : memref<31744x768xf32, #tpu.memory_space<hbm>> -> memref<80x768xf32, #tpu.memory_space<hbm>>
    %dma_wait3A_1199 = arith.constant 0 : i32
    %dma_wait3A_1200 = arith.constant 0 : i32
    %dma_wait3A_1201 = tpu.memref_slice %arg10[%dma_wait3A_1199, %dma_wait3A_1200] : memref<80x768xf32, #tpu.memory_space<vmem>> -> memref<80x768xf32, #tpu.memory_space<vmem>>
    tpu.wait_dma2 semaphore(%arg14 : memref<!tpu.dma_semaphore, #tpu.memory_space<semaphore_mem>>) src(%dma_wait3A_1201 : memref<80x768xf32, #tpu.memory_space<vmem>>) dst(%dma_wait3A_1198 : memref<80x768xf32, #tpu.memory_space<hbm>>)
    %dma_start3A_1202 = arith.constant 0 : i32
    %dma_start3A_1203 = arith.constant 0 : i32
    %dma_start3A_1204 = tpu.memref_slice %arg10[%dma_start3A_1202, %dma_start3A_1203] : memref<80x768xf32, #tpu.memory_space<vmem>> -> memref<80x768xf32, #tpu.memory_space<vmem>>
    %dma_start3A_1205 = arith.constant 320 : i32
    %dma_start3A_1206 = tpu.memref_slice %arg8[%dma_start3A_1205] : memref<512xi32, #tpu.memory_space<vmem>> -> memref<80xi32, #tpu.memory_space<vmem>>
    %dma_start3A_1207 = arith.constant 0 : i32
    %dma_start3A_1208 = arith.constant 0 : i32
    %dma_start3A_1209 = tpu.memref_slice %arg2[%add3A, %dma_start3A_1207, %dma_start3A_1208] : memref<32x513x768xf32, #tpu.memory_space<hbm>> -> memref<1x513x768xf32, #tpu.memory_space<hbm>>
    %dma_start3A_1210 = tpu.memref_squeeze %dma_start3A_1209 : memref<1x513x768xf32, #tpu.memory_space<hbm>> -> memref<513x768xf32, #tpu.memory_space<hbm>>
    %dma_start3A_1211 = arith.constant 0 : i32
    %dma_start3A_1212 = arith.constant 0 : i32
    %dma_start3A_1213 = tpu.memref_slice %dma_start3A_1210[%dma_start3A_1211, %dma_start3A_1212] : memref<513x768xf32, #tpu.memory_space<hbm>> -> memref<513x768xf32, #tpu.memory_space<hbm>>
    tpu.enqueue_indirect_dma source(%dma_start3A_1213 : memref<513x768xf32, #tpu.memory_space<hbm>>) target(%dma_start3A_1204 : memref<80x768xf32, #tpu.memory_space<vmem>>) offsets(%dma_start3A_1206 : memref<80xi32, #tpu.memory_space<vmem>>) semaphore(%arg12 : memref<!tpu.dma_semaphore, #tpu.memory_space<semaphore_mem>>)
    %dma_wait3A_1214 = arith.constant 0 : i32
    %dma_wait3A_1215 = arith.constant 0 : i32
    %dma_wait3A_1216 = tpu.memref_slice %arg10[%dma_wait3A_1214, %dma_wait3A_1215] : memref<80x768xf32, #tpu.memory_space<vmem>> -> memref<80x768xf32, #tpu.memory_space<vmem>>
    %dma_wait3A_1217 = arith.constant 320 : i32
    %dma_wait3A_1218 = tpu.memref_slice %arg8[%dma_wait3A_1217] : memref<512xi32, #tpu.memory_space<vmem>> -> memref<80xi32, #tpu.memory_space<vmem>>
    %dma_wait3A_1219 = arith.constant 0 : i32
    %dma_wait3A_1220 = arith.constant 0 : i32
    %dma_wait3A_1221 = tpu.memref_slice %arg2[%add3A, %dma_wait3A_1219, %dma_wait3A_1220] : memref<32x513x768xf32, #tpu.memory_space<hbm>> -> memref<1x513x768xf32, #tpu.memory_space<hbm>>
    %dma_wait3A_1222 = tpu.memref_squeeze %dma_wait3A_1221 : memref<1x513x768xf32, #tpu.memory_space<hbm>> -> memref<513x768xf32, #tpu.memory_space<hbm>>
    %dma_wait3A_1223 = arith.constant 0 : i32
    %dma_wait3A_1224 = arith.constant 0 : i32
    %dma_wait3A_1225 = tpu.memref_slice %dma_wait3A_1222[%dma_wait3A_1223, %dma_wait3A_1224] : memref<513x768xf32, #tpu.memory_space<hbm>> -> memref<513x768xf32, #tpu.memory_space<hbm>>
    tpu.wait_indirect_dma semaphore(%arg12 : memref<!tpu.dma_semaphore, #tpu.memory_space<semaphore_mem>>) src(%dma_wait3A_1225 : memref<513x768xf32, #tpu.memory_space<hbm>>) dst(%dma_wait3A_1216 : memref<80x768xf32, #tpu.memory_space<vmem>>)
    %dma_start3A_1226 = arith.constant 0 : i32
    %dma_start3A_1227 = arith.constant 0 : i32
    %dma_start3A_1228 = tpu.memref_slice %arg10[%dma_start3A_1226, %dma_start3A_1227] : memref<80x768xf32, #tpu.memory_space<vmem>> -> memref<80x768xf32, #tpu.memory_space<vmem>>
    %dma_start3A_1229 = arith.constant 0 : i32
    %dma_start3A_1230 = tpu.memref_slice %arg5[%add3A_1015, %dma_start3A_1229] : memref<31744x768xf32, #tpu.memory_space<hbm>> -> memref<80x768xf32, #tpu.memory_space<hbm>>
    %dma_start3A_1231 = arith.constant 0 : i32
    %dma_start3A_1232 = tpu.memref_slice %arg5[%add3A_1015, %dma_start3A_1231] : memref<31744x768xf32, #tpu.memory_space<hbm>> -> memref<80x768xf32, #tpu.memory_space<hbm>>
    %dma_start3A_1233 = arith.constant 0 : i32
    %dma_start3A_1234 = arith.constant 0 : i32
    %dma_start3A_1235 = tpu.memref_slice %arg10[%dma_start3A_1233, %dma_start3A_1234] : memref<80x768xf32, #tpu.memory_space<vmem>> -> memref<80x768xf32, #tpu.memory_space<vmem>>
    tpu.enqueue_dma source(%dma_start3A_1235 : memref<80x768xf32, #tpu.memory_space<vmem>>) target(%dma_start3A_1232 : memref<80x768xf32, #tpu.memory_space<hbm>>) target_semaphore(%arg14 : memref<!tpu.dma_semaphore, #tpu.memory_space<semaphore_mem>>)
    %dma_wait3A_1236 = arith.constant 0 : i32
    %dma_wait3A_1237 = arith.constant 0 : i32
    %dma_wait3A_1238 = tpu.memref_slice %arg11[%dma_wait3A_1236, %dma_wait3A_1237] : memref<80x768xf32, #tpu.memory_space<vmem>> -> memref<80x768xf32, #tpu.memory_space<vmem>>
    %dma_wait3A_1239 = arith.constant 0 : i32
    %dma_wait3A_1240 = tpu.memref_slice %arg5[%add3A_1013, %dma_wait3A_1239] : memref<31744x768xf32, #tpu.memory_space<hbm>> -> memref<80x768xf32, #tpu.memory_space<hbm>>
    %dma_wait3A_1241 = arith.constant 0 : i32
    %dma_wait3A_1242 = tpu.memref_slice %arg5[%add3A_1013, %dma_wait3A_1241] : memref<31744x768xf32, #tpu.memory_space<hbm>> -> memref<80x768xf32, #tpu.memory_space<hbm>>
    %dma_wait3A_1243 = arith.constant 0 : i32
    %dma_wait3A_1244 = arith.constant 0 : i32
    %dma_wait3A_1245 = tpu.memref_slice %arg11[%dma_wait3A_1243, %dma_wait3A_1244] : memref<80x768xf32, #tpu.memory_space<vmem>> -> memref<80x768xf32, #tpu.memory_space<vmem>>
    tpu.wait_dma2 semaphore(%arg15 : memref<!tpu.dma_semaphore, #tpu.memory_space<semaphore_mem>>) src(%dma_wait3A_1245 : memref<80x768xf32, #tpu.memory_space<vmem>>) dst(%dma_wait3A_1242 : memref<80x768xf32, #tpu.memory_space<hbm>>)
    %dma_start3A_1246 = arith.constant 0 : i32
    %dma_start3A_1247 = arith.constant 0 : i32
    %dma_start3A_1248 = tpu.memref_slice %arg11[%dma_start3A_1246, %dma_start3A_1247] : memref<80x768xf32, #tpu.memory_space<vmem>> -> memref<80x768xf32, #tpu.memory_space<vmem>>
    %dma_start3A_1249 = arith.constant 400 : i32
    %dma_start3A_1250 = tpu.memref_slice %arg8[%dma_start3A_1249] : memref<512xi32, #tpu.memory_space<vmem>> -> memref<80xi32, #tpu.memory_space<vmem>>
    %dma_start3A_1251 = arith.constant 0 : i32
    %dma_start3A_1252 = arith.constant 0 : i32
    %dma_start3A_1253 = tpu.memref_slice %arg2[%add3A, %dma_start3A_1251, %dma_start3A_1252] : memref<32x513x768xf32, #tpu.memory_space<hbm>> -> memref<1x513x768xf32, #tpu.memory_space<hbm>>
    %dma_start3A_1254 = tpu.memref_squeeze %dma_start3A_1253 : memref<1x513x768xf32, #tpu.memory_space<hbm>> -> memref<513x768xf32, #tpu.memory_space<hbm>>
    %dma_start3A_1255 = arith.constant 0 : i32
    %dma_start3A_1256 = arith.constant 0 : i32
    %dma_start3A_1257 = tpu.memref_slice %dma_start3A_1254[%dma_start3A_1255, %dma_start3A_1256] : memref<513x768xf32, #tpu.memory_space<hbm>> -> memref<513x768xf32, #tpu.memory_space<hbm>>
    tpu.enqueue_indirect_dma source(%dma_start3A_1257 : memref<513x768xf32, #tpu.memory_space<hbm>>) target(%dma_start3A_1248 : memref<80x768xf32, #tpu.memory_space<vmem>>) offsets(%dma_start3A_1250 : memref<80xi32, #tpu.memory_space<vmem>>) semaphore(%arg13 : memref<!tpu.dma_semaphore, #tpu.memory_space<semaphore_mem>>)
    %dma_wait3A_1258 = arith.constant 0 : i32
    %dma_wait3A_1259 = arith.constant 0 : i32
    %dma_wait3A_1260 = tpu.memref_slice %arg11[%dma_wait3A_1258, %dma_wait3A_1259] : memref<80x768xf32, #tpu.memory_space<vmem>> -> memref<80x768xf32, #tpu.memory_space<vmem>>
    %dma_wait3A_1261 = arith.constant 400 : i32
    %dma_wait3A_1262 = tpu.memref_slice %arg8[%dma_wait3A_1261] : memref<512xi32, #tpu.memory_space<vmem>> -> memref<80xi32, #tpu.memory_space<vmem>>
    %dma_wait3A_1263 = arith.constant 0 : i32
    %dma_wait3A_1264 = arith.constant 0 : i32
    %dma_wait3A_1265 = tpu.memref_slice %arg2[%add3A, %dma_wait3A_1263, %dma_wait3A_1264] : memref<32x513x768xf32, #tpu.memory_space<hbm>> -> memref<1x513x768xf32, #tpu.memory_space<hbm>>
    %dma_wait3A_1266 = tpu.memref_squeeze %dma_wait3A_1265 : memref<1x513x768xf32, #tpu.memory_space<hbm>> -> memref<513x768xf32, #tpu.memory_space<hbm>>
    %dma_wait3A_1267 = arith.constant 0 : i32
    %dma_wait3A_1268 = arith.constant 0 : i32
    %dma_wait3A_1269 = tpu.memref_slice %dma_wait3A_1266[%dma_wait3A_1267, %dma_wait3A_1268] : memref<513x768xf32, #tpu.memory_space<hbm>> -> memref<513x768xf32, #tpu.memory_space<hbm>>
    tpu.wait_indirect_dma semaphore(%arg13 : memref<!tpu.dma_semaphore, #tpu.memory_space<semaphore_mem>>) src(%dma_wait3A_1269 : memref<513x768xf32, #tpu.memory_space<hbm>>) dst(%dma_wait3A_1260 : memref<80x768xf32, #tpu.memory_space<vmem>>)
    %dma_start3A_1270 = arith.constant 0 : i32
    %dma_start3A_1271 = arith.constant 0 : i32
    %dma_start3A_1272 = tpu.memref_slice %arg11[%dma_start3A_1270, %dma_start3A_1271] : memref<80x768xf32, #tpu.memory_space<vmem>> -> memref<80x768xf32, #tpu.memory_space<vmem>>
    %dma_start3A_1273 = arith.constant 0 : i32
    %dma_start3A_1274 = tpu.memref_slice %arg5[%add3A_1017, %dma_start3A_1273] : memref<31744x768xf32, #tpu.memory_space<hbm>> -> memref<80x768xf32, #tpu.memory_space<hbm>>
    %dma_start3A_1275 = arith.constant 0 : i32
    %dma_start3A_1276 = tpu.memref_slice %arg5[%add3A_1017, %dma_start3A_1275] : memref<31744x768xf32, #tpu.memory_space<hbm>> -> memref<80x768xf32, #tpu.memory_space<hbm>>
    %dma_start3A_1277 = arith.constant 0 : i32
    %dma_start3A_1278 = arith.constant 0 : i32
    %dma_start3A_1279 = tpu.memref_slice %arg11[%dma_start3A_1277, %dma_start3A_1278] : memref<80x768xf32, #tpu.memory_space<vmem>> -> memref<80x768xf32, #tpu.memory_space<vmem>>
    tpu.enqueue_dma source(%dma_start3A_1279 : memref<80x768xf32, #tpu.memory_space<vmem>>) target(%dma_start3A_1276 : memref<80x768xf32, #tpu.memory_space<hbm>>) target_semaphore(%arg15 : memref<!tpu.dma_semaphore, #tpu.memory_space<semaphore_mem>>)
    %dma_wait3A_1280 = arith.constant 0 : i32
    %dma_wait3A_1281 = arith.constant 0 : i32
    %dma_wait3A_1282 = tpu.memref_slice %arg10[%dma_wait3A_1280, %dma_wait3A_1281] : memref<80x768xf32, #tpu.memory_space<vmem>> -> memref<80x768xf32, #tpu.memory_space<vmem>>
    %dma_wait3A_1283 = arith.constant 0 : i32
    %dma_wait3A_1284 = tpu.memref_slice %arg5[%add3A_1015, %dma_wait3A_1283] : memref<31744x768xf32, #tpu.memory_space<hbm>> -> memref<80x768xf32, #tpu.memory_space<hbm>>
    %dma_wait3A_1285 = arith.constant 0 : i32
    %dma_wait3A_1286 = tpu.memref_slice %arg5[%add3A_1015, %dma_wait3A_1285] : memref<31744x768xf32, #tpu.memory_space<hbm>> -> memref<80x768xf32, #tpu.memory_space<hbm>>
    %dma_wait3A_1287 = arith.constant 0 : i32
    %dma_wait3A_1288 = arith.constant 0 : i32
    %dma_wait3A_1289 = tpu.memref_slice %arg10[%dma_wait3A_1287, %dma_wait3A_1288] : memref<80x768xf32, #tpu.memory_space<vmem>> -> memref<80x768xf32, #tpu.memory_space<vmem>>
    tpu.wait_dma2 semaphore(%arg14 : memref<!tpu.dma_semaphore, #tpu.memory_space<semaphore_mem>>) src(%dma_wait3A_1289 : memref<80x768xf32, #tpu.memory_space<vmem>>) dst(%dma_wait3A_1286 : memref<80x768xf32, #tpu.memory_space<hbm>>)
    %dma_start3A_1290 = arith.constant 0 : i32
    %dma_start3A_1291 = arith.constant 0 : i32
    %dma_start3A_1292 = tpu.memref_slice %arg10[%dma_start3A_1290, %dma_start3A_1291] : memref<80x768xf32, #tpu.memory_space<vmem>> -> memref<16x768xf32, #tpu.memory_space<vmem>>
    %dma_start3A_1293 = arith.constant 480 : i32
    %dma_start3A_1294 = tpu.memref_slice %arg8[%dma_start3A_1293] : memref<512xi32, #tpu.memory_space<vmem>> -> memref<16xi32, #tpu.memory_space<vmem>>
    %dma_start3A_1295 = arith.constant 0 : i32
    %dma_start3A_1296 = arith.constant 0 : i32
    %dma_start3A_1297 = tpu.memref_slice %arg2[%add3A, %dma_start3A_1295, %dma_start3A_1296] : memref<32x513x768xf32, #tpu.memory_space<hbm>> -> memref<1x513x768xf32, #tpu.memory_space<hbm>>
    %dma_start3A_1298 = tpu.memref_squeeze %dma_start3A_1297 : memref<1x513x768xf32, #tpu.memory_space<hbm>> -> memref<513x768xf32, #tpu.memory_space<hbm>>
    %dma_start3A_1299 = arith.constant 0 : i32
    %dma_start3A_1300 = arith.constant 0 : i32
    %dma_start3A_1301 = tpu.memref_slice %dma_start3A_1298[%dma_start3A_1299, %dma_start3A_1300] : memref<513x768xf32, #tpu.memory_space<hbm>> -> memref<513x768xf32, #tpu.memory_space<hbm>>
    tpu.enqueue_indirect_dma source(%dma_start3A_1301 : memref<513x768xf32, #tpu.memory_space<hbm>>) target(%dma_start3A_1292 : memref<16x768xf32, #tpu.memory_space<vmem>>) offsets(%dma_start3A_1294 : memref<16xi32, #tpu.memory_space<vmem>>) semaphore(%arg12 : memref<!tpu.dma_semaphore, #tpu.memory_space<semaphore_mem>>)
    %dma_wait3A_1302 = arith.constant 0 : i32
    %dma_wait3A_1303 = arith.constant 0 : i32
    %dma_wait3A_1304 = tpu.memref_slice %arg10[%dma_wait3A_1302, %dma_wait3A_1303] : memref<80x768xf32, #tpu.memory_space<vmem>> -> memref<16x768xf32, #tpu.memory_space<vmem>>
    %dma_wait3A_1305 = arith.constant 480 : i32
    %dma_wait3A_1306 = tpu.memref_slice %arg8[%dma_wait3A_1305] : memref<512xi32, #tpu.memory_space<vmem>> -> memref<16xi32, #tpu.memory_space<vmem>>
    %dma_wait3A_1307 = arith.constant 0 : i32
    %dma_wait3A_1308 = arith.constant 0 : i32
    %dma_wait3A_1309 = tpu.memref_slice %arg2[%add3A, %dma_wait3A_1307, %dma_wait3A_1308] : memref<32x513x768xf32, #tpu.memory_space<hbm>> -> memref<1x513x768xf32, #tpu.memory_space<hbm>>
    %dma_wait3A_1310 = tpu.memref_squeeze %dma_wait3A_1309 : memref<1x513x768xf32, #tpu.memory_space<hbm>> -> memref<513x768xf32, #tpu.memory_space<hbm>>
    %dma_wait3A_1311 = arith.constant 0 : i32
    %dma_wait3A_1312 = arith.constant 0 : i32
    %dma_wait3A_1313 = tpu.memref_slice %dma_wait3A_1310[%dma_wait3A_1311, %dma_wait3A_1312] : memref<513x768xf32, #tpu.memory_space<hbm>> -> memref<513x768xf32, #tpu.memory_space<hbm>>
    tpu.wait_indirect_dma semaphore(%arg12 : memref<!tpu.dma_semaphore, #tpu.memory_space<semaphore_mem>>) src(%dma_wait3A_1313 : memref<513x768xf32, #tpu.memory_space<hbm>>) dst(%dma_wait3A_1304 : memref<16x768xf32, #tpu.memory_space<vmem>>)
    %dma_start3A_1314 = arith.constant 0 : i32
    %dma_start3A_1315 = arith.constant 0 : i32
    %dma_start3A_1316 = tpu.memref_slice %arg10[%dma_start3A_1314, %dma_start3A_1315] : memref<80x768xf32, #tpu.memory_space<vmem>> -> memref<16x768xf32, #tpu.memory_space<vmem>>
    %dma_start3A_1317 = arith.constant 0 : i32
    %dma_start3A_1318 = tpu.memref_slice %arg5[%add3A_1019, %dma_start3A_1317] : memref<31744x768xf32, #tpu.memory_space<hbm>> -> memref<16x768xf32, #tpu.memory_space<hbm>>
    %dma_start3A_1319 = arith.constant 0 : i32
    %dma_start3A_1320 = tpu.memref_slice %arg5[%add3A_1019, %dma_start3A_1319] : memref<31744x768xf32, #tpu.memory_space<hbm>> -> memref<16x768xf32, #tpu.memory_space<hbm>>
    %dma_start3A_1321 = arith.constant 0 : i32
    %dma_start3A_1322 = arith.constant 0 : i32
    %dma_start3A_1323 = tpu.memref_slice %arg10[%dma_start3A_1321, %dma_start3A_1322] : memref<80x768xf32, #tpu.memory_space<vmem>> -> memref<16x768xf32, #tpu.memory_space<vmem>>
    tpu.enqueue_dma source(%dma_start3A_1323 : memref<16x768xf32, #tpu.memory_space<vmem>>) target(%dma_start3A_1320 : memref<16x768xf32, #tpu.memory_space<hbm>>) target_semaphore(%arg14 : memref<!tpu.dma_semaphore, #tpu.memory_space<semaphore_mem>>)
    %dma_wait3A_1324 = arith.constant 0 : i32
    %dma_wait3A_1325 = arith.constant 0 : i32
    %dma_wait3A_1326 = tpu.memref_slice %arg11[%dma_wait3A_1324, %dma_wait3A_1325] : memref<80x768xf32, #tpu.memory_space<vmem>> -> memref<80x768xf32, #tpu.memory_space<vmem>>
    %dma_wait3A_1327 = arith.constant 0 : i32
    %dma_wait3A_1328 = tpu.memref_slice %arg5[%add3A_1017, %dma_wait3A_1327] : memref<31744x768xf32, #tpu.memory_space<hbm>> -> memref<80x768xf32, #tpu.memory_space<hbm>>
    %dma_wait3A_1329 = arith.constant 0 : i32
    %dma_wait3A_1330 = tpu.memref_slice %arg5[%add3A_1017, %dma_wait3A_1329] : memref<31744x768xf32, #tpu.memory_space<hbm>> -> memref<80x768xf32, #tpu.memory_space<hbm>>
    %dma_wait3A_1331 = arith.constant 0 : i32
    %dma_wait3A_1332 = arith.constant 0 : i32
    %dma_wait3A_1333 = tpu.memref_slice %arg11[%dma_wait3A_1331, %dma_wait3A_1332] : memref<80x768xf32, #tpu.memory_space<vmem>> -> memref<80x768xf32, #tpu.memory_space<vmem>>
    tpu.wait_dma2 semaphore(%arg15 : memref<!tpu.dma_semaphore, #tpu.memory_space<semaphore_mem>>) src(%dma_wait3A_1333 : memref<80x768xf32, #tpu.memory_space<vmem>>) dst(%dma_wait3A_1330 : memref<80x768xf32, #tpu.memory_space<hbm>>)
    %dma_start3A_1334 = arith.constant 0 : i32
    %dma_start3A_1335 = arith.constant 0 : i32
    %dma_start3A_1336 = tpu.memref_slice %arg11[%dma_start3A_1334, %dma_start3A_1335] : memref<80x768xf32, #tpu.memory_space<vmem>> -> memref<80x768xf32, #tpu.memory_space<vmem>>
    %dma_start3A_1337 = arith.constant 0 : i32
    %dma_start3A_1338 = tpu.memref_slice %arg9[%dma_start3A_1337] : memref<512xi32, #tpu.memory_space<vmem>> -> memref<80xi32, #tpu.memory_space<vmem>>
    %dma_start3A_1339 = arith.constant 0 : i32
    %dma_start3A_1340 = arith.constant 0 : i32
    %dma_start3A_1341 = tpu.memref_slice %arg3[%add3A, %dma_start3A_1339, %dma_start3A_1340] : memref<32x197x768xf32, #tpu.memory_space<hbm>> -> memref<1x197x768xf32, #tpu.memory_space<hbm>>
    %dma_start3A_1342 = tpu.memref_squeeze %dma_start3A_1341 : memref<1x197x768xf32, #tpu.memory_space<hbm>> -> memref<197x768xf32, #tpu.memory_space<hbm>>
    %dma_start3A_1343 = arith.constant 0 : i32
    %dma_start3A_1344 = arith.constant 0 : i32
    %dma_start3A_1345 = tpu.memref_slice %dma_start3A_1342[%dma_start3A_1343, %dma_start3A_1344] : memref<197x768xf32, #tpu.memory_space<hbm>> -> memref<197x768xf32, #tpu.memory_space<hbm>>
    tpu.enqueue_indirect_dma source(%dma_start3A_1345 : memref<197x768xf32, #tpu.memory_space<hbm>>) target(%dma_start3A_1336 : memref<80x768xf32, #tpu.memory_space<vmem>>) offsets(%dma_start3A_1338 : memref<80xi32, #tpu.memory_space<vmem>>) semaphore(%arg13 : memref<!tpu.dma_semaphore, #tpu.memory_space<semaphore_mem>>)
    %dma_wait3A_1346 = arith.constant 0 : i32
    %dma_wait3A_1347 = arith.constant 0 : i32
    %dma_wait3A_1348 = tpu.memref_slice %arg11[%dma_wait3A_1346, %dma_wait3A_1347] : memref<80x768xf32, #tpu.memory_space<vmem>> -> memref<80x768xf32, #tpu.memory_space<vmem>>
    %dma_wait3A_1349 = arith.constant 0 : i32
    %dma_wait3A_1350 = tpu.memref_slice %arg9[%dma_wait3A_1349] : memref<512xi32, #tpu.memory_space<vmem>> -> memref<80xi32, #tpu.memory_space<vmem>>
    %dma_wait3A_1351 = arith.constant 0 : i32
    %dma_wait3A_1352 = arith.constant 0 : i32
    %dma_wait3A_1353 = tpu.memref_slice %arg3[%add3A, %dma_wait3A_1351, %dma_wait3A_1352] : memref<32x197x768xf32, #tpu.memory_space<hbm>> -> memref<1x197x768xf32, #tpu.memory_space<hbm>>
    %dma_wait3A_1354 = tpu.memref_squeeze %dma_wait3A_1353 : memref<1x197x768xf32, #tpu.memory_space<hbm>> -> memref<197x768xf32, #tpu.memory_space<hbm>>
    %dma_wait3A_1355 = arith.constant 0 : i32
    %dma_wait3A_1356 = arith.constant 0 : i32
    %dma_wait3A_1357 = tpu.memref_slice %dma_wait3A_1354[%dma_wait3A_1355, %dma_wait3A_1356] : memref<197x768xf32, #tpu.memory_space<hbm>> -> memref<197x768xf32, #tpu.memory_space<hbm>>
    tpu.wait_indirect_dma semaphore(%arg13 : memref<!tpu.dma_semaphore, #tpu.memory_space<semaphore_mem>>) src(%dma_wait3A_1357 : memref<197x768xf32, #tpu.memory_space<hbm>>) dst(%dma_wait3A_1348 : memref<80x768xf32, #tpu.memory_space<vmem>>)
    %dma_start3A_1358 = arith.constant 0 : i32
    %dma_start3A_1359 = arith.constant 0 : i32
    %dma_start3A_1360 = tpu.memref_slice %arg11[%dma_start3A_1358, %dma_start3A_1359] : memref<80x768xf32, #tpu.memory_space<vmem>> -> memref<80x768xf32, #tpu.memory_space<vmem>>
    %dma_start3A_1361 = arith.constant 0 : i32
    %dma_start3A_1362 = tpu.memref_slice %arg5[%add3A_1025, %dma_start3A_1361] : memref<31744x768xf32, #tpu.memory_space<hbm>> -> memref<80x768xf32, #tpu.memory_space<hbm>>
    %dma_start3A_1363 = arith.constant 0 : i32
    %dma_start3A_1364 = tpu.memref_slice %arg5[%add3A_1025, %dma_start3A_1363] : memref<31744x768xf32, #tpu.memory_space<hbm>> -> memref<80x768xf32, #tpu.memory_space<hbm>>
    %dma_start3A_1365 = arith.constant 0 : i32
    %dma_start3A_1366 = arith.constant 0 : i32
    %dma_start3A_1367 = tpu.memref_slice %arg11[%dma_start3A_1365, %dma_start3A_1366] : memref<80x768xf32, #tpu.memory_space<vmem>> -> memref<80x768xf32, #tpu.memory_space<vmem>>
    tpu.enqueue_dma source(%dma_start3A_1367 : memref<80x768xf32, #tpu.memory_space<vmem>>) target(%dma_start3A_1364 : memref<80x768xf32, #tpu.memory_space<hbm>>) target_semaphore(%arg15 : memref<!tpu.dma_semaphore, #tpu.memory_space<semaphore_mem>>)
    %dma_wait3A_1368 = arith.constant 0 : i32
    %dma_wait3A_1369 = arith.constant 0 : i32
    %dma_wait3A_1370 = tpu.memref_slice %arg10[%dma_wait3A_1368, %dma_wait3A_1369] : memref<80x768xf32, #tpu.memory_space<vmem>> -> memref<16x768xf32, #tpu.memory_space<vmem>>
    %dma_wait3A_1371 = arith.constant 0 : i32
    %dma_wait3A_1372 = tpu.memref_slice %arg5[%add3A_1019, %dma_wait3A_1371] : memref<31744x768xf32, #tpu.memory_space<hbm>> -> memref<16x768xf32, #tpu.memory_space<hbm>>
    %dma_wait3A_1373 = arith.constant 0 : i32
    %dma_wait3A_1374 = tpu.memref_slice %arg5[%add3A_1019, %dma_wait3A_1373] : memref<31744x768xf32, #tpu.memory_space<hbm>> -> memref<16x768xf32, #tpu.memory_space<hbm>>
    %dma_wait3A_1375 = arith.constant 0 : i32
    %dma_wait3A_1376 = arith.constant 0 : i32
    %dma_wait3A_1377 = tpu.memref_slice %arg10[%dma_wait3A_1375, %dma_wait3A_1376] : memref<80x768xf32, #tpu.memory_space<vmem>> -> memref<16x768xf32, #tpu.memory_space<vmem>>
    tpu.wait_dma2 semaphore(%arg14 : memref<!tpu.dma_semaphore, #tpu.memory_space<semaphore_mem>>) src(%dma_wait3A_1377 : memref<16x768xf32, #tpu.memory_space<vmem>>) dst(%dma_wait3A_1374 : memref<16x768xf32, #tpu.memory_space<hbm>>)
    %dma_start3A_1378 = arith.constant 0 : i32
    %dma_start3A_1379 = arith.constant 0 : i32
    %dma_start3A_1380 = tpu.memref_slice %arg10[%dma_start3A_1378, %dma_start3A_1379] : memref<80x768xf32, #tpu.memory_space<vmem>> -> memref<80x768xf32, #tpu.memory_space<vmem>>
    %dma_start3A_1381 = arith.constant 80 : i32
    %dma_start3A_1382 = tpu.memref_slice %arg9[%dma_start3A_1381] : memref<512xi32, #tpu.memory_space<vmem>> -> memref<80xi32, #tpu.memory_space<vmem>>
    %dma_start3A_1383 = arith.constant 0 : i32
    %dma_start3A_1384 = arith.constant 0 : i32
    %dma_start3A_1385 = tpu.memref_slice %arg3[%add3A, %dma_start3A_1383, %dma_start3A_1384] : memref<32x197x768xf32, #tpu.memory_space<hbm>> -> memref<1x197x768xf32, #tpu.memory_space<hbm>>
    %dma_start3A_1386 = tpu.memref_squeeze %dma_start3A_1385 : memref<1x197x768xf32, #tpu.memory_space<hbm>> -> memref<197x768xf32, #tpu.memory_space<hbm>>
    %dma_start3A_1387 = arith.constant 0 : i32
    %dma_start3A_1388 = arith.constant 0 : i32
    %dma_start3A_1389 = tpu.memref_slice %dma_start3A_1386[%dma_start3A_1387, %dma_start3A_1388] : memref<197x768xf32, #tpu.memory_space<hbm>> -> memref<197x768xf32, #tpu.memory_space<hbm>>
    tpu.enqueue_indirect_dma source(%dma_start3A_1389 : memref<197x768xf32, #tpu.memory_space<hbm>>) target(%dma_start3A_1380 : memref<80x768xf32, #tpu.memory_space<vmem>>) offsets(%dma_start3A_1382 : memref<80xi32, #tpu.memory_space<vmem>>) semaphore(%arg12 : memref<!tpu.dma_semaphore, #tpu.memory_space<semaphore_mem>>)
    %dma_wait3A_1390 = arith.constant 0 : i32
    %dma_wait3A_1391 = arith.constant 0 : i32
    %dma_wait3A_1392 = tpu.memref_slice %arg10[%dma_wait3A_1390, %dma_wait3A_1391] : memref<80x768xf32, #tpu.memory_space<vmem>> -> memref<80x768xf32, #tpu.memory_space<vmem>>
    %dma_wait3A_1393 = arith.constant 80 : i32
    %dma_wait3A_1394 = tpu.memref_slice %arg9[%dma_wait3A_1393] : memref<512xi32, #tpu.memory_space<vmem>> -> memref<80xi32, #tpu.memory_space<vmem>>
    %dma_wait3A_1395 = arith.constant 0 : i32
    %dma_wait3A_1396 = arith.constant 0 : i32
    %dma_wait3A_1397 = tpu.memref_slice %arg3[%add3A, %dma_wait3A_1395, %dma_wait3A_1396] : memref<32x197x768xf32, #tpu.memory_space<hbm>> -> memref<1x197x768xf32, #tpu.memory_space<hbm>>
    %dma_wait3A_1398 = tpu.memref_squeeze %dma_wait3A_1397 : memref<1x197x768xf32, #tpu.memory_space<hbm>> -> memref<197x768xf32, #tpu.memory_space<hbm>>
    %dma_wait3A_1399 = arith.constant 0 : i32
    %dma_wait3A_1400 = arith.constant 0 : i32
    %dma_wait3A_1401 = tpu.memref_slice %dma_wait3A_1398[%dma_wait3A_1399, %dma_wait3A_1400] : memref<197x768xf32, #tpu.memory_space<hbm>> -> memref<197x768xf32, #tpu.memory_space<hbm>>
    tpu.wait_indirect_dma semaphore(%arg12 : memref<!tpu.dma_semaphore, #tpu.memory_space<semaphore_mem>>) src(%dma_wait3A_1401 : memref<197x768xf32, #tpu.memory_space<hbm>>) dst(%dma_wait3A_1392 : memref<80x768xf32, #tpu.memory_space<vmem>>)
    %dma_start3A_1402 = arith.constant 0 : i32
    %dma_start3A_1403 = arith.constant 0 : i32
    %dma_start3A_1404 = tpu.memref_slice %arg10[%dma_start3A_1402, %dma_start3A_1403] : memref<80x768xf32, #tpu.memory_space<vmem>> -> memref<80x768xf32, #tpu.memory_space<vmem>>
    %dma_start3A_1405 = arith.constant 0 : i32
    %dma_start3A_1406 = tpu.memref_slice %arg5[%add3A_1027, %dma_start3A_1405] : memref<31744x768xf32, #tpu.memory_space<hbm>> -> memref<80x768xf32, #tpu.memory_space<hbm>>
    %dma_start3A_1407 = arith.constant 0 : i32
    %dma_start3A_1408 = tpu.memref_slice %arg5[%add3A_1027, %dma_start3A_1407] : memref<31744x768xf32, #tpu.memory_space<hbm>> -> memref<80x768xf32, #tpu.memory_space<hbm>>
    %dma_start3A_1409 = arith.constant 0 : i32
    %dma_start3A_1410 = arith.constant 0 : i32
    %dma_start3A_1411 = tpu.memref_slice %arg10[%dma_start3A_1409, %dma_start3A_1410] : memref<80x768xf32, #tpu.memory_space<vmem>> -> memref<80x768xf32, #tpu.memory_space<vmem>>
    tpu.enqueue_dma source(%dma_start3A_1411 : memref<80x768xf32, #tpu.memory_space<vmem>>) target(%dma_start3A_1408 : memref<80x768xf32, #tpu.memory_space<hbm>>) target_semaphore(%arg14 : memref<!tpu.dma_semaphore, #tpu.memory_space<semaphore_mem>>)
    %dma_wait3A_1412 = arith.constant 0 : i32
    %dma_wait3A_1413 = arith.constant 0 : i32
    %dma_wait3A_1414 = tpu.memref_slice %arg11[%dma_wait3A_1412, %dma_wait3A_1413] : memref<80x768xf32, #tpu.memory_space<vmem>> -> memref<80x768xf32, #tpu.memory_space<vmem>>
    %dma_wait3A_1415 = arith.constant 0 : i32
    %dma_wait3A_1416 = tpu.memref_slice %arg5[%add3A_1025, %dma_wait3A_1415] : memref<31744x768xf32, #tpu.memory_space<hbm>> -> memref<80x768xf32, #tpu.memory_space<hbm>>
    %dma_wait3A_1417 = arith.constant 0 : i32
    %dma_wait3A_1418 = tpu.memref_slice %arg5[%add3A_1025, %dma_wait3A_1417] : memref<31744x768xf32, #tpu.memory_space<hbm>> -> memref<80x768xf32, #tpu.memory_space<hbm>>
    %dma_wait3A_1419 = arith.constant 0 : i32
    %dma_wait3A_1420 = arith.constant 0 : i32
    %dma_wait3A_1421 = tpu.memref_slice %arg11[%dma_wait3A_1419, %dma_wait3A_1420] : memref<80x768xf32, #tpu.memory_space<vmem>> -> memref<80x768xf32, #tpu.memory_space<vmem>>
    tpu.wait_dma2 semaphore(%arg15 : memref<!tpu.dma_semaphore, #tpu.memory_space<semaphore_mem>>) src(%dma_wait3A_1421 : memref<80x768xf32, #tpu.memory_space<vmem>>) dst(%dma_wait3A_1418 : memref<80x768xf32, #tpu.memory_space<hbm>>)
    %dma_start3A_1422 = arith.constant 0 : i32
    %dma_start3A_1423 = arith.constant 0 : i32
    %dma_start3A_1424 = tpu.memref_slice %arg11[%dma_start3A_1422, %dma_start3A_1423] : memref<80x768xf32, #tpu.memory_space<vmem>> -> memref<80x768xf32, #tpu.memory_space<vmem>>
    %dma_start3A_1425 = arith.constant 160 : i32
    %dma_start3A_1426 = tpu.memref_slice %arg9[%dma_start3A_1425] : memref<512xi32, #tpu.memory_space<vmem>> -> memref<80xi32, #tpu.memory_space<vmem>>
    %dma_start3A_1427 = arith.constant 0 : i32
    %dma_start3A_1428 = arith.constant 0 : i32
    %dma_start3A_1429 = tpu.memref_slice %arg3[%add3A, %dma_start3A_1427, %dma_start3A_1428] : memref<32x197x768xf32, #tpu.memory_space<hbm>> -> memref<1x197x768xf32, #tpu.memory_space<hbm>>
    %dma_start3A_1430 = tpu.memref_squeeze %dma_start3A_1429 : memref<1x197x768xf32, #tpu.memory_space<hbm>> -> memref<197x768xf32, #tpu.memory_space<hbm>>
    %dma_start3A_1431 = arith.constant 0 : i32
    %dma_start3A_1432 = arith.constant 0 : i32
    %dma_start3A_1433 = tpu.memref_slice %dma_start3A_1430[%dma_start3A_1431, %dma_start3A_1432] : memref<197x768xf32, #tpu.memory_space<hbm>> -> memref<197x768xf32, #tpu.memory_space<hbm>>
    tpu.enqueue_indirect_dma source(%dma_start3A_1433 : memref<197x768xf32, #tpu.memory_space<hbm>>) target(%dma_start3A_1424 : memref<80x768xf32, #tpu.memory_space<vmem>>) offsets(%dma_start3A_1426 : memref<80xi32, #tpu.memory_space<vmem>>) semaphore(%arg13 : memref<!tpu.dma_semaphore, #tpu.memory_space<semaphore_mem>>)
    %dma_wait3A_1434 = arith.constant 0 : i32
    %dma_wait3A_1435 = arith.constant 0 : i32
    %dma_wait3A_1436 = tpu.memref_slice %arg11[%dma_wait3A_1434, %dma_wait3A_1435] : memref<80x768xf32, #tpu.memory_space<vmem>> -> memref<80x768xf32, #tpu.memory_space<vmem>>
    %dma_wait3A_1437 = arith.constant 160 : i32
    %dma_wait3A_1438 = tpu.memref_slice %arg9[%dma_wait3A_1437] : memref<512xi32, #tpu.memory_space<vmem>> -> memref<80xi32, #tpu.memory_space<vmem>>
    %dma_wait3A_1439 = arith.constant 0 : i32
    %dma_wait3A_1440 = arith.constant 0 : i32
    %dma_wait3A_1441 = tpu.memref_slice %arg3[%add3A, %dma_wait3A_1439, %dma_wait3A_1440] : memref<32x197x768xf32, #tpu.memory_space<hbm>> -> memref<1x197x768xf32, #tpu.memory_space<hbm>>
    %dma_wait3A_1442 = tpu.memref_squeeze %dma_wait3A_1441 : memref<1x197x768xf32, #tpu.memory_space<hbm>> -> memref<197x768xf32, #tpu.memory_space<hbm>>
    %dma_wait3A_1443 = arith.constant 0 : i32
    %dma_wait3A_1444 = arith.constant 0 : i32
    %dma_wait3A_1445 = tpu.memref_slice %dma_wait3A_1442[%dma_wait3A_1443, %dma_wait3A_1444] : memref<197x768xf32, #tpu.memory_space<hbm>> -> memref<197x768xf32, #tpu.memory_space<hbm>>
    tpu.wait_indirect_dma semaphore(%arg13 : memref<!tpu.dma_semaphore, #tpu.memory_space<semaphore_mem>>) src(%dma_wait3A_1445 : memref<197x768xf32, #tpu.memory_space<hbm>>) dst(%dma_wait3A_1436 : memref<80x768xf32, #tpu.memory_space<vmem>>)
    %dma_start3A_1446 = arith.constant 0 : i32
    %dma_start3A_1447 = arith.constant 0 : i32
    %dma_start3A_1448 = tpu.memref_slice %arg11[%dma_start3A_1446, %dma_start3A_1447] : memref<80x768xf32, #tpu.memory_space<vmem>> -> memref<80x768xf32, #tpu.memory_space<vmem>>
    %dma_start3A_1449 = arith.constant 0 : i32
    %dma_start3A_1450 = tpu.memref_slice %arg5[%add3A_1029, %dma_start3A_1449] : memref<31744x768xf32, #tpu.memory_space<hbm>> -> memref<80x768xf32, #tpu.memory_space<hbm>>
    %dma_start3A_1451 = arith.constant 0 : i32
    %dma_start3A_1452 = tpu.memref_slice %arg5[%add3A_1029, %dma_start3A_1451] : memref<31744x768xf32, #tpu.memory_space<hbm>> -> memref<80x768xf32, #tpu.memory_space<hbm>>
    %dma_start3A_1453 = arith.constant 0 : i32
    %dma_start3A_1454 = arith.constant 0 : i32
    %dma_start3A_1455 = tpu.memref_slice %arg11[%dma_start3A_1453, %dma_start3A_1454] : memref<80x768xf32, #tpu.memory_space<vmem>> -> memref<80x768xf32, #tpu.memory_space<vmem>>
    tpu.enqueue_dma source(%dma_start3A_1455 : memref<80x768xf32, #tpu.memory_space<vmem>>) target(%dma_start3A_1452 : memref<80x768xf32, #tpu.memory_space<hbm>>) target_semaphore(%arg15 : memref<!tpu.dma_semaphore, #tpu.memory_space<semaphore_mem>>)
    %dma_wait3A_1456 = arith.constant 0 : i32
    %dma_wait3A_1457 = arith.constant 0 : i32
    %dma_wait3A_1458 = tpu.memref_slice %arg10[%dma_wait3A_1456, %dma_wait3A_1457] : memref<80x768xf32, #tpu.memory_space<vmem>> -> memref<80x768xf32, #tpu.memory_space<vmem>>
    %dma_wait3A_1459 = arith.constant 0 : i32
    %dma_wait3A_1460 = tpu.memref_slice %arg5[%add3A_1027, %dma_wait3A_1459] : memref<31744x768xf32, #tpu.memory_space<hbm>> -> memref<80x768xf32, #tpu.memory_space<hbm>>
    %dma_wait3A_1461 = arith.constant 0 : i32
    %dma_wait3A_1462 = tpu.memref_slice %arg5[%add3A_1027, %dma_wait3A_1461] : memref<31744x768xf32, #tpu.memory_space<hbm>> -> memref<80x768xf32, #tpu.memory_space<hbm>>
    %dma_wait3A_1463 = arith.constant 0 : i32
    %dma_wait3A_1464 = arith.constant 0 : i32
    %dma_wait3A_1465 = tpu.memref_slice %arg10[%dma_wait3A_1463, %dma_wait3A_1464] : memref<80x768xf32, #tpu.memory_space<vmem>> -> memref<80x768xf32, #tpu.memory_space<vmem>>
    tpu.wait_dma2 semaphore(%arg14 : memref<!tpu.dma_semaphore, #tpu.memory_space<semaphore_mem>>) src(%dma_wait3A_1465 : memref<80x768xf32, #tpu.memory_space<vmem>>) dst(%dma_wait3A_1462 : memref<80x768xf32, #tpu.memory_space<hbm>>)
    %dma_start3A_1466 = arith.constant 0 : i32
    %dma_start3A_1467 = arith.constant 0 : i32
    %dma_start3A_1468 = tpu.memref_slice %arg10[%dma_start3A_1466, %dma_start3A_1467] : memref<80x768xf32, #tpu.memory_space<vmem>> -> memref<80x768xf32, #tpu.memory_space<vmem>>
    %dma_start3A_1469 = arith.constant 240 : i32
    %dma_start3A_1470 = tpu.memref_slice %arg9[%dma_start3A_1469] : memref<512xi32, #tpu.memory_space<vmem>> -> memref<80xi32, #tpu.memory_space<vmem>>
    %dma_start3A_1471 = arith.constant 0 : i32
    %dma_start3A_1472 = arith.constant 0 : i32
    %dma_start3A_1473 = tpu.memref_slice %arg3[%add3A, %dma_start3A_1471, %dma_start3A_1472] : memref<32x197x768xf32, #tpu.memory_space<hbm>> -> memref<1x197x768xf32, #tpu.memory_space<hbm>>
    %dma_start3A_1474 = tpu.memref_squeeze %dma_start3A_1473 : memref<1x197x768xf32, #tpu.memory_space<hbm>> -> memref<197x768xf32, #tpu.memory_space<hbm>>
    %dma_start3A_1475 = arith.constant 0 : i32
    %dma_start3A_1476 = arith.constant 0 : i32
    %dma_start3A_1477 = tpu.memref_slice %dma_start3A_1474[%dma_start3A_1475, %dma_start3A_1476] : memref<197x768xf32, #tpu.memory_space<hbm>> -> memref<197x768xf32, #tpu.memory_space<hbm>>
    tpu.enqueue_indirect_dma source(%dma_start3A_1477 : memref<197x768xf32, #tpu.memory_space<hbm>>) target(%dma_start3A_1468 : memref<80x768xf32, #tpu.memory_space<vmem>>) offsets(%dma_start3A_1470 : memref<80xi32, #tpu.memory_space<vmem>>) semaphore(%arg12 : memref<!tpu.dma_semaphore, #tpu.memory_space<semaphore_mem>>)
    %dma_wait3A_1478 = arith.constant 0 : i32
    %dma_wait3A_1479 = arith.constant 0 : i32
    %dma_wait3A_1480 = tpu.memref_slice %arg10[%dma_wait3A_1478, %dma_wait3A_1479] : memref<80x768xf32, #tpu.memory_space<vmem>> -> memref<80x768xf32, #tpu.memory_space<vmem>>
    %dma_wait3A_1481 = arith.constant 240 : i32
    %dma_wait3A_1482 = tpu.memref_slice %arg9[%dma_wait3A_1481] : memref<512xi32, #tpu.memory_space<vmem>> -> memref<80xi32, #tpu.memory_space<vmem>>
    %dma_wait3A_1483 = arith.constant 0 : i32
    %dma_wait3A_1484 = arith.constant 0 : i32
    %dma_wait3A_1485 = tpu.memref_slice %arg3[%add3A, %dma_wait3A_1483, %dma_wait3A_1484] : memref<32x197x768xf32, #tpu.memory_space<hbm>> -> memref<1x197x768xf32, #tpu.memory_space<hbm>>
    %dma_wait3A_1486 = tpu.memref_squeeze %dma_wait3A_1485 : memref<1x197x768xf32, #tpu.memory_space<hbm>> -> memref<197x768xf32, #tpu.memory_space<hbm>>
    %dma_wait3A_1487 = arith.constant 0 : i32
    %dma_wait3A_1488 = arith.constant 0 : i32
    %dma_wait3A_1489 = tpu.memref_slice %dma_wait3A_1486[%dma_wait3A_1487, %dma_wait3A_1488] : memref<197x768xf32, #tpu.memory_space<hbm>> -> memref<197x768xf32, #tpu.memory_space<hbm>>
    tpu.wait_indirect_dma semaphore(%arg12 : memref<!tpu.dma_semaphore, #tpu.memory_space<semaphore_mem>>) src(%dma_wait3A_1489 : memref<197x768xf32, #tpu.memory_space<hbm>>) dst(%dma_wait3A_1480 : memref<80x768xf32, #tpu.memory_space<vmem>>)
    %dma_start3A_1490 = arith.constant 0 : i32
    %dma_start3A_1491 = arith.constant 0 : i32
    %dma_start3A_1492 = tpu.memref_slice %arg10[%dma_start3A_1490, %dma_start3A_1491] : memref<80x768xf32, #tpu.memory_space<vmem>> -> memref<80x768xf32, #tpu.memory_space<vmem>>
    %dma_start3A_1493 = arith.constant 0 : i32
    %dma_start3A_1494 = tpu.memref_slice %arg5[%add3A_1031, %dma_start3A_1493] : memref<31744x768xf32, #tpu.memory_space<hbm>> -> memref<80x768xf32, #tpu.memory_space<hbm>>
    %dma_start3A_1495 = arith.constant 0 : i32
    %dma_start3A_1496 = tpu.memref_slice %arg5[%add3A_1031, %dma_start3A_1495] : memref<31744x768xf32, #tpu.memory_space<hbm>> -> memref<80x768xf32, #tpu.memory_space<hbm>>
    %dma_start3A_1497 = arith.constant 0 : i32
    %dma_start3A_1498 = arith.constant 0 : i32
    %dma_start3A_1499 = tpu.memref_slice %arg10[%dma_start3A_1497, %dma_start3A_1498] : memref<80x768xf32, #tpu.memory_space<vmem>> -> memref<80x768xf32, #tpu.memory_space<vmem>>
    tpu.enqueue_dma source(%dma_start3A_1499 : memref<80x768xf32, #tpu.memory_space<vmem>>) target(%dma_start3A_1496 : memref<80x768xf32, #tpu.memory_space<hbm>>) target_semaphore(%arg14 : memref<!tpu.dma_semaphore, #tpu.memory_space<semaphore_mem>>)
    %dma_wait3A_1500 = arith.constant 0 : i32
    %dma_wait3A_1501 = arith.constant 0 : i32
    %dma_wait3A_1502 = tpu.memref_slice %arg11[%dma_wait3A_1500, %dma_wait3A_1501] : memref<80x768xf32, #tpu.memory_space<vmem>> -> memref<80x768xf32, #tpu.memory_space<vmem>>
    %dma_wait3A_1503 = arith.constant 0 : i32
    %dma_wait3A_1504 = tpu.memref_slice %arg5[%add3A_1029, %dma_wait3A_1503] : memref<31744x768xf32, #tpu.memory_space<hbm>> -> memref<80x768xf32, #tpu.memory_space<hbm>>
    %dma_wait3A_1505 = arith.constant 0 : i32
    %dma_wait3A_1506 = tpu.memref_slice %arg5[%add3A_1029, %dma_wait3A_1505] : memref<31744x768xf32, #tpu.memory_space<hbm>> -> memref<80x768xf32, #tpu.memory_space<hbm>>
    %dma_wait3A_1507 = arith.constant 0 : i32
    %dma_wait3A_1508 = arith.constant 0 : i32
    %dma_wait3A_1509 = tpu.memref_slice %arg11[%dma_wait3A_1507, %dma_wait3A_1508] : memref<80x768xf32, #tpu.memory_space<vmem>> -> memref<80x768xf32, #tpu.memory_space<vmem>>
    tpu.wait_dma2 semaphore(%arg15 : memref<!tpu.dma_semaphore, #tpu.memory_space<semaphore_mem>>) src(%dma_wait3A_1509 : memref<80x768xf32, #tpu.memory_space<vmem>>) dst(%dma_wait3A_1506 : memref<80x768xf32, #tpu.memory_space<hbm>>)
    %dma_start3A_1510 = arith.constant 0 : i32
    %dma_start3A_1511 = arith.constant 0 : i32
    %dma_start3A_1512 = tpu.memref_slice %arg11[%dma_start3A_1510, %dma_start3A_1511] : memref<80x768xf32, #tpu.memory_space<vmem>> -> memref<80x768xf32, #tpu.memory_space<vmem>>
    %dma_start3A_1513 = arith.constant 320 : i32
    %dma_start3A_1514 = tpu.memref_slice %arg9[%dma_start3A_1513] : memref<512xi32, #tpu.memory_space<vmem>> -> memref<80xi32, #tpu.memory_space<vmem>>
    %dma_start3A_1515 = arith.constant 0 : i32
    %dma_start3A_1516 = arith.constant 0 : i32
    %dma_start3A_1517 = tpu.memref_slice %arg3[%add3A, %dma_start3A_1515, %dma_start3A_1516] : memref<32x197x768xf32, #tpu.memory_space<hbm>> -> memref<1x197x768xf32, #tpu.memory_space<hbm>>
    %dma_start3A_1518 = tpu.memref_squeeze %dma_start3A_1517 : memref<1x197x768xf32, #tpu.memory_space<hbm>> -> memref<197x768xf32, #tpu.memory_space<hbm>>
    %dma_start3A_1519 = arith.constant 0 : i32
    %dma_start3A_1520 = arith.constant 0 : i32
    %dma_start3A_1521 = tpu.memref_slice %dma_start3A_1518[%dma_start3A_1519, %dma_start3A_1520] : memref<197x768xf32, #tpu.memory_space<hbm>> -> memref<197x768xf32, #tpu.memory_space<hbm>>
    tpu.enqueue_indirect_dma source(%dma_start3A_1521 : memref<197x768xf32, #tpu.memory_space<hbm>>) target(%dma_start3A_1512 : memref<80x768xf32, #tpu.memory_space<vmem>>) offsets(%dma_start3A_1514 : memref<80xi32, #tpu.memory_space<vmem>>) semaphore(%arg13 : memref<!tpu.dma_semaphore, #tpu.memory_space<semaphore_mem>>)
    %dma_wait3A_1522 = arith.constant 0 : i32
    %dma_wait3A_1523 = arith.constant 0 : i32
    %dma_wait3A_1524 = tpu.memref_slice %arg11[%dma_wait3A_1522, %dma_wait3A_1523] : memref<80x768xf32, #tpu.memory_space<vmem>> -> memref<80x768xf32, #tpu.memory_space<vmem>>
    %dma_wait3A_1525 = arith.constant 320 : i32
    %dma_wait3A_1526 = tpu.memref_slice %arg9[%dma_wait3A_1525] : memref<512xi32, #tpu.memory_space<vmem>> -> memref<80xi32, #tpu.memory_space<vmem>>
    %dma_wait3A_1527 = arith.constant 0 : i32
    %dma_wait3A_1528 = arith.constant 0 : i32
    %dma_wait3A_1529 = tpu.memref_slice %arg3[%add3A, %dma_wait3A_1527, %dma_wait3A_1528] : memref<32x197x768xf32, #tpu.memory_space<hbm>> -> memref<1x197x768xf32, #tpu.memory_space<hbm>>
    %dma_wait3A_1530 = tpu.memref_squeeze %dma_wait3A_1529 : memref<1x197x768xf32, #tpu.memory_space<hbm>> -> memref<197x768xf32, #tpu.memory_space<hbm>>
    %dma_wait3A_1531 = arith.constant 0 : i32
    %dma_wait3A_1532 = arith.constant 0 : i32
    %dma_wait3A_1533 = tpu.memref_slice %dma_wait3A_1530[%dma_wait3A_1531, %dma_wait3A_1532] : memref<197x768xf32, #tpu.memory_space<hbm>> -> memref<197x768xf32, #tpu.memory_space<hbm>>
    tpu.wait_indirect_dma semaphore(%arg13 : memref<!tpu.dma_semaphore, #tpu.memory_space<semaphore_mem>>) src(%dma_wait3A_1533 : memref<197x768xf32, #tpu.memory_space<hbm>>) dst(%dma_wait3A_1524 : memref<80x768xf32, #tpu.memory_space<vmem>>)
    %dma_start3A_1534 = arith.constant 0 : i32
    %dma_start3A_1535 = arith.constant 0 : i32
    %dma_start3A_1536 = tpu.memref_slice %arg11[%dma_start3A_1534, %dma_start3A_1535] : memref<80x768xf32, #tpu.memory_space<vmem>> -> memref<80x768xf32, #tpu.memory_space<vmem>>
    %dma_start3A_1537 = arith.constant 0 : i32
    %dma_start3A_1538 = tpu.memref_slice %arg5[%add3A_1033, %dma_start3A_1537] : memref<31744x768xf32, #tpu.memory_space<hbm>> -> memref<80x768xf32, #tpu.memory_space<hbm>>
    %dma_start3A_1539 = arith.constant 0 : i32
    %dma_start3A_1540 = tpu.memref_slice %arg5[%add3A_1033, %dma_start3A_1539] : memref<31744x768xf32, #tpu.memory_space<hbm>> -> memref<80x768xf32, #tpu.memory_space<hbm>>
    %dma_start3A_1541 = arith.constant 0 : i32
    %dma_start3A_1542 = arith.constant 0 : i32
    %dma_start3A_1543 = tpu.memref_slice %arg11[%dma_start3A_1541, %dma_start3A_1542] : memref<80x768xf32, #tpu.memory_space<vmem>> -> memref<80x768xf32, #tpu.memory_space<vmem>>
    tpu.enqueue_dma source(%dma_start3A_1543 : memref<80x768xf32, #tpu.memory_space<vmem>>) target(%dma_start3A_1540 : memref<80x768xf32, #tpu.memory_space<hbm>>) target_semaphore(%arg15 : memref<!tpu.dma_semaphore, #tpu.memory_space<semaphore_mem>>)
    %dma_wait3A_1544 = arith.constant 0 : i32
    %dma_wait3A_1545 = arith.constant 0 : i32
    %dma_wait3A_1546 = tpu.memref_slice %arg10[%dma_wait3A_1544, %dma_wait3A_1545] : memref<80x768xf32, #tpu.memory_space<vmem>> -> memref<80x768xf32, #tpu.memory_space<vmem>>
    %dma_wait3A_1547 = arith.constant 0 : i32
    %dma_wait3A_1548 = tpu.memref_slice %arg5[%add3A_1031, %dma_wait3A_1547] : memref<31744x768xf32, #tpu.memory_space<hbm>> -> memref<80x768xf32, #tpu.memory_space<hbm>>
    %dma_wait3A_1549 = arith.constant 0 : i32
    %dma_wait3A_1550 = tpu.memref_slice %arg5[%add3A_1031, %dma_wait3A_1549] : memref<31744x768xf32, #tpu.memory_space<hbm>> -> memref<80x768xf32, #tpu.memory_space<hbm>>
    %dma_wait3A_1551 = arith.constant 0 : i32
    %dma_wait3A_1552 = arith.constant 0 : i32
    %dma_wait3A_1553 = tpu.memref_slice %arg10[%dma_wait3A_1551, %dma_wait3A_1552] : memref<80x768xf32, #tpu.memory_space<vmem>> -> memref<80x768xf32, #tpu.memory_space<vmem>>
    tpu.wait_dma2 semaphore(%arg14 : memref<!tpu.dma_semaphore, #tpu.memory_space<semaphore_mem>>) src(%dma_wait3A_1553 : memref<80x768xf32, #tpu.memory_space<vmem>>) dst(%dma_wait3A_1550 : memref<80x768xf32, #tpu.memory_space<hbm>>)
    %dma_start3A_1554 = arith.constant 0 : i32
    %dma_start3A_1555 = arith.constant 0 : i32
    %dma_start3A_1556 = tpu.memref_slice %arg10[%dma_start3A_1554, %dma_start3A_1555] : memref<80x768xf32, #tpu.memory_space<vmem>> -> memref<80x768xf32, #tpu.memory_space<vmem>>
    %dma_start3A_1557 = arith.constant 400 : i32
    %dma_start3A_1558 = tpu.memref_slice %arg9[%dma_start3A_1557] : memref<512xi32, #tpu.memory_space<vmem>> -> memref<80xi32, #tpu.memory_space<vmem>>
    %dma_start3A_1559 = arith.constant 0 : i32
    %dma_start3A_1560 = arith.constant 0 : i32
    %dma_start3A_1561 = tpu.memref_slice %arg3[%add3A, %dma_start3A_1559, %dma_start3A_1560] : memref<32x197x768xf32, #tpu.memory_space<hbm>> -> memref<1x197x768xf32, #tpu.memory_space<hbm>>
    %dma_start3A_1562 = tpu.memref_squeeze %dma_start3A_1561 : memref<1x197x768xf32, #tpu.memory_space<hbm>> -> memref<197x768xf32, #tpu.memory_space<hbm>>
    %dma_start3A_1563 = arith.constant 0 : i32
    %dma_start3A_1564 = arith.constant 0 : i32
    %dma_start3A_1565 = tpu.memref_slice %dma_start3A_1562[%dma_start3A_1563, %dma_start3A_1564] : memref<197x768xf32, #tpu.memory_space<hbm>> -> memref<197x768xf32, #tpu.memory_space<hbm>>
    tpu.enqueue_indirect_dma source(%dma_start3A_1565 : memref<197x768xf32, #tpu.memory_space<hbm>>) target(%dma_start3A_1556 : memref<80x768xf32, #tpu.memory_space<vmem>>) offsets(%dma_start3A_1558 : memref<80xi32, #tpu.memory_space<vmem>>) semaphore(%arg12 : memref<!tpu.dma_semaphore, #tpu.memory_space<semaphore_mem>>)
    %dma_wait3A_1566 = arith.constant 0 : i32
    %dma_wait3A_1567 = arith.constant 0 : i32
    %dma_wait3A_1568 = tpu.memref_slice %arg10[%dma_wait3A_1566, %dma_wait3A_1567] : memref<80x768xf32, #tpu.memory_space<vmem>> -> memref<80x768xf32, #tpu.memory_space<vmem>>
    %dma_wait3A_1569 = arith.constant 400 : i32
    %dma_wait3A_1570 = tpu.memref_slice %arg9[%dma_wait3A_1569] : memref<512xi32, #tpu.memory_space<vmem>> -> memref<80xi32, #tpu.memory_space<vmem>>
    %dma_wait3A_1571 = arith.constant 0 : i32
    %dma_wait3A_1572 = arith.constant 0 : i32
    %dma_wait3A_1573 = tpu.memref_slice %arg3[%add3A, %dma_wait3A_1571, %dma_wait3A_1572] : memref<32x197x768xf32, #tpu.memory_space<hbm>> -> memref<1x197x768xf32, #tpu.memory_space<hbm>>
    %dma_wait3A_1574 = tpu.memref_squeeze %dma_wait3A_1573 : memref<1x197x768xf32, #tpu.memory_space<hbm>> -> memref<197x768xf32, #tpu.memory_space<hbm>>
    %dma_wait3A_1575 = arith.constant 0 : i32
    %dma_wait3A_1576 = arith.constant 0 : i32
    %dma_wait3A_1577 = tpu.memref_slice %dma_wait3A_1574[%dma_wait3A_1575, %dma_wait3A_1576] : memref<197x768xf32, #tpu.memory_space<hbm>> -> memref<197x768xf32, #tpu.memory_space<hbm>>
    tpu.wait_indirect_dma semaphore(%arg12 : memref<!tpu.dma_semaphore, #tpu.memory_space<semaphore_mem>>) src(%dma_wait3A_1577 : memref<197x768xf32, #tpu.memory_space<hbm>>) dst(%dma_wait3A_1568 : memref<80x768xf32, #tpu.memory_space<vmem>>)
    %dma_start3A_1578 = arith.constant 0 : i32
    %dma_start3A_1579 = arith.constant 0 : i32
    %dma_start3A_1580 = tpu.memref_slice %arg10[%dma_start3A_1578, %dma_start3A_1579] : memref<80x768xf32, #tpu.memory_space<vmem>> -> memref<80x768xf32, #tpu.memory_space<vmem>>
    %dma_start3A_1581 = arith.constant 0 : i32
    %dma_start3A_1582 = tpu.memref_slice %arg5[%add3A_1035, %dma_start3A_1581] : memref<31744x768xf32, #tpu.memory_space<hbm>> -> memref<80x768xf32, #tpu.memory_space<hbm>>
    %dma_start3A_1583 = arith.constant 0 : i32
    %dma_start3A_1584 = tpu.memref_slice %arg5[%add3A_1035, %dma_start3A_1583] : memref<31744x768xf32, #tpu.memory_space<hbm>> -> memref<80x768xf32, #tpu.memory_space<hbm>>
    %dma_start3A_1585 = arith.constant 0 : i32
    %dma_start3A_1586 = arith.constant 0 : i32
    %dma_start3A_1587 = tpu.memref_slice %arg10[%dma_start3A_1585, %dma_start3A_1586] : memref<80x768xf32, #tpu.memory_space<vmem>> -> memref<80x768xf32, #tpu.memory_space<vmem>>
    tpu.enqueue_dma source(%dma_start3A_1587 : memref<80x768xf32, #tpu.memory_space<vmem>>) target(%dma_start3A_1584 : memref<80x768xf32, #tpu.memory_space<hbm>>) target_semaphore(%arg14 : memref<!tpu.dma_semaphore, #tpu.memory_space<semaphore_mem>>)
    %dma_wait3A_1588 = arith.constant 0 : i32
    %dma_wait3A_1589 = arith.constant 0 : i32
    %dma_wait3A_1590 = tpu.memref_slice %arg11[%dma_wait3A_1588, %dma_wait3A_1589] : memref<80x768xf32, #tpu.memory_space<vmem>> -> memref<80x768xf32, #tpu.memory_space<vmem>>
    %dma_wait3A_1591 = arith.constant 0 : i32
    %dma_wait3A_1592 = tpu.memref_slice %arg5[%add3A_1033, %dma_wait3A_1591] : memref<31744x768xf32, #tpu.memory_space<hbm>> -> memref<80x768xf32, #tpu.memory_space<hbm>>
    %dma_wait3A_1593 = arith.constant 0 : i32
    %dma_wait3A_1594 = tpu.memref_slice %arg5[%add3A_1033, %dma_wait3A_1593] : memref<31744x768xf32, #tpu.memory_space<hbm>> -> memref<80x768xf32, #tpu.memory_space<hbm>>
    %dma_wait3A_1595 = arith.constant 0 : i32
    %dma_wait3A_1596 = arith.constant 0 : i32
    %dma_wait3A_1597 = tpu.memref_slice %arg11[%dma_wait3A_1595, %dma_wait3A_1596] : memref<80x768xf32, #tpu.memory_space<vmem>> -> memref<80x768xf32, #tpu.memory_space<vmem>>
    tpu.wait_dma2 semaphore(%arg15 : memref<!tpu.dma_semaphore, #tpu.memory_space<semaphore_mem>>) src(%dma_wait3A_1597 : memref<80x768xf32, #tpu.memory_space<vmem>>) dst(%dma_wait3A_1594 : memref<80x768xf32, #tpu.memory_space<hbm>>)
    %dma_start3A_1598 = arith.constant 0 : i32
    %dma_start3A_1599 = arith.constant 0 : i32
    %dma_start3A_1600 = tpu.memref_slice %arg11[%dma_start3A_1598, %dma_start3A_1599] : memref<80x768xf32, #tpu.memory_space<vmem>> -> memref<16x768xf32, #tpu.memory_space<vmem>>
    %dma_start3A_1601 = arith.constant 480 : i32
    %dma_start3A_1602 = tpu.memref_slice %arg9[%dma_start3A_1601] : memref<512xi32, #tpu.memory_space<vmem>> -> memref<16xi32, #tpu.memory_space<vmem>>
    %dma_start3A_1603 = arith.constant 0 : i32
    %dma_start3A_1604 = arith.constant 0 : i32
    %dma_start3A_1605 = tpu.memref_slice %arg3[%add3A, %dma_start3A_1603, %dma_start3A_1604] : memref<32x197x768xf32, #tpu.memory_space<hbm>> -> memref<1x197x768xf32, #tpu.memory_space<hbm>>
    %dma_start3A_1606 = tpu.memref_squeeze %dma_start3A_1605 : memref<1x197x768xf32, #tpu.memory_space<hbm>> -> memref<197x768xf32, #tpu.memory_space<hbm>>
    %dma_start3A_1607 = arith.constant 0 : i32
    %dma_start3A_1608 = arith.constant 0 : i32
    %dma_start3A_1609 = tpu.memref_slice %dma_start3A_1606[%dma_start3A_1607, %dma_start3A_1608] : memref<197x768xf32, #tpu.memory_space<hbm>> -> memref<197x768xf32, #tpu.memory_space<hbm>>
    tpu.enqueue_indirect_dma source(%dma_start3A_1609 : memref<197x768xf32, #tpu.memory_space<hbm>>) target(%dma_start3A_1600 : memref<16x768xf32, #tpu.memory_space<vmem>>) offsets(%dma_start3A_1602 : memref<16xi32, #tpu.memory_space<vmem>>) semaphore(%arg13 : memref<!tpu.dma_semaphore, #tpu.memory_space<semaphore_mem>>)
    %dma_wait3A_1610 = arith.constant 0 : i32
    %dma_wait3A_1611 = arith.constant 0 : i32
    %dma_wait3A_1612 = tpu.memref_slice %arg11[%dma_wait3A_1610, %dma_wait3A_1611] : memref<80x768xf32, #tpu.memory_space<vmem>> -> memref<16x768xf32, #tpu.memory_space<vmem>>
    %dma_wait3A_1613 = arith.constant 480 : i32
    %dma_wait3A_1614 = tpu.memref_slice %arg9[%dma_wait3A_1613] : memref<512xi32, #tpu.memory_space<vmem>> -> memref<16xi32, #tpu.memory_space<vmem>>
    %dma_wait3A_1615 = arith.constant 0 : i32
    %dma_wait3A_1616 = arith.constant 0 : i32
    %dma_wait3A_1617 = tpu.memref_slice %arg3[%add3A, %dma_wait3A_1615, %dma_wait3A_1616] : memref<32x197x768xf32, #tpu.memory_space<hbm>> -> memref<1x197x768xf32, #tpu.memory_space<hbm>>
    %dma_wait3A_1618 = tpu.memref_squeeze %dma_wait3A_1617 : memref<1x197x768xf32, #tpu.memory_space<hbm>> -> memref<197x768xf32, #tpu.memory_space<hbm>>
    %dma_wait3A_1619 = arith.constant 0 : i32
    %dma_wait3A_1620 = arith.constant 0 : i32
    %dma_wait3A_1621 = tpu.memref_slice %dma_wait3A_1618[%dma_wait3A_1619, %dma_wait3A_1620] : memref<197x768xf32, #tpu.memory_space<hbm>> -> memref<197x768xf32, #tpu.memory_space<hbm>>
    tpu.wait_indirect_dma semaphore(%arg13 : memref<!tpu.dma_semaphore, #tpu.memory_space<semaphore_mem>>) src(%dma_wait3A_1621 : memref<197x768xf32, #tpu.memory_space<hbm>>) dst(%dma_wait3A_1612 : memref<16x768xf32, #tpu.memory_space<vmem>>)
    %dma_start3A_1622 = arith.constant 0 : i32
    %dma_start3A_1623 = arith.constant 0 : i32
    %dma_start3A_1624 = tpu.memref_slice %arg11[%dma_start3A_1622, %dma_start3A_1623] : memref<80x768xf32, #tpu.memory_space<vmem>> -> memref<16x768xf32, #tpu.memory_space<vmem>>
    %dma_start3A_1625 = arith.constant 0 : i32
    %dma_start3A_1626 = tpu.memref_slice %arg5[%add3A_1037, %dma_start3A_1625] : memref<31744x768xf32, #tpu.memory_space<hbm>> -> memref<16x768xf32, #tpu.memory_space<hbm>>
    %dma_start3A_1627 = arith.constant 0 : i32
    %dma_start3A_1628 = tpu.memref_slice %arg5[%add3A_1037, %dma_start3A_1627] : memref<31744x768xf32, #tpu.memory_space<hbm>> -> memref<16x768xf32, #tpu.memory_space<hbm>>
    %dma_start3A_1629 = arith.constant 0 : i32
    %dma_start3A_1630 = arith.constant 0 : i32
    %dma_start3A_1631 = tpu.memref_slice %arg11[%dma_start3A_1629, %dma_start3A_1630] : memref<80x768xf32, #tpu.memory_space<vmem>> -> memref<16x768xf32, #tpu.memory_space<vmem>>
    tpu.enqueue_dma source(%dma_start3A_1631 : memref<16x768xf32, #tpu.memory_space<vmem>>) target(%dma_start3A_1628 : memref<16x768xf32, #tpu.memory_space<hbm>>) target_semaphore(%arg15 : memref<!tpu.dma_semaphore, #tpu.memory_space<semaphore_mem>>)
    %dma_wait3A_1632 = arith.constant 0 : i32
    %dma_wait3A_1633 = arith.constant 0 : i32
    %dma_wait3A_1634 = tpu.memref_slice %arg10[%dma_wait3A_1632, %dma_wait3A_1633] : memref<80x768xf32, #tpu.memory_space<vmem>> -> memref<80x768xf32, #tpu.memory_space<vmem>>
    %dma_wait3A_1635 = arith.constant 0 : i32
    %dma_wait3A_1636 = tpu.memref_slice %arg5[%add3A_1035, %dma_wait3A_1635] : memref<31744x768xf32, #tpu.memory_space<hbm>> -> memref<80x768xf32, #tpu.memory_space<hbm>>
    %dma_wait3A_1637 = arith.constant 0 : i32
    %dma_wait3A_1638 = tpu.memref_slice %arg5[%add3A_1035, %dma_wait3A_1637] : memref<31744x768xf32, #tpu.memory_space<hbm>> -> memref<80x768xf32, #tpu.memory_space<hbm>>
    %dma_wait3A_1639 = arith.constant 0 : i32
    %dma_wait3A_1640 = arith.constant 0 : i32
    %dma_wait3A_1641 = tpu.memref_slice %arg10[%dma_wait3A_1639, %dma_wait3A_1640] : memref<80x768xf32, #tpu.memory_space<vmem>> -> memref<80x768xf32, #tpu.memory_space<vmem>>
    tpu.wait_dma2 semaphore(%arg14 : memref<!tpu.dma_semaphore, #tpu.memory_space<semaphore_mem>>) src(%dma_wait3A_1641 : memref<80x768xf32, #tpu.memory_space<vmem>>) dst(%dma_wait3A_1638 : memref<80x768xf32, #tpu.memory_space<hbm>>)
    %dma_wait3A_1642 = arith.constant 0 : i32
    %dma_wait3A_1643 = arith.constant 0 : i32
    %dma_wait3A_1644 = tpu.memref_slice %arg11[%dma_wait3A_1642, %dma_wait3A_1643] : memref<80x768xf32, #tpu.memory_space<vmem>> -> memref<16x768xf32, #tpu.memory_space<vmem>>
    %dma_wait3A_1645 = arith.constant 0 : i32
    %dma_wait3A_1646 = tpu.memref_slice %arg5[%add3A_1037, %dma_wait3A_1645] : memref<31744x768xf32, #tpu.memory_space<hbm>> -> memref<16x768xf32, #tpu.memory_space<hbm>>
    %dma_wait3A_1647 = arith.constant 0 : i32
    %dma_wait3A_1648 = tpu.memref_slice %arg5[%add3A_1037, %dma_wait3A_1647] : memref<31744x768xf32, #tpu.memory_space<hbm>> -> memref<16x768xf32, #tpu.memory_space<hbm>>
    %dma_wait3A_1649 = arith.constant 0 : i32
    %dma_wait3A_1650 = arith.constant 0 : i32
    %dma_wait3A_1651 = tpu.memref_slice %arg11[%dma_wait3A_1649, %dma_wait3A_1650] : memref<80x768xf32, #tpu.memory_space<vmem>> -> memref<16x768xf32, #tpu.memory_space<vmem>>
    tpu.wait_dma2 semaphore(%arg15 : memref<!tpu.dma_semaphore, #tpu.memory_space<semaphore_mem>>) src(%dma_wait3A_1651 : memref<16x768xf32, #tpu.memory_space<vmem>>) dst(%dma_wait3A_1648 : memref<16x768xf32, #tpu.memory_space<hbm>>)
    return
  }
}

module attributes {stable_mosaic.version = 14 : i64} {
  func.func @_rank_body(%arg0: i32, %arg1: memref<1x1x720xf32, #tpu.memory_space<vmem>>, %arg2: memref<1x720x1xf32, #tpu.memory_space<vmem>>, %arg3: memref<1x8x720xf32, #tpu.memory_space<vmem>>) attributes {dimension_semantics = [#tpu.dimension_semantics<arbitrary>], iteration_bounds = array<i64: 32>, scalar_prefetch = 0 : i64, scratch_operands = 0 : i64, tpu.core_type = #tpu.core_type<tc>, window_params = [{transform_indices = @transform_0, window_bounds = array<i64: 1, 1, 720>}, {transform_indices = @transform_1, window_bounds = array<i64: 1, 720, 1>}, {transform_indices = @transform_2, window_bounds = array<i64: 1, 8, 720>}]} {
    %get3A = arith.constant 0 : index
    %get3A_0 = arith.constant 0 : index
    %get3A_1 = arith.constant 0 : index
    %get3A_2 = vector.load %arg1[%get3A, %get3A_0, %get3A_1] : memref<1x1x720xf32, #tpu.memory_space<vmem>>, vector<1x1x720xf32>
    %get3A_3 = vector.shape_cast %get3A_2 : vector<1x1x720xf32> to vector<1x720xf32>
    %get3A_4 = arith.constant 0 : index
    %get3A_5 = arith.constant 0 : index
    %get3A_6 = arith.constant 0 : index
    %get3A_7 = vector.load %arg2[%get3A_4, %get3A_5, %get3A_6] : memref<1x720x1xf32, #tpu.memory_space<vmem>>, vector<1x720x1xf32>
    %get3A_8 = vector.shape_cast %get3A_7 : vector<1x720x1xf32> to vector<720x1xf32>
    %broadcast_in_dim3A = vector.shape_cast %get3A_3 : vector<1x720xf32> to vector<1x720xf32>
    %broadcast_in_dim3A_9 = vector.broadcast %broadcast_in_dim3A : vector<1x720xf32> to vector<720x720xf32>
    %broadcast_in_dim3A_10 = vector.shape_cast %get3A_8 : vector<720x1xf32> to vector<720x1xf32>
    %broadcast_in_dim3A_11 = vector.broadcast %broadcast_in_dim3A_10 : vector<720x1xf32> to vector<720x720xf32>
    %iota3A = tpu.iota {dimensions = array<i32: 0>} : vector<720x720xi32>
    %iota3A_12 = tpu.iota {dimensions = array<i32: 1>} : vector<720x720xi32>
    %gt3A = arith.cmpf ogt, %broadcast_in_dim3A_11, %broadcast_in_dim3A_9 : vector<720x720xf32>
    %eq3A = arith.cmpf oeq, %broadcast_in_dim3A_11, %broadcast_in_dim3A_9 : vector<720x720xf32>
    %lt3A = arith.cmpi slt, %iota3A, %iota3A_12 : vector<720x720xi32>
    %and3A = arith.andi %eq3A, %lt3A : vector<720x720xi1>
    %or3A = arith.ori %gt3A, %and3A : vector<720x720xi1>
    %convert_element_type3A = arith.extui %or3A : vector<720x720xi1> to vector<720x720xi32>
    %convert_element_type3A_13 = arith.sitofp %convert_element_type3A : vector<720x720xi32> to vector<720x720xf32>
    %iota3A_14 = tpu.iota {dimensions = array<i32: 0>} : vector<8x720xi32>
    %iota3A_15 = tpu.iota {dimensions = array<i32: 1>} : vector<8x720xi32>
    %eq3A_16 = arith.constant 0 : i32
    %eq3A_17 = vector.broadcast %eq3A_16 : i32 to vector<8x720xi32>
    %eq3A_18 = arith.cmpi eq, %iota3A_14, %eq3A_17 : vector<8x720xi32>
    %lt3A_19 = arith.constant 512 : i32
    %lt3A_20 = vector.broadcast %lt3A_19 : i32 to vector<8x720xi32>
    %lt3A_21 = arith.cmpi slt, %iota3A_15, %lt3A_20 : vector<8x720xi32>
    %convert_element_type3A_22 = arith.extui %lt3A_21 : vector<8x720xi1> to vector<8x720xi32>
    %convert_element_type3A_23 = arith.sitofp %convert_element_type3A_22 : vector<8x720xi32> to vector<8x720xf32>
    %eq3A_24 = arith.constant 1 : i32
    %eq3A_25 = vector.broadcast %eq3A_24 : i32 to vector<8x720xi32>
    %eq3A_26 = arith.cmpi eq, %iota3A_14, %eq3A_25 : vector<8x720xi32>
    %ge3A = arith.constant 512 : i32
    %ge3A_27 = vector.broadcast %ge3A : i32 to vector<8x720xi32>
    %ge3A_28 = arith.cmpi sge, %iota3A_15, %ge3A_27 : vector<8x720xi32>
    %convert_element_type3A_29 = arith.extui %ge3A_28 : vector<8x720xi1> to vector<8x720xi32>
    %convert_element_type3A_30 = arith.sitofp %convert_element_type3A_29 : vector<8x720xi32> to vector<8x720xf32>
    %jit3A = arith.constant 0.000000e+00 : f32
    %broadcast_in_dim3A_31 = vector.broadcast %jit3A : f32 to vector<8x720xf32>
    %select_n3A = arith.select %eq3A_26, %convert_element_type3A_30, %broadcast_in_dim3A_31 : vector<8x720xi1>, vector<8x720xf32>
    %select_n3A_32 = arith.select %eq3A_18, %convert_element_type3A_23, %select_n3A : vector<8x720xi1>, vector<8x720xf32>
    %dot_general3A = arith.constant dense<0.000000e+00> : vector<8x720xf32>
    %dot_general3A_33 = tpu.matmul %select_n3A_32, %convert_element_type3A_13, %dot_general3A {dimension_numbers = #tpu.dot_dimension_numbers<[1], [0], [0], [1], [0, 0, 1, 1], [], []>, transpose_lhs_hint = false} : vector<8x720xf32>, vector<720x720xf32>, vector<8x720xf32> -> vector<8x720xf32>
    %swap3A = arith.constant 0 : index
    %swap3A_34 = arith.constant 0 : index
    %swap3A_35 = arith.constant 0 : index
    %swap3A_36 = vector.load %arg3[%swap3A, %swap3A_34, %swap3A_35] : memref<1x8x720xf32, #tpu.memory_space<vmem>>, vector<1x8x720xf32>
    %swap3A_37 = vector.shape_cast %swap3A_36 : vector<1x8x720xf32> to vector<8x720xf32>
    %swap3A_38 = vector.shape_cast %dot_general3A_33 : vector<8x720xf32> to vector<1x8x720xf32>
    tpu.vector_store %arg3[%swap3A, %swap3A_34, %swap3A_35], %swap3A_38 {strides = array<i32>} : memref<1x8x720xf32, #tpu.memory_space<vmem>>, vector<1x8x720xf32>,
    return
  }
  func.func @transform_0(%arg0: i32) -> (i32, i32, i32) {
    %c0_i32 = arith.constant 0 : i32
    %c0_i32_0 = arith.constant 0 : i32
    %c0_i32_1 = arith.constant 0 : i32
    return %arg0, %c0_i32, %c0_i32_0 : i32, i32, i32
  }
  func.func @transform_1(%arg0: i32) -> (i32, i32, i32) {
    %c0_i32 = arith.constant 0 : i32
    %c0_i32_0 = arith.constant 0 : i32
    %c0_i32_1 = arith.constant 0 : i32
    return %arg0, %c0_i32, %c0_i32_0 : i32, i32, i32
  }
  func.func @transform_2(%arg0: i32) -> (i32, i32, i32) {
    %c0_i32 = arith.constant 0 : i32
    %c0_i32_0 = arith.constant 0 : i32
    %c0_i32_1 = arith.constant 0 : i32
    return %arg0, %c0_i32, %c0_i32_0 : i32, i32, i32
  }
}

</mosaic_0001>

<sc_bundles>
// kernel: kernel.4.cloned.1.call-start
scs
__scs_entry_jumppad:
0x0: {  	(pc) =	sbr.rel $0x88, $3  }
0x1: {  	(tag) =	ssettag $0x0;
	lr =	simm.s32 $0x1  }
0x2: {  	[smem:$0x3F95] =	sst lr;
	_ =	strace $0xD0000000  }
0x3: {  	_ = 	snop  }
0x4: {  	_ = 	snop  }
0x5: {  	_ = 	snop  }
0x6: {  	_ = 	snop  }
0x7: {  	_ = 	snop  }
__scs_overlays_trampoline_lowered:
0x8: {  	[smem:$0x3FA4] =	sst s0  }
0x9: {  	[smem:$0x3FA5] =	sst s1  }
0xa: {  	[smem:$0x3FA6] =	sst s2  }
0xb: {  	[smem:$0x3FA7] =	sst s3  }
0xc: {  	[smem:$0x3FA8] =	sst s4  }
0xd: {  	[smem:$0x3FA9] =	sst s5  }
0xe: {  	[smem:$0x3FAA] =	sst s6  }
0xf: {  	[smem:$0x3FAB] =	sst s7  }
0x10: {  	[smem:$0x3FAC] =	sst s8  }
0x11: {  	[smem:$0x3FAD] =	sst s9;
	s0 =	simm.s32 @!p0 $0x0  }
0x12: {  	s1 =	sld [smem:$0x3F93];
	s0 =	simm.s32 @p0 $0x1  }
0x13: {  	[smem:$0x3FAE] =	sst s0;
	s0 =	simm.s32 @!p1 $0x0  }
0x14: {  	s2 =	sld [smem:$0x3F92];
	s0 =	simm.s32 @p1 $0x1  }
0x15: {  	[smem:$0x3FAF] =	sst s0;
	s0 =	simm.s32 @!p2 $0x0  }
0x16: {  	s3 =	sld [smem:$0x3FDB];
	s0 =	simm.s32 @p2 $0x1  }
0x17: {  	s4 =	simm.s32 $0x1BF5;
	[smem:$0x3FB1] =	sst s0  }
0x18: {  	s0 =	sld [smem:$0x3F94];
	_ =	swait.ge [sflag:s4], $0x0  }
0x19: {  	s7 =	sld [smem:$0x3F95]  }
0x1a: {  	s8 =	sadd.s32 $0xFFFFE003, lr  }
0x1b: {  	s9 =	sadd.s32 $0xFFFFFEF7, lr;
	s5 =	simm.s32 $0xFFFFFFFF;
	p2 =	slt.u32 s8, $0xFFFFF086  }
0x1c: {  	p1 =	slt.u32 s9, $0xF7A;
	s5 =	simm.s32 @!p2 $0x0  }
0x1d: {  	s5 =	simm.s32 @p1 $0x1;
	p0 =	seq.s32 s7, s2  }
0x1e: {  	s7 =	smul.u32 @!p0 $0xF7A, s2;
	p2 =	seq.s32 @!p0 s5, $0x0  }
0x1f: {  	s9 =	smul.u32 $0xF7A, s1;
	s8 =	simm.s32 @!p0 $0x1BF5;
	p2 =	por !p2, p0  }
0x20: {  	[sflag:s8] =	ssyncset.s32 @!p0 $0xFFFFF086;
	s6 =	sadd.s32 @!p0 s3, s7;
	s7 =	simm.s32 @!p0 $0x108  }
0x21: {  	s3 =	sadd.s32 s3, s9;
	s6 =	sadd.s32 @!p0 $0x88, s6;
	s7 =	simm.s32 @p2 $0x1082  }
0x22: {  	[simem:s7], [sflag:s8] =	dma.local @!p0 [hbm:s6], $0xF7A  }
0x23: {  	s9 =	sor.u32 $0xD0000000, s2;
	s6 =	simm.s32 $0x108;
	_ =	swait.ge @!p0 [sflag:s8], $0x0  }
0x24: {  	s3 =	sadd.s32 $0x88, s3;
	s6 =	simm.s32 @!p1 $0x1082;
	[sflag:s4] =	ssyncset.s32 $0xFFFFF086  }
0x25: {  	[simem:s6], [sflag:s4] =	dma.local [hbm:s3], $0xF7A  }
0x26: {  	[smem:$0x3F95] =	sst s1;
	(tag) =	ssettag s2;
	_ =	strace s9  }
0x27: {  	s1 =	sld [smem:$0x3FA5]  }
0x28: {  	s2 =	sld [smem:$0x3FA6]  }
0x29: {  	s4 =	sld [smem:$0x3FA8]  }
0x2a: {  	p0 =	seq.s32 s5, $0x0;
	s5 =	sld [smem:$0x3FA9]  }
0x2b: {  	s6 =	sld [smem:$0x3FAA]  }
0x2c: {  	s7 =	sld [smem:$0x3FAB]  }
0x2d: {  	s3 =	simm.s32 $0x108;
	s8 =	sld [smem:$0x3FAC]  }
0x2e: {  	s3 =	simm.s32 @!p0 $0x1082;
	s9 =	sld [smem:$0x3FAD]  }
0x2f: {  	lr =	sadd.s32 s0, s3;
	s0 =	sld [smem:$0x3FA4]  }
0x30: {  	s3 =	sld [smem:$0x3FA7]  }
0x31: {  	[smem:$0x3FB0] =	sst s10  }
0x32: {  	s10 =	sld [smem:$0x3FAE];
	_ =	sdelay $0x3  }
0x33: {  	p0 =	seq.s32 s10, $0x1;
	s10 =	sld [smem:$0x3FB0];
	_ =	sdelay $0x3  }
0x34: {  	[smem:$0x3FB0] =	sst s10  }
0x35: {  	s10 =	sld [smem:$0x3FAF];
	_ =	sdelay $0x3  }
0x36: {  	p1 =	seq.s32 s10, $0x1;
	s10 =	sld [smem:$0x3FB0];
	_ =	sdelay $0x3  }
0x37: {  	[smem:$0x3FB0] =	sst s10  }
0x38: {  	s10 =	sld [smem:$0x3FB1]  }
0x39: {  	_ = 	snop;
	(pc) =	sbr.ind lr, $3  }
0x3a: {  	_ = 	snop  }
0x3b: {  	_ = 	snop  }
0x3c: {  	p2 =	seq.s32 s10, $0x1;
	s10 =	sld [smem:$0x3FB0]  }
0x3d: {  	_ =	shalt  }
0x3e: {  	_ =	shalt  }
0x3f: {  	_ =	shalt  }
0x40: {  	_ =	shalt  }
0x41: {  	_ =	shalt  }
0x42: {  	_ =	shalt  }
0x43: {  	_ =	shalt  }
0x44: {  	_ =	shalt  }
0x45: {  	_ =	shalt  }
0x46: {  	_ =	shalt  }
0x47: {  	_ =	shalt  }
0x48: {  	_ =	shalt  }
0x49: {  	_ =	shalt  }
0x4a: {  	_ =	shalt  }
0x4b: {  	_ =	shalt  }
0x4c: {  	_ =	shalt  }
0x4d: {  	_ =	shalt  }
0x4e: {  	_ =	shalt  }
0x4f: {  	_ =	shalt  }
0x50: {  	_ =	shalt  }
0x51: {  	_ =	shalt  }
0x52: {  	_ =	shalt  }
0x53: {  	_ =	shalt  }
0x54: {  	_ =	shalt  }
0x55: {  	_ =	shalt  }
0x56: {  	_ =	shalt  }
0x57: {  	_ =	shalt  }
0x58: {  	_ =	shalt  }
0x59: {  	_ =	shalt  }
0x5a: {  	_ =	shalt  }
0x5b: {  	_ =	shalt  }
0x5c: {  	_ =	shalt  }
0x5d: {  	_ =	shalt  }
0x5e: {  	_ =	shalt  }
0x5f: {  	_ =	shalt  }
0x60: {  	_ =	shalt  }
0x61: {  	_ =	shalt  }
0x62: {  	_ =	shalt  }
0x63: {  	_ =	shalt  }
0x64: {  	_ =	shalt  }
0x65: {  	_ =	shalt  }
0x66: {  	_ =	shalt  }
0x67: {  	_ =	shalt  }
0x68: {  	_ =	shalt  }
0x69: {  	_ =	shalt  }
0x6a: {  	_ =	shalt  }
0x6b: {  	_ =	shalt  }
0x6c: {  	_ =	shalt  }
0x6d: {  	_ =	shalt  }
0x6e: {  	_ =	shalt  }
0x6f: {  	_ =	shalt  }
0x70: {  	_ =	shalt  }
0x71: {  	_ =	shalt  }
0x72: {  	_ =	shalt  }
0x73: {  	_ =	shalt  }
0x74: {  	_ =	shalt  }
0x75: {  	_ =	shalt  }
0x76: {  	_ =	shalt  }
0x77: {  	_ =	shalt  }
0x78: {  	_ =	shalt  }
0x79: {  	_ =	shalt  }
0x7a: {  	_ =	shalt  }
0x7b: {  	_ =	shalt  }
0x7c: {  	_ =	shalt  }
0x7d: {  	_ =	shalt  }
0x7e: {  	_ =	shalt  }
0x7f: {  	_ =	shalt  }
0x80: {  	_ =	shalt  }
0x81: {  	_ =	shalt  }
0x82: {  	_ =	shalt  }
0x83: {  	_ =	shalt  }
0x84: {  	_ =	shalt  }
0x85: {  	_ =	shalt  }
0x86: {  	_ =	shalt  }
0x87: {  	_ =	shalt  }
.Lfunc_end0:
.L_simem_size_0:
called_computation_lowered:
.L_overlay_start_0:
0x88: {  	s2 =	sld [smem:$0x3FD9]  }
0x89: {  	s3 =	sld [smem:$0x3FFE];
	_ =	sdelay $0x1  }
0x8a: {  	s1 =	srdreg.scid  }
0x8b: {  	s0 =	sand.u32 $0x1, s1  }
0x8c: {  	s17 =	sshll.u32 s0, $0xA;
	s2 =	sadd.s32 s3, s2  }
0x8d: {  	s2 =	sadd.s32 s2, s17  }
0x8e: {  	[smem:$0x3FBC] =	sst s2  }
0x8f: {  	_ = 	snop  }
0x90: {  	s2 =	sld [smem:$0x3FD0];
	(tm) =	ssettm $0x1  }
0x91: {  	s18 =	sld [smem:$0x3FFB];
	_ =	sdelay $0x3  }
0x92: {  	_ =	strace s18  }
0x93: {  	s3 =	sld [smem:$0x3FFC];
	_ =	sdelay $0x3  }
0x94: {  	_ =	strace s3  }
0x95: {  	s3 =	sld [smem:$0x3FFD];
	_ =	sdelay $0x3  }
0x96: {  	_ =	strace s3  }
0x97: {  	_ =	strace $0x8FFFFFFF  }
0x98: {  	s19 =	sld [smem:$0x3FDB];
	_ =	sdelay $0x1  }
0x99: {  	s4 =	simm.s32 $_scs_section_size  }
0x9a: {  	s5 =	simm.s32 $_size__tile_overlayer_lowered;
	s6 =	simm.s32 $_tile_overlayer_lowered  }
0x9b: {  	s22 =	simm.s32 $0x1BFF;
	s21 =	sshll.u32 s6, $0x1;
	s3 =	sadd.s32 s4, s19  }
0x9c: {  	s7 =	simm.s32 $0x0;
	s20 =	sshll.u32 s5, $0x1;
	s5 =	sadd.s32 s21, s3  }
0x9d: {  	[timem:s7], [sflag:s22] =	dma.local [hbm:s5], s20  }
0x9e: {  	_ =	swait.ge [sflag:s22], s20  }
0x9f: {  	s4 =	ssub.s32 $0x0, s20;
	[sflag:s22] =	ssyncset.done $0x0  }
0xa0: {  	[sflag:s22] =	ssyncadd.s32 s4;
	_ =	sdelay $0x1  }
0xa1: {  	s23 =	simm.s32 $0x1B8B  }
0xa2: {  	_ =	swait.ge [sflag:s23], $0x1  }
0xa3: {  	[sflag:s23] =	ssyncset.done $0x0  }
0xa4: {  	s25 =	simm.s32 $0x1B8E;
	s24 =	sld [smem:$0x3FFE];
	[sflag:s23] =	ssyncadd.s32 $0xFFFFFFFF  }
0xa5: {  	s26 =	simm.s32 $execute0_lowered;
	[smem:$0x3FD2] =	sst s25  }
0xa6: {  	s5 =	sshll.u32 s26, $0x1;
	_ =	strace $0x80000046;
	[dreg:$0x1] =	wrdreg $0xFFFFFFFF  }
0xa7: {  	s28 =	simm.s32 $_size_execute0_lowered;
	s3 =	sadd.s32 s3, s5;
	[dreg:$0x0] =	wrdreg $0x0  }
0xa8: {  	s5 =	sshll.u32 s28, $0x1;
	[dreg:$0x2] =	wrdreg s3  }
0xa9: {  	[dreg:$0x3] =	wrdreg s5  }
0xaa: {  	[dreg:$0x4] =	wrdreg $0xC0  }
0xab: {  	_ =	task [dreg:s7], $0x5FFFF  }
0xac: {  	[dreg:$0x1] =	wrdreg $0xFFFFFFFF  }
0xad: {  	[dreg:$0x0] =	wrdreg $0x60  }
0xae: {  	[dreg:$0x2] =	wrdreg s24  }
0xaf: {  	[dreg:$0x3] =	wrdreg s2  }
0xb0: {  	[dreg:$0x4] =	wrdreg $0x9  }
0xb1: {  	_ =	task.clear_ibuf [dreg:s7], $0x5FFFF;
	_ =	strace $0x90000046  }
0xb2: {  	s29 =	simm.s32 $0x9;
	_ =	strace $0x80000048  }
0xb3: {  	_ =	swait.ge [sflag:s29], $0x1  }
0xb4: {  	[sflag:s29] =	ssyncadd.s32 $0xFFFFFFFF  }
0xb5: {  	_ =	strace $0x90000048  }
0xb6: {  	_ =	sfence  }
0xb7: {  	s30 =	sld [smem:$0x0];
	_ =	sdelay $0x2  }
0xb8: {  	s31 =	sshll.u32 s1, $0xD;
	s1 =	sshrl.u32 s1, $0x2  }
0xb9: {  	s3 =	sand.u32 $0x4000, s31;
	s1 =	sadd.s32 s1, s30  }
0xba: {  	s0 =	sor.u32 s3, s0;
	s1 =	sshll.u32 s1, $0x11  }
0xbb: {  	s0 =	sor.u32 s1, s0  }
0xbc: {  	s0 =	sadd.s32 $0x8F2B, s0  }
0xbd: {  	[sflag:s0] =	ssyncadd.remote.s32 $0x1  }
0xbe: {  	_ =	sfence.sel $0xFFFF  }
0xbf: {  	[dreg:$0x0] =	wrdreg $0xFFFFFFFF;
	(pc) =	sbr.abs _section_cstart, $3  }
0xc0: {  	[dreg:$0x1] =	wrdreg $0xFFFFFFFF  }
0xc1: {  	_ =	task.clear_ibuf [dreg:s7], $0x2FFFF;
	_ =	strace $0x9FFFFFFF  }
0xc2: {  	(tm) =	ssettm $0x7FFFFFFF  }
0xc3: {  	_ =	shalt  }
tec
execute0_lowered:
.L_overlay_start_1:
0x0: {  	(tag) =	ssettag $0x1  }
0x1: {  	s0 =	srdreg.scid;
	s1 =	stileid.u32  }
0x2: {  	s0 =	sand.u32 $0x1, s0;
	s1 =	sshll.u32 s1, $0x1  }
0x3: {  	s1 =	sor.u32 s0, s1  }
0x4: {  	s3 =	rddreg [dreg:$0x0];
	s4 =	smul.u32 $0x3E0, s1  }
0x5: {  	s5 =	rddreg [dreg:$0x1];
	s2 =	simm.s32 $0x0;
	s6 =	smul.u32 $0x300, s1  }
0x6: {  	s30 =	simm.s32 $0x300;
	[smem:$0x7FF] =	sst s2  }
0x7: {  	_ =	strace $0x80000047;
	s4 =	sshrl.u32 s4, $0x3;
	s6 =	sadd.s32 s6, s3  }
0x8: {  	[dreg:$0x12] =	wrdreg s30;
	s4 =	smul.u32 $0x300, s4;
	s7 =	sadd.s32 $0x96400, s6  }
0x9: {  	s6 =	sadd.s32 $0x96410, s6;
	[dreg:$0x3] =	wrdreg s7  }
0xa: {  	[dreg:$0x4] =	wrdreg s6;
	s14 =	sadd.s32 s5, s4  }
0xb: {  	vm0 =	vcmask $0x300;
	v0 =	vimm.s32 $0x1;
	v36 =	vlaneseq.u32;
	s4 =	sadd.s32 $0x1E00, s14;
	[dreg:$0x13] =	wrdreg s14  }
0xc: {  	v1 =	vsel vm0, $0x0, v0;
	v2 =	vadd.s32 $0x1, v36;
	s15 =	sadd.s32 $0x3C00, s14;
	[dreg:$0x5] =	wrdreg s4  }
0xd: {  	s31 =	simm.s32 $0x1;
	v3 =	vadd.s32 $0x11, v36;
	v4 =	vadd.s32 $0x21, v36;
	v5 =	vadd.s32 $0x31, v36;
	s16 =	sadd.s32 $0x5A00, s14;
	[dreg:$0x6] =	wrdreg s15  }
0xe: {  	v6 =	vadd.s32 $0x41, v36;
	v7 =	vadd.s32 $0x51, v36;
	v8 =	vadd.s32 $0x61, v36;
	s0 =	ssub.s32 $0x2, s0;
	s17 =	sadd.s32 $0x7800, s14;
	[dreg:$0x7] =	wrdreg s16  }
0xf: {  	v9 =	vadd.s32 $0x71, v36;
	v10 =	vadd.s32 $0x81, v36;
	v11 =	vadd.s32 $0x91, v36;
	s20 =	smul.u32 $0xC300, s1;
	s18 =	sadd.s32 $0x9600, s14;
	[dreg:$0x8] =	wrdreg s17  }
0x10: {  	v12 =	vadd.s32 $0xA1, v36;
	v13 =	vadd.s32 $0xB1, v36;
	v14 =	vadd.s32 $0xC1, v36;
	s1 =	smul.u32 $0x4B00, s1;
	s19 =	sadd.s32 $0xB400, s14;
	[dreg:$0x9] =	wrdreg s18  }
0x11: {  	v15 =	vadd.s32 $0xD1, v36;
	v16 =	vadd.s32 $0xE1, v36;
	v17 =	vadd.s32 $0xF1, v36;
	s26 =	sshrl.u32 s0, $0x1;
	s21 =	sadd.s32 $0xBA00, s14;
	[dreg:$0xa] =	wrdreg s19  }
0x12: {  	v18 =	vadd.s32 $0x101, v36;
	v19 =	vadd.s32 $0x111, v36;
	v20 =	vadd.s32 $0x121, v36;
	s0 =	ssub.s32 s0, s26;
	s22 =	sadd.s32 $0xD800, s14;
	[dreg:$0xb] =	wrdreg s21  }
0x13: {  	v21 =	vadd.s32 $0x131, v36;
	v22 =	vadd.s32 $0x141, v36;
	v23 =	vadd.s32 $0x151, v36;
	s1 =	sadd.s32 s1, s3;
	s23 =	sadd.s32 $0xF600, s14;
	[dreg:$0xc] =	wrdreg s22  }
0x14: {  	v24 =	vadd.s32 $0x161, v36;
	v25 =	vadd.s32 $0x171, v36;
	v26 =	vadd.s32 $0x181, v36;
	s5 =	sadd.s32 s20, s3;
	s24 =	sadd.s32 $0x11400, s14;
	[dreg:$0xd] =	wrdreg s23  }
0x15: {  	v27 =	vadd.s32 $0x191, v36;
	v28 =	vadd.s32 $0x1A1, v36;
	v29 =	vadd.s32 $0x1B1, v36;
	s3 =	smax.u32 s0, $0x1;
	s25 =	sadd.s32 $0x13200, s14;
	[dreg:$0xe] =	wrdreg s24  }
0x16: {  	v30 =	vadd.s32 $0x1C1, v36;
	v31 =	vadd.s32 $0x1D1, v36;
	v32 =	vadd.s32 $0x1E1, v36;
	s28 =	sadd.s32 $0x15000, s14;
	s29 =	sadd.s32 $0x16E00, s14;
	[dreg:$0xf] =	wrdreg s25  }
0x17: {  	v33 =	vadd.s32 $0x1F1, v36;
	v34 =	vand.u32 $0x7, v36;
	v35 =	vshrl.u32 v36, $0x3;
	[dreg:$0x10] =	wrdreg s28;
	s4 =	sadd.s32 $0x11BC00, s5;
	s5 =	sadd.s32 $0x400, s1  }
0x18: {  	vm0 =	vmmov $0xffff;
	v36 =	vor.u32 $0x8, v36;
	v35 =	vmul.u32 $0x8, v35;
	[dreg:$0x11] =	wrdreg s29;
	s24 =	simm.s32 $0x600;
	s1 =	simm.s32 $0x2  }
.LBB2_1:
0x19: {  	[dreg:$0x14] =	wrdreg s3  }
0x1a: {  	s7 =	rddreg [dreg:$0x3]  }
0x1b: {  	s17 =	simm.s32 $0x80;
	s9 =	simm.s32 $0x400;
	s18 =	simm.s32 $0x5  }
0x1c: {  	[tilespmem:s2], [sflag:$0x5] =	stream.strided.gather [hbm4b:s7+s17], $0x300, s9, s17, $0x38;
	[tilespmem:$0x1EA00] =	vst v63  }
0x1d: {  	_ =	swait.ge [sflag:s18], $0x300  }
0x1e: {  	s19 =	rddreg [dreg:$0x4];
	[sflag:s18] =	ssyncset.done $0x0  }
0x1f: {  	s8 =	rddreg [dreg:$0x12];
	[sflag:s18] =	ssyncadd.s32 $0xFFFFFD00  }
0x20: {  	[tilespmem:s8], [sflag:$0x5] =	stream.strided.gather [hbm4b:s19+s17], $0x300, s9, s17, $0x38;
	[tilespmem:$0x1EA00] =	vst v63  }
0x21: {  	_ =	swait.ge [sflag:s18], $0x300  }
0x22: {  	[sflag:s18] =	ssyncset.done $0x0  }
0x23: {  	[sflag:s18] =	ssyncadd.s32 $0xFFFFFD00  }
0x24: {  	[tilespmem:$0x600] =	vst v1  }
0x25: {  	[tilespmem:$0x800] =	vst v1  }
0x26: {  	[tilespmem:$0x610] =	vst v0  }
0x27: {  	[tilespmem:$0x810] =	vst v0  }
0x28: {  	[tilespmem:$0x620] =	vst v0  }
0x29: {  	[tilespmem:$0x820] =	vst v0  }
0x2a: {  	[tilespmem:$0x630] =	vst v0  }
0x2b: {  	[tilespmem:$0x830] =	vst v0  }
0x2c: {  	[tilespmem:$0x640] =	vst v0  }
0x2d: {  	[tilespmem:$0x840] =	vst v0  }
0x2e: {  	[tilespmem:$0x650] =	vst v0  }
0x2f: {  	[tilespmem:$0x850] =	vst v0  }
0x30: {  	[tilespmem:$0x660] =	vst v0  }
0x31: {  	[tilespmem:$0x860] =	vst v0  }
0x32: {  	[tilespmem:$0x670] =	vst v0  }
0x33: {  	[tilespmem:$0x870] =	vst v0  }
0x34: {  	[tilespmem:$0x680] =	vst v0  }
0x35: {  	[tilespmem:$0x880] =	vst v0  }
0x36: {  	[tilespmem:$0x690] =	vst v0  }
0x37: {  	[tilespmem:$0x890] =	vst v0  }
0x38: {  	[tilespmem:$0x6A0] =	vst v0  }
0x39: {  	[tilespmem:$0x8A0] =	vst v0  }
0x3a: {  	[tilespmem:$0x6B0] =	vst v0  }
0x3b: {  	[tilespmem:$0x8B0] =	vst v0  }
0x3c: {  	[tilespmem:$0x6C0] =	vst v0  }
0x3d: {  	[tilespmem:$0x8C0] =	vst v0  }
0x3e: {  	[tilespmem:$0x6D0] =	vst v0  }
0x3f: {  	[tilespmem:$0x8D0] =	vst v0  }
0x40: {  	[tilespmem:$0x6E0] =	vst v0  }
0x41: {  	[tilespmem:$0x8E0] =	vst v0  }
0x42: {  	[tilespmem:$0x6F0] =	vst v0  }
0x43: {  	[tilespmem:$0x8F0] =	vst v0  }
0x44: {  	[tilespmem:$0x700] =	vst v0  }
0x45: {  	[tilespmem:$0x900] =	vst v0  }
0x46: {  	[tilespmem:$0x710] =	vst v0  }
0x47: {  	[tilespmem:$0x910] =	vst v0  }
0x48: {  	[tilespmem:$0x720] =	vst v0  }
0x49: {  	[tilespmem:$0x920] =	vst v0  }
0x4a: {  	[tilespmem:$0x730] =	vst v0  }
0x4b: {  	[tilespmem:$0x930] =	vst v0  }
0x4c: {  	[tilespmem:$0x740] =	vst v0  }
0x4d: {  	[tilespmem:$0x940] =	vst v0  }
0x4e: {  	[tilespmem:$0x750] =	vst v0  }
0x4f: {  	[tilespmem:$0x950] =	vst v0  }
0x50: {  	[tilespmem:$0x760] =	vst v0  }
0x51: {  	[tilespmem:$0x960] =	vst v0  }
0x52: {  	[tilespmem:$0x770] =	vst v0  }
0x53: {  	[tilespmem:$0x970] =	vst v0  }
0x54: {  	[tilespmem:$0x780] =	vst v0  }
0x55: {  	[tilespmem:$0x980] =	vst v0  }
0x56: {  	[tilespmem:$0x790] =	vst v0;
	v37 =	vld [tilespmem:$0x0]  }
0x57: {  	[tilespmem:$0x990] =	vst v0;
	v38 =	vld [tilespmem:$0x300]  }
0x58: {  	[tilespmem:$0x7A0] =	vst v0  }
0x59: {  	[tilespmem:$0x9A0] =	vst v0  }
0x5a: {  	[tilespmem:$0x7B0] =	vst v0  }
0x5b: {  	[tilespmem:$0x9B0] =	vst v0  }
0x5c: {  	[tilespmem:$0x7C0] =	vst v0;
	v38 =	vadd.f32 v38, v37;
	v37 =	vtrunc.f32 v37  }
0x5d: {  	[tilespmem:$0x9C0] =	vst v0;
	v37 =	vcvt.f32.s32 v37  }
0x5e: {  	[tilespmem:$0x7D0] =	vst v0;
	vm1 =	vlt.f32 v38, $4.950000000e+02  }
0x5f: {  	[tilespmem:$0x9D0] =	vst v0;
	v37 =	vadd.s32 $0x1, v37  }
0x60: {  	[tilespmem:$0x7E0] =	vst v0  }
0x61: {  	[tilespmem:$0x9E0] =	vst v0  }
0x62: {  	[tilespmem:$0x7F0] =	vst v0  }
0x63: {  	[tilespmem:$0x9F0] =	vst v0  }
0x64: {  	[tilespmem:v37+s24+$0x0] =	vst.idx.msk vm1, v2  }
0x65: {  	v37 =	vld [tilespmem:$0x10]  }
0x66: {  	v52 =	vld [tilespmem:$0x310];
	_ =	sdelay $0x4  }
0x67: {  	v38 =	vadd.f32 v52, v37;
	v37 =	vtrunc.f32 v37  }
0x68: {  	v37 =	vcvt.f32.s32 v37  }
0x69: {  	vm1 =	vlt.f32 v38, $4.950000000e+02  }
0x6a: {  	v37 =	vadd.s32 $0x1, v37;
	_ =	sdelay $0x4  }
0x6b: {  	[tilespmem:v37+s24+$0x0] =	vst.idx.msk vm1, v3  }
0x6c: {  	v37 =	vld [tilespmem:$0x20]  }
0x6d: {  	v53 =	vld [tilespmem:$0x320];
	_ =	sdelay $0x4  }
0x6e: {  	v38 =	vadd.f32 v53, v37;
	v37 =	vtrunc.f32 v37  }
0x6f: {  	v37 =	vcvt.f32.s32 v37  }
0x70: {  	vm1 =	vlt.f32 v38, $4.950000000e+02  }
0x71: {  	v37 =	vadd.s32 $0x1, v37;
	_ =	sdelay $0x4  }
0x72: {  	[tilespmem:v37+s24+$0x0] =	vst.idx.msk vm1, v4  }
0x73: {  	v37 =	vld [tilespmem:$0x30]  }
0x74: {  	v54 =	vld [tilespmem:$0x330];
	_ =	sdelay $0x4  }
0x75: {  	v38 =	vadd.f32 v54, v37;
	v37 =	vtrunc.f32 v37  }
0x76: {  	v37 =	vcvt.f32.s32 v37  }
0x77: {  	vm1 =	vlt.f32 v38, $4.950000000e+02  }
0x78: {  	v37 =	vadd.s32 $0x1, v37;
	_ =	sdelay $0x4  }
0x79: {  	[tilespmem:v37+s24+$0x0] =	vst.idx.msk vm1, v5  }
0x7a: {  	v37 =	vld [tilespmem:$0x40]  }
0x7b: {  	v55 =	vld [tilespmem:$0x340];
	_ =	sdelay $0x4  }
0x7c: {  	v38 =	vadd.f32 v55, v37;
	v37 =	vtrunc.f32 v37  }
0x7d: {  	v37 =	vcvt.f32.s32 v37  }
0x7e: {  	vm1 =	vlt.f32 v38, $4.950000000e+02  }
0x7f: {  	v37 =	vadd.s32 $0x1, v37;
	_ =	sdelay $0x4  }
0x80: {  	[tilespmem:v37+s24+$0x0] =	vst.idx.msk vm1, v6  }
0x81: {  	v37 =	vld [tilespmem:$0x50]  }
0x82: {  	v56 =	vld [tilespmem:$0x350];
	_ =	sdelay $0x4  }
0x83: {  	v38 =	vadd.f32 v56, v37;
	v37 =	vtrunc.f32 v37  }
0x84: {  	v37 =	vcvt.f32.s32 v37  }
0x85: {  	vm1 =	vlt.f32 v38, $4.950000000e+02  }
0x86: {  	v37 =	vadd.s32 $0x1, v37;
	_ =	sdelay $0x4  }
0x87: {  	[tilespmem:v37+s24+$0x0] =	vst.idx.msk vm1, v7  }
0x88: {  	v37 =	vld [tilespmem:$0x60]  }
0x89: {  	v57 =	vld [tilespmem:$0x360];
	_ =	sdelay $0x4  }
0x8a: {  	v38 =	vadd.f32 v57, v37;
	v37 =	vtrunc.f32 v37  }
0x8b: {  	v37 =	vcvt.f32.s32 v37  }
0x8c: {  	vm1 =	vlt.f32 v38, $4.950000000e+02  }
0x8d: {  	v37 =	vadd.s32 $0x1, v37;
	_ =	sdelay $0x4  }
0x8e: {  	[tilespmem:v37+s24+$0x0] =	vst.idx.msk vm1, v8  }
0x8f: {  	v37 =	vld [tilespmem:$0x70]  }
0x90: {  	v58 =	vld [tilespmem:$0x370];
	_ =	sdelay $0x4  }
0x91: {  	v38 =	vadd.f32 v58, v37;
	v37 =	vtrunc.f32 v37  }
0x92: {  	v37 =	vcvt.f32.s32 v37  }
0x93: {  	vm1 =	vlt.f32 v38, $4.950000000e+02  }
0x94: {  	v37 =	vadd.s32 $0x1, v37;
	_ =	sdelay $0x4  }
0x95: {  	[tilespmem:v37+s24+$0x0] =	vst.idx.msk vm1, v9  }
0x96: {  	v37 =	vld [tilespmem:$0x80]  }
0x97: {  	v59 =	vld [tilespmem:$0x380];
	_ =	sdelay $0x4  }
0x98: {  	v38 =	vadd.f32 v59, v37;
	v37 =	vtrunc.f32 v37  }
0x99: {  	v37 =	vcvt.f32.s32 v37  }
0x9a: {  	vm1 =	vlt.f32 v38, $4.950000000e+02  }
0x9b: {  	v37 =	vadd.s32 $0x1, v37;
	_ =	sdelay $0x4  }
0x9c: {  	[tilespmem:v37+s24+$0x0] =	vst.idx.msk vm1, v10  }
0x9d: {  	v37 =	vld [tilespmem:$0x90]  }
0x9e: {  	v60 =	vld [tilespmem:$0x390];
	_ =	sdelay $0x4  }
0x9f: {  	v38 =	vadd.f32 v60, v37;
	v37 =	vtrunc.f32 v37  }
0xa0: {  	v37 =	vcvt.f32.s32 v37  }
0xa1: {  	vm1 =	vlt.f32 v38, $4.950000000e+02  }
0xa2: {  	v37 =	vadd.s32 $0x1, v37;
	_ =	sdelay $0x4  }
0xa3: {  	[tilespmem:v37+s24+$0x0] =	vst.idx.msk vm1, v11  }
0xa4: {  	v37 =	vld [tilespmem:$0xA0]  }
0xa5: {  	v61 =	vld [tilespmem:$0x3A0];
	_ =	sdelay $0x4  }
0xa6: {  	v38 =	vadd.f32 v61, v37;
	v37 =	vtrunc.f32 v37  }
0xa7: {  	v37 =	vcvt.f32.s32 v37  }
0xa8: {  	vm1 =	vlt.f32 v38, $4.950000000e+02  }
0xa9: {  	v37 =	vadd.s32 $0x1, v37;
	_ =	sdelay $0x4  }
0xaa: {  	[tilespmem:v37+s24+$0x0] =	vst.idx.msk vm1, v12  }
0xab: {  	v37 =	vld [tilespmem:$0xB0]  }
0xac: {  	v62 =	vld [tilespmem:$0x3B0];
	_ =	sdelay $0x4  }
0xad: {  	v38 =	vadd.f32 v62, v37;
	v37 =	vtrunc.f32 v37  }
0xae: {  	v37 =	vcvt.f32.s32 v37  }
0xaf: {  	vm1 =	vlt.f32 v38, $4.950000000e+02  }
0xb0: {  	v37 =	vadd.s32 $0x1, v37;
	_ =	sdelay $0x4  }
0xb1: {  	[tilespmem:v37+s24+$0x0] =	vst.idx.msk vm1, v13  }
0xb2: {  	v37 =	vld [tilespmem:$0xC0]  }
0xb3: {  	v63 =	vld [tilespmem:$0x3C0];
	_ =	sdelay $0x4  }
0xb4: {  	v38 =	vadd.f32 v63, v37;
	v37 =	vtrunc.f32 v37  }
0xb5: {  	v37 =	vcvt.f32.s32 v37  }
0xb6: {  	vm1 =	vlt.f32 v38, $4.950000000e+02  }
0xb7: {  	v37 =	vadd.s32 $0x1, v37;
	_ =	sdelay $0x4  }
0xb8: {  	[tilespmem:v37+s24+$0x0] =	vst.idx.msk vm1, v14  }
0xb9: {  	v37 =	vld [tilespmem:$0xD0]  }
0xba: {  	v40 =	vld [tilespmem:$0x3D0];
	_ =	sdelay $0x4  }
0xbb: {  	v38 =	vadd.f32 v40, v37;
	v37 =	vtrunc.f32 v37  }
0xbc: {  	v37 =	vcvt.f32.s32 v37  }
0xbd: {  	vm1 =	vlt.f32 v38, $4.950000000e+02  }
0xbe: {  	v37 =	vadd.s32 $0x1, v37;
	_ =	sdelay $0x4  }
0xbf: {  	[tilespmem:v37+s24+$0x0] =	vst.idx.msk vm1, v15  }
0xc0: {  	v37 =	vld [tilespmem:$0xE0]  }
0xc1: {  	v41 =	vld [tilespmem:$0x3E0];
	_ =	sdelay $0x4  }
0xc2: {  	v38 =	vadd.f32 v41, v37;
	v37 =	vtrunc.f32 v37  }
0xc3: {  	v37 =	vcvt.f32.s32 v37  }
0xc4: {  	vm1 =	vlt.f32 v38, $4.950000000e+02  }
0xc5: {  	v37 =	vadd.s32 $0x1, v37;
	_ =	sdelay $0x4  }
0xc6: {  	[tilespmem:v37+s24+$0x0] =	vst.idx.msk vm1, v16  }
0xc7: {  	v37 =	vld [tilespmem:$0xF0]  }
0xc8: {  	v42 =	vld [tilespmem:$0x3F0];
	_ =	sdelay $0x4  }
0xc9: {  	v38 =	vadd.f32 v42, v37;
	v37 =	vtrunc.f32 v37  }
0xca: {  	v37 =	vcvt.f32.s32 v37  }
0xcb: {  	vm1 =	vlt.f32 v38, $4.950000000e+02  }
0xcc: {  	v37 =	vadd.s32 $0x1, v37;
	_ =	sdelay $0x4  }
0xcd: {  	[tilespmem:v37+s24+$0x0] =	vst.idx.msk vm1, v17  }
0xce: {  	v37 =	vld [tilespmem:$0x100]  }
0xcf: {  	v43 =	vld [tilespmem:$0x400];
	_ =	sdelay $0x4  }
0xd0: {  	v38 =	vadd.f32 v43, v37;
	v37 =	vtrunc.f32 v37  }
0xd1: {  	v37 =	vcvt.f32.s32 v37  }
0xd2: {  	vm1 =	vlt.f32 v38, $4.950000000e+02  }
0xd3: {  	v37 =	vadd.s32 $0x1, v37;
	_ =	sdelay $0x4  }
0xd4: {  	[tilespmem:v37+s24+$0x0] =	vst.idx.msk vm1, v18  }
0xd5: {  	v37 =	vld [tilespmem:$0x110]  }
0xd6: {  	v44 =	vld [tilespmem:$0x410];
	_ =	sdelay $0x4  }
0xd7: {  	v38 =	vadd.f32 v44, v37;
	v37 =	vtrunc.f32 v37  }
0xd8: {  	v37 =	vcvt.f32.s32 v37  }
0xd9: {  	vm1 =	vlt.f32 v38, $4.950000000e+02  }
0xda: {  	v37 =	vadd.s32 $0x1, v37;
	_ =	sdelay $0x4  }
0xdb: {  	[tilespmem:v37+s24+$0x0] =	vst.idx.msk vm1, v19  }
0xdc: {  	v37 =	vld [tilespmem:$0x120]  }
0xdd: {  	v45 =	vld [tilespmem:$0x420];
	_ =	sdelay $0x4  }
0xde: {  	v38 =	vadd.f32 v45, v37;
	v37 =	vtrunc.f32 v37  }
0xdf: {  	v37 =	vcvt.f32.s32 v37  }
0xe0: {  	vm1 =	vlt.f32 v38, $4.950000000e+02  }
0xe1: {  	v37 =	vadd.s32 $0x1, v37;
	_ =	sdelay $0x4  }
0xe2: {  	[tilespmem:v37+s24+$0x0] =	vst.idx.msk vm1, v20  }
0xe3: {  	v37 =	vld [tilespmem:$0x130]  }
0xe4: {  	v46 =	vld [tilespmem:$0x430];
	_ =	sdelay $0x4  }
0xe5: {  	v38 =	vadd.f32 v46, v37;
	v37 =	vtrunc.f32 v37  }
0xe6: {  	v37 =	vcvt.f32.s32 v37  }
0xe7: {  	vm1 =	vlt.f32 v38, $4.950000000e+02  }
0xe8: {  	v37 =	vadd.s32 $0x1, v37;
	_ =	sdelay $0x4  }
0xe9: {  	[tilespmem:v37+s24+$0x0] =	vst.idx.msk vm1, v21  }
0xea: {  	v37 =	vld [tilespmem:$0x140]  }
0xeb: {  	v47 =	vld [tilespmem:$0x440];
	_ =	sdelay $0x4  }
0xec: {  	v38 =	vadd.f32 v47, v37;
	v37 =	vtrunc.f32 v37  }
0xed: {  	v37 =	vcvt.f32.s32 v37  }
0xee: {  	vm1 =	vlt.f32 v38, $4.950000000e+02  }
0xef: {  	v37 =	vadd.s32 $0x1, v37;
	_ =	sdelay $0x4  }
0xf0: {  	[tilespmem:v37+s24+$0x0] =	vst.idx.msk vm1, v22  }
0xf1: {  	v37 =	vld [tilespmem:$0x150]  }
0xf2: {  	v48 =	vld [tilespmem:$0x450];
	_ =	sdelay $0x4  }
0xf3: {  	v38 =	vadd.f32 v48, v37;
	v37 =	vtrunc.f32 v37  }
0xf4: {  	v37 =	vcvt.f32.s32 v37  }
0xf5: {  	vm1 =	vlt.f32 v38, $4.950000000e+02  }
0xf6: {  	v37 =	vadd.s32 $0x1, v37;
	_ =	sdelay $0x4  }
0xf7: {  	[tilespmem:v37+s24+$0x0] =	vst.idx.msk vm1, v23  }
0xf8: {  	v37 =	vld [tilespmem:$0x160]  }
0xf9: {  	v49 =	vld [tilespmem:$0x460];
	_ =	sdelay $0x4  }
0xfa: {  	v38 =	vadd.f32 v49, v37;
	v37 =	vtrunc.f32 v37  }
0xfb: {  	v37 =	vcvt.f32.s32 v37  }
0xfc: {  	vm1 =	vlt.f32 v38, $4.950000000e+02  }
0xfd: {  	v37 =	vadd.s32 $0x1, v37;
	_ =	sdelay $0x4  }
0xfe: {  	[tilespmem:v37+s24+$0x0] =	vst.idx.msk vm1, v24  }
0xff: {  	v37 =	vld [tilespmem:$0x170]  }
0x100: {  	v50 =	vld [tilespmem:$0x470];
	_ =	sdelay $0x4  }
0x101: {  	v38 =	vadd.f32 v50, v37;
	v37 =	vtrunc.f32 v37  }
0x102: {  	v37 =	vcvt.f32.s32 v37  }
0x103: {  	vm1 =	vlt.f32 v38, $4.950000000e+02  }
0x104: {  	v37 =	vadd.s32 $0x1, v37;
	_ =	sdelay $0x4  }
0x105: {  	[tilespmem:v37+s24+$0x0] =	vst.idx.msk vm1, v25  }
0x106: {  	v37 =	vld [tilespmem:$0x180]  }
0x107: {  	v51 =	vld [tilespmem:$0x480];
	_ =	sdelay $0x4  }
0x108: {  	v38 =	vadd.f32 v51, v37;
	v37 =	vtrunc.f32 v37  }
0x109: {  	v37 =	vcvt.f32.s32 v37  }
0x10a: {  	vm1 =	vlt.f32 v38, $4.950000000e+02  }
0x10b: {  	v37 =	vadd.s32 $0x1, v37;
	_ =	sdelay $0x4  }
0x10c: {  	[tilespmem:v37+s24+$0x0] =	vst.idx.msk vm1, v26  }
0x10d: {  	v37 =	vld [tilespmem:$0x190]  }
0x10e: {  	v52 =	vld [tilespmem:$0x490];
	_ =	sdelay $0x4  }
0x10f: {  	v38 =	vadd.f32 v52, v37;
	v37 =	vtrunc.f32 v37  }
0x110: {  	v37 =	vcvt.f32.s32 v37  }
0x111: {  	vm1 =	vlt.f32 v38, $4.950000000e+02  }
0x112: {  	v37 =	vadd.s32 $0x1, v37;
	_ =	sdelay $0x4  }
0x113: {  	[tilespmem:v37+s24+$0x0] =	vst.idx.msk vm1, v27  }
0x114: {  	v37 =	vld [tilespmem:$0x1A0]  }
0x115: {  	v53 =	vld [tilespmem:$0x4A0];
	_ =	sdelay $0x4  }
0x116: {  	v38 =	vadd.f32 v53, v37;
	v37 =	vtrunc.f32 v37  }
0x117: {  	v37 =	vcvt.f32.s32 v37  }
0x118: {  	vm1 =	vlt.f32 v38, $4.950000000e+02  }
0x119: {  	v37 =	vadd.s32 $0x1, v37;
	_ =	sdelay $0x4  }
0x11a: {  	[tilespmem:v37+s24+$0x0] =	vst.idx.msk vm1, v28  }
0x11b: {  	v37 =	vld [tilespmem:$0x1B0]  }
0x11c: {  	v54 =	vld [tilespmem:$0x4B0];
	_ =	sdelay $0x4  }
0x11d: {  	v38 =	vadd.f32 v54, v37;
	v37 =	vtrunc.f32 v37  }
0x11e: {  	v37 =	vcvt.f32.s32 v37  }
0x11f: {  	vm1 =	vlt.f32 v38, $4.950000000e+02  }
0x120: {  	v37 =	vadd.s32 $0x1, v37;
	_ =	sdelay $0x4  }
0x121: {  	[tilespmem:v37+s24+$0x0] =	vst.idx.msk vm1, v29  }
0x122: {  	v37 =	vld [tilespmem:$0x1C0]  }
0x123: {  	v55 =	vld [tilespmem:$0x4C0];
	_ =	sdelay $0x4  }
0x124: {  	v38 =	vadd.f32 v55, v37;
	v37 =	vtrunc.f32 v37  }
0x125: {  	v37 =	vcvt.f32.s32 v37  }
0x126: {  	vm1 =	vlt.f32 v38, $4.950000000e+02  }
0x127: {  	v37 =	vadd.s32 $0x1, v37;
	_ =	sdelay $0x4  }
0x128: {  	[tilespmem:v37+s24+$0x0] =	vst.idx.msk vm1, v30  }
0x129: {  	v37 =	vld [tilespmem:$0x1D0]  }
0x12a: {  	v56 =	vld [tilespmem:$0x4D0];
	_ =	sdelay $0x4  }
0x12b: {  	v38 =	vadd.f32 v56, v37;
	v37 =	vtrunc.f32 v37  }
0x12c: {  	v37 =	vcvt.f32.s32 v37  }
0x12d: {  	vm1 =	vlt.f32 v38, $4.950000000e+02  }
0x12e: {  	v37 =	vadd.s32 $0x1, v37;
	_ =	sdelay $0x4  }
0x12f: {  	[tilespmem:v37+s24+$0x0] =	vst.idx.msk vm1, v31  }
0x130: {  	v37 =	vld [tilespmem:$0x1E0]  }
0x131: {  	v57 =	vld [tilespmem:$0x4E0];
	_ =	sdelay $0x4  }
0x132: {  	v38 =	vadd.f32 v57, v37;
	v37 =	vtrunc.f32 v37  }
0x133: {  	v37 =	vcvt.f32.s32 v37  }
0x134: {  	vm1 =	vlt.f32 v38, $4.950000000e+02  }
0x135: {  	v37 =	vadd.s32 $0x1, v37;
	_ =	sdelay $0x4  }
0x136: {  	[tilespmem:v37+s24+$0x0] =	vst.idx.msk vm1, v32  }
0x137: {  	v37 =	vld [tilespmem:$0x1F0]  }
0x138: {  	v58 =	vld [tilespmem:$0x4F0];
	_ =	sdelay $0x4  }
0x139: {  	v38 =	vadd.f32 v58, v37;
	v37 =	vtrunc.f32 v37  }
0x13a: {  	v37 =	vcvt.f32.s32 v37  }
0x13b: {  	vm1 =	vlt.f32 v38, $4.950000000e+02  }
0x13c: {  	v37 =	vadd.s32 $0x1, v37;
	_ =	sdelay $0x4  }
0x13d: {  	[tilespmem:v37+s24+$0x0] =	vst.idx.msk vm1, v33  }
0x13e: {  	v37 =	vld [tilespmem:$0x200]  }
0x13f: {  	v59 =	vld [tilespmem:$0x500];
	_ =	sdelay $0x4  }
0x140: {  	v37 =	vadd.f32 v59, v37;
	v38 =	vtrunc.f32 v59  }
0x141: {  	v38 =	vcvt.f32.s32 v38  }
0x142: {  	vm1 =	vlt.f32 v37, $4.950000000e+02  }
0x143: {  	v60 =	vadd.s32 $0x1, v38;
	_ =	sdelay $0x3  }
0x144: {  	s20 =	simm.s32 $0x800  }
0x145: {  	[tilespmem:v60+s20+$0x0] =	vst.idx.msk vm1, v2  }
0x146: {  	v37 =	vld [tilespmem:$0x210]  }
0x147: {  	v61 =	vld [tilespmem:$0x510];
	_ =	sdelay $0x4  }
0x148: {  	v37 =	vadd.f32 v61, v37;
	v38 =	vtrunc.f32 v61  }
0x149: {  	v38 =	vcvt.f32.s32 v38  }
0x14a: {  	vm1 =	vlt.f32 v37, $4.950000000e+02  }
0x14b: {  	v62 =	vadd.s32 $0x1, v38;
	_ =	sdelay $0x4  }
0x14c: {  	[tilespmem:v62+s20+$0x0] =	vst.idx.msk vm1, v3  }
0x14d: {  	v37 =	vld [tilespmem:$0x220]  }
0x14e: {  	v63 =	vld [tilespmem:$0x520];
	_ =	sdelay $0x4  }
0x14f: {  	v37 =	vadd.f32 v63, v37;
	v38 =	vtrunc.f32 v63  }
0x150: {  	v38 =	vcvt.f32.s32 v38  }
0x151: {  	vm1 =	vlt.f32 v37, $4.950000000e+02  }
0x152: {  	v40 =	vadd.s32 $0x1, v38;
	_ =	sdelay $0x4  }
0x153: {  	[tilespmem:v40+s20+$0x0] =	vst.idx.msk vm1, v4  }
0x154: {  	v37 =	vld [tilespmem:$0x230]  }
0x155: {  	v41 =	vld [tilespmem:$0x530];
	_ =	sdelay $0x4  }
0x156: {  	v37 =	vadd.f32 v41, v37;
	v38 =	vtrunc.f32 v41  }
0x157: {  	v38 =	vcvt.f32.s32 v38  }
0x158: {  	vm1 =	vlt.f32 v37, $4.950000000e+02  }
0x159: {  	v42 =	vadd.s32 $0x1, v38;
	_ =	sdelay $0x4  }
0x15a: {  	[tilespmem:v42+s20+$0x0] =	vst.idx.msk vm1, v5  }
0x15b: {  	v37 =	vld [tilespmem:$0x240]  }
0x15c: {  	v43 =	vld [tilespmem:$0x540];
	_ =	sdelay $0x4  }
0x15d: {  	v37 =	vadd.f32 v43, v37;
	v38 =	vtrunc.f32 v43  }
0x15e: {  	v38 =	vcvt.f32.s32 v38  }
0x15f: {  	vm1 =	vlt.f32 v37, $4.950000000e+02  }
0x160: {  	v44 =	vadd.s32 $0x1, v38;
	_ =	sdelay $0x4  }
0x161: {  	[tilespmem:v44+s20+$0x0] =	vst.idx.msk vm1, v6  }
0x162: {  	v37 =	vld [tilespmem:$0x250]  }
0x163: {  	v45 =	vld [tilespmem:$0x550];
	_ =	sdelay $0x4  }
0x164: {  	v37 =	vadd.f32 v45, v37;
	v38 =	vtrunc.f32 v45  }
0x165: {  	v38 =	vcvt.f32.s32 v38  }
0x166: {  	vm1 =	vlt.f32 v37, $4.950000000e+02  }
0x167: {  	v46 =	vadd.s32 $0x1, v38;
	_ =	sdelay $0x4  }
0x168: {  	[tilespmem:v46+s20+$0x0] =	vst.idx.msk vm1, v7  }
0x169: {  	v37 =	vld [tilespmem:$0x260]  }
0x16a: {  	v47 =	vld [tilespmem:$0x560];
	_ =	sdelay $0x4  }
0x16b: {  	v37 =	vadd.f32 v47, v37;
	v38 =	vtrunc.f32 v47  }
0x16c: {  	v38 =	vcvt.f32.s32 v38  }
0x16d: {  	vm1 =	vlt.f32 v37, $4.950000000e+02  }
0x16e: {  	v48 =	vadd.s32 $0x1, v38;
	_ =	sdelay $0x4  }
0x16f: {  	[tilespmem:v48+s20+$0x0] =	vst.idx.msk vm1, v8  }
0x170: {  	v37 =	vld [tilespmem:$0x270]  }
0x171: {  	v49 =	vld [tilespmem:$0x570];
	_ =	sdelay $0x4  }
0x172: {  	v37 =	vadd.f32 v49, v37;
	v38 =	vtrunc.f32 v49  }
0x173: {  	v38 =	vcvt.f32.s32 v38  }
0x174: {  	vm1 =	vlt.f32 v37, $4.950000000e+02  }
0x175: {  	v50 =	vadd.s32 $0x1, v38;
	_ =	sdelay $0x4  }
0x176: {  	[tilespmem:v50+s20+$0x0] =	vst.idx.msk vm1, v9  }
0x177: {  	v37 =	vld [tilespmem:$0x280]  }
0x178: {  	v51 =	vld [tilespmem:$0x580];
	_ =	sdelay $0x4  }
0x179: {  	v37 =	vadd.f32 v51, v37;
	v38 =	vtrunc.f32 v51  }
0x17a: {  	v38 =	vcvt.f32.s32 v38  }
0x17b: {  	vm1 =	vlt.f32 v37, $4.950000000e+02  }
0x17c: {  	v52 =	vadd.s32 $0x1, v38;
	_ =	sdelay $0x4  }
0x17d: {  	[tilespmem:v52+s20+$0x0] =	vst.idx.msk vm1, v10  }
0x17e: {  	v37 =	vld [tilespmem:$0x290]  }
0x17f: {  	v53 =	vld [tilespmem:$0x590];
	_ =	sdelay $0x4  }
0x180: {  	v37 =	vadd.f32 v53, v37;
	v38 =	vtrunc.f32 v53  }
0x181: {  	v38 =	vcvt.f32.s32 v38  }
0x182: {  	vm1 =	vlt.f32 v37, $4.950000000e+02  }
0x183: {  	v54 =	vadd.s32 $0x1, v38;
	_ =	sdelay $0x4  }
0x184: {  	[tilespmem:v54+s20+$0x0] =	vst.idx.msk vm1, v11  }
0x185: {  	v37 =	vld [tilespmem:$0x2A0]  }
0x186: {  	v55 =	vld [tilespmem:$0x5A0];
	_ =	sdelay $0x4  }
0x187: {  	v37 =	vadd.f32 v55, v37;
	v38 =	vtrunc.f32 v55  }
0x188: {  	v38 =	vcvt.f32.s32 v38  }
0x189: {  	vm1 =	vlt.f32 v37, $4.950000000e+02  }
0x18a: {  	v56 =	vadd.s32 $0x1, v38;
	_ =	sdelay $0x4  }
0x18b: {  	[tilespmem:v56+s20+$0x0] =	vst.idx.msk vm1, v12  }
0x18c: {  	v37 =	vld [tilespmem:$0x2B0]  }
0x18d: {  	v57 =	vld [tilespmem:$0x5B0];
	_ =	sdelay $0x4  }
0x18e: {  	v37 =	vadd.f32 v57, v37;
	v38 =	vtrunc.f32 v57  }
0x18f: {  	v38 =	vcvt.f32.s32 v38  }
0x190: {  	vm1 =	vlt.f32 v37, $4.950000000e+02  }
0x191: {  	v58 =	vadd.s32 $0x1, v38;
	_ =	sdelay $0x4  }
0x192: {  	[tilespmem:v58+s20+$0x0] =	vst.idx.msk vm1, v13  }
0x193: {  	v37 =	vld [tilespmem:$0x2C0]  }
0x194: {  	v59 =	vld [tilespmem:$0x5C0];
	_ =	sdelay $0x4  }
0x195: {  	v37 =	vadd.f32 v59, v37;
	v38 =	vtrunc.f32 v59  }
0x196: {  	v38 =	vcvt.f32.s32 v38  }
0x197: {  	vm1 =	vlt.f32 v37, $4.950000000e+02  }
0x198: {  	v60 =	vadd.s32 $0x1, v38;
	_ =	sdelay $0x4  }
0x199: {  	[tilespmem:v60+s20+$0x0] =	vst.idx.msk vm1, v14  }
0x19a: {  	v37 =	vld [tilespmem:$0x600];
	_ =	sdelay $0x4  }
0x19b: {  	v61 =	vshrl.u32 v37, $0x3  }
0x19c: {  	v38 =	vmul.u32 $0x30, v61  }
0x19d: {  	v37 =	vand.u32 $0x7, v37  }
0x19e: {  	v37 =	vor.u32 v37, v38  }
0x19f: {  	v38 =	vperm.xlane v37, v34;
	_ =	sdelay $0x1  }
0x1a0: {  	v38 =	vadd.s32 v35, v38;
	_ =	sdelay $0x3  }
0x1a1: {  	s0 =	simm.s32 $0xA00;
	v37 =	vperm.xlane v37, v36  }
0x1a2: {  	[tilespmem:s0], [sflag:$0x1] =	stream.indirect_vreg.gather [hbm4b:s4+s2], $0x80, v38, vm0, $0xb8;
	[tilespmem:$0x1EA00] =	vst v63  }
0x1a3: {  	s21 =	simm.s32 $0x1200;
	s7 =	sadd.s32 $0x100, s4;
	v37 =	vadd.s32 v35, v37  }
0x1a4: {  	[tilespmem:s21], [sflag:$0x1] =	stream.indirect_vreg.gather [hbm4b:s7+s2], $0x80, v38, vm0, $0xb8;
	[tilespmem:$0x1EA00] =	vst v63  }
0x1a5: {  	s22 =	simm.s32 $0x1A00;
	s8 =	sadd.s32 $0x200, s4  }
0x1a6: {  	[tilespmem:s22], [sflag:$0x1] =	stream.indirect_vreg.gather [hbm4b:s8+s2], $0x80, v38, vm0, $0xb8;
	[tilespmem:$0x1EA00] =	vst v63  }
0x1a7: {  	s23 =	simm.s32 $0x2200  }
0x1a8: {  	[tilespmem:s23], [sflag:$0x1] =	stream.indirect_vreg.gather [hbm4b:s4+s2], $0x80, v37, vm0, $0xb8;
	[tilespmem:$0x1EA00] =	vst v63  }
0x1a9: {  	s25 =	simm.s32 $0x2A00  }
0x1aa: {  	[tilespmem:s25], [sflag:$0x1] =	stream.indirect_vreg.gather [hbm4b:s7+s2], $0x80, v37, vm0, $0xb8;
	[tilespmem:$0x1EA00] =	vst v63  }
0x1ab: {  	s26 =	simm.s32 $0x3200  }
0x1ac: {  	[tilespmem:s26], [sflag:$0x1] =	stream.indirect_vreg.gather [hbm4b:s8+s2], $0x80, v37, vm0, $0xb8;
	[tilespmem:$0x1EA00] =	vst v63  }
0x1ad: {  	v37 =	vld [tilespmem:$0x610];
	_ =	sdelay $0x4  }
0x1ae: {  	v62 =	vshrl.u32 v37, $0x3  }
0x1af: {  	v38 =	vmul.u32 $0x30, v62  }
0x1b0: {  	v37 =	vand.u32 $0x7, v37  }
0x1b1: {  	v37 =	vor.u32 v37, v38  }
0x1b2: {  	v38 =	vperm.xlane v37, v34;
	_ =	sdelay $0x1  }
0x1b3: {  	v38 =	vadd.s32 v35, v38;
	_ =	sdelay $0x3  }
0x1b4: {  	s28 =	simm.s32 $0x3A00;
	v37 =	vperm.xlane v37, v36  }
0x1b5: {  	[tilespmem:s28], [sflag:$0x1] =	stream.indirect_vreg.gather [hbm4b:s4+s2], $0x80, v38, vm0, $0xb8;
	[tilespmem:$0x1EA00] =	vst v63  }
0x1b6: {  	s29 =	simm.s32 $0x4200;
	v37 =	vadd.s32 v35, v37  }
0x1b7: {  	[tilespmem:s29], [sflag:$0x1] =	stream.indirect_vreg.gather [hbm4b:s7+s2], $0x80, v38, vm0, $0xb8;
	[tilespmem:$0x1EA00] =	vst v63  }
0x1b8: {  	s30 =	simm.s32 $0x4A00  }
0x1b9: {  	[tilespmem:s30], [sflag:$0x1] =	stream.indirect_vreg.gather [hbm4b:s8+s2], $0x80, v38, vm0, $0xb8;
	[tilespmem:$0x1EA00] =	vst v63  }
0x1ba: {  	s0 =	simm.s32 $0x5200  }
0x1bb: {  	[tilespmem:s0], [sflag:$0x1] =	stream.indirect_vreg.gather [hbm4b:s4+s2], $0x80, v37, vm0, $0xb8;
	[tilespmem:$0x1EA00] =	vst v63  }
0x1bc: {  	s6 =	simm.s32 $0x5A00  }
0x1bd: {  	[tilespmem:s6], [sflag:$0x1] =	stream.indirect_vreg.gather [hbm4b:s7+s2], $0x80, v37, vm0, $0xb8;
	[tilespmem:$0x1EA00] =	vst v63  }
0x1be: {  	s9 =	simm.s32 $0x6200  }
0x1bf: {  	[tilespmem:s9], [sflag:$0x1] =	stream.indirect_vreg.gather [hbm4b:s8+s2], $0x80, v37, vm0, $0xb8;
	[tilespmem:$0x1EA00] =	vst v63  }
0x1c0: {  	v37 =	vld [tilespmem:$0x620];
	_ =	sdelay $0x4  }
0x1c1: {  	v63 =	vshrl.u32 v37, $0x3  }
0x1c2: {  	v38 =	vmul.u32 $0x30, v63  }
0x1c3: {  	v37 =	vand.u32 $0x7, v37  }
0x1c4: {  	v37 =	vor.u32 v37, v38  }
0x1c5: {  	v38 =	vperm.xlane v37, v34;
	_ =	sdelay $0x1  }
0x1c6: {  	v38 =	vadd.s32 v35, v38;
	_ =	sdelay $0x3  }
0x1c7: {  	s11 =	simm.s32 $0x6A00;
	v37 =	vperm.xlane v37, v36  }
0x1c8: {  	[tilespmem:s11], [sflag:$0x1] =	stream.indirect_vreg.gather [hbm4b:s4+s2], $0x80, v38, vm0, $0xb8;
	[tilespmem:$0x1EA00] =	vst v63  }
0x1c9: {  	s13 =	simm.s32 $0x7200;
	v37 =	vadd.s32 v35, v37  }
0x1ca: {  	[tilespmem:s13], [sflag:$0x1] =	stream.indirect_vreg.gather [hbm4b:s7+s2], $0x80, v38, vm0, $0xb8;
	[tilespmem:$0x1EA00] =	vst v63  }
0x1cb: {  	s14 =	simm.s32 $0x7A00  }
0x1cc: {  	[tilespmem:s14], [sflag:$0x1] =	stream.indirect_vreg.gather [hbm4b:s8+s2], $0x80, v38, vm0, $0xb8;
	[tilespmem:$0x1EA00] =	vst v63  }
0x1cd: {  	s15 =	simm.s32 $0x8200  }
0x1ce: {  	[tilespmem:s15], [sflag:$0x1] =	stream.indirect_vreg.gather [hbm4b:s4+s2], $0x80, v37, vm0, $0xb8;
	[tilespmem:$0x1EA00] =	vst v63  }
0x1cf: {  	s16 =	simm.s32 $0x8A00  }
0x1d0: {  	[tilespmem:s16], [sflag:$0x1] =	stream.indirect_vreg.gather [hbm4b:s7+s2], $0x80, v37, vm0, $0xb8;
	[tilespmem:$0x1EA00] =	vst v63  }
0x1d1: {  	s17 =	simm.s32 $0x9200  }
0x1d2: {  	[tilespmem:s17], [sflag:$0x1] =	stream.indirect_vreg.gather [hbm4b:s8+s2], $0x80, v37, vm0, $0xb8;
	[tilespmem:$0x1EA00] =	vst v63  }
0x1d3: {  	v37 =	vld [tilespmem:$0x630];
	_ =	sdelay $0x4  }
0x1d4: {  	v40 =	vshrl.u32 v37, $0x3  }
0x1d5: {  	v38 =	vmul.u32 $0x30, v40  }
0x1d6: {  	v37 =	vand.u32 $0x7, v37  }
0x1d7: {  	v37 =	vor.u32 v37, v38  }
0x1d8: {  	v38 =	vperm.xlane v37, v34;
	_ =	sdelay $0x1  }
0x1d9: {  	v38 =	vadd.s32 v35, v38;
	_ =	sdelay $0x3  }
0x1da: {  	s23 =	simm.s32 $0x9A00;
	v37 =	vperm.xlane v37, v36  }
0x1db: {  	[tilespmem:s23], [sflag:$0x1] =	stream.indirect_vreg.gather [hbm4b:s4+s2], $0x80, v38, vm0, $0xb8;
	[tilespmem:$0x1EA00] =	vst v63  }
0x1dc: {  	s29 =	simm.s32 $0xA200;
	v37 =	vadd.s32 v35, v37  }
0x1dd: {  	[tilespmem:s29], [sflag:$0x1] =	stream.indirect_vreg.gather [hbm4b:s7+s2], $0x80, v38, vm0, $0xb8;
	[tilespmem:$0x1EA00] =	vst v63  }
0x1de: {  	s0 =	simm.s32 $0xAA00  }
0x1df: {  	[tilespmem:s0], [sflag:$0x1] =	stream.indirect_vreg.gather [hbm4b:s8+s2], $0x80, v38, vm0, $0xb8;
	[tilespmem:$0x1EA00] =	vst v63  }
0x1e0: {  	s9 =	simm.s32 $0xB200  }
0x1e1: {  	[tilespmem:s9], [sflag:$0x1] =	stream.indirect_vreg.gather [hbm4b:s4+s2], $0x80, v37, vm0, $0xb8;
	[tilespmem:$0x1EA00] =	vst v63  }
0x1e2: {  	s15 =	simm.s32 $0xBA00  }
0x1e3: {  	[tilespmem:s15], [sflag:$0x1] =	stream.indirect_vreg.gather [hbm4b:s7+s2], $0x80, v37, vm0, $0xb8;
	[tilespmem:$0x1EA00] =	vst v63  }
0x1e4: {  	s16 =	simm.s32 $0xC200  }
0x1e5: {  	[tilespmem:s16], [sflag:$0x1] =	stream.indirect_vreg.gather [hbm4b:s8+s2], $0x80, v37, vm0, $0xb8;
	[tilespmem:$0x1EA00] =	vst v63  }
0x1e6: {  	v37 =	vld [tilespmem:$0x640];
	_ =	sdelay $0x4  }
0x1e7: {  	v41 =	vshrl.u32 v37, $0x3  }
0x1e8: {  	v38 =	vmul.u32 $0x30, v41  }
0x1e9: {  	v37 =	vand.u32 $0x7, v37  }
0x1ea: {  	v37 =	vor.u32 v37, v38  }
0x1eb: {  	v38 =	vperm.xlane v37, v34;
	_ =	sdelay $0x1  }
0x1ec: {  	v38 =	vadd.s32 v35, v38;
	_ =	sdelay $0x3  }
0x1ed: {  	s17 =	simm.s32 $0xCA00;
	v37 =	vperm.xlane v37, v36  }
0x1ee: {  	[tilespmem:s17], [sflag:$0x1] =	stream.indirect_vreg.gather [hbm4b:s4+s2], $0x80, v38, vm0, $0xb8;
	[tilespmem:$0x1EA00] =	vst v63  }
0x1ef: {  	s23 =	simm.s32 $0xD200;
	v37 =	vadd.s32 v35, v37  }
0x1f0: {  	[tilespmem:s23], [sflag:$0x1] =	stream.indirect_vreg.gather [hbm4b:s7+s2], $0x80, v38, vm0, $0xb8;
	[tilespmem:$0x1EA00] =	vst v63  }
0x1f1: {  	s0 =	simm.s32 $0xDA00  }
0x1f2: {  	[tilespmem:s0], [sflag:$0x1] =	stream.indirect_vreg.gather [hbm4b:s8+s2], $0x80, v38, vm0, $0xb8;
	[tilespmem:$0x1EA00] =	vst v63  }
0x1f3: {  	s9 =	simm.s32 $0xE200  }
0x1f4: {  	[tilespmem:s9], [sflag:$0x1] =	stream.indirect_vreg.gather [hbm4b:s4+s2], $0x80, v37, vm0, $0xb8;
	[tilespmem:$0x1EA00] =	vst v63  }
0x1f5: {  	s17 =	simm.s32 $0xEA00  }
0x1f6: {  	[tilespmem:s17], [sflag:$0x1] =	stream.indirect_vreg.gather [hbm4b:s7+s2], $0x80, v37, vm0, $0xb8;
	[tilespmem:$0x1EA00] =	vst v63  }
0x1f7: {  	s23 =	simm.s32 $0xF200  }
0x1f8: {  	[tilespmem:s23], [sflag:$0x1] =	stream.indirect_vreg.gather [hbm4b:s8+s2], $0x80, v37, vm0, $0xb8;
	[tilespmem:$0x1EA00] =	vst v63  }
0x1f9: {  	_ =	swait.ge [sflag:s31], $0xF000  }
0x1fa: {  	[sflag:s31] =	ssyncset.done $0x0  }
0x1fb: {  	s18 =	simm.s32 $0xA00;
	s0 =	rddreg [dreg:$0x13];
	[sflag:s31] =	ssyncadd.s32 $0xFFFF1000  }
0x1fc: {  	[hbm4b:s0+s2] =	stream.linear.scatter [tilespmem:s18], [sflag:$0x3], $0xF000, $0x38;
	[tilespmem:$0x1EA00] =	vst v63  }
0x1fd: {  	v42 =	vld [tilespmem:$0x650];
	_ =	sdelay $0x4  }
0x1fe: {  	v43 =	vshrl.u32 v42, $0x3  }
0x1ff: {  	v38 =	vmul.u32 $0x30, v43  }
0x200: {  	v37 =	vand.u32 $0x7, v42  }
0x201: {  	v37 =	vor.u32 v37, v38  }
0x202: {  	v38 =	vperm.xlane v37, v34;
	_ =	sdelay $0x1  }
0x203: {  	v38 =	vadd.s32 v35, v38;
	_ =	sdelay $0x3  }
0x204: {  	s3 =	simm.s32 $0xFA00;
	v37 =	vperm.xlane v37, v36  }
0x205: {  	[tilespmem:s3], [sflag:$0x2] =	stream.indirect_vreg.gather [hbm4b:s4+s2], $0x80, v38, vm0, $0xb8;
	[tilespmem:$0x1EA00] =	vst v63  }
0x206: {  	s17 =	simm.s32 $0x10200;
	v37 =	vadd.s32 v35, v37  }
0x207: {  	[tilespmem:s17], [sflag:$0x2] =	stream.indirect_vreg.gather [hbm4b:s7+s2], $0x80, v38, vm0, $0xb8;
	[tilespmem:$0x1EA00] =	vst v63  }
0x208: {  	s0 =	simm.s32 $0x10A00  }
0x209: {  	[tilespmem:s0], [sflag:$0x2] =	stream.indirect_vreg.gather [hbm4b:s8+s2], $0x80, v38, vm0, $0xb8;
	[tilespmem:$0x1EA00] =	vst v63  }
0x20a: {  	s0 =	simm.s32 $0x11200  }
0x20b: {  	[tilespmem:s0], [sflag:$0x2] =	stream.indirect_vreg.gather [hbm4b:s4+s2], $0x80, v37, vm0, $0xb8;
	[tilespmem:$0x1EA00] =	vst v63  }
0x20c: {  	s0 =	simm.s32 $0x11A00  }
0x20d: {  	[tilespmem:s0], [sflag:$0x2] =	stream.indirect_vreg.gather [hbm4b:s7+s2], $0x80, v37, vm0, $0xb8;
	[tilespmem:$0x1EA00] =	vst v63  }
0x20e: {  	s0 =	simm.s32 $0x12200  }
0x20f: {  	[tilespmem:s0], [sflag:$0x2] =	stream.indirect_vreg.gather [hbm4b:s8+s2], $0x80, v37, vm0, $0xb8;
	[tilespmem:$0x1EA00] =	vst v63  }
0x210: {  	v37 =	vld [tilespmem:$0x660];
	_ =	sdelay $0x4  }
0x211: {  	v44 =	vshrl.u32 v37, $0x3  }
0x212: {  	v38 =	vmul.u32 $0x30, v44  }
0x213: {  	v37 =	vand.u32 $0x7, v37  }
0x214: {  	v37 =	vor.u32 v37, v38  }
0x215: {  	v38 =	vperm.xlane v37, v34;
	_ =	sdelay $0x1  }
0x216: {  	v38 =	vadd.s32 v35, v38;
	_ =	sdelay $0x3  }
0x217: {  	s0 =	simm.s32 $0x12A00;
	v37 =	vperm.xlane v37, v36  }
0x218: {  	[tilespmem:s0], [sflag:$0x2] =	stream.indirect_vreg.gather [hbm4b:s4+s2], $0x80, v38, vm0, $0xb8;
	[tilespmem:$0x1EA00] =	vst v63  }
0x219: {  	v37 =	vadd.s32 v35, v37;
	s0 =	simm.s32 $0x13200  }
0x21a: {  	[tilespmem:s0], [sflag:$0x2] =	stream.indirect_vreg.gather [hbm4b:s7+s2], $0x80, v38, vm0, $0xb8;
	[tilespmem:$0x1EA00] =	vst v63  }
0x21b: {  	s0 =	simm.s32 $0x13A00  }
0x21c: {  	[tilespmem:s0], [sflag:$0x2] =	stream.indirect_vreg.gather [hbm4b:s8+s2], $0x80, v38, vm0, $0xb8;
	[tilespmem:$0x1EA00] =	vst v63  }
0x21d: {  	s0 =	simm.s32 $0x14200  }
0x21e: {  	[tilespmem:s0], [sflag:$0x2] =	stream.indirect_vreg.gather [hbm4b:s4+s2], $0x80, v37, vm0, $0xb8;
	[tilespmem:$0x1EA00] =	vst v63  }
0x21f: {  	s0 =	simm.s32 $0x14A00  }
0x220: {  	[tilespmem:s0], [sflag:$0x2] =	stream.indirect_vreg.gather [hbm4b:s7+s2], $0x80, v37, vm0, $0xb8;
	[tilespmem:$0x1EA00] =	vst v63  }
0x221: {  	s0 =	simm.s32 $0x15200  }
0x222: {  	[tilespmem:s0], [sflag:$0x2] =	stream.indirect_vreg.gather [hbm4b:s8+s2], $0x80, v37, vm0, $0xb8;
	[tilespmem:$0x1EA00] =	vst v63  }
0x223: {  	v37 =	vld [tilespmem:$0x670];
	_ =	sdelay $0x4  }
0x224: {  	v45 =	vshrl.u32 v37, $0x3  }
0x225: {  	v38 =	vmul.u32 $0x30, v45  }
0x226: {  	v37 =	vand.u32 $0x7, v37  }
0x227: {  	v37 =	vor.u32 v37, v38  }
0x228: {  	v38 =	vperm.xlane v37, v34;
	_ =	sdelay $0x1  }
0x229: {  	v38 =	vadd.s32 v35, v38;
	_ =	sdelay $0x3  }
0x22a: {  	s0 =	simm.s32 $0x15A00;
	v37 =	vperm.xlane v37, v36  }
0x22b: {  	[tilespmem:s0], [sflag:$0x2] =	stream.indirect_vreg.gather [hbm4b:s4+s2], $0x80, v38, vm0, $0xb8;
	[tilespmem:$0x1EA00] =	vst v63  }
0x22c: {  	v37 =	vadd.s32 v35, v37;
	s0 =	simm.s32 $0x16200  }
0x22d: {  	[tilespmem:s0], [sflag:$0x2] =	stream.indirect_vreg.gather [hbm4b:s7+s2], $0x80, v38, vm0, $0xb8;
	[tilespmem:$0x1EA00] =	vst v63  }
0x22e: {  	s0 =	simm.s32 $0x16A00  }
0x22f: {  	[tilespmem:s0], [sflag:$0x2] =	stream.indirect_vreg.gather [hbm4b:s8+s2], $0x80, v38, vm0, $0xb8;
	[tilespmem:$0x1EA00] =	vst v63  }
0x230: {  	s0 =	simm.s32 $0x17200  }
0x231: {  	[tilespmem:s0], [sflag:$0x2] =	stream.indirect_vreg.gather [hbm4b:s4+s2], $0x80, v37, vm0, $0xb8;
	[tilespmem:$0x1EA00] =	vst v63  }
0x232: {  	s0 =	simm.s32 $0x17A00  }
0x233: {  	[tilespmem:s0], [sflag:$0x2] =	stream.indirect_vreg.gather [hbm4b:s7+s2], $0x80, v37, vm0, $0xb8;
	[tilespmem:$0x1EA00] =	vst v63  }
0x234: {  	s0 =	simm.s32 $0x18200  }
0x235: {  	[tilespmem:s0], [sflag:$0x2] =	stream.indirect_vreg.gather [hbm4b:s8+s2], $0x80, v37, vm0, $0xb8;
	[tilespmem:$0x1EA00] =	vst v63  }
0x236: {  	v37 =	vld [tilespmem:$0x680];
	_ =	sdelay $0x4  }
0x237: {  	v46 =	vshrl.u32 v37, $0x3  }
0x238: {  	v38 =	vmul.u32 $0x30, v46  }
0x239: {  	v37 =	vand.u32 $0x7, v37  }
0x23a: {  	v37 =	vor.u32 v37, v38  }
0x23b: {  	v38 =	vperm.xlane v37, v34;
	_ =	sdelay $0x1  }
0x23c: {  	v38 =	vadd.s32 v35, v38;
	_ =	sdelay $0x3  }
0x23d: {  	s0 =	simm.s32 $0x18A00;
	v37 =	vperm.xlane v37, v36  }
0x23e: {  	[tilespmem:s0], [sflag:$0x2] =	stream.indirect_vreg.gather [hbm4b:s4+s2], $0x80, v38, vm0, $0xb8;
	[tilespmem:$0x1EA00] =	vst v63  }
0x23f: {  	v37 =	vadd.s32 v35, v37;
	s0 =	simm.s32 $0x19200  }
0x240: {  	[tilespmem:s0], [sflag:$0x2] =	stream.indirect_vreg.gather [hbm4b:s7+s2], $0x80, v38, vm0, $0xb8;
	[tilespmem:$0x1EA00] =	vst v63  }
0x241: {  	s0 =	simm.s32 $0x19A00  }
0x242: {  	[tilespmem:s0], [sflag:$0x2] =	stream.indirect_vreg.gather [hbm4b:s8+s2], $0x80, v38, vm0, $0xb8;
	[tilespmem:$0x1EA00] =	vst v63  }
0x243: {  	s0 =	simm.s32 $0x1A200  }
0x244: {  	[tilespmem:s0], [sflag:$0x2] =	stream.indirect_vreg.gather [hbm4b:s4+s2], $0x80, v37, vm0, $0xb8;
	[tilespmem:$0x1EA00] =	vst v63  }
0x245: {  	s0 =	simm.s32 $0x1AA00  }
0x246: {  	[tilespmem:s0], [sflag:$0x2] =	stream.indirect_vreg.gather [hbm4b:s7+s2], $0x80, v37, vm0, $0xb8;
	[tilespmem:$0x1EA00] =	vst v63  }
0x247: {  	s0 =	simm.s32 $0x1B200  }
0x248: {  	[tilespmem:s0], [sflag:$0x2] =	stream.indirect_vreg.gather [hbm4b:s8+s2], $0x80, v37, vm0, $0xb8;
	[tilespmem:$0x1EA00] =	vst v63  }
0x249: {  	v37 =	vld [tilespmem:$0x690];
	_ =	sdelay $0x4  }
0x24a: {  	v47 =	vshrl.u32 v37, $0x3  }
0x24b: {  	v38 =	vmul.u32 $0x30, v47  }
0x24c: {  	v37 =	vand.u32 $0x7, v37  }
0x24d: {  	v37 =	vor.u32 v37, v38  }
0x24e: {  	v38 =	vperm.xlane v37, v34;
	_ =	sdelay $0x1  }
0x24f: {  	v38 =	vadd.s32 v35, v38;
	_ =	sdelay $0x3  }
0x250: {  	s0 =	simm.s32 $0x1BA00;
	v37 =	vperm.xlane v37, v36  }
0x251: {  	[tilespmem:s0], [sflag:$0x2] =	stream.indirect_vreg.gather [hbm4b:s4+s2], $0x80, v38, vm0, $0xb8;
	[tilespmem:$0x1EA00] =	vst v63  }
0x252: {  	v37 =	vadd.s32 v35, v37;
	s0 =	simm.s32 $0x1C200  }
0x253: {  	[tilespmem:s0], [sflag:$0x2] =	stream.indirect_vreg.gather [hbm4b:s7+s2], $0x80, v38, vm0, $0xb8;
	[tilespmem:$0x1EA00] =	vst v63  }
0x254: {  	s0 =	simm.s32 $0x1CA00  }
0x255: {  	[tilespmem:s0], [sflag:$0x2] =	stream.indirect_vreg.gather [hbm4b:s8+s2], $0x80, v38, vm0, $0xb8;
	[tilespmem:$0x1EA00] =	vst v63  }
0x256: {  	s0 =	simm.s32 $0x1D200  }
0x257: {  	[tilespmem:s0], [sflag:$0x2] =	stream.indirect_vreg.gather [hbm4b:s4+s2], $0x80, v37, vm0, $0xb8;
	[tilespmem:$0x1EA00] =	vst v63  }
0x258: {  	s0 =	simm.s32 $0x1DA00  }
0x259: {  	[tilespmem:s0], [sflag:$0x2] =	stream.indirect_vreg.gather [hbm4b:s7+s2], $0x80, v37, vm0, $0xb8;
	[tilespmem:$0x1EA00] =	vst v63  }
0x25a: {  	s0 =	simm.s32 $0x1E200  }
0x25b: {  	[tilespmem:s0], [sflag:$0x2] =	stream.indirect_vreg.gather [hbm4b:s8+s2], $0x80, v37, vm0, $0xb8;
	[tilespmem:$0x1EA00] =	vst v63  }
0x25c: {  	_ =	swait.ge [sflag:s1], $0xF000  }
0x25d: {  	[sflag:s1] =	ssyncset.done $0x0  }
0x25e: {  	s23 =	simm.s32 $0xFA00;
	s0 =	rddreg [dreg:$0x5];
	[sflag:s1] =	ssyncadd.s32 $0xFFFF1000  }
0x25f: {  	[hbm4b:s0+s2] =	stream.linear.scatter [tilespmem:s23], [sflag:$0x4], $0xF000, $0x38;
	[tilespmem:$0x1EA00] =	vst v63  }
0x260: {  	s0 =	simm.s32 $0x3  }
0x261: {  	_ =	swait.ge [sflag:s0], $0xF000  }
0x262: {  	[sflag:s0] =	ssyncset.done $0x0  }
0x263: {  	[sflag:s0] =	ssyncadd.s32 $0xFFFF1000  }
0x264: {  	v48 =	vld [tilespmem:$0x6A0];
	_ =	sdelay $0x4  }
0x265: {  	v49 =	vshrl.u32 v48, $0x3  }
0x266: {  	v38 =	vmul.u32 $0x30, v49  }
0x267: {  	v37 =	vand.u32 $0x7, v48  }
0x268: {  	v37 =	vor.u32 v37, v38  }
0x269: {  	v38 =	vperm.xlane v37, v34;
	_ =	sdelay $0x1  }
0x26a: {  	v38 =	vadd.s32 v35, v38;
	_ =	sdelay $0x3  }
0x26b: {  	v37 =	vperm.xlane v37, v36  }
0x26c: {  	[tilespmem:s18], [sflag:$0x1] =	stream.indirect_vreg.gather [hbm4b:s4+s2], $0x80, v38, vm0, $0xb8;
	[tilespmem:$0x1EA00] =	vst v63  }
0x26d: {  	s3 =	simm.s32 $0x1200;
	v37 =	vadd.s32 v35, v37  }
0x26e: {  	[tilespmem:s3], [sflag:$0x1] =	stream.indirect_vreg.gather [hbm4b:s7+s2], $0x80, v38, vm0, $0xb8;
	[tilespmem:$0x1EA00] =	vst v63  }
0x26f: {  	s19 =	simm.s32 $0x1A00  }
0x270: {  	[tilespmem:s19], [sflag:$0x1] =	stream.indirect_vreg.gather [hbm4b:s8+s2], $0x80, v38, vm0, $0xb8;
	[tilespmem:$0x1EA00] =	vst v63  }
0x271: {  	s20 =	simm.s32 $0x2200  }
0x272: {  	[tilespmem:s20], [sflag:$0x1] =	stream.indirect_vreg.gather [hbm4b:s4+s2], $0x80, v37, vm0, $0xb8;
	[tilespmem:$0x1EA00] =	vst v63  }
0x273: {  	s21 =	simm.s32 $0x2A00  }
0x274: {  	[tilespmem:s21], [sflag:$0x1] =	stream.indirect_vreg.gather [hbm4b:s7+s2], $0x80, v37, vm0, $0xb8;
	[tilespmem:$0x1EA00] =	vst v63  }
0x275: {  	s12 =	simm.s32 $0x3200  }
0x276: {  	[tilespmem:s12], [sflag:$0x1] =	stream.indirect_vreg.gather [hbm4b:s8+s2], $0x80, v37, vm0, $0xb8;
	[tilespmem:$0x1EA00] =	vst v63  }
0x277: {  	v37 =	vld [tilespmem:$0x6B0];
	_ =	sdelay $0x4  }
0x278: {  	v50 =	vshrl.u32 v37, $0x3  }
0x279: {  	v38 =	vmul.u32 $0x30, v50  }
0x27a: {  	v37 =	vand.u32 $0x7, v37  }
0x27b: {  	v37 =	vor.u32 v37, v38  }
0x27c: {  	v38 =	vperm.xlane v37, v34;
	_ =	sdelay $0x1  }
0x27d: {  	v38 =	vadd.s32 v35, v38;
	_ =	sdelay $0x3  }
0x27e: {  	s10 =	simm.s32 $0x3A00;
	v37 =	vperm.xlane v37, v36  }
0x27f: {  	[tilespmem:s10], [sflag:$0x1] =	stream.indirect_vreg.gather [hbm4b:s4+s2], $0x80, v38, vm0, $0xb8;
	[tilespmem:$0x1EA00] =	vst v63  }
0x280: {  	s12 =	simm.s32 $0x4200;
	v37 =	vadd.s32 v35, v37  }
0x281: {  	[tilespmem:s12], [sflag:$0x1] =	stream.indirect_vreg.gather [hbm4b:s7+s2], $0x80, v38, vm0, $0xb8;
	[tilespmem:$0x1EA00] =	vst v63  }
0x282: {  	s19 =	simm.s32 $0x4A00  }
0x283: {  	[tilespmem:s19], [sflag:$0x1] =	stream.indirect_vreg.gather [hbm4b:s8+s2], $0x80, v38, vm0, $0xb8;
	[tilespmem:$0x1EA00] =	vst v63  }
0x284: {  	s20 =	simm.s32 $0x5200  }
0x285: {  	[tilespmem:s20], [sflag:$0x1] =	stream.indirect_vreg.gather [hbm4b:s4+s2], $0x80, v37, vm0, $0xb8;
	[tilespmem:$0x1EA00] =	vst v63  }
0x286: {  	s6 =	simm.s32 $0x5A00  }
0x287: {  	[tilespmem:s6], [sflag:$0x1] =	stream.indirect_vreg.gather [hbm4b:s7+s2], $0x80, v37, vm0, $0xb8;
	[tilespmem:$0x1EA00] =	vst v63  }
0x288: {  	s30 =	simm.s32 $0x6200  }
0x289: {  	[tilespmem:s30], [sflag:$0x1] =	stream.indirect_vreg.gather [hbm4b:s8+s2], $0x80, v37, vm0, $0xb8;
	[tilespmem:$0x1EA00] =	vst v63  }
0x28a: {  	v37 =	vld [tilespmem:$0x6C0];
	_ =	sdelay $0x4  }
0x28b: {  	v51 =	vshrl.u32 v37, $0x3  }
0x28c: {  	v38 =	vmul.u32 $0x30, v51  }
0x28d: {  	v37 =	vand.u32 $0x7, v37  }
0x28e: {  	v37 =	vor.u32 v37, v38  }
0x28f: {  	v38 =	vperm.xlane v37, v34;
	_ =	sdelay $0x1  }
0x290: {  	v38 =	vadd.s32 v35, v38;
	_ =	sdelay $0x3  }
0x291: {  	s11 =	simm.s32 $0x6A00;
	v37 =	vperm.xlane v37, v36  }
0x292: {  	[tilespmem:s11], [sflag:$0x1] =	stream.indirect_vreg.gather [hbm4b:s4+s2], $0x80, v38, vm0, $0xb8;
	[tilespmem:$0x1EA00] =	vst v63  }
0x293: {  	s22 =	simm.s32 $0x7200;
	v37 =	vadd.s32 v35, v37  }
0x294: {  	[tilespmem:s22], [sflag:$0x1] =	stream.indirect_vreg.gather [hbm4b:s7+s2], $0x80, v38, vm0, $0xb8;
	[tilespmem:$0x1EA00] =	vst v63  }
0x295: {  	s25 =	simm.s32 $0x7A00  }
0x296: {  	[tilespmem:s25], [sflag:$0x1] =	stream.indirect_vreg.gather [hbm4b:s8+s2], $0x80, v38, vm0, $0xb8;
	[tilespmem:$0x1EA00] =	vst v63  }
0x297: {  	s26 =	simm.s32 $0x8200  }
0x298: {  	[tilespmem:s26], [sflag:$0x1] =	stream.indirect_vreg.gather [hbm4b:s4+s2], $0x80, v37, vm0, $0xb8;
	[tilespmem:$0x1EA00] =	vst v63  }
0x299: {  	s28 =	simm.s32 $0x8A00  }
0x29a: {  	[tilespmem:s28], [sflag:$0x1] =	stream.indirect_vreg.gather [hbm4b:s7+s2], $0x80, v37, vm0, $0xb8;
	[tilespmem:$0x1EA00] =	vst v63  }
0x29b: {  	s13 =	simm.s32 $0x9200  }
0x29c: {  	[tilespmem:s13], [sflag:$0x1] =	stream.indirect_vreg.gather [hbm4b:s8+s2], $0x80, v37, vm0, $0xb8;
	[tilespmem:$0x1EA00] =	vst v63  }
0x29d: {  	v37 =	vld [tilespmem:$0x6D0];
	_ =	sdelay $0x4  }
0x29e: {  	v52 =	vshrl.u32 v37, $0x3  }
0x29f: {  	v38 =	vmul.u32 $0x30, v52  }
0x2a0: {  	v37 =	vand.u32 $0x7, v37  }
0x2a1: {  	v37 =	vor.u32 v37, v38  }
0x2a2: {  	v38 =	vperm.xlane v37, v34;
	_ =	sdelay $0x1  }
0x2a3: {  	v38 =	vadd.s32 v35, v38;
	_ =	sdelay $0x3  }
0x2a4: {  	s14 =	simm.s32 $0x9A00;
	v37 =	vperm.xlane v37, v36  }
0x2a5: {  	[tilespmem:s14], [sflag:$0x1] =	stream.indirect_vreg.gather [hbm4b:s4+s2], $0x80, v38, vm0, $0xb8;
	[tilespmem:$0x1EA00] =	vst v63  }
0x2a6: {  	s29 =	simm.s32 $0xA200;
	v37 =	vadd.s32 v35, v37  }
0x2a7: {  	[tilespmem:s29], [sflag:$0x1] =	stream.indirect_vreg.gather [hbm4b:s7+s2], $0x80, v38, vm0, $0xb8;
	[tilespmem:$0x1EA00] =	vst v63  }
0x2a8: {  	s30 =	simm.s32 $0xAA00  }
0x2a9: {  	[tilespmem:s30], [sflag:$0x1] =	stream.indirect_vreg.gather [hbm4b:s8+s2], $0x80, v38, vm0, $0xb8;
	[tilespmem:$0x1EA00] =	vst v63  }
0x2aa: {  	s10 =	simm.s32 $0xB200  }
0x2ab: {  	[tilespmem:s10], [sflag:$0x1] =	stream.indirect_vreg.gather [hbm4b:s4+s2], $0x80, v37, vm0, $0xb8;
	[tilespmem:$0x1EA00] =	vst v63  }
0x2ac: {  	s11 =	simm.s32 $0xBA00  }
0x2ad: {  	[tilespmem:s11], [sflag:$0x1] =	stream.indirect_vreg.gather [hbm4b:s7+s2], $0x80, v37, vm0, $0xb8;
	[tilespmem:$0x1EA00] =	vst v63  }
0x2ae: {  	s15 =	simm.s32 $0xC200  }
0x2af: {  	[tilespmem:s15], [sflag:$0x1] =	stream.indirect_vreg.gather [hbm4b:s8+s2], $0x80, v37, vm0, $0xb8;
	[tilespmem:$0x1EA00] =	vst v63  }
0x2b0: {  	v37 =	vld [tilespmem:$0x6E0];
	_ =	sdelay $0x4  }
0x2b1: {  	v53 =	vshrl.u32 v37, $0x3  }
0x2b2: {  	v38 =	vmul.u32 $0x30, v53  }
0x2b3: {  	v37 =	vand.u32 $0x7, v37  }
0x2b4: {  	v37 =	vor.u32 v37, v38  }
0x2b5: {  	v38 =	vperm.xlane v37, v34;
	_ =	sdelay $0x1  }
0x2b6: {  	v38 =	vadd.s32 v35, v38;
	_ =	sdelay $0x3  }
0x2b7: {  	s16 =	simm.s32 $0xCA00;
	v37 =	vperm.xlane v37, v36  }
0x2b8: {  	[tilespmem:s16], [sflag:$0x1] =	stream.indirect_vreg.gather [hbm4b:s4+s2], $0x80, v38, vm0, $0xb8;
	[tilespmem:$0x1EA00] =	vst v63  }
0x2b9: {  	v37 =	vadd.s32 v35, v37;
	s16 =	simm.s32 $0xD200  }
0x2ba: {  	[tilespmem:s16], [sflag:$0x1] =	stream.indirect_vreg.gather [hbm4b:s7+s2], $0x80, v38, vm0, $0xb8;
	[tilespmem:$0x1EA00] =	vst v63  }
0x2bb: {  	s28 =	simm.s32 $0xDA00  }
0x2bc: {  	[tilespmem:s28], [sflag:$0x1] =	stream.indirect_vreg.gather [hbm4b:s8+s2], $0x80, v38, vm0, $0xb8;
	[tilespmem:$0x1EA00] =	vst v63  }
0x2bd: {  	s29 =	simm.s32 $0xE200  }
0x2be: {  	[tilespmem:s29], [sflag:$0x1] =	stream.indirect_vreg.gather [hbm4b:s4+s2], $0x80, v37, vm0, $0xb8;
	[tilespmem:$0x1EA00] =	vst v63  }
0x2bf: {  	s30 =	simm.s32 $0xEA00  }
0x2c0: {  	[tilespmem:s30], [sflag:$0x1] =	stream.indirect_vreg.gather [hbm4b:s7+s2], $0x80, v37, vm0, $0xb8;
	[tilespmem:$0x1EA00] =	vst v63  }
0x2c1: {  	s9 =	simm.s32 $0xF200  }
0x2c2: {  	[tilespmem:s9], [sflag:$0x1] =	stream.indirect_vreg.gather [hbm4b:s8+s2], $0x80, v37, vm0, $0xb8;
	[tilespmem:$0x1EA00] =	vst v63  }
0x2c3: {  	_ =	swait.ge [sflag:s31], $0xF000  }
0x2c4: {  	[sflag:s31] =	ssyncset.done $0x0  }
0x2c5: {  	s10 =	rddreg [dreg:$0x6];
	[sflag:s31] =	ssyncadd.s32 $0xFFFF1000  }
0x2c6: {  	[hbm4b:s10+s2] =	stream.linear.scatter [tilespmem:s18], [sflag:$0x3], $0xF000, $0x38;
	[tilespmem:$0x1EA00] =	vst v63  }
0x2c7: {  	s10 =	simm.s32 $0x4  }
0x2c8: {  	_ =	swait.ge [sflag:s10], $0xF000  }
0x2c9: {  	[sflag:s10] =	ssyncset.done $0x0  }
0x2ca: {  	[sflag:s10] =	ssyncadd.s32 $0xFFFF1000  }
0x2cb: {  	v54 =	vld [tilespmem:$0x6F0];
	_ =	sdelay $0x4  }
0x2cc: {  	v55 =	vshrl.u32 v54, $0x3  }
0x2cd: {  	v38 =	vmul.u32 $0x30, v55  }
0x2ce: {  	v37 =	vand.u32 $0x7, v54  }
0x2cf: {  	v37 =	vor.u32 v37, v38  }
0x2d0: {  	v38 =	vperm.xlane v37, v34;
	_ =	sdelay $0x1  }
0x2d1: {  	v38 =	vadd.s32 v35, v38;
	_ =	sdelay $0x3  }
0x2d2: {  	v37 =	vperm.xlane v37, v36  }
0x2d3: {  	[tilespmem:s23], [sflag:$0x2] =	stream.indirect_vreg.gather [hbm4b:s4+s2], $0x80, v38, vm0, $0xb8;
	[tilespmem:$0x1EA00] =	vst v63  }
0x2d4: {  	s17 =	simm.s32 $0x10200;
	v37 =	vadd.s32 v35, v37  }
0x2d5: {  	[tilespmem:s17], [sflag:$0x2] =	stream.indirect_vreg.gather [hbm4b:s7+s2], $0x80, v38, vm0, $0xb8;
	[tilespmem:$0x1EA00] =	vst v63  }
0x2d6: {  	s11 =	simm.s32 $0x10A00  }
0x2d7: {  	[tilespmem:s11], [sflag:$0x2] =	stream.indirect_vreg.gather [hbm4b:s8+s2], $0x80, v38, vm0, $0xb8;
	[tilespmem:$0x1EA00] =	vst v63  }
0x2d8: {  	s17 =	simm.s32 $0x11200  }
0x2d9: {  	[tilespmem:s17], [sflag:$0x2] =	stream.indirect_vreg.gather [hbm4b:s4+s2], $0x80, v37, vm0, $0xb8;
	[tilespmem:$0x1EA00] =	vst v63  }
0x2da: {  	s30 =	simm.s32 $0x11A00  }
0x2db: {  	[tilespmem:s30], [sflag:$0x2] =	stream.indirect_vreg.gather [hbm4b:s7+s2], $0x80, v37, vm0, $0xb8;
	[tilespmem:$0x1EA00] =	vst v63  }
0x2dc: {  	s11 =	simm.s32 $0x12200  }
0x2dd: {  	[tilespmem:s11], [sflag:$0x2] =	stream.indirect_vreg.gather [hbm4b:s8+s2], $0x80, v37, vm0, $0xb8;
	[tilespmem:$0x1EA00] =	vst v63  }
0x2de: {  	v37 =	vld [tilespmem:$0x700];
	_ =	sdelay $0x4  }
0x2df: {  	v56 =	vshrl.u32 v37, $0x3  }
0x2e0: {  	v38 =	vmul.u32 $0x30, v56  }
0x2e1: {  	v37 =	vand.u32 $0x7, v37  }
0x2e2: {  	v37 =	vor.u32 v37, v38  }
0x2e3: {  	v38 =	vperm.xlane v37, v34;
	_ =	sdelay $0x1  }
0x2e4: {  	v38 =	vadd.s32 v35, v38;
	_ =	sdelay $0x3  }
0x2e5: {  	s3 =	simm.s32 $0x12A00;
	v37 =	vperm.xlane v37, v36  }
0x2e6: {  	[tilespmem:s3], [sflag:$0x2] =	stream.indirect_vreg.gather [hbm4b:s4+s2], $0x80, v38, vm0, $0xb8;
	[tilespmem:$0x1EA00] =	vst v63  }
0x2e7: {  	v37 =	vadd.s32 v35, v37;
	s3 =	simm.s32 $0x13200  }
0x2e8: {  	[tilespmem:s3], [sflag:$0x2] =	stream.indirect_vreg.gather [hbm4b:s7+s2], $0x80, v38, vm0, $0xb8;
	[tilespmem:$0x1EA00] =	vst v63  }
0x2e9: {  	s3 =	simm.s32 $0x13A00  }
0x2ea: {  	[tilespmem:s3], [sflag:$0x2] =	stream.indirect_vreg.gather [hbm4b:s8+s2], $0x80, v38, vm0, $0xb8;
	[tilespmem:$0x1EA00] =	vst v63  }
0x2eb: {  	s3 =	simm.s32 $0x14200  }
0x2ec: {  	[tilespmem:s3], [sflag:$0x2] =	stream.indirect_vreg.gather [hbm4b:s4+s2], $0x80, v37, vm0, $0xb8;
	[tilespmem:$0x1EA00] =	vst v63  }
0x2ed: {  	s3 =	simm.s32 $0x14A00  }
0x2ee: {  	[tilespmem:s3], [sflag:$0x2] =	stream.indirect_vreg.gather [hbm4b:s7+s2], $0x80, v37, vm0, $0xb8;
	[tilespmem:$0x1EA00] =	vst v63  }
0x2ef: {  	s3 =	simm.s32 $0x15200  }
0x2f0: {  	[tilespmem:s3], [sflag:$0x2] =	stream.indirect_vreg.gather [hbm4b:s8+s2], $0x80, v37, vm0, $0xb8;
	[tilespmem:$0x1EA00] =	vst v63  }
0x2f1: {  	v37 =	vld [tilespmem:$0x710];
	_ =	sdelay $0x4  }
0x2f2: {  	v57 =	vshrl.u32 v37, $0x3  }
0x2f3: {  	v38 =	vmul.u32 $0x30, v57  }
0x2f4: {  	v37 =	vand.u32 $0x7, v37  }
0x2f5: {  	v37 =	vor.u32 v37, v38  }
0x2f6: {  	v38 =	vperm.xlane v37, v34;
	_ =	sdelay $0x1  }
0x2f7: {  	v38 =	vadd.s32 v35, v38;
	_ =	sdelay $0x3  }
0x2f8: {  	s3 =	simm.s32 $0x15A00;
	v37 =	vperm.xlane v37, v36  }
0x2f9: {  	[tilespmem:s3], [sflag:$0x2] =	stream.indirect_vreg.gather [hbm4b:s4+s2], $0x80, v38, vm0, $0xb8;
	[tilespmem:$0x1EA00] =	vst v63  }
0x2fa: {  	v37 =	vadd.s32 v35, v37;
	s3 =	simm.s32 $0x16200  }
0x2fb: {  	[tilespmem:s3], [sflag:$0x2] =	stream.indirect_vreg.gather [hbm4b:s7+s2], $0x80, v38, vm0, $0xb8;
	[tilespmem:$0x1EA00] =	vst v63  }
0x2fc: {  	s3 =	simm.s32 $0x16A00  }
0x2fd: {  	[tilespmem:s3], [sflag:$0x2] =	stream.indirect_vreg.gather [hbm4b:s8+s2], $0x80, v38, vm0, $0xb8;
	[tilespmem:$0x1EA00] =	vst v63  }
0x2fe: {  	s3 =	simm.s32 $0x17200  }
0x2ff: {  	[tilespmem:s3], [sflag:$0x2] =	stream.indirect_vreg.gather [hbm4b:s4+s2], $0x80, v37, vm0, $0xb8;
	[tilespmem:$0x1EA00] =	vst v63  }
0x300: {  	s3 =	simm.s32 $0x17A00  }
0x301: {  	[tilespmem:s3], [sflag:$0x2] =	stream.indirect_vreg.gather [hbm4b:s7+s2], $0x80, v37, vm0, $0xb8;
	[tilespmem:$0x1EA00] =	vst v63  }
0x302: {  	s3 =	simm.s32 $0x18200  }
0x303: {  	[tilespmem:s3], [sflag:$0x2] =	stream.indirect_vreg.gather [hbm4b:s8+s2], $0x80, v37, vm0, $0xb8;
	[tilespmem:$0x1EA00] =	vst v63  }
0x304: {  	v37 =	vld [tilespmem:$0x720];
	_ =	sdelay $0x4  }
0x305: {  	v58 =	vshrl.u32 v37, $0x3  }
0x306: {  	v38 =	vmul.u32 $0x30, v58  }
0x307: {  	v37 =	vand.u32 $0x7, v37  }
0x308: {  	v37 =	vor.u32 v37, v38  }
0x309: {  	v38 =	vperm.xlane v37, v34;
	_ =	sdelay $0x1  }
0x30a: {  	v38 =	vadd.s32 v35, v38;
	_ =	sdelay $0x3  }
0x30b: {  	s3 =	simm.s32 $0x18A00;
	v37 =	vperm.xlane v37, v36  }
0x30c: {  	[tilespmem:s3], [sflag:$0x2] =	stream.indirect_vreg.gather [hbm4b:s4+s2], $0x80, v38, vm0, $0xb8;
	[tilespmem:$0x1EA00] =	vst v63  }
0x30d: {  	v37 =	vadd.s32 v35, v37;
	s3 =	simm.s32 $0x19200  }
0x30e: {  	[tilespmem:s3], [sflag:$0x2] =	stream.indirect_vreg.gather [hbm4b:s7+s2], $0x80, v38, vm0, $0xb8;
	[tilespmem:$0x1EA00] =	vst v63  }
0x30f: {  	s3 =	simm.s32 $0x19A00  }
0x310: {  	[tilespmem:s3], [sflag:$0x2] =	stream.indirect_vreg.gather [hbm4b:s8+s2], $0x80, v38, vm0, $0xb8;
	[tilespmem:$0x1EA00] =	vst v63  }
0x311: {  	s3 =	simm.s32 $0x1A200  }
0x312: {  	[tilespmem:s3], [sflag:$0x2] =	stream.indirect_vreg.gather [hbm4b:s4+s2], $0x80, v37, vm0, $0xb8;
	[tilespmem:$0x1EA00] =	vst v63  }
0x313: {  	s3 =	simm.s32 $0x1AA00  }
0x314: {  	[tilespmem:s3], [sflag:$0x2] =	stream.indirect_vreg.gather [hbm4b:s7+s2], $0x80, v37, vm0, $0xb8;
	[tilespmem:$0x1EA00] =	vst v63  }
0x315: {  	s3 =	simm.s32 $0x1B200  }
0x316: {  	[tilespmem:s3], [sflag:$0x2] =	stream.indirect_vreg.gather [hbm4b:s8+s2], $0x80, v37, vm0, $0xb8;
	[tilespmem:$0x1EA00] =	vst v63  }
0x317: {  	v37 =	vld [tilespmem:$0x730];
	_ =	sdelay $0x4  }
0x318: {  	v59 =	vshrl.u32 v37, $0x3  }
0x319: {  	v38 =	vmul.u32 $0x30, v59  }
0x31a: {  	v37 =	vand.u32 $0x7, v37  }
0x31b: {  	v37 =	vor.u32 v37, v38  }
0x31c: {  	v38 =	vperm.xlane v37, v34;
	_ =	sdelay $0x1  }
0x31d: {  	v38 =	vadd.s32 v35, v38;
	_ =	sdelay $0x3  }
0x31e: {  	s3 =	simm.s32 $0x1BA00;
	v37 =	vperm.xlane v37, v36  }
0x31f: {  	[tilespmem:s3], [sflag:$0x2] =	stream.indirect_vreg.gather [hbm4b:s4+s2], $0x80, v38, vm0, $0xb8;
	[tilespmem:$0x1EA00] =	vst v63  }
0x320: {  	v37 =	vadd.s32 v35, v37;
	s3 =	simm.s32 $0x1C200  }
0x321: {  	[tilespmem:s3], [sflag:$0x2] =	stream.indirect_vreg.gather [hbm4b:s7+s2], $0x80, v38, vm0, $0xb8;
	[tilespmem:$0x1EA00] =	vst v63  }
0x322: {  	s3 =	simm.s32 $0x1CA00  }
0x323: {  	[tilespmem:s3], [sflag:$0x2] =	stream.indirect_vreg.gather [hbm4b:s8+s2], $0x80, v38, vm0, $0xb8;
	[tilespmem:$0x1EA00] =	vst v63  }
0x324: {  	s3 =	simm.s32 $0x1D200  }
0x325: {  	[tilespmem:s3], [sflag:$0x2] =	stream.indirect_vreg.gather [hbm4b:s4+s2], $0x80, v37, vm0, $0xb8;
	[tilespmem:$0x1EA00] =	vst v63  }
0x326: {  	s3 =	simm.s32 $0x1DA00  }
0x327: {  	[tilespmem:s3], [sflag:$0x2] =	stream.indirect_vreg.gather [hbm4b:s7+s2], $0x80, v37, vm0, $0xb8;
	[tilespmem:$0x1EA00] =	vst v63  }
0x328: {  	s3 =	simm.s32 $0x1E200  }
0x329: {  	[tilespmem:s3], [sflag:$0x2] =	stream.indirect_vreg.gather [hbm4b:s8+s2], $0x80, v37, vm0, $0xb8;
	[tilespmem:$0x1EA00] =	vst v63  }
0x32a: {  	_ =	swait.ge [sflag:s1], $0xF000  }
0x32b: {  	[sflag:s1] =	ssyncset.done $0x0  }
0x32c: {  	s3 =	rddreg [dreg:$0x7];
	[sflag:s1] =	ssyncadd.s32 $0xFFFF1000  }
0x32d: {  	[hbm4b:s3+s2] =	stream.linear.scatter [tilespmem:s23], [sflag:$0x4], $0xF000, $0x38;
	[tilespmem:$0x1EA00] =	vst v63  }
0x32e: {  	_ =	swait.ge [sflag:s0], $0xF000  }
0x32f: {  	[sflag:s0] =	ssyncset.done $0x0  }
0x330: {  	[sflag:s0] =	ssyncadd.s32 $0xFFFF1000  }
0x331: {  	v60 =	vld [tilespmem:$0x740];
	_ =	sdelay $0x4  }
0x332: {  	v61 =	vshrl.u32 v60, $0x3  }
0x333: {  	v38 =	vmul.u32 $0x30, v61  }
0x334: {  	v37 =	vand.u32 $0x7, v60  }
0x335: {  	v37 =	vor.u32 v37, v38  }
0x336: {  	v38 =	vperm.xlane v37, v34;
	_ =	sdelay $0x1  }
0x337: {  	v38 =	vadd.s32 v35, v38;
	_ =	sdelay $0x3  }
0x338: {  	v37 =	vperm.xlane v37, v36  }
0x339: {  	[tilespmem:s18], [sflag:$0x1] =	stream.indirect_vreg.gather [hbm4b:s4+s2], $0x80, v38, vm0, $0xb8;
	[tilespmem:$0x1EA00] =	vst v63  }
0x33a: {  	s3 =	simm.s32 $0x1200;
	v37 =	vadd.s32 v35, v37  }
0x33b: {  	[tilespmem:s3], [sflag:$0x1] =	stream.indirect_vreg.gather [hbm4b:s7+s2], $0x80, v38, vm0, $0xb8;
	[tilespmem:$0x1EA00] =	vst v63  }
0x33c: {  	s3 =	simm.s32 $0x1A00  }
0x33d: {  	[tilespmem:s3], [sflag:$0x1] =	stream.indirect_vreg.gather [hbm4b:s8+s2], $0x80, v38, vm0, $0xb8;
	[tilespmem:$0x1EA00] =	vst v63  }
0x33e: {  	s3 =	simm.s32 $0x2200  }
0x33f: {  	[tilespmem:s3], [sflag:$0x1] =	stream.indirect_vreg.gather [hbm4b:s4+s2], $0x80, v37, vm0, $0xb8;
	[tilespmem:$0x1EA00] =	vst v63  }
0x340: {  	s21 =	simm.s32 $0x2A00  }
0x341: {  	[tilespmem:s21], [sflag:$0x1] =	stream.indirect_vreg.gather [hbm4b:s7+s2], $0x80, v37, vm0, $0xb8;
	[tilespmem:$0x1EA00] =	vst v63  }
0x342: {  	s21 =	simm.s32 $0x3200  }
0x343: {  	[tilespmem:s21], [sflag:$0x1] =	stream.indirect_vreg.gather [hbm4b:s8+s2], $0x80, v37, vm0, $0xb8;
	[tilespmem:$0x1EA00] =	vst v63  }
0x344: {  	v37 =	vld [tilespmem:$0x750];
	_ =	sdelay $0x4  }
0x345: {  	v62 =	vshrl.u32 v37, $0x3  }
0x346: {  	v38 =	vmul.u32 $0x30, v62  }
0x347: {  	v37 =	vand.u32 $0x7, v37  }
0x348: {  	v37 =	vor.u32 v37, v38  }
0x349: {  	v38 =	vperm.xlane v37, v34;
	_ =	sdelay $0x1  }
0x34a: {  	v38 =	vadd.s32 v35, v38;
	_ =	sdelay $0x3  }
0x34b: {  	s21 =	simm.s32 $0x3A00;
	v37 =	vperm.xlane v37, v36  }
0x34c: {  	[tilespmem:s21], [sflag:$0x1] =	stream.indirect_vreg.gather [hbm4b:s4+s2], $0x80, v38, vm0, $0xb8;
	[tilespmem:$0x1EA00] =	vst v63  }
0x34d: {  	s12 =	simm.s32 $0x4200;
	v37 =	vadd.s32 v35, v37  }
0x34e: {  	[tilespmem:s12], [sflag:$0x1] =	stream.indirect_vreg.gather [hbm4b:s7+s2], $0x80, v38, vm0, $0xb8;
	[tilespmem:$0x1EA00] =	vst v63  }
0x34f: {  	s19 =	simm.s32 $0x4A00  }
0x350: {  	[tilespmem:s19], [sflag:$0x1] =	stream.indirect_vreg.gather [hbm4b:s8+s2], $0x80, v38, vm0, $0xb8;
	[tilespmem:$0x1EA00] =	vst v63  }
0x351: {  	s20 =	simm.s32 $0x5200  }
0x352: {  	[tilespmem:s20], [sflag:$0x1] =	stream.indirect_vreg.gather [hbm4b:s4+s2], $0x80, v37, vm0, $0xb8;
	[tilespmem:$0x1EA00] =	vst v63  }
0x353: {  	s6 =	simm.s32 $0x5A00  }
0x354: {  	[tilespmem:s6], [sflag:$0x1] =	stream.indirect_vreg.gather [hbm4b:s7+s2], $0x80, v37, vm0, $0xb8;
	[tilespmem:$0x1EA00] =	vst v63  }
0x355: {  	s20 =	simm.s32 $0x6200  }
0x356: {  	[tilespmem:s20], [sflag:$0x1] =	stream.indirect_vreg.gather [hbm4b:s8+s2], $0x80, v37, vm0, $0xb8;
	[tilespmem:$0x1EA00] =	vst v63  }
0x357: {  	v37 =	vld [tilespmem:$0x760];
	_ =	sdelay $0x4  }
0x358: {  	v63 =	vshrl.u32 v37, $0x3  }
0x359: {  	v38 =	vmul.u32 $0x30, v63  }
0x35a: {  	v37 =	vand.u32 $0x7, v37  }
0x35b: {  	v37 =	vor.u32 v37, v38  }
0x35c: {  	v38 =	vperm.xlane v37, v34;
	_ =	sdelay $0x1  }
0x35d: {  	v38 =	vadd.s32 v35, v38;
	_ =	sdelay $0x3  }
0x35e: {  	s21 =	simm.s32 $0x6A00;
	v37 =	vperm.xlane v37, v36  }
0x35f: {  	[tilespmem:s21], [sflag:$0x1] =	stream.indirect_vreg.gather [hbm4b:s4+s2], $0x80, v38, vm0, $0xb8;
	[tilespmem:$0x1EA00] =	vst v63  }
0x360: {  	s22 =	simm.s32 $0x7200;
	v37 =	vadd.s32 v35, v37  }
0x361: {  	[tilespmem:s22], [sflag:$0x1] =	stream.indirect_vreg.gather [hbm4b:s7+s2], $0x80, v38, vm0, $0xb8;
	[tilespmem:$0x1EA00] =	vst v63  }
0x362: {  	s25 =	simm.s32 $0x7A00  }
0x363: {  	[tilespmem:s25], [sflag:$0x1] =	stream.indirect_vreg.gather [hbm4b:s8+s2], $0x80, v38, vm0, $0xb8;
	[tilespmem:$0x1EA00] =	vst v63  }
0x364: {  	s26 =	simm.s32 $0x8200  }
0x365: {  	[tilespmem:s26], [sflag:$0x1] =	stream.indirect_vreg.gather [hbm4b:s4+s2], $0x80, v37, vm0, $0xb8;
	[tilespmem:$0x1EA00] =	vst v63  }
0x366: {  	s6 =	simm.s32 $0x8A00  }
0x367: {  	[tilespmem:s6], [sflag:$0x1] =	stream.indirect_vreg.gather [hbm4b:s7+s2], $0x80, v37, vm0, $0xb8;
	[tilespmem:$0x1EA00] =	vst v63  }
0x368: {  	s12 =	simm.s32 $0x9200  }
0x369: {  	[tilespmem:s12], [sflag:$0x1] =	stream.indirect_vreg.gather [hbm4b:s8+s2], $0x80, v37, vm0, $0xb8;
	[tilespmem:$0x1EA00] =	vst v63  }
0x36a: {  	v37 =	vld [tilespmem:$0x770];
	_ =	sdelay $0x4  }
0x36b: {  	v40 =	vshrl.u32 v37, $0x3  }
0x36c: {  	v38 =	vmul.u32 $0x30, v40  }
0x36d: {  	v37 =	vand.u32 $0x7, v37  }
0x36e: {  	v37 =	vor.u32 v37, v38  }
0x36f: {  	v38 =	vperm.xlane v37, v34;
	_ =	sdelay $0x1  }
0x370: {  	v38 =	vadd.s32 v35, v38;
	_ =	sdelay $0x3  }
0x371: {  	s19 =	simm.s32 $0x9A00;
	v37 =	vperm.xlane v37, v36  }
0x372: {  	[tilespmem:s19], [sflag:$0x1] =	stream.indirect_vreg.gather [hbm4b:s4+s2], $0x80, v38, vm0, $0xb8;
	[tilespmem:$0x1EA00] =	vst v63  }
0x373: {  	s13 =	simm.s32 $0xA200;
	v37 =	vadd.s32 v35, v37  }
0x374: {  	[tilespmem:s13], [sflag:$0x1] =	stream.indirect_vreg.gather [hbm4b:s7+s2], $0x80, v38, vm0, $0xb8;
	[tilespmem:$0x1EA00] =	vst v63  }
0x375: {  	s14 =	simm.s32 $0xAA00  }
0x376: {  	[tilespmem:s14], [sflag:$0x1] =	stream.indirect_vreg.gather [hbm4b:s8+s2], $0x80, v38, vm0, $0xb8;
	[tilespmem:$0x1EA00] =	vst v63  }
0x377: {  	s20 =	simm.s32 $0xB200  }
0x378: {  	[tilespmem:s20], [sflag:$0x1] =	stream.indirect_vreg.gather [hbm4b:s4+s2], $0x80, v37, vm0, $0xb8;
	[tilespmem:$0x1EA00] =	vst v63  }
0x379: {  	s21 =	simm.s32 $0xBA00  }
0x37a: {  	[tilespmem:s21], [sflag:$0x1] =	stream.indirect_vreg.gather [hbm4b:s7+s2], $0x80, v37, vm0, $0xb8;
	[tilespmem:$0x1EA00] =	vst v63  }
0x37b: {  	s22 =	simm.s32 $0xC200  }
0x37c: {  	[tilespmem:s22], [sflag:$0x1] =	stream.indirect_vreg.gather [hbm4b:s8+s2], $0x80, v37, vm0, $0xb8;
	[tilespmem:$0x1EA00] =	vst v63  }
0x37d: {  	v37 =	vld [tilespmem:$0x780];
	_ =	sdelay $0x4  }
0x37e: {  	v41 =	vshrl.u32 v37, $0x3  }
0x37f: {  	v38 =	vmul.u32 $0x30, v41  }
0x380: {  	v37 =	vand.u32 $0x7, v37  }
0x381: {  	v37 =	vor.u32 v37, v38  }
0x382: {  	v38 =	vperm.xlane v37, v34;
	_ =	sdelay $0x1  }
0x383: {  	v38 =	vadd.s32 v35, v38;
	_ =	sdelay $0x3  }
0x384: {  	s25 =	simm.s32 $0xCA00;
	v37 =	vperm.xlane v37, v36  }
0x385: {  	[tilespmem:s25], [sflag:$0x1] =	stream.indirect_vreg.gather [hbm4b:s4+s2], $0x80, v38, vm0, $0xb8;
	[tilespmem:$0x1EA00] =	vst v63  }
0x386: {  	s15 =	simm.s32 $0xD200;
	v37 =	vadd.s32 v35, v37  }
0x387: {  	[tilespmem:s15], [sflag:$0x1] =	stream.indirect_vreg.gather [hbm4b:s7+s2], $0x80, v38, vm0, $0xb8;
	[tilespmem:$0x1EA00] =	vst v63  }
0x388: {  	s16 =	simm.s32 $0xDA00  }
0x389: {  	[tilespmem:s16], [sflag:$0x1] =	stream.indirect_vreg.gather [hbm4b:s8+s2], $0x80, v38, vm0, $0xb8;
	[tilespmem:$0x1EA00] =	vst v63  }
0x38a: {  	s26 =	simm.s32 $0xE200  }
0x38b: {  	[tilespmem:s26], [sflag:$0x1] =	stream.indirect_vreg.gather [hbm4b:s4+s2], $0x80, v37, vm0, $0xb8;
	[tilespmem:$0x1EA00] =	vst v63  }
0x38c: {  	s6 =	simm.s32 $0xEA00  }
0x38d: {  	[tilespmem:s6], [sflag:$0x1] =	stream.indirect_vreg.gather [hbm4b:s7+s2], $0x80, v37, vm0, $0xb8;
	[tilespmem:$0x1EA00] =	vst v63  }
0x38e: {  	s9 =	simm.s32 $0xF200  }
0x38f: {  	[tilespmem:s9], [sflag:$0x1] =	stream.indirect_vreg.gather [hbm4b:s8+s2], $0x80, v37, vm0, $0xb8;
	[tilespmem:$0x1EA00] =	vst v63  }
0x390: {  	_ =	swait.ge [sflag:s31], $0xF000  }
0x391: {  	[sflag:s31] =	ssyncset.done $0x0  }
0x392: {  	s12 =	rddreg [dreg:$0x8];
	[sflag:s31] =	ssyncadd.s32 $0xFFFF1000  }
0x393: {  	[hbm4b:s12+s2] =	stream.linear.scatter [tilespmem:s18], [sflag:$0x3], $0xF000, $0x38;
	[tilespmem:$0x1EA00] =	vst v63  }
0x394: {  	_ =	swait.ge [sflag:s10], $0xF000  }
0x395: {  	[sflag:s10] =	ssyncset.done $0x0  }
0x396: {  	[sflag:s10] =	ssyncadd.s32 $0xFFFF1000  }
0x397: {  	v42 =	vld [tilespmem:$0x790];
	_ =	sdelay $0x4  }
0x398: {  	v43 =	vshrl.u32 v42, $0x3  }
0x399: {  	v38 =	vmul.u32 $0x30, v43  }
0x39a: {  	v37 =	vand.u32 $0x7, v42  }
0x39b: {  	v37 =	vor.u32 v37, v38  }
0x39c: {  	v38 =	vperm.xlane v37, v34;
	_ =	sdelay $0x1  }
0x39d: {  	v38 =	vadd.s32 v35, v38;
	_ =	sdelay $0x3  }
0x39e: {  	v37 =	vperm.xlane v37, v36  }
0x39f: {  	[tilespmem:s23], [sflag:$0x2] =	stream.indirect_vreg.gather [hbm4b:s4+s2], $0x80, v38, vm0, $0xb8;
	[tilespmem:$0x1EA00] =	vst v63  }
0x3a0: {  	s28 =	simm.s32 $0x10200;
	v37 =	vadd.s32 v35, v37  }
0x3a1: {  	[tilespmem:s28], [sflag:$0x2] =	stream.indirect_vreg.gather [hbm4b:s7+s2], $0x80, v38, vm0, $0xb8;
	[tilespmem:$0x1EA00] =	vst v63  }
0x3a2: {  	s29 =	simm.s32 $0x10A00  }
0x3a3: {  	[tilespmem:s29], [sflag:$0x2] =	stream.indirect_vreg.gather [hbm4b:s8+s2], $0x80, v38, vm0, $0xb8;
	[tilespmem:$0x1EA00] =	vst v63  }
0x3a4: {  	s17 =	simm.s32 $0x11200  }
0x3a5: {  	[tilespmem:s17], [sflag:$0x2] =	stream.indirect_vreg.gather [hbm4b:s4+s2], $0x80, v37, vm0, $0xb8;
	[tilespmem:$0x1EA00] =	vst v63  }
0x3a6: {  	s30 =	simm.s32 $0x11A00  }
0x3a7: {  	[tilespmem:s30], [sflag:$0x2] =	stream.indirect_vreg.gather [hbm4b:s7+s2], $0x80, v37, vm0, $0xb8;
	[tilespmem:$0x1EA00] =	vst v63  }
0x3a8: {  	s11 =	simm.s32 $0x12200  }
0x3a9: {  	[tilespmem:s11], [sflag:$0x2] =	stream.indirect_vreg.gather [hbm4b:s8+s2], $0x80, v37, vm0, $0xb8;
	[tilespmem:$0x1EA00] =	vst v63  }
0x3aa: {  	v37 =	vld [tilespmem:$0x7A0];
	_ =	sdelay $0x4  }
0x3ab: {  	v44 =	vshrl.u32 v37, $0x3  }
0x3ac: {  	v38 =	vmul.u32 $0x30, v44  }
0x3ad: {  	v37 =	vand.u32 $0x7, v37  }
0x3ae: {  	v37 =	vor.u32 v37, v38  }
0x3af: {  	v38 =	vperm.xlane v37, v34;
	_ =	sdelay $0x1  }
0x3b0: {  	v38 =	vadd.s32 v35, v38;
	_ =	sdelay $0x3  }
0x3b1: {  	s12 =	simm.s32 $0x12A00;
	v37 =	vperm.xlane v37, v36  }
0x3b2: {  	[tilespmem:s12], [sflag:$0x2] =	stream.indirect_vreg.gather [hbm4b:s4+s2], $0x80, v38, vm0, $0xb8;
	[tilespmem:$0x1EA00] =	vst v63  }
0x3b3: {  	s13 =	simm.s32 $0x13200;
	v37 =	vadd.s32 v35, v37  }
0x3b4: {  	[tilespmem:s13], [sflag:$0x2] =	stream.indirect_vreg.gather [hbm4b:s7+s2], $0x80, v38, vm0, $0xb8;
	[tilespmem:$0x1EA00] =	vst v63  }
0x3b5: {  	s14 =	simm.s32 $0x13A00  }
0x3b6: {  	[tilespmem:s14], [sflag:$0x2] =	stream.indirect_vreg.gather [hbm4b:s8+s2], $0x80, v38, vm0, $0xb8;
	[tilespmem:$0x1EA00] =	vst v63  }
0x3b7: {  	s15 =	simm.s32 $0x14200  }
0x3b8: {  	[tilespmem:s15], [sflag:$0x2] =	stream.indirect_vreg.gather [hbm4b:s4+s2], $0x80, v37, vm0, $0xb8;
	[tilespmem:$0x1EA00] =	vst v63  }
0x3b9: {  	s16 =	simm.s32 $0x14A00  }
0x3ba: {  	[tilespmem:s16], [sflag:$0x2] =	stream.indirect_vreg.gather [hbm4b:s7+s2], $0x80, v37, vm0, $0xb8;
	[tilespmem:$0x1EA00] =	vst v63  }
0x3bb: {  	s13 =	simm.s32 $0x15200  }
0x3bc: {  	[tilespmem:s13], [sflag:$0x2] =	stream.indirect_vreg.gather [hbm4b:s8+s2], $0x80, v37, vm0, $0xb8;
	[tilespmem:$0x1EA00] =	vst v63  }
0x3bd: {  	v37 =	vld [tilespmem:$0x7B0];
	_ =	sdelay $0x4  }
0x3be: {  	v45 =	vshrl.u32 v37, $0x3  }
0x3bf: {  	v38 =	vmul.u32 $0x30, v45  }
0x3c0: {  	v37 =	vand.u32 $0x7, v37  }
0x3c1: {  	v37 =	vor.u32 v37, v38  }
0x3c2: {  	v38 =	vperm.xlane v37, v34;
	_ =	sdelay $0x1  }
0x3c3: {  	v38 =	vadd.s32 v35, v38;
	_ =	sdelay $0x3  }
0x3c4: {  	s14 =	simm.s32 $0x15A00;
	v37 =	vperm.xlane v37, v36  }
0x3c5: {  	[tilespmem:s14], [sflag:$0x2] =	stream.indirect_vreg.gather [hbm4b:s4+s2], $0x80, v38, vm0, $0xb8;
	[tilespmem:$0x1EA00] =	vst v63  }
0x3c6: {  	s17 =	simm.s32 $0x16200;
	v37 =	vadd.s32 v35, v37  }
0x3c7: {  	[tilespmem:s17], [sflag:$0x2] =	stream.indirect_vreg.gather [hbm4b:s7+s2], $0x80, v38, vm0, $0xb8;
	[tilespmem:$0x1EA00] =	vst v63  }
0x3c8: {  	s18 =	simm.s32 $0x16A00  }
0x3c9: {  	[tilespmem:s18], [sflag:$0x2] =	stream.indirect_vreg.gather [hbm4b:s8+s2], $0x80, v38, vm0, $0xb8;
	[tilespmem:$0x1EA00] =	vst v63  }
0x3ca: {  	s25 =	simm.s32 $0x17200  }
0x3cb: {  	[tilespmem:s25], [sflag:$0x2] =	stream.indirect_vreg.gather [hbm4b:s4+s2], $0x80, v37, vm0, $0xb8;
	[tilespmem:$0x1EA00] =	vst v63  }
0x3cc: {  	s9 =	simm.s32 $0x17A00  }
0x3cd: {  	[tilespmem:s9], [sflag:$0x2] =	stream.indirect_vreg.gather [hbm4b:s7+s2], $0x80, v37, vm0, $0xb8;
	[tilespmem:$0x1EA00] =	vst v63  }
0x3ce: {  	s15 =	simm.s32 $0x18200  }
0x3cf: {  	[tilespmem:s15], [sflag:$0x2] =	stream.indirect_vreg.gather [hbm4b:s8+s2], $0x80, v37, vm0, $0xb8;
	[tilespmem:$0x1EA00] =	vst v63  }
0x3d0: {  	v37 =	vld [tilespmem:$0x7C0];
	_ =	sdelay $0x4  }
0x3d1: {  	v46 =	vshrl.u32 v37, $0x3  }
0x3d2: {  	v38 =	vmul.u32 $0x30, v46  }
0x3d3: {  	v37 =	vand.u32 $0x7, v37  }
0x3d4: {  	v37 =	vor.u32 v37, v38  }
0x3d5: {  	v38 =	vperm.xlane v37, v34;
	_ =	sdelay $0x1  }
0x3d6: {  	v38 =	vadd.s32 v35, v38;
	_ =	sdelay $0x3  }
0x3d7: {  	s16 =	simm.s32 $0x18A00;
	v37 =	vperm.xlane v37, v36  }
0x3d8: {  	[tilespmem:s16], [sflag:$0x2] =	stream.indirect_vreg.gather [hbm4b:s4+s2], $0x80, v38, vm0, $0xb8;
	[tilespmem:$0x1EA00] =	vst v63  }
0x3d9: {  	s11 =	simm.s32 $0x19200;
	v37 =	vadd.s32 v35, v37  }
0x3da: {  	[tilespmem:s11], [sflag:$0x2] =	stream.indirect_vreg.gather [hbm4b:s7+s2], $0x80, v38, vm0, $0xb8;
	[tilespmem:$0x1EA00] =	vst v63  }
0x3db: {  	s17 =	simm.s32 $0x19A00  }
0x3dc: {  	[tilespmem:s17], [sflag:$0x2] =	stream.indirect_vreg.gather [hbm4b:s8+s2], $0x80, v38, vm0, $0xb8;
	[tilespmem:$0x1EA00] =	vst v63  }
0x3dd: {  	s18 =	simm.s32 $0x1A200  }
0x3de: {  	[tilespmem:s18], [sflag:$0x2] =	stream.indirect_vreg.gather [hbm4b:s4+s2], $0x80, v37, vm0, $0xb8;
	[tilespmem:$0x1EA00] =	vst v63  }
0x3df: {  	s25 =	simm.s32 $0x1AA00  }
0x3e0: {  	[tilespmem:s25], [sflag:$0x2] =	stream.indirect_vreg.gather [hbm4b:s7+s2], $0x80, v37, vm0, $0xb8;
	[tilespmem:$0x1EA00] =	vst v63  }
0x3e1: {  	s17 =	simm.s32 $0x1B200  }
0x3e2: {  	[tilespmem:s17], [sflag:$0x2] =	stream.indirect_vreg.gather [hbm4b:s8+s2], $0x80, v37, vm0, $0xb8;
	[tilespmem:$0x1EA00] =	vst v63  }
0x3e3: {  	v37 =	vld [tilespmem:$0x7D0];
	_ =	sdelay $0x4  }
0x3e4: {  	v47 =	vshrl.u32 v37, $0x3  }
0x3e5: {  	v38 =	vmul.u32 $0x30, v47  }
0x3e6: {  	v37 =	vand.u32 $0x7, v37  }
0x3e7: {  	v37 =	vor.u32 v37, v38  }
0x3e8: {  	v38 =	vperm.xlane v37, v34;
	_ =	sdelay $0x1  }
0x3e9: {  	v38 =	vadd.s32 v35, v38;
	_ =	sdelay $0x3  }
0x3ea: {  	s18 =	simm.s32 $0x1BA00;
	v37 =	vperm.xlane v37, v36  }
0x3eb: {  	[tilespmem:s18], [sflag:$0x2] =	stream.indirect_vreg.gather [hbm4b:s4+s2], $0x80, v38, vm0, $0xb8;
	[tilespmem:$0x1EA00] =	vst v63  }
0x3ec: {  	s9 =	simm.s32 $0x1C200;
	v37 =	vadd.s32 v35, v37  }
0x3ed: {  	[tilespmem:s9], [sflag:$0x2] =	stream.indirect_vreg.gather [hbm4b:s7+s2], $0x80, v38, vm0, $0xb8;
	[tilespmem:$0x1EA00] =	vst v63  }
0x3ee: {  	s11 =	simm.s32 $0x1CA00  }
0x3ef: {  	[tilespmem:s11], [sflag:$0x2] =	stream.indirect_vreg.gather [hbm4b:s8+s2], $0x80, v38, vm0, $0xb8;
	[tilespmem:$0x1EA00] =	vst v63  }
0x3f0: {  	s25 =	simm.s32 $0x1D200  }
0x3f1: {  	[tilespmem:s25], [sflag:$0x2] =	stream.indirect_vreg.gather [hbm4b:s4+s2], $0x80, v37, vm0, $0xb8;
	[tilespmem:$0x1EA00] =	vst v63  }
0x3f2: {  	s9 =	simm.s32 $0x1DA00  }
0x3f3: {  	[tilespmem:s9], [sflag:$0x2] =	stream.indirect_vreg.gather [hbm4b:s7+s2], $0x80, v37, vm0, $0xb8;
	[tilespmem:$0x1EA00] =	vst v63  }
0x3f4: {  	s25 =	simm.s32 $0x1E200  }
0x3f5: {  	[tilespmem:s25], [sflag:$0x2] =	stream.indirect_vreg.gather [hbm4b:s8+s2], $0x80, v37, vm0, $0xb8;
	[tilespmem:$0x1EA00] =	vst v63  }
0x3f6: {  	_ =	swait.ge [sflag:s1], $0xF000  }
0x3f7: {  	[sflag:s1] =	ssyncset.done $0x0  }
0x3f8: {  	s11 =	rddreg [dreg:$0x9];
	[sflag:s1] =	ssyncadd.s32 $0xFFFF1000  }
0x3f9: {  	[hbm4b:s11+s2] =	stream.linear.scatter [tilespmem:s23], [sflag:$0x4], $0xF000, $0x38;
	[tilespmem:$0x1EA00] =	vst v63  }
0x3fa: {  	_ =	swait.ge [sflag:s0], $0xF000  }
0x3fb: {  	[sflag:s0] =	ssyncset.done $0x0  }
0x3fc: {  	[sflag:s0] =	ssyncadd.s32 $0xFFFF1000  }
0x3fd: {  	v48 =	vld [tilespmem:$0x7E0];
	_ =	sdelay $0x4  }
0x3fe: {  	v49 =	vshrl.u32 v48, $0x3  }
0x3ff: {  	v38 =	vmul.u32 $0x30, v49  }
0x400: {  	v37 =	vand.u32 $0x7, v48  }
0x401: {  	v37 =	vor.u32 v37, v38  }
0x402: {  	v38 =	vperm.xlane v37, v34;
	_ =	sdelay $0x1  }
0x403: {  	v38 =	vadd.s32 v35, v38;
	_ =	sdelay $0x3  }
0x404: {  	s9 =	simm.s32 $0xA00;
	v37 =	vperm.xlane v37, v36  }
0x405: {  	[tilespmem:s9], [sflag:$0x1] =	stream.indirect_vreg.gather [hbm4b:s4+s2], $0x80, v38, vm0, $0xb8;
	[tilespmem:$0x1EA00] =	vst v63  }
0x406: {  	s23 =	simm.s32 $0x1200;
	v37 =	vadd.s32 v35, v37  }
0x407: {  	[tilespmem:s23], [sflag:$0x1] =	stream.indirect_vreg.gather [hbm4b:s7+s2], $0x80, v38, vm0, $0xb8;
	[tilespmem:$0x1EA00] =	vst v63  }
0x408: {  	s11 =	simm.s32 $0x1A00  }
0x409: {  	[tilespmem:s11], [sflag:$0x1] =	stream.indirect_vreg.gather [hbm4b:s8+s2], $0x80, v38, vm0, $0xb8;
	[tilespmem:$0x1EA00] =	vst v63  }
0x40a: {  	s23 =	simm.s32 $0x2200  }
0x40b: {  	[tilespmem:s23], [sflag:$0x1] =	stream.indirect_vreg.gather [hbm4b:s4+s2], $0x80, v37, vm0, $0xb8;
	[tilespmem:$0x1EA00] =	vst v63  }
0x40c: {  	s11 =	simm.s32 $0x2A00  }
0x40d: {  	[tilespmem:s11], [sflag:$0x1] =	stream.indirect_vreg.gather [hbm4b:s7+s2], $0x80, v37, vm0, $0xb8;
	[tilespmem:$0x1EA00] =	vst v63  }
0x40e: {  	s11 =	simm.s32 $0x3200  }
0x40f: {  	[tilespmem:s11], [sflag:$0x1] =	stream.indirect_vreg.gather [hbm4b:s8+s2], $0x80, v37, vm0, $0xb8;
	[tilespmem:$0x1EA00] =	vst v63  }
0x410: {  	_ =	swait.ge [sflag:s31], $0x3000  }
0x411: {  	[sflag:s31] =	ssyncset.done $0x0  }
0x412: {  	s23 =	rddreg [dreg:$0xa];
	[sflag:s31] =	ssyncadd.s32 $0xFFFFD000  }
0x413: {  	[hbm4b:s23+s2] =	stream.linear.scatter [tilespmem:s9], [sflag:$0x3], $0x3000, $0x38;
	[tilespmem:$0x1EA00] =	vst v63  }
0x414: {  	_ =	swait.ge [sflag:s10], $0xF000  }
0x415: {  	[sflag:s10] =	ssyncset.done $0x0  }
0x416: {  	[sflag:s10] =	ssyncadd.s32 $0xFFFF1000  }
0x417: {  	v50 =	vld [tilespmem:$0x800];
	_ =	sdelay $0x4  }
0x418: {  	v51 =	vshrl.u32 v50, $0x3  }
0x419: {  	v38 =	vmul.u32 $0x30, v51  }
0x41a: {  	v37 =	vand.u32 $0x7, v50  }
0x41b: {  	v37 =	vor.u32 v37, v38  }
0x41c: {  	v38 =	vperm.xlane v37, v34;
	_ =	sdelay $0x1  }
0x41d: {  	v38 =	vadd.s32 v35, v38;
	_ =	sdelay $0x3  }
0x41e: {  	s9 =	simm.s32 $0xFA00;
	v37 =	vperm.xlane v37, v36  }
0x41f: {  	[tilespmem:s9], [sflag:$0x2] =	stream.indirect_vreg.gather [hbm4b:s5+s2], $0x80, v38, vm0, $0xb8;
	[tilespmem:$0x1EA00] =	vst v63  }
0x420: {  	s19 =	simm.s32 $0x10200;
	s7 =	sadd.s32 $0x100, s5;
	v37 =	vadd.s32 v35, v37  }
0x421: {  	[tilespmem:s19], [sflag:$0x2] =	stream.indirect_vreg.gather [hbm4b:s7+s2], $0x80, v38, vm0, $0xb8;
	[tilespmem:$0x1EA00] =	vst v63  }
0x422: {  	s20 =	simm.s32 $0x10A00;
	s8 =	sadd.s32 $0x200, s5  }
0x423: {  	[tilespmem:s20], [sflag:$0x2] =	stream.indirect_vreg.gather [hbm4b:s8+s2], $0x80, v38, vm0, $0xb8;
	[tilespmem:$0x1EA00] =	vst v63  }
0x424: {  	s6 =	simm.s32 $0x11200  }
0x425: {  	[tilespmem:s6], [sflag:$0x2] =	stream.indirect_vreg.gather [hbm4b:s5+s2], $0x80, v37, vm0, $0xb8;
	[tilespmem:$0x1EA00] =	vst v63  }
0x426: {  	s21 =	simm.s32 $0x11A00  }
0x427: {  	[tilespmem:s21], [sflag:$0x2] =	stream.indirect_vreg.gather [hbm4b:s7+s2], $0x80, v37, vm0, $0xb8;
	[tilespmem:$0x1EA00] =	vst v63  }
0x428: {  	s22 =	simm.s32 $0x12200  }
0x429: {  	[tilespmem:s22], [sflag:$0x2] =	stream.indirect_vreg.gather [hbm4b:s8+s2], $0x80, v37, vm0, $0xb8;
	[tilespmem:$0x1EA00] =	vst v63  }
0x42a: {  	v37 =	vld [tilespmem:$0x810];
	_ =	sdelay $0x4  }
0x42b: {  	v52 =	vshrl.u32 v37, $0x3  }
0x42c: {  	v38 =	vmul.u32 $0x30, v52  }
0x42d: {  	v37 =	vand.u32 $0x7, v37  }
0x42e: {  	v37 =	vor.u32 v37, v38  }
0x42f: {  	v38 =	vperm.xlane v37, v34;
	_ =	sdelay $0x1  }
0x430: {  	v38 =	vadd.s32 v35, v38;
	_ =	sdelay $0x3  }
0x431: {  	v37 =	vperm.xlane v37, v36  }
0x432: {  	[tilespmem:s12], [sflag:$0x2] =	stream.indirect_vreg.gather [hbm4b:s5+s2], $0x80, v38, vm0, $0xb8;
	[tilespmem:$0x1EA00] =	vst v63  }
0x433: {  	s26 =	simm.s32 $0x13200;
	v37 =	vadd.s32 v35, v37  }
0x434: {  	[tilespmem:s26], [sflag:$0x2] =	stream.indirect_vreg.gather [hbm4b:s7+s2], $0x80, v38, vm0, $0xb8;
	[tilespmem:$0x1EA00] =	vst v63  }
0x435: {  	s28 =	simm.s32 $0x13A00  }
0x436: {  	[tilespmem:s28], [sflag:$0x2] =	stream.indirect_vreg.gather [hbm4b:s8+s2], $0x80, v38, vm0, $0xb8;
	[tilespmem:$0x1EA00] =	vst v63  }
0x437: {  	s29 =	simm.s32 $0x14200  }
0x438: {  	[tilespmem:s29], [sflag:$0x2] =	stream.indirect_vreg.gather [hbm4b:s5+s2], $0x80, v37, vm0, $0xb8;
	[tilespmem:$0x1EA00] =	vst v63  }
0x439: {  	s30 =	simm.s32 $0x14A00  }
0x43a: {  	[tilespmem:s30], [sflag:$0x2] =	stream.indirect_vreg.gather [hbm4b:s7+s2], $0x80, v37, vm0, $0xb8;
	[tilespmem:$0x1EA00] =	vst v63  }
0x43b: {  	_ = 	snop  }
0x43c: {  	[tilespmem:s13], [sflag:$0x2] =	stream.indirect_vreg.gather [hbm4b:s8+s2], $0x80, v37, vm0, $0xb8;
	[tilespmem:$0x1EA00] =	vst v63  }
0x43d: {  	v37 =	vld [tilespmem:$0x820];
	_ =	sdelay $0x4  }
0x43e: {  	v53 =	vshrl.u32 v37, $0x3  }
0x43f: {  	v38 =	vmul.u32 $0x30, v53  }
0x440: {  	v37 =	vand.u32 $0x7, v37  }
0x441: {  	v37 =	vor.u32 v37, v38  }
0x442: {  	v38 =	vperm.xlane v37, v34;
	_ =	sdelay $0x1  }
0x443: {  	v38 =	vadd.s32 v35, v38;
	_ =	sdelay $0x3  }
0x444: {  	v37 =	vperm.xlane v37, v36  }
0x445: {  	[tilespmem:s14], [sflag:$0x2] =	stream.indirect_vreg.gather [hbm4b:s5+s2], $0x80, v38, vm0, $0xb8;
	[tilespmem:$0x1EA00] =	vst v63  }
0x446: {  	s6 =	simm.s32 $0x16200;
	v37 =	vadd.s32 v35, v37  }
0x447: {  	[tilespmem:s6], [sflag:$0x2] =	stream.indirect_vreg.gather [hbm4b:s7+s2], $0x80, v38, vm0, $0xb8;
	[tilespmem:$0x1EA00] =	vst v63  }
0x448: {  	s12 =	simm.s32 $0x16A00  }
0x449: {  	[tilespmem:s12], [sflag:$0x2] =	stream.indirect_vreg.gather [hbm4b:s8+s2], $0x80, v38, vm0, $0xb8;
	[tilespmem:$0x1EA00] =	vst v63  }
0x44a: {  	s13 =	simm.s32 $0x17200  }
0x44b: {  	[tilespmem:s13], [sflag:$0x2] =	stream.indirect_vreg.gather [hbm4b:s5+s2], $0x80, v37, vm0, $0xb8;
	[tilespmem:$0x1EA00] =	vst v63  }
0x44c: {  	s14 =	simm.s32 $0x17A00  }
0x44d: {  	[tilespmem:s14], [sflag:$0x2] =	stream.indirect_vreg.gather [hbm4b:s7+s2], $0x80, v37, vm0, $0xb8;
	[tilespmem:$0x1EA00] =	vst v63  }
0x44e: {  	_ = 	snop  }
0x44f: {  	[tilespmem:s15], [sflag:$0x2] =	stream.indirect_vreg.gather [hbm4b:s8+s2], $0x80, v37, vm0, $0xb8;
	[tilespmem:$0x1EA00] =	vst v63  }
0x450: {  	v37 =	vld [tilespmem:$0x830];
	_ =	sdelay $0x4  }
0x451: {  	v54 =	vshrl.u32 v37, $0x3  }
0x452: {  	v38 =	vmul.u32 $0x30, v54  }
0x453: {  	v37 =	vand.u32 $0x7, v37  }
0x454: {  	v37 =	vor.u32 v37, v38  }
0x455: {  	v38 =	vperm.xlane v37, v34;
	_ =	sdelay $0x1  }
0x456: {  	v38 =	vadd.s32 v35, v38;
	_ =	sdelay $0x3  }
0x457: {  	v37 =	vperm.xlane v37, v36  }
0x458: {  	[tilespmem:s16], [sflag:$0x2] =	stream.indirect_vreg.gather [hbm4b:s5+s2], $0x80, v38, vm0, $0xb8;
	[tilespmem:$0x1EA00] =	vst v63  }
0x459: {  	s15 =	simm.s32 $0x19200;
	v37 =	vadd.s32 v35, v37  }
0x45a: {  	[tilespmem:s15], [sflag:$0x2] =	stream.indirect_vreg.gather [hbm4b:s7+s2], $0x80, v38, vm0, $0xb8;
	[tilespmem:$0x1EA00] =	vst v63  }
0x45b: {  	s16 =	simm.s32 $0x19A00  }
0x45c: {  	[tilespmem:s16], [sflag:$0x2] =	stream.indirect_vreg.gather [hbm4b:s8+s2], $0x80, v38, vm0, $0xb8;
	[tilespmem:$0x1EA00] =	vst v63  }
0x45d: {  	s19 =	simm.s32 $0x1A200  }
0x45e: {  	[tilespmem:s19], [sflag:$0x2] =	stream.indirect_vreg.gather [hbm4b:s5+s2], $0x80, v37, vm0, $0xb8;
	[tilespmem:$0x1EA00] =	vst v63  }
0x45f: {  	s20 =	simm.s32 $0x1AA00  }
0x460: {  	[tilespmem:s20], [sflag:$0x2] =	stream.indirect_vreg.gather [hbm4b:s7+s2], $0x80, v37, vm0, $0xb8;
	[tilespmem:$0x1EA00] =	vst v63  }
0x461: {  	_ = 	snop  }
0x462: {  	[tilespmem:s17], [sflag:$0x2] =	stream.indirect_vreg.gather [hbm4b:s8+s2], $0x80, v37, vm0, $0xb8;
	[tilespmem:$0x1EA00] =	vst v63  }
0x463: {  	v37 =	vld [tilespmem:$0x840];
	_ =	sdelay $0x4  }
0x464: {  	v55 =	vshrl.u32 v37, $0x3  }
0x465: {  	v38 =	vmul.u32 $0x30, v55  }
0x466: {  	v37 =	vand.u32 $0x7, v37  }
0x467: {  	v37 =	vor.u32 v37, v38  }
0x468: {  	v38 =	vperm.xlane v37, v34;
	_ =	sdelay $0x1  }
0x469: {  	v38 =	vadd.s32 v35, v38;
	_ =	sdelay $0x3  }
0x46a: {  	v37 =	vperm.xlane v37, v36  }
0x46b: {  	[tilespmem:s18], [sflag:$0x2] =	stream.indirect_vreg.gather [hbm4b:s5+s2], $0x80, v38, vm0, $0xb8;
	[tilespmem:$0x1EA00] =	vst v63  }
0x46c: {  	s21 =	simm.s32 $0x1C200;
	v37 =	vadd.s32 v35, v37  }
0x46d: {  	[tilespmem:s21], [sflag:$0x2] =	stream.indirect_vreg.gather [hbm4b:s7+s2], $0x80, v38, vm0, $0xb8;
	[tilespmem:$0x1EA00] =	vst v63  }
0x46e: {  	s22 =	simm.s32 $0x1CA00  }
0x46f: {  	[tilespmem:s22], [sflag:$0x2] =	stream.indirect_vreg.gather [hbm4b:s8+s2], $0x80, v38, vm0, $0xb8;
	[tilespmem:$0x1EA00] =	vst v63  }
0x470: {  	s26 =	simm.s32 $0x1D200  }
0x471: {  	[tilespmem:s26], [sflag:$0x2] =	stream.indirect_vreg.gather [hbm4b:s5+s2], $0x80, v37, vm0, $0xb8;
	[tilespmem:$0x1EA00] =	vst v63  }
0x472: {  	s28 =	simm.s32 $0x1DA00  }
0x473: {  	[tilespmem:s28], [sflag:$0x2] =	stream.indirect_vreg.gather [hbm4b:s7+s2], $0x80, v37, vm0, $0xb8;
	[tilespmem:$0x1EA00] =	vst v63  }
0x474: {  	_ = 	snop  }
0x475: {  	[tilespmem:s25], [sflag:$0x2] =	stream.indirect_vreg.gather [hbm4b:s8+s2], $0x80, v37, vm0, $0xb8;
	[tilespmem:$0x1EA00] =	vst v63  }
0x476: {  	_ =	swait.ge [sflag:s1], $0xF000  }
0x477: {  	[sflag:s1] =	ssyncset.done $0x0  }
0x478: {  	s29 =	rddreg [dreg:$0xb];
	[sflag:s1] =	ssyncadd.s32 $0xFFFF1000  }
0x479: {  	[hbm4b:s29+s2] =	stream.linear.scatter [tilespmem:s9], [sflag:$0x4], $0xF000, $0x38;
	[tilespmem:$0x1EA00] =	vst v63  }
0x47a: {  	_ =	swait.ge [sflag:s0], $0x3000  }
0x47b: {  	[sflag:s0] =	ssyncset.done $0x0  }
0x47c: {  	[sflag:s0] =	ssyncadd.s32 $0xFFFFD000  }
0x47d: {  	v56 =	vld [tilespmem:$0x850];
	_ =	sdelay $0x4  }
0x47e: {  	v57 =	vshrl.u32 v56, $0x3  }
0x47f: {  	v38 =	vmul.u32 $0x30, v57  }
0x480: {  	v37 =	vand.u32 $0x7, v56  }
0x481: {  	v37 =	vor.u32 v37, v38  }
0x482: {  	v38 =	vperm.xlane v37, v34;
	_ =	sdelay $0x1  }
0x483: {  	v38 =	vadd.s32 v35, v38;
	_ =	sdelay $0x3  }
0x484: {  	s23 =	simm.s32 $0xA00;
	v37 =	vperm.xlane v37, v36  }
0x485: {  	[tilespmem:s23], [sflag:$0x1] =	stream.indirect_vreg.gather [hbm4b:s5+s2], $0x80, v38, vm0, $0xb8;
	[tilespmem:$0x1EA00] =	vst v63  }
0x486: {  	s30 =	simm.s32 $0x1200;
	v37 =	vadd.s32 v35, v37  }
0x487: {  	[tilespmem:s30], [sflag:$0x1] =	stream.indirect_vreg.gather [hbm4b:s7+s2], $0x80, v38, vm0, $0xb8;
	[tilespmem:$0x1EA00] =	vst v63  }
0x488: {  	s12 =	simm.s32 $0x1A00  }
0x489: {  	[tilespmem:s12], [sflag:$0x1] =	stream.indirect_vreg.gather [hbm4b:s8+s2], $0x80, v38, vm0, $0xb8;
	[tilespmem:$0x1EA00] =	vst v63  }
0x48a: {  	s13 =	simm.s32 $0x2200  }
0x48b: {  	[tilespmem:s13], [sflag:$0x1] =	stream.indirect_vreg.gather [hbm4b:s5+s2], $0x80, v37, vm0, $0xb8;
	[tilespmem:$0x1EA00] =	vst v63  }
0x48c: {  	s14 =	simm.s32 $0x2A00  }
0x48d: {  	[tilespmem:s14], [sflag:$0x1] =	stream.indirect_vreg.gather [hbm4b:s7+s2], $0x80, v37, vm0, $0xb8;
	[tilespmem:$0x1EA00] =	vst v63  }
0x48e: {  	_ = 	snop  }
0x48f: {  	[tilespmem:s11], [sflag:$0x1] =	stream.indirect_vreg.gather [hbm4b:s8+s2], $0x80, v37, vm0, $0xb8;
	[tilespmem:$0x1EA00] =	vst v63  }
0x490: {  	v37 =	vld [tilespmem:$0x860];
	_ =	sdelay $0x4  }
0x491: {  	v58 =	vshrl.u32 v37, $0x3  }
0x492: {  	v38 =	vmul.u32 $0x30, v58  }
0x493: {  	v37 =	vand.u32 $0x7, v37  }
0x494: {  	v37 =	vor.u32 v37, v38  }
0x495: {  	v38 =	vperm.xlane v37, v34;
	_ =	sdelay $0x1  }
0x496: {  	v38 =	vadd.s32 v35, v38;
	_ =	sdelay $0x3  }
0x497: {  	s18 =	simm.s32 $0x3A00;
	v37 =	vperm.xlane v37, v36  }
0x498: {  	[tilespmem:s18], [sflag:$0x1] =	stream.indirect_vreg.gather [hbm4b:s5+s2], $0x80, v38, vm0, $0xb8;
	[tilespmem:$0x1EA00] =	vst v63  }
0x499: {  	s21 =	simm.s32 $0x4200;
	v37 =	vadd.s32 v35, v37  }
0x49a: {  	[tilespmem:s21], [sflag:$0x1] =	stream.indirect_vreg.gather [hbm4b:s7+s2], $0x80, v38, vm0, $0xb8;
	[tilespmem:$0x1EA00] =	vst v63  }
0x49b: {  	s22 =	simm.s32 $0x4A00  }
0x49c: {  	[tilespmem:s22], [sflag:$0x1] =	stream.indirect_vreg.gather [hbm4b:s8+s2], $0x80, v38, vm0, $0xb8;
	[tilespmem:$0x1EA00] =	vst v63  }
0x49d: {  	s25 =	simm.s32 $0x5200  }
0x49e: {  	[tilespmem:s25], [sflag:$0x1] =	stream.indirect_vreg.gather [hbm4b:s5+s2], $0x80, v37, vm0, $0xb8;
	[tilespmem:$0x1EA00] =	vst v63  }
0x49f: {  	s26 =	simm.s32 $0x5A00  }
0x4a0: {  	[tilespmem:s26], [sflag:$0x1] =	stream.indirect_vreg.gather [hbm4b:s7+s2], $0x80, v37, vm0, $0xb8;
	[tilespmem:$0x1EA00] =	vst v63  }
0x4a1: {  	s19 =	simm.s32 $0x6200  }
0x4a2: {  	[tilespmem:s19], [sflag:$0x1] =	stream.indirect_vreg.gather [hbm4b:s8+s2], $0x80, v37, vm0, $0xb8;
	[tilespmem:$0x1EA00] =	vst v63  }
0x4a3: {  	v37 =	vld [tilespmem:$0x870];
	_ =	sdelay $0x4  }
0x4a4: {  	v59 =	vshrl.u32 v37, $0x3  }
0x4a5: {  	v38 =	vmul.u32 $0x30, v59  }
0x4a6: {  	v37 =	vand.u32 $0x7, v37  }
0x4a7: {  	v37 =	vor.u32 v37, v38  }
0x4a8: {  	v38 =	vperm.xlane v37, v34;
	_ =	sdelay $0x1  }
0x4a9: {  	v38 =	vadd.s32 v35, v38;
	_ =	sdelay $0x3  }
0x4aa: {  	s20 =	simm.s32 $0x6A00;
	v37 =	vperm.xlane v37, v36  }
0x4ab: {  	[tilespmem:s20], [sflag:$0x1] =	stream.indirect_vreg.gather [hbm4b:s5+s2], $0x80, v38, vm0, $0xb8;
	[tilespmem:$0x1EA00] =	vst v63  }
0x4ac: {  	s28 =	simm.s32 $0x7200;
	v37 =	vadd.s32 v35, v37  }
0x4ad: {  	[tilespmem:s28], [sflag:$0x1] =	stream.indirect_vreg.gather [hbm4b:s7+s2], $0x80, v38, vm0, $0xb8;
	[tilespmem:$0x1EA00] =	vst v63  }
0x4ae: {  	s29 =	simm.s32 $0x7A00  }
0x4af: {  	[tilespmem:s29], [sflag:$0x1] =	stream.indirect_vreg.gather [hbm4b:s8+s2], $0x80, v38, vm0, $0xb8;
	[tilespmem:$0x1EA00] =	vst v63  }
0x4b0: {  	s30 =	simm.s32 $0x8200  }
0x4b1: {  	[tilespmem:s30], [sflag:$0x1] =	stream.indirect_vreg.gather [hbm4b:s5+s2], $0x80, v37, vm0, $0xb8;
	[tilespmem:$0x1EA00] =	vst v63  }
0x4b2: {  	s11 =	simm.s32 $0x8A00  }
0x4b3: {  	[tilespmem:s11], [sflag:$0x1] =	stream.indirect_vreg.gather [hbm4b:s7+s2], $0x80, v37, vm0, $0xb8;
	[tilespmem:$0x1EA00] =	vst v63  }
0x4b4: {  	s23 =	simm.s32 $0x9200  }
0x4b5: {  	[tilespmem:s23], [sflag:$0x1] =	stream.indirect_vreg.gather [hbm4b:s8+s2], $0x80, v37, vm0, $0xb8;
	[tilespmem:$0x1EA00] =	vst v63  }
0x4b6: {  	v37 =	vld [tilespmem:$0x880];
	_ =	sdelay $0x4  }
0x4b7: {  	v60 =	vshrl.u32 v37, $0x3  }
0x4b8: {  	v38 =	vmul.u32 $0x30, v60  }
0x4b9: {  	v37 =	vand.u32 $0x7, v37  }
0x4ba: {  	v37 =	vor.u32 v37, v38  }
0x4bb: {  	v38 =	vperm.xlane v37, v34;
	_ =	sdelay $0x1  }
0x4bc: {  	v38 =	vadd.s32 v35, v38;
	_ =	sdelay $0x3  }
0x4bd: {  	s15 =	simm.s32 $0x9A00;
	v37 =	vperm.xlane v37, v36  }
0x4be: {  	[tilespmem:s15], [sflag:$0x1] =	stream.indirect_vreg.gather [hbm4b:s5+s2], $0x80, v38, vm0, $0xb8;
	[tilespmem:$0x1EA00] =	vst v63  }
0x4bf: {  	s12 =	simm.s32 $0xA200;
	v37 =	vadd.s32 v35, v37  }
0x4c0: {  	[tilespmem:s12], [sflag:$0x1] =	stream.indirect_vreg.gather [hbm4b:s7+s2], $0x80, v38, vm0, $0xb8;
	[tilespmem:$0x1EA00] =	vst v63  }
0x4c1: {  	s13 =	simm.s32 $0xAA00  }
0x4c2: {  	[tilespmem:s13], [sflag:$0x1] =	stream.indirect_vreg.gather [hbm4b:s8+s2], $0x80, v38, vm0, $0xb8;
	[tilespmem:$0x1EA00] =	vst v63  }
0x4c3: {  	s14 =	simm.s32 $0xB200  }
0x4c4: {  	[tilespmem:s14], [sflag:$0x1] =	stream.indirect_vreg.gather [hbm4b:s5+s2], $0x80, v37, vm0, $0xb8;
	[tilespmem:$0x1EA00] =	vst v63  }
0x4c5: {  	s15 =	simm.s32 $0xBA00  }
0x4c6: {  	[tilespmem:s15], [sflag:$0x1] =	stream.indirect_vreg.gather [hbm4b:s7+s2], $0x80, v37, vm0, $0xb8;
	[tilespmem:$0x1EA00] =	vst v63  }
0x4c7: {  	s16 =	simm.s32 $0xC200  }
0x4c8: {  	[tilespmem:s16], [sflag:$0x1] =	stream.indirect_vreg.gather [hbm4b:s8+s2], $0x80, v37, vm0, $0xb8;
	[tilespmem:$0x1EA00] =	vst v63  }
0x4c9: {  	v37 =	vld [tilespmem:$0x890];
	_ =	sdelay $0x4  }
0x4ca: {  	v61 =	vshrl.u32 v37, $0x3  }
0x4cb: {  	v38 =	vmul.u32 $0x30, v61  }
0x4cc: {  	v37 =	vand.u32 $0x7, v37  }
0x4cd: {  	v37 =	vor.u32 v37, v38  }
0x4ce: {  	v38 =	vperm.xlane v37, v34;
	_ =	sdelay $0x1  }
0x4cf: {  	v38 =	vadd.s32 v35, v38;
	_ =	sdelay $0x3  }
0x4d0: {  	s17 =	simm.s32 $0xCA00;
	v37 =	vperm.xlane v37, v36  }
0x4d1: {  	[tilespmem:s17], [sflag:$0x1] =	stream.indirect_vreg.gather [hbm4b:s5+s2], $0x80, v38, vm0, $0xb8;
	[tilespmem:$0x1EA00] =	vst v63  }
0x4d2: {  	s16 =	simm.s32 $0xD200;
	v37 =	vadd.s32 v35, v37  }
0x4d3: {  	[tilespmem:s16], [sflag:$0x1] =	stream.indirect_vreg.gather [hbm4b:s7+s2], $0x80, v38, vm0, $0xb8;
	[tilespmem:$0x1EA00] =	vst v63  }
0x4d4: {  	s17 =	simm.s32 $0xDA00  }
0x4d5: {  	[tilespmem:s17], [sflag:$0x1] =	stream.indirect_vreg.gather [hbm4b:s8+s2], $0x80, v38, vm0, $0xb8;
	[tilespmem:$0x1EA00] =	vst v63  }
0x4d6: {  	s3 =	simm.s32 $0xE200  }
0x4d7: {  	[tilespmem:s3], [sflag:$0x1] =	stream.indirect_vreg.gather [hbm4b:s5+s2], $0x80, v37, vm0, $0xb8;
	[tilespmem:$0x1EA00] =	vst v63  }
0x4d8: {  	s3 =	simm.s32 $0xEA00  }
0x4d9: {  	[tilespmem:s3], [sflag:$0x1] =	stream.indirect_vreg.gather [hbm4b:s7+s2], $0x80, v37, vm0, $0xb8;
	[tilespmem:$0x1EA00] =	vst v63  }
0x4da: {  	s3 =	simm.s32 $0xF200  }
0x4db: {  	[tilespmem:s3], [sflag:$0x1] =	stream.indirect_vreg.gather [hbm4b:s8+s2], $0x80, v37, vm0, $0xb8;
	[tilespmem:$0x1EA00] =	vst v63  }
0x4dc: {  	_ =	swait.ge [sflag:s31], $0xF000  }
0x4dd: {  	[sflag:s31] =	ssyncset.done $0x0  }
0x4de: {  	s6 =	simm.s32 $0xA00;
	s3 =	rddreg [dreg:$0xc];
	[sflag:s31] =	ssyncadd.s32 $0xFFFF1000  }
0x4df: {  	[hbm4b:s3+s2] =	stream.linear.scatter [tilespmem:s6], [sflag:$0x3], $0xF000, $0x38;
	[tilespmem:$0x1EA00] =	vst v63  }
0x4e0: {  	_ =	swait.ge [sflag:s10], $0xF000  }
0x4e1: {  	[sflag:s10] =	ssyncset.done $0x0  }
0x4e2: {  	[sflag:s10] =	ssyncadd.s32 $0xFFFF1000  }
0x4e3: {  	v62 =	vld [tilespmem:$0x8A0];
	_ =	sdelay $0x4  }
0x4e4: {  	v63 =	vshrl.u32 v62, $0x3  }
0x4e5: {  	v38 =	vmul.u32 $0x30, v63  }
0x4e6: {  	v37 =	vand.u32 $0x7, v62  }
0x4e7: {  	v37 =	vor.u32 v37, v38  }
0x4e8: {  	v38 =	vperm.xlane v37, v34;
	_ =	sdelay $0x1  }
0x4e9: {  	v38 =	vadd.s32 v35, v38;
	_ =	sdelay $0x3  }
0x4ea: {  	s9 =	simm.s32 $0xFA00;
	v37 =	vperm.xlane v37, v36  }
0x4eb: {  	[tilespmem:s9], [sflag:$0x2] =	stream.indirect_vreg.gather [hbm4b:s5+s2], $0x80, v38, vm0, $0xb8;
	[tilespmem:$0x1EA00] =	vst v63  }
0x4ec: {  	s3 =	simm.s32 $0x10200;
	v37 =	vadd.s32 v35, v37  }
0x4ed: {  	[tilespmem:s3], [sflag:$0x2] =	stream.indirect_vreg.gather [hbm4b:s7+s2], $0x80, v38, vm0, $0xb8;
	[tilespmem:$0x1EA00] =	vst v63  }
0x4ee: {  	s3 =	simm.s32 $0x10A00  }
0x4ef: {  	[tilespmem:s3], [sflag:$0x2] =	stream.indirect_vreg.gather [hbm4b:s8+s2], $0x80, v38, vm0, $0xb8;
	[tilespmem:$0x1EA00] =	vst v63  }
0x4f0: {  	s3 =	simm.s32 $0x11200  }
0x4f1: {  	[tilespmem:s3], [sflag:$0x2] =	stream.indirect_vreg.gather [hbm4b:s5+s2], $0x80, v37, vm0, $0xb8;
	[tilespmem:$0x1EA00] =	vst v63  }
0x4f2: {  	s3 =	simm.s32 $0x11A00  }
0x4f3: {  	[tilespmem:s3], [sflag:$0x2] =	stream.indirect_vreg.gather [hbm4b:s7+s2], $0x80, v37, vm0, $0xb8;
	[tilespmem:$0x1EA00] =	vst v63  }
0x4f4: {  	s3 =	simm.s32 $0x12200  }
0x4f5: {  	[tilespmem:s3], [sflag:$0x2] =	stream.indirect_vreg.gather [hbm4b:s8+s2], $0x80, v37, vm0, $0xb8;
	[tilespmem:$0x1EA00] =	vst v63  }
0x4f6: {  	v37 =	vld [tilespmem:$0x8B0];
	_ =	sdelay $0x4  }
0x4f7: {  	v40 =	vshrl.u32 v37, $0x3  }
0x4f8: {  	v38 =	vmul.u32 $0x30, v40  }
0x4f9: {  	v37 =	vand.u32 $0x7, v37  }
0x4fa: {  	v37 =	vor.u32 v37, v38  }
0x4fb: {  	v38 =	vperm.xlane v37, v34;
	_ =	sdelay $0x1  }
0x4fc: {  	v38 =	vadd.s32 v35, v38;
	_ =	sdelay $0x3  }
0x4fd: {  	s3 =	simm.s32 $0x12A00;
	v37 =	vperm.xlane v37, v36  }
0x4fe: {  	[tilespmem:s3], [sflag:$0x2] =	stream.indirect_vreg.gather [hbm4b:s5+s2], $0x80, v38, vm0, $0xb8;
	[tilespmem:$0x1EA00] =	vst v63  }
0x4ff: {  	v37 =	vadd.s32 v35, v37;
	s3 =	simm.s32 $0x13200  }
0x500: {  	[tilespmem:s3], [sflag:$0x2] =	stream.indirect_vreg.gather [hbm4b:s7+s2], $0x80, v38, vm0, $0xb8;
	[tilespmem:$0x1EA00] =	vst v63  }
0x501: {  	s3 =	simm.s32 $0x13A00  }
0x502: {  	[tilespmem:s3], [sflag:$0x2] =	stream.indirect_vreg.gather [hbm4b:s8+s2], $0x80, v38, vm0, $0xb8;
	[tilespmem:$0x1EA00] =	vst v63  }
0x503: {  	s3 =	simm.s32 $0x14200  }
0x504: {  	[tilespmem:s3], [sflag:$0x2] =	stream.indirect_vreg.gather [hbm4b:s5+s2], $0x80, v37, vm0, $0xb8;
	[tilespmem:$0x1EA00] =	vst v63  }
0x505: {  	s3 =	simm.s32 $0x14A00  }
0x506: {  	[tilespmem:s3], [sflag:$0x2] =	stream.indirect_vreg.gather [hbm4b:s7+s2], $0x80, v37, vm0, $0xb8;
	[tilespmem:$0x1EA00] =	vst v63  }
0x507: {  	s3 =	simm.s32 $0x15200  }
0x508: {  	[tilespmem:s3], [sflag:$0x2] =	stream.indirect_vreg.gather [hbm4b:s8+s2], $0x80, v37, vm0, $0xb8;
	[tilespmem:$0x1EA00] =	vst v63  }
0x509: {  	v37 =	vld [tilespmem:$0x8C0];
	_ =	sdelay $0x4  }
0x50a: {  	v41 =	vshrl.u32 v37, $0x3  }
0x50b: {  	v38 =	vmul.u32 $0x30, v41  }
0x50c: {  	v37 =	vand.u32 $0x7, v37  }
0x50d: {  	v37 =	vor.u32 v37, v38  }
0x50e: {  	v38 =	vperm.xlane v37, v34;
	_ =	sdelay $0x1  }
0x50f: {  	v38 =	vadd.s32 v35, v38;
	_ =	sdelay $0x3  }
0x510: {  	s3 =	simm.s32 $0x15A00;
	v37 =	vperm.xlane v37, v36  }
0x511: {  	[tilespmem:s3], [sflag:$0x2] =	stream.indirect_vreg.gather [hbm4b:s5+s2], $0x80, v38, vm0, $0xb8;
	[tilespmem:$0x1EA00] =	vst v63  }
0x512: {  	v37 =	vadd.s32 v35, v37;
	s3 =	simm.s32 $0x16200  }
0x513: {  	[tilespmem:s3], [sflag:$0x2] =	stream.indirect_vreg.gather [hbm4b:s7+s2], $0x80, v38, vm0, $0xb8;
	[tilespmem:$0x1EA00] =	vst v63  }
0x514: {  	s3 =	simm.s32 $0x16A00  }
0x515: {  	[tilespmem:s3], [sflag:$0x2] =	stream.indirect_vreg.gather [hbm4b:s8+s2], $0x80, v38, vm0, $0xb8;
	[tilespmem:$0x1EA00] =	vst v63  }
0x516: {  	s3 =	simm.s32 $0x17200  }
0x517: {  	[tilespmem:s3], [sflag:$0x2] =	stream.indirect_vreg.gather [hbm4b:s5+s2], $0x80, v37, vm0, $0xb8;
	[tilespmem:$0x1EA00] =	vst v63  }
0x518: {  	s3 =	simm.s32 $0x17A00  }
0x519: {  	[tilespmem:s3], [sflag:$0x2] =	stream.indirect_vreg.gather [hbm4b:s7+s2], $0x80, v37, vm0, $0xb8;
	[tilespmem:$0x1EA00] =	vst v63  }
0x51a: {  	s3 =	simm.s32 $0x18200  }
0x51b: {  	[tilespmem:s3], [sflag:$0x2] =	stream.indirect_vreg.gather [hbm4b:s8+s2], $0x80, v37, vm0, $0xb8;
	[tilespmem:$0x1EA00] =	vst v63  }
0x51c: {  	v37 =	vld [tilespmem:$0x8D0];
	_ =	sdelay $0x4  }
0x51d: {  	v42 =	vshrl.u32 v37, $0x3  }
0x51e: {  	v38 =	vmul.u32 $0x30, v42  }
0x51f: {  	v37 =	vand.u32 $0x7, v37  }
0x520: {  	v37 =	vor.u32 v37, v38  }
0x521: {  	v38 =	vperm.xlane v37, v34;
	_ =	sdelay $0x1  }
0x522: {  	v38 =	vadd.s32 v35, v38;
	_ =	sdelay $0x3  }
0x523: {  	s3 =	simm.s32 $0x18A00;
	v37 =	vperm.xlane v37, v36  }
0x524: {  	[tilespmem:s3], [sflag:$0x2] =	stream.indirect_vreg.gather [hbm4b:s5+s2], $0x80, v38, vm0, $0xb8;
	[tilespmem:$0x1EA00] =	vst v63  }
0x525: {  	v37 =	vadd.s32 v35, v37;
	s3 =	simm.s32 $0x19200  }
0x526: {  	[tilespmem:s3], [sflag:$0x2] =	stream.indirect_vreg.gather [hbm4b:s7+s2], $0x80, v38, vm0, $0xb8;
	[tilespmem:$0x1EA00] =	vst v63  }
0x527: {  	s3 =	simm.s32 $0x19A00  }
0x528: {  	[tilespmem:s3], [sflag:$0x2] =	stream.indirect_vreg.gather [hbm4b:s8+s2], $0x80, v38, vm0, $0xb8;
	[tilespmem:$0x1EA00] =	vst v63  }
0x529: {  	s3 =	simm.s32 $0x1A200  }
0x52a: {  	[tilespmem:s3], [sflag:$0x2] =	stream.indirect_vreg.gather [hbm4b:s5+s2], $0x80, v37, vm0, $0xb8;
	[tilespmem:$0x1EA00] =	vst v63  }
0x52b: {  	s3 =	simm.s32 $0x1AA00  }
0x52c: {  	[tilespmem:s3], [sflag:$0x2] =	stream.indirect_vreg.gather [hbm4b:s7+s2], $0x80, v37, vm0, $0xb8;
	[tilespmem:$0x1EA00] =	vst v63  }
0x52d: {  	s3 =	simm.s32 $0x1B200  }
0x52e: {  	[tilespmem:s3], [sflag:$0x2] =	stream.indirect_vreg.gather [hbm4b:s8+s2], $0x80, v37, vm0, $0xb8;
	[tilespmem:$0x1EA00] =	vst v63  }
0x52f: {  	v37 =	vld [tilespmem:$0x8E0];
	_ =	sdelay $0x4  }
0x530: {  	v43 =	vshrl.u32 v37, $0x3  }
0x531: {  	v38 =	vmul.u32 $0x30, v43  }
0x532: {  	v37 =	vand.u32 $0x7, v37  }
0x533: {  	v37 =	vor.u32 v37, v38  }
0x534: {  	v38 =	vperm.xlane v37, v34;
	_ =	sdelay $0x1  }
0x535: {  	v38 =	vadd.s32 v35, v38;
	_ =	sdelay $0x3  }
0x536: {  	s3 =	simm.s32 $0x1BA00;
	v37 =	vperm.xlane v37, v36  }
0x537: {  	[tilespmem:s3], [sflag:$0x2] =	stream.indirect_vreg.gather [hbm4b:s5+s2], $0x80, v38, vm0, $0xb8;
	[tilespmem:$0x1EA00] =	vst v63  }
0x538: {  	v37 =	vadd.s32 v35, v37;
	s3 =	simm.s32 $0x1C200  }
0x539: {  	[tilespmem:s3], [sflag:$0x2] =	stream.indirect_vreg.gather [hbm4b:s7+s2], $0x80, v38, vm0, $0xb8;
	[tilespmem:$0x1EA00] =	vst v63  }
0x53a: {  	s3 =	simm.s32 $0x1CA00  }
0x53b: {  	[tilespmem:s3], [sflag:$0x2] =	stream.indirect_vreg.gather [hbm4b:s8+s2], $0x80, v38, vm0, $0xb8;
	[tilespmem:$0x1EA00] =	vst v63  }
0x53c: {  	s3 =	simm.s32 $0x1D200  }
0x53d: {  	[tilespmem:s3], [sflag:$0x2] =	stream.indirect_vreg.gather [hbm4b:s5+s2], $0x80, v37, vm0, $0xb8;
	[tilespmem:$0x1EA00] =	vst v63  }
0x53e: {  	s3 =	simm.s32 $0x1DA00  }
0x53f: {  	[tilespmem:s3], [sflag:$0x2] =	stream.indirect_vreg.gather [hbm4b:s7+s2], $0x80, v37, vm0, $0xb8;
	[tilespmem:$0x1EA00] =	vst v63  }
0x540: {  	s3 =	simm.s32 $0x1E200  }
0x541: {  	[tilespmem:s3], [sflag:$0x2] =	stream.indirect_vreg.gather [hbm4b:s8+s2], $0x80, v37, vm0, $0xb8;
	[tilespmem:$0x1EA00] =	vst v63  }
0x542: {  	_ =	swait.ge [sflag:s1], $0xF000  }
0x543: {  	[sflag:s1] =	ssyncset.done $0x0  }
0x544: {  	s9 =	simm.s32 $0xFA00;
	s3 =	rddreg [dreg:$0xd];
	[sflag:s1] =	ssyncadd.s32 $0xFFFF1000  }
0x545: {  	[hbm4b:s3+s2] =	stream.linear.scatter [tilespmem:s9], [sflag:$0x4], $0xF000, $0x38;
	[tilespmem:$0x1EA00] =	vst v63  }
0x546: {  	_ =	swait.ge [sflag:s0], $0xF000  }
0x547: {  	[sflag:s0] =	ssyncset.done $0x0  }
0x548: {  	[sflag:s0] =	ssyncadd.s32 $0xFFFF1000  }
0x549: {  	v44 =	vld [tilespmem:$0x8F0];
	_ =	sdelay $0x4  }
0x54a: {  	v45 =	vshrl.u32 v44, $0x3  }
0x54b: {  	v38 =	vmul.u32 $0x30, v45  }
0x54c: {  	v37 =	vand.u32 $0x7, v44  }
0x54d: {  	v37 =	vor.u32 v37, v38  }
0x54e: {  	v38 =	vperm.xlane v37, v34;
	_ =	sdelay $0x1  }
0x54f: {  	v38 =	vadd.s32 v35, v38;
	_ =	sdelay $0x3  }
0x550: {  	s6 =	simm.s32 $0xA00;
	v37 =	vperm.xlane v37, v36  }
0x551: {  	[tilespmem:s6], [sflag:$0x1] =	stream.indirect_vreg.gather [hbm4b:s5+s2], $0x80, v38, vm0, $0xb8;
	[tilespmem:$0x1EA00] =	vst v63  }
0x552: {  	s3 =	simm.s32 $0x1200;
	v37 =	vadd.s32 v35, v37  }
0x553: {  	[tilespmem:s3], [sflag:$0x1] =	stream.indirect_vreg.gather [hbm4b:s7+s2], $0x80, v38, vm0, $0xb8;
	[tilespmem:$0x1EA00] =	vst v63  }
0x554: {  	s3 =	simm.s32 $0x1A00  }
0x555: {  	[tilespmem:s3], [sflag:$0x1] =	stream.indirect_vreg.gather [hbm4b:s8+s2], $0x80, v38, vm0, $0xb8;
	[tilespmem:$0x1EA00] =	vst v63  }
0x556: {  	s3 =	simm.s32 $0x2200  }
0x557: {  	[tilespmem:s3], [sflag:$0x1] =	stream.indirect_vreg.gather [hbm4b:s5+s2], $0x80, v37, vm0, $0xb8;
	[tilespmem:$0x1EA00] =	vst v63  }
0x558: {  	s3 =	simm.s32 $0x2A00  }
0x559: {  	[tilespmem:s3], [sflag:$0x1] =	stream.indirect_vreg.gather [hbm4b:s7+s2], $0x80, v37, vm0, $0xb8;
	[tilespmem:$0x1EA00] =	vst v63  }
0x55a: {  	s3 =	simm.s32 $0x3200  }
0x55b: {  	[tilespmem:s3], [sflag:$0x1] =	stream.indirect_vreg.gather [hbm4b:s8+s2], $0x80, v37, vm0, $0xb8;
	[tilespmem:$0x1EA00] =	vst v63  }
0x55c: {  	v37 =	vld [tilespmem:$0x900];
	_ =	sdelay $0x4  }
0x55d: {  	v46 =	vshrl.u32 v37, $0x3  }
0x55e: {  	v38 =	vmul.u32 $0x30, v46  }
0x55f: {  	v37 =	vand.u32 $0x7, v37  }
0x560: {  	v37 =	vor.u32 v37, v38  }
0x561: {  	v38 =	vperm.xlane v37, v34;
	_ =	sdelay $0x1  }
0x562: {  	v38 =	vadd.s32 v35, v38;
	_ =	sdelay $0x3  }
0x563: {  	v37 =	vperm.xlane v37, v36  }
0x564: {  	[tilespmem:s18], [sflag:$0x1] =	stream.indirect_vreg.gather [hbm4b:s5+s2], $0x80, v38, vm0, $0xb8;
	[tilespmem:$0x1EA00] =	vst v63  }
0x565: {  	v37 =	vadd.s32 v35, v37  }
0x566: {  	[tilespmem:s21], [sflag:$0x1] =	stream.indirect_vreg.gather [hbm4b:s7+s2], $0x80, v38, vm0, $0xb8;
	[tilespmem:$0x1EA00] =	vst v63  }
0x567: {  	_ = 	snop  }
0x568: {  	[tilespmem:s22], [sflag:$0x1] =	stream.indirect_vreg.gather [hbm4b:s8+s2], $0x80, v38, vm0, $0xb8;
	[tilespmem:$0x1EA00] =	vst v63  }
0x569: {  	_ = 	snop  }
0x56a: {  	[tilespmem:s25], [sflag:$0x1] =	stream.indirect_vreg.gather [hbm4b:s5+s2], $0x80, v37, vm0, $0xb8;
	[tilespmem:$0x1EA00] =	vst v63  }
0x56b: {  	_ = 	snop  }
0x56c: {  	[tilespmem:s26], [sflag:$0x1] =	stream.indirect_vreg.gather [hbm4b:s7+s2], $0x80, v37, vm0, $0xb8;
	[tilespmem:$0x1EA00] =	vst v63  }
0x56d: {  	_ = 	snop  }
0x56e: {  	[tilespmem:s19], [sflag:$0x1] =	stream.indirect_vreg.gather [hbm4b:s8+s2], $0x80, v37, vm0, $0xb8;
	[tilespmem:$0x1EA00] =	vst v63  }
0x56f: {  	v37 =	vld [tilespmem:$0x910];
	_ =	sdelay $0x4  }
0x570: {  	v47 =	vshrl.u32 v37, $0x3  }
0x571: {  	v38 =	vmul.u32 $0x30, v47  }
0x572: {  	v37 =	vand.u32 $0x7, v37  }
0x573: {  	v37 =	vor.u32 v37, v38  }
0x574: {  	v38 =	vperm.xlane v37, v34;
	_ =	sdelay $0x1  }
0x575: {  	v38 =	vadd.s32 v35, v38;
	_ =	sdelay $0x3  }
0x576: {  	v37 =	vperm.xlane v37, v36  }
0x577: {  	[tilespmem:s20], [sflag:$0x1] =	stream.indirect_vreg.gather [hbm4b:s5+s2], $0x80, v38, vm0, $0xb8;
	[tilespmem:$0x1EA00] =	vst v63  }
0x578: {  	v37 =	vadd.s32 v35, v37  }
0x579: {  	[tilespmem:s28], [sflag:$0x1] =	stream.indirect_vreg.gather [hbm4b:s7+s2], $0x80, v38, vm0, $0xb8;
	[tilespmem:$0x1EA00] =	vst v63  }
0x57a: {  	_ = 	snop  }
0x57b: {  	[tilespmem:s29], [sflag:$0x1] =	stream.indirect_vreg.gather [hbm4b:s8+s2], $0x80, v38, vm0, $0xb8;
	[tilespmem:$0x1EA00] =	vst v63  }
0x57c: {  	_ = 	snop  }
0x57d: {  	[tilespmem:s30], [sflag:$0x1] =	stream.indirect_vreg.gather [hbm4b:s5+s2], $0x80, v37, vm0, $0xb8;
	[tilespmem:$0x1EA00] =	vst v63  }
0x57e: {  	_ = 	snop  }
0x57f: {  	[tilespmem:s11], [sflag:$0x1] =	stream.indirect_vreg.gather [hbm4b:s7+s2], $0x80, v37, vm0, $0xb8;
	[tilespmem:$0x1EA00] =	vst v63  }
0x580: {  	_ = 	snop  }
0x581: {  	[tilespmem:s23], [sflag:$0x1] =	stream.indirect_vreg.gather [hbm4b:s8+s2], $0x80, v37, vm0, $0xb8;
	[tilespmem:$0x1EA00] =	vst v63  }
0x582: {  	v37 =	vld [tilespmem:$0x920];
	_ =	sdelay $0x4  }
0x583: {  	v48 =	vshrl.u32 v37, $0x3  }
0x584: {  	v38 =	vmul.u32 $0x30, v48  }
0x585: {  	v37 =	vand.u32 $0x7, v37  }
0x586: {  	v37 =	vor.u32 v37, v38  }
0x587: {  	v38 =	vperm.xlane v37, v34;
	_ =	sdelay $0x1  }
0x588: {  	v38 =	vadd.s32 v35, v38;
	_ =	sdelay $0x3  }
0x589: {  	s3 =	simm.s32 $0x9A00;
	v37 =	vperm.xlane v37, v36  }
0x58a: {  	[tilespmem:s3], [sflag:$0x1] =	stream.indirect_vreg.gather [hbm4b:s5+s2], $0x80, v38, vm0, $0xb8;
	[tilespmem:$0x1EA00] =	vst v63  }
0x58b: {  	v37 =	vadd.s32 v35, v37  }
0x58c: {  	[tilespmem:s12], [sflag:$0x1] =	stream.indirect_vreg.gather [hbm4b:s7+s2], $0x80, v38, vm0, $0xb8;
	[tilespmem:$0x1EA00] =	vst v63  }
0x58d: {  	_ = 	snop  }
0x58e: {  	[tilespmem:s13], [sflag:$0x1] =	stream.indirect_vreg.gather [hbm4b:s8+s2], $0x80, v38, vm0, $0xb8;
	[tilespmem:$0x1EA00] =	vst v63  }
0x58f: {  	_ = 	snop  }
0x590: {  	[tilespmem:s14], [sflag:$0x1] =	stream.indirect_vreg.gather [hbm4b:s5+s2], $0x80, v37, vm0, $0xb8;
	[tilespmem:$0x1EA00] =	vst v63  }
0x591: {  	_ = 	snop  }
0x592: {  	[tilespmem:s15], [sflag:$0x1] =	stream.indirect_vreg.gather [hbm4b:s7+s2], $0x80, v37, vm0, $0xb8;
	[tilespmem:$0x1EA00] =	vst v63  }
0x593: {  	s3 =	simm.s32 $0xC200  }
0x594: {  	[tilespmem:s3], [sflag:$0x1] =	stream.indirect_vreg.gather [hbm4b:s8+s2], $0x80, v37, vm0, $0xb8;
	[tilespmem:$0x1EA00] =	vst v63  }
0x595: {  	v37 =	vld [tilespmem:$0x930];
	_ =	sdelay $0x4  }
0x596: {  	v49 =	vshrl.u32 v37, $0x3  }
0x597: {  	v38 =	vmul.u32 $0x30, v49  }
0x598: {  	v37 =	vand.u32 $0x7, v37  }
0x599: {  	v37 =	vor.u32 v37, v38  }
0x59a: {  	v38 =	vperm.xlane v37, v34;
	_ =	sdelay $0x1  }
0x59b: {  	v38 =	vadd.s32 v35, v38;
	_ =	sdelay $0x3  }
0x59c: {  	s3 =	simm.s32 $0xCA00;
	v37 =	vperm.xlane v37, v36  }
0x59d: {  	[tilespmem:s3], [sflag:$0x1] =	stream.indirect_vreg.gather [hbm4b:s5+s2], $0x80, v38, vm0, $0xb8;
	[tilespmem:$0x1EA00] =	vst v63  }
0x59e: {  	v37 =	vadd.s32 v35, v37  }
0x59f: {  	[tilespmem:s16], [sflag:$0x1] =	stream.indirect_vreg.gather [hbm4b:s7+s2], $0x80, v38, vm0, $0xb8;
	[tilespmem:$0x1EA00] =	vst v63  }
0x5a0: {  	_ = 	snop  }
0x5a1: {  	[tilespmem:s17], [sflag:$0x1] =	stream.indirect_vreg.gather [hbm4b:s8+s2], $0x80, v38, vm0, $0xb8;
	[tilespmem:$0x1EA00] =	vst v63  }
0x5a2: {  	s3 =	simm.s32 $0xE200  }
0x5a3: {  	[tilespmem:s3], [sflag:$0x1] =	stream.indirect_vreg.gather [hbm4b:s5+s2], $0x80, v37, vm0, $0xb8;
	[tilespmem:$0x1EA00] =	vst v63  }
0x5a4: {  	s3 =	simm.s32 $0xEA00  }
0x5a5: {  	[tilespmem:s3], [sflag:$0x1] =	stream.indirect_vreg.gather [hbm4b:s7+s2], $0x80, v37, vm0, $0xb8;
	[tilespmem:$0x1EA00] =	vst v63  }
0x5a6: {  	s3 =	simm.s32 $0xF200  }
0x5a7: {  	[tilespmem:s3], [sflag:$0x1] =	stream.indirect_vreg.gather [hbm4b:s8+s2], $0x80, v37, vm0, $0xb8;
	[tilespmem:$0x1EA00] =	vst v63  }
0x5a8: {  	_ =	swait.ge [sflag:s31], $0xF000  }
0x5a9: {  	[sflag:s31] =	ssyncset.done $0x0  }
0x5aa: {  	s6 =	simm.s32 $0xA00;
	s3 =	rddreg [dreg:$0xe];
	[sflag:s31] =	ssyncadd.s32 $0xFFFF1000  }
0x5ab: {  	[hbm4b:s3+s2] =	stream.linear.scatter [tilespmem:s6], [sflag:$0x3], $0xF000, $0x38;
	[tilespmem:$0x1EA00] =	vst v63  }
0x5ac: {  	_ =	swait.ge [sflag:s10], $0xF000  }
0x5ad: {  	[sflag:s10] =	ssyncset.done $0x0  }
0x5ae: {  	[sflag:s10] =	ssyncadd.s32 $0xFFFF1000  }
0x5af: {  	v50 =	vld [tilespmem:$0x940];
	_ =	sdelay $0x4  }
0x5b0: {  	v51 =	vshrl.u32 v50, $0x3  }
0x5b1: {  	v38 =	vmul.u32 $0x30, v51  }
0x5b2: {  	v37 =	vand.u32 $0x7, v50  }
0x5b3: {  	v37 =	vor.u32 v37, v38  }
0x5b4: {  	v38 =	vperm.xlane v37, v34;
	_ =	sdelay $0x1  }
0x5b5: {  	v38 =	vadd.s32 v35, v38;
	_ =	sdelay $0x3  }
0x5b6: {  	s9 =	simm.s32 $0xFA00;
	v37 =	vperm.xlane v37, v36  }
0x5b7: {  	[tilespmem:s9], [sflag:$0x2] =	stream.indirect_vreg.gather [hbm4b:s5+s2], $0x80, v38, vm0, $0xb8;
	[tilespmem:$0x1EA00] =	vst v63  }
0x5b8: {  	s3 =	simm.s32 $0x10200;
	v37 =	vadd.s32 v35, v37  }
0x5b9: {  	[tilespmem:s3], [sflag:$0x2] =	stream.indirect_vreg.gather [hbm4b:s7+s2], $0x80, v38, vm0, $0xb8;
	[tilespmem:$0x1EA00] =	vst v63  }
0x5ba: {  	s3 =	simm.s32 $0x10A00  }
0x5bb: {  	[tilespmem:s3], [sflag:$0x2] =	stream.indirect_vreg.gather [hbm4b:s8+s2], $0x80, v38, vm0, $0xb8;
	[tilespmem:$0x1EA00] =	vst v63  }
0x5bc: {  	s3 =	simm.s32 $0x11200  }
0x5bd: {  	[tilespmem:s3], [sflag:$0x2] =	stream.indirect_vreg.gather [hbm4b:s5+s2], $0x80, v37, vm0, $0xb8;
	[tilespmem:$0x1EA00] =	vst v63  }
0x5be: {  	s3 =	simm.s32 $0x11A00  }
0x5bf: {  	[tilespmem:s3], [sflag:$0x2] =	stream.indirect_vreg.gather [hbm4b:s7+s2], $0x80, v37, vm0, $0xb8;
	[tilespmem:$0x1EA00] =	vst v63  }
0x5c0: {  	s3 =	simm.s32 $0x12200  }
0x5c1: {  	[tilespmem:s3], [sflag:$0x2] =	stream.indirect_vreg.gather [hbm4b:s8+s2], $0x80, v37, vm0, $0xb8;
	[tilespmem:$0x1EA00] =	vst v63  }
0x5c2: {  	v37 =	vld [tilespmem:$0x950];
	_ =	sdelay $0x4  }
0x5c3: {  	v52 =	vshrl.u32 v37, $0x3  }
0x5c4: {  	v38 =	vmul.u32 $0x30, v52  }
0x5c5: {  	v37 =	vand.u32 $0x7, v37  }
0x5c6: {  	v37 =	vor.u32 v37, v38  }
0x5c7: {  	v38 =	vperm.xlane v37, v34;
	_ =	sdelay $0x1  }
0x5c8: {  	v38 =	vadd.s32 v35, v38;
	_ =	sdelay $0x3  }
0x5c9: {  	s3 =	simm.s32 $0x12A00;
	v37 =	vperm.xlane v37, v36  }
0x5ca: {  	[tilespmem:s3], [sflag:$0x2] =	stream.indirect_vreg.gather [hbm4b:s5+s2], $0x80, v38, vm0, $0xb8;
	[tilespmem:$0x1EA00] =	vst v63  }
0x5cb: {  	v37 =	vadd.s32 v35, v37;
	s3 =	simm.s32 $0x13200  }
0x5cc: {  	[tilespmem:s3], [sflag:$0x2] =	stream.indirect_vreg.gather [hbm4b:s7+s2], $0x80, v38, vm0, $0xb8;
	[tilespmem:$0x1EA00] =	vst v63  }
0x5cd: {  	s3 =	simm.s32 $0x13A00  }
0x5ce: {  	[tilespmem:s3], [sflag:$0x2] =	stream.indirect_vreg.gather [hbm4b:s8+s2], $0x80, v38, vm0, $0xb8;
	[tilespmem:$0x1EA00] =	vst v63  }
0x5cf: {  	s3 =	simm.s32 $0x14200  }
0x5d0: {  	[tilespmem:s3], [sflag:$0x2] =	stream.indirect_vreg.gather [hbm4b:s5+s2], $0x80, v37, vm0, $0xb8;
	[tilespmem:$0x1EA00] =	vst v63  }
0x5d1: {  	s3 =	simm.s32 $0x14A00  }
0x5d2: {  	[tilespmem:s3], [sflag:$0x2] =	stream.indirect_vreg.gather [hbm4b:s7+s2], $0x80, v37, vm0, $0xb8;
	[tilespmem:$0x1EA00] =	vst v63  }
0x5d3: {  	s3 =	simm.s32 $0x15200  }
0x5d4: {  	[tilespmem:s3], [sflag:$0x2] =	stream.indirect_vreg.gather [hbm4b:s8+s2], $0x80, v37, vm0, $0xb8;
	[tilespmem:$0x1EA00] =	vst v63  }
0x5d5: {  	v37 =	vld [tilespmem:$0x960];
	_ =	sdelay $0x4  }
0x5d6: {  	v53 =	vshrl.u32 v37, $0x3  }
0x5d7: {  	v38 =	vmul.u32 $0x30, v53  }
0x5d8: {  	v37 =	vand.u32 $0x7, v37  }
0x5d9: {  	v37 =	vor.u32 v37, v38  }
0x5da: {  	v38 =	vperm.xlane v37, v34;
	_ =	sdelay $0x1  }
0x5db: {  	v38 =	vadd.s32 v35, v38;
	_ =	sdelay $0x3  }
0x5dc: {  	s3 =	simm.s32 $0x15A00;
	v37 =	vperm.xlane v37, v36  }
0x5dd: {  	[tilespmem:s3], [sflag:$0x2] =	stream.indirect_vreg.gather [hbm4b:s5+s2], $0x80, v38, vm0, $0xb8;
	[tilespmem:$0x1EA00] =	vst v63  }
0x5de: {  	v37 =	vadd.s32 v35, v37;
	s3 =	simm.s32 $0x16200  }
0x5df: {  	[tilespmem:s3], [sflag:$0x2] =	stream.indirect_vreg.gather [hbm4b:s7+s2], $0x80, v38, vm0, $0xb8;
	[tilespmem:$0x1EA00] =	vst v63  }
0x5e0: {  	s3 =	simm.s32 $0x16A00  }
0x5e1: {  	[tilespmem:s3], [sflag:$0x2] =	stream.indirect_vreg.gather [hbm4b:s8+s2], $0x80, v38, vm0, $0xb8;
	[tilespmem:$0x1EA00] =	vst v63  }
0x5e2: {  	s3 =	simm.s32 $0x17200  }
0x5e3: {  	[tilespmem:s3], [sflag:$0x2] =	stream.indirect_vreg.gather [hbm4b:s5+s2], $0x80, v37, vm0, $0xb8;
	[tilespmem:$0x1EA00] =	vst v63  }
0x5e4: {  	s3 =	simm.s32 $0x17A00  }
0x5e5: {  	[tilespmem:s3], [sflag:$0x2] =	stream.indirect_vreg.gather [hbm4b:s7+s2], $0x80, v37, vm0, $0xb8;
	[tilespmem:$0x1EA00] =	vst v63  }
0x5e6: {  	s3 =	simm.s32 $0x18200  }
0x5e7: {  	[tilespmem:s3], [sflag:$0x2] =	stream.indirect_vreg.gather [hbm4b:s8+s2], $0x80, v37, vm0, $0xb8;
	[tilespmem:$0x1EA00] =	vst v63  }
0x5e8: {  	v37 =	vld [tilespmem:$0x970];
	_ =	sdelay $0x4  }
0x5e9: {  	v54 =	vshrl.u32 v37, $0x3  }
0x5ea: {  	v38 =	vmul.u32 $0x30, v54  }
0x5eb: {  	v37 =	vand.u32 $0x7, v37  }
0x5ec: {  	v37 =	vor.u32 v37, v38  }
0x5ed: {  	v38 =	vperm.xlane v37, v34;
	_ =	sdelay $0x1  }
0x5ee: {  	v38 =	vadd.s32 v35, v38;
	_ =	sdelay $0x3  }
0x5ef: {  	s3 =	simm.s32 $0x18A00;
	v37 =	vperm.xlane v37, v36  }
0x5f0: {  	[tilespmem:s3], [sflag:$0x2] =	stream.indirect_vreg.gather [hbm4b:s5+s2], $0x80, v38, vm0, $0xb8;
	[tilespmem:$0x1EA00] =	vst v63  }
0x5f1: {  	v37 =	vadd.s32 v35, v37;
	s3 =	simm.s32 $0x19200  }
0x5f2: {  	[tilespmem:s3], [sflag:$0x2] =	stream.indirect_vreg.gather [hbm4b:s7+s2], $0x80, v38, vm0, $0xb8;
	[tilespmem:$0x1EA00] =	vst v63  }
0x5f3: {  	s3 =	simm.s32 $0x19A00  }
0x5f4: {  	[tilespmem:s3], [sflag:$0x2] =	stream.indirect_vreg.gather [hbm4b:s8+s2], $0x80, v38, vm0, $0xb8;
	[tilespmem:$0x1EA00] =	vst v63  }
0x5f5: {  	s3 =	simm.s32 $0x1A200  }
0x5f6: {  	[tilespmem:s3], [sflag:$0x2] =	stream.indirect_vreg.gather [hbm4b:s5+s2], $0x80, v37, vm0, $0xb8;
	[tilespmem:$0x1EA00] =	vst v63  }
0x5f7: {  	s3 =	simm.s32 $0x1AA00  }
0x5f8: {  	[tilespmem:s3], [sflag:$0x2] =	stream.indirect_vreg.gather [hbm4b:s7+s2], $0x80, v37, vm0, $0xb8;
	[tilespmem:$0x1EA00] =	vst v63  }
0x5f9: {  	s3 =	simm.s32 $0x1B200  }
0x5fa: {  	[tilespmem:s3], [sflag:$0x2] =	stream.indirect_vreg.gather [hbm4b:s8+s2], $0x80, v37, vm0, $0xb8;
	[tilespmem:$0x1EA00] =	vst v63  }
0x5fb: {  	v37 =	vld [tilespmem:$0x980];
	_ =	sdelay $0x4  }
0x5fc: {  	v55 =	vshrl.u32 v37, $0x3  }
0x5fd: {  	v38 =	vmul.u32 $0x30, v55  }
0x5fe: {  	v37 =	vand.u32 $0x7, v37  }
0x5ff: {  	v37 =	vor.u32 v37, v38  }
0x600: {  	v38 =	vperm.xlane v37, v34;
	_ =	sdelay $0x1  }
0x601: {  	v38 =	vadd.s32 v35, v38;
	_ =	sdelay $0x3  }
0x602: {  	s3 =	simm.s32 $0x1BA00;
	v37 =	vperm.xlane v37, v36  }
0x603: {  	[tilespmem:s3], [sflag:$0x2] =	stream.indirect_vreg.gather [hbm4b:s5+s2], $0x80, v38, vm0, $0xb8;
	[tilespmem:$0x1EA00] =	vst v63  }
0x604: {  	v37 =	vadd.s32 v35, v37;
	s3 =	simm.s32 $0x1C200  }
0x605: {  	[tilespmem:s3], [sflag:$0x2] =	stream.indirect_vreg.gather [hbm4b:s7+s2], $0x80, v38, vm0, $0xb8;
	[tilespmem:$0x1EA00] =	vst v63  }
0x606: {  	s3 =	simm.s32 $0x1CA00  }
0x607: {  	[tilespmem:s3], [sflag:$0x2] =	stream.indirect_vreg.gather [hbm4b:s8+s2], $0x80, v38, vm0, $0xb8;
	[tilespmem:$0x1EA00] =	vst v63  }
0x608: {  	s3 =	simm.s32 $0x1D200  }
0x609: {  	[tilespmem:s3], [sflag:$0x2] =	stream.indirect_vreg.gather [hbm4b:s5+s2], $0x80, v37, vm0, $0xb8;
	[tilespmem:$0x1EA00] =	vst v63  }
0x60a: {  	s3 =	simm.s32 $0x1DA00  }
0x60b: {  	[tilespmem:s3], [sflag:$0x2] =	stream.indirect_vreg.gather [hbm4b:s7+s2], $0x80, v37, vm0, $0xb8;
	[tilespmem:$0x1EA00] =	vst v63  }
0x60c: {  	s3 =	simm.s32 $0x1E200  }
0x60d: {  	[tilespmem:s3], [sflag:$0x2] =	stream.indirect_vreg.gather [hbm4b:s8+s2], $0x80, v37, vm0, $0xb8;
	[tilespmem:$0x1EA00] =	vst v63  }
0x60e: {  	_ =	swait.ge [sflag:s1], $0xF000  }
0x60f: {  	[sflag:s1] =	ssyncset.done $0x0  }
0x610: {  	s3 =	rddreg [dreg:$0xf];
	[sflag:s1] =	ssyncadd.s32 $0xFFFF1000  }
0x611: {  	[hbm4b:s3+s2] =	stream.linear.scatter [tilespmem:s9], [sflag:$0x4], $0xF000, $0x38;
	[tilespmem:$0x1EA00] =	vst v63  }
0x612: {  	_ =	swait.ge [sflag:s0], $0xF000  }
0x613: {  	[sflag:s0] =	ssyncset.done $0x0  }
0x614: {  	[sflag:s0] =	ssyncadd.s32 $0xFFFF1000  }
0x615: {  	v56 =	vld [tilespmem:$0x990];
	_ =	sdelay $0x4  }
0x616: {  	v57 =	vshrl.u32 v56, $0x3  }
0x617: {  	v38 =	vmul.u32 $0x30, v57  }
0x618: {  	v37 =	vand.u32 $0x7, v56  }
0x619: {  	v37 =	vor.u32 v37, v38  }
0x61a: {  	v38 =	vperm.xlane v37, v34;
	_ =	sdelay $0x1  }
0x61b: {  	v38 =	vadd.s32 v35, v38;
	_ =	sdelay $0x3  }
0x61c: {  	v37 =	vperm.xlane v37, v36  }
0x61d: {  	[tilespmem:s6], [sflag:$0x1] =	stream.indirect_vreg.gather [hbm4b:s5+s2], $0x80, v38, vm0, $0xb8;
	[tilespmem:$0x1EA00] =	vst v63  }
0x61e: {  	s9 =	simm.s32 $0x1200;
	v37 =	vadd.s32 v35, v37  }
0x61f: {  	[tilespmem:s9], [sflag:$0x1] =	stream.indirect_vreg.gather [hbm4b:s7+s2], $0x80, v38, vm0, $0xb8;
	[tilespmem:$0x1EA00] =	vst v63  }
0x620: {  	s9 =	simm.s32 $0x1A00  }
0x621: {  	[tilespmem:s9], [sflag:$0x1] =	stream.indirect_vreg.gather [hbm4b:s8+s2], $0x80, v38, vm0, $0xb8;
	[tilespmem:$0x1EA00] =	vst v63  }
0x622: {  	s9 =	simm.s32 $0x2200  }
0x623: {  	[tilespmem:s9], [sflag:$0x1] =	stream.indirect_vreg.gather [hbm4b:s5+s2], $0x80, v37, vm0, $0xb8;
	[tilespmem:$0x1EA00] =	vst v63  }
0x624: {  	s9 =	simm.s32 $0x2A00  }
0x625: {  	[tilespmem:s9], [sflag:$0x1] =	stream.indirect_vreg.gather [hbm4b:s7+s2], $0x80, v37, vm0, $0xb8;
	[tilespmem:$0x1EA00] =	vst v63  }
0x626: {  	s9 =	simm.s32 $0x3200  }
0x627: {  	[tilespmem:s9], [sflag:$0x1] =	stream.indirect_vreg.gather [hbm4b:s8+s2], $0x80, v37, vm0, $0xb8;
	[tilespmem:$0x1EA00] =	vst v63  }
0x628: {  	v37 =	vld [tilespmem:$0x9A0];
	_ =	sdelay $0x4  }
0x629: {  	v58 =	vshrl.u32 v37, $0x3  }
0x62a: {  	v38 =	vmul.u32 $0x30, v58  }
0x62b: {  	v37 =	vand.u32 $0x7, v37  }
0x62c: {  	v37 =	vor.u32 v37, v38  }
0x62d: {  	v38 =	vperm.xlane v37, v34;
	_ =	sdelay $0x1  }
0x62e: {  	v38 =	vadd.s32 v35, v38;
	_ =	sdelay $0x3  }
0x62f: {  	s18 =	simm.s32 $0x3A00;
	v37 =	vperm.xlane v37, v36  }
0x630: {  	[tilespmem:s18], [sflag:$0x1] =	stream.indirect_vreg.gather [hbm4b:s5+s2], $0x80, v38, vm0, $0xb8;
	[tilespmem:$0x1EA00] =	vst v63  }
0x631: {  	s21 =	simm.s32 $0x4200;
	v37 =	vadd.s32 v35, v37  }
0x632: {  	[tilespmem:s21], [sflag:$0x1] =	stream.indirect_vreg.gather [hbm4b:s7+s2], $0x80, v38, vm0, $0xb8;
	[tilespmem:$0x1EA00] =	vst v63  }
0x633: {  	s22 =	simm.s32 $0x4A00  }
0x634: {  	[tilespmem:s22], [sflag:$0x1] =	stream.indirect_vreg.gather [hbm4b:s8+s2], $0x80, v38, vm0, $0xb8;
	[tilespmem:$0x1EA00] =	vst v63  }
0x635: {  	s25 =	simm.s32 $0x5200  }
0x636: {  	[tilespmem:s25], [sflag:$0x1] =	stream.indirect_vreg.gather [hbm4b:s5+s2], $0x80, v37, vm0, $0xb8;
	[tilespmem:$0x1EA00] =	vst v63  }
0x637: {  	s26 =	simm.s32 $0x5A00  }
0x638: {  	[tilespmem:s26], [sflag:$0x1] =	stream.indirect_vreg.gather [hbm4b:s7+s2], $0x80, v37, vm0, $0xb8;
	[tilespmem:$0x1EA00] =	vst v63  }
0x639: {  	s19 =	simm.s32 $0x6200  }
0x63a: {  	[tilespmem:s19], [sflag:$0x1] =	stream.indirect_vreg.gather [hbm4b:s8+s2], $0x80, v37, vm0, $0xb8;
	[tilespmem:$0x1EA00] =	vst v63  }
0x63b: {  	v37 =	vld [tilespmem:$0x9B0];
	_ =	sdelay $0x4  }
0x63c: {  	v59 =	vshrl.u32 v37, $0x3  }
0x63d: {  	v38 =	vmul.u32 $0x30, v59  }
0x63e: {  	v37 =	vand.u32 $0x7, v37  }
0x63f: {  	v37 =	vor.u32 v37, v38  }
0x640: {  	v38 =	vperm.xlane v37, v34;
	_ =	sdelay $0x1  }
0x641: {  	v38 =	vadd.s32 v35, v38;
	_ =	sdelay $0x3  }
0x642: {  	s20 =	simm.s32 $0x6A00;
	v37 =	vperm.xlane v37, v36  }
0x643: {  	[tilespmem:s20], [sflag:$0x1] =	stream.indirect_vreg.gather [hbm4b:s5+s2], $0x80, v38, vm0, $0xb8;
	[tilespmem:$0x1EA00] =	vst v63  }
0x644: {  	s28 =	simm.s32 $0x7200;
	v37 =	vadd.s32 v35, v37  }
0x645: {  	[tilespmem:s28], [sflag:$0x1] =	stream.indirect_vreg.gather [hbm4b:s7+s2], $0x80, v38, vm0, $0xb8;
	[tilespmem:$0x1EA00] =	vst v63  }
0x646: {  	s29 =	simm.s32 $0x7A00  }
0x647: {  	[tilespmem:s29], [sflag:$0x1] =	stream.indirect_vreg.gather [hbm4b:s8+s2], $0x80, v38, vm0, $0xb8;
	[tilespmem:$0x1EA00] =	vst v63  }
0x648: {  	s30 =	simm.s32 $0x8200  }
0x649: {  	[tilespmem:s30], [sflag:$0x1] =	stream.indirect_vreg.gather [hbm4b:s5+s2], $0x80, v37, vm0, $0xb8;
	[tilespmem:$0x1EA00] =	vst v63  }
0x64a: {  	s11 =	simm.s32 $0x8A00  }
0x64b: {  	[tilespmem:s11], [sflag:$0x1] =	stream.indirect_vreg.gather [hbm4b:s7+s2], $0x80, v37, vm0, $0xb8;
	[tilespmem:$0x1EA00] =	vst v63  }
0x64c: {  	s23 =	simm.s32 $0x9200  }
0x64d: {  	[tilespmem:s23], [sflag:$0x1] =	stream.indirect_vreg.gather [hbm4b:s8+s2], $0x80, v37, vm0, $0xb8;
	[tilespmem:$0x1EA00] =	vst v63  }
0x64e: {  	v37 =	vld [tilespmem:$0x9C0];
	_ =	sdelay $0x4  }
0x64f: {  	v60 =	vshrl.u32 v37, $0x3  }
0x650: {  	v38 =	vmul.u32 $0x30, v60  }
0x651: {  	v37 =	vand.u32 $0x7, v37  }
0x652: {  	v37 =	vor.u32 v37, v38  }
0x653: {  	v38 =	vperm.xlane v37, v34;
	_ =	sdelay $0x1  }
0x654: {  	v38 =	vadd.s32 v35, v38;
	_ =	sdelay $0x3  }
0x655: {  	s11 =	simm.s32 $0x9A00;
	v37 =	vperm.xlane v37, v36  }
0x656: {  	[tilespmem:s11], [sflag:$0x1] =	stream.indirect_vreg.gather [hbm4b:s5+s2], $0x80, v38, vm0, $0xb8;
	[tilespmem:$0x1EA00] =	vst v63  }
0x657: {  	s12 =	simm.s32 $0xA200;
	v37 =	vadd.s32 v35, v37  }
0x658: {  	[tilespmem:s12], [sflag:$0x1] =	stream.indirect_vreg.gather [hbm4b:s7+s2], $0x80, v38, vm0, $0xb8;
	[tilespmem:$0x1EA00] =	vst v63  }
0x659: {  	s13 =	simm.s32 $0xAA00  }
0x65a: {  	[tilespmem:s13], [sflag:$0x1] =	stream.indirect_vreg.gather [hbm4b:s8+s2], $0x80, v38, vm0, $0xb8;
	[tilespmem:$0x1EA00] =	vst v63  }
0x65b: {  	s14 =	simm.s32 $0xB200  }
0x65c: {  	[tilespmem:s14], [sflag:$0x1] =	stream.indirect_vreg.gather [hbm4b:s5+s2], $0x80, v37, vm0, $0xb8;
	[tilespmem:$0x1EA00] =	vst v63  }
0x65d: {  	s15 =	simm.s32 $0xBA00  }
0x65e: {  	[tilespmem:s15], [sflag:$0x1] =	stream.indirect_vreg.gather [hbm4b:s7+s2], $0x80, v37, vm0, $0xb8;
	[tilespmem:$0x1EA00] =	vst v63  }
0x65f: {  	s14 =	simm.s32 $0xC200  }
0x660: {  	[tilespmem:s14], [sflag:$0x1] =	stream.indirect_vreg.gather [hbm4b:s8+s2], $0x80, v37, vm0, $0xb8;
	[tilespmem:$0x1EA00] =	vst v63  }
0x661: {  	v37 =	vld [tilespmem:$0x9D0];
	_ =	sdelay $0x4  }
0x662: {  	v61 =	vshrl.u32 v37, $0x3  }
0x663: {  	v38 =	vmul.u32 $0x30, v61  }
0x664: {  	v37 =	vand.u32 $0x7, v37  }
0x665: {  	v37 =	vor.u32 v37, v38  }
0x666: {  	v38 =	vperm.xlane v37, v34;
	_ =	sdelay $0x1  }
0x667: {  	v38 =	vadd.s32 v35, v38;
	_ =	sdelay $0x3  }
0x668: {  	s15 =	simm.s32 $0xCA00;
	v37 =	vperm.xlane v37, v36  }
0x669: {  	[tilespmem:s15], [sflag:$0x1] =	stream.indirect_vreg.gather [hbm4b:s5+s2], $0x80, v38, vm0, $0xb8;
	[tilespmem:$0x1EA00] =	vst v63  }
0x66a: {  	s16 =	simm.s32 $0xD200;
	v37 =	vadd.s32 v35, v37  }
0x66b: {  	[tilespmem:s16], [sflag:$0x1] =	stream.indirect_vreg.gather [hbm4b:s7+s2], $0x80, v38, vm0, $0xb8;
	[tilespmem:$0x1EA00] =	vst v63  }
0x66c: {  	s17 =	simm.s32 $0xDA00  }
0x66d: {  	[tilespmem:s17], [sflag:$0x1] =	stream.indirect_vreg.gather [hbm4b:s8+s2], $0x80, v38, vm0, $0xb8;
	[tilespmem:$0x1EA00] =	vst v63  }
0x66e: {  	s17 =	simm.s32 $0xE200  }
0x66f: {  	[tilespmem:s17], [sflag:$0x1] =	stream.indirect_vreg.gather [hbm4b:s5+s2], $0x80, v37, vm0, $0xb8;
	[tilespmem:$0x1EA00] =	vst v63  }
0x670: {  	s18 =	simm.s32 $0xEA00  }
0x671: {  	[tilespmem:s18], [sflag:$0x1] =	stream.indirect_vreg.gather [hbm4b:s7+s2], $0x80, v37, vm0, $0xb8;
	[tilespmem:$0x1EA00] =	vst v63  }
0x672: {  	s19 =	simm.s32 $0xF200  }
0x673: {  	[tilespmem:s19], [sflag:$0x1] =	stream.indirect_vreg.gather [hbm4b:s8+s2], $0x80, v37, vm0, $0xb8;
	[tilespmem:$0x1EA00] =	vst v63  }
0x674: {  	_ =	swait.ge [sflag:s31], $0xF000  }
0x675: {  	[sflag:s31] =	ssyncset.done $0x0  }
0x676: {  	s20 =	rddreg [dreg:$0x10];
	[sflag:s31] =	ssyncadd.s32 $0xFFFF1000  }
0x677: {  	[hbm4b:s20+s2] =	stream.linear.scatter [tilespmem:s6], [sflag:$0x3], $0xF000, $0x38;
	[tilespmem:$0x1EA00] =	vst v63  }
0x678: {  	_ =	swait.ge [sflag:s10], $0xF000  }
0x679: {  	[sflag:s10] =	ssyncset.done $0x0  }
0x67a: {  	[sflag:s10] =	ssyncadd.s32 $0xFFFF1000  }
0x67b: {  	v62 =	vld [tilespmem:$0x9E0];
	_ =	sdelay $0x4  }
0x67c: {  	v63 =	vshrl.u32 v62, $0x3  }
0x67d: {  	v38 =	vmul.u32 $0x30, v63  }
0x67e: {  	v37 =	vand.u32 $0x7, v62  }
0x67f: {  	v37 =	vor.u32 v37, v38  }
0x680: {  	v38 =	vperm.xlane v37, v34;
	_ =	sdelay $0x1  }
0x681: {  	v38 =	vadd.s32 v35, v38;
	_ =	sdelay $0x3  }
0x682: {  	s21 =	simm.s32 $0xFA00;
	v37 =	vperm.xlane v37, v36  }
0x683: {  	[tilespmem:s21], [sflag:$0x2] =	stream.indirect_vreg.gather [hbm4b:s5+s2], $0x80, v38, vm0, $0xb8;
	[tilespmem:$0x1EA00] =	vst v63  }
0x684: {  	s22 =	simm.s32 $0x10200;
	v37 =	vadd.s32 v35, v37  }
0x685: {  	[tilespmem:s22], [sflag:$0x2] =	stream.indirect_vreg.gather [hbm4b:s7+s2], $0x80, v38, vm0, $0xb8;
	[tilespmem:$0x1EA00] =	vst v63  }
0x686: {  	s23 =	simm.s32 $0x10A00  }
0x687: {  	[tilespmem:s23], [sflag:$0x2] =	stream.indirect_vreg.gather [hbm4b:s8+s2], $0x80, v38, vm0, $0xb8;
	[tilespmem:$0x1EA00] =	vst v63  }
0x688: {  	s25 =	simm.s32 $0x11200  }
0x689: {  	[tilespmem:s25], [sflag:$0x2] =	stream.indirect_vreg.gather [hbm4b:s5+s2], $0x80, v37, vm0, $0xb8;
	[tilespmem:$0x1EA00] =	vst v63  }
0x68a: {  	s26 =	simm.s32 $0x11A00  }
0x68b: {  	[tilespmem:s26], [sflag:$0x2] =	stream.indirect_vreg.gather [hbm4b:s7+s2], $0x80, v37, vm0, $0xb8;
	[tilespmem:$0x1EA00] =	vst v63  }
0x68c: {  	s28 =	simm.s32 $0x12200  }
0x68d: {  	[tilespmem:s28], [sflag:$0x2] =	stream.indirect_vreg.gather [hbm4b:s8+s2], $0x80, v37, vm0, $0xb8;
	[tilespmem:$0x1EA00] =	vst v63  }
0x68e: {  	_ =	swait.ge [sflag:s1], $0x3000  }
0x68f: {  	s29 =	rddreg [dreg:$0x11];
	[sflag:s1] =	ssyncset.done $0x0  }
0x690: {  	s30 =	rddreg [dreg:$0x14];
	[sflag:s1] =	ssyncadd.s32 $0xFFFFD000  }
0x691: {  	[hbm4b:s29+s2] =	stream.linear.scatter [tilespmem:s21], [sflag:$0x4], $0x3000, $0x38;
	[tilespmem:$0x1EA00] =	vst v63  }
0x692: {  	p0 =	sne.s32 s30, $0x1;
	_ =	swait.ge [sflag:s0], $0xF000  }
.Ltmp0:
0x693: {  	[sflag:s0] =	ssyncset.done $0x0;
	(pc) =	sbr.rel @p0 .LBB2_1-.Ltmp0, $4  }
0x694: {  	[sflag:s0] =	ssyncadd.s32 $0xFFFF1000  }
0x695: {  	_ =	swait.ge [sflag:s10], $0x3000  }
0x696: {  	[sflag:s10] =	ssyncset.done $0x0  }
0x697: {  	s3 =	sadd.s32 $0xFFFFFFFF, s30;
	[sflag:s10] =	ssyncadd.s32 $0xFFFFD000  }
0x698: {  	_ =	sfence.sel $0x180000  }
0x699: {  	[bflag:$0x0] =	sbarrier.arrive $0xFFFF  }
0x69a: {  	_ =	strace $0x90000047  }
0x69b: {  	s0 =	stileid.u32;
	[bflag:$0x2] =	sbarrier.arrive $0xFFFF  }
0x69c: {  	p0 =	sne.s32 s0, $0x0;
	s0 =	rddreg [dreg:$0x2]  }
0x69d: {  	s0 =	sadd.s32 @!p0 $0x100000, s0  }
0x69e: {  	[sflag:s0] =	ssyncadd.tile.s32 @!p0 $0x1;
	_ =	shalt  }
.Lfunc_end2:
_tile_overlayer_lowered:
.L_overlay_start_2:
0x69f: {  	(tag) =	ssettag $0x2  }
0x6a0: {  	s0 =	rddreg [dreg:$0x0];
	s2 =	stileid.u32  }
0x6a1: {  	s1 =	rddreg [dreg:$0x1];
	p0 =	sne.s32 s2, $0x0  }
0x6a2: {  	s3 =	rddreg [dreg:$0x2];
	[bflag:$0x3] =	sbarrier.arrive $0xFFFF;
	s2 =	simm.s32 @!p0 $0x1C05  }
0x6a3: {  	[timem:s3], [sflag:s2] =	dma.local @!p0 [hbm:s0], s1  }
0x6a4: {  	s0 =	simm.s32 @!p0 $0x5  }
0x6a5: {  	_ =	swait.ge @!p0 [sflag:s0], s1  }
0x6a6: {  	s1 =	ssub.s32 @!p0 $0x0, s1;
	[sflag:s0] =	ssyncset.done @!p0 $0x0  }
0x6a7: {  	[sflag:s0] =	ssyncadd.s32 @!p0 s1  }
0x6a8: {  	[bflag:$0x3] =	sbarrier.arrive $0xFFFF  }
0x6a9: {  	_ =	shalt  }

</sc_bundles>
